<compile_context>
chip_gen: v7x
topology: tpu7x:2x2x1
jax: 0.10.2.dev20260603
libtpu: 0.0.44.dev20260713+nightly
codegen_flags: <defaults>
</compile_context>

<pallas_src>
import functools

import jax
import jax.numpy as jnp
from jax import lax
from jax.experimental import pallas as pl
from jax.experimental.pallas import tpu as pltpu
from jax.experimental.pallas import tpu_sc as plsc

NPTS = 498432
NBINS = 129600
TRASH = 960
ROWS = NBINS + TRASH
CCHUNK = 8
NCHUNK = 10

PT_TILE = NPTS // 16
NWIN = 11
WSZ = PT_TILE // NWIN
XROWS = WSZ * CCHUNK // 128
ZROWS = 1020
STRIPE = ROWS // 16


def _voxel_body(g_ref, idx_ref):
    xf = (g_ref[0] - (-54.0)) / 0.3
    yf = (g_ref[1] - (-54.0)) / 0.3
    zf = (g_ref[2] - (-10.0)) / 20.0
    kept = (
        (xf >= 0.0) & (xf < 360.0)
        & (yf >= 0.0) & (yf < 360.0)
        & (zf >= 0.0) & (zf < 1.0)
    )
    ix = xf.astype(jnp.int32)
    iy = yf.astype(jnp.int32)
    flat = ix * 360 + iy
    pos = (
        lax.broadcasted_iota(jnp.int32, (8, 128), 0) * 128
        + lax.broadcasted_iota(jnp.int32, (8, 128), 1)
    )
    idx_ref[...] = jnp.where(kept, flat, NBINS + pos % TRASH)




def _scatter_body(x_hbm, idx_hbm, out_hbm, acc, xb0, xb1, ib0, ib1, zbuf,
                  sx0, sx1, si0, si1):
    c = lax.axis_index("c")
    s = lax.axis_index("s")
    xbufs = (xb0, xb1)
    ibufs = (ib0, ib1)
    sxs = (sx0, sx1)
    sis = (si0, si1)

    def _zrow(r, carry):
        zbuf[r, :] = jnp.zeros((CCHUNK,), jnp.float32)
        return carry

    lax.fori_loop(0, ZROWS, _zrow, 0)

    def _issue(chunk, w, p):
        base = s * PT_TILE + w * WSZ
        di = pltpu.async_copy(idx_hbm.at[pl.ds(base, WSZ)], ibufs[p], sis[p])
        dx = pltpu.async_copy(
            x_hbm.at[pl.ds(base, WSZ), pl.ds(chunk * CCHUNK, CCHUNK)],
            xbufs[p],
            sxs[p],
        )
        return di, dx

    for k in range(5):
        chunk = 2 * k + c

        for j in range(8):
            pltpu.sync_copy(zbuf, acc.at[pl.ds(s * STRIPE + j * ZROWS, ZROWS)])
        plsc.subcore_barrier()

        pend = _issue(chunk, 0, 0)
        for w in range(NWIN):
            p = w & 1
            di, dx = pend
            di.wait()
            dx.wait()
            if w + 1 < NWIN:
                pend = _issue(chunk, w + 1, 1 - p)
            pltpu.sync_copy(xbufs[p], acc.at[ibufs[p]], add=True)
        plsc.subcore_barrier()

        pltpu.sync_copy(
            acc.at[pl.ds(s * 8104, 8104)],
            out_hbm.at[chunk, pl.ds(s * 8104, 8104)],
        )
        plsc.subcore_barrier()


def _assemble_body(a_ref, o_ref):
    eye = jnp.eye(CCHUNK, dtype=jnp.float32)
    dn = (((1,), (1,)), ((), ()))
    a = a_ref[0].reshape(8, 360, CCHUNK)
    for xr in range(8):
        o_ref[0, :, xr, :] = lax.dot_general(
            eye, a[xr], dn, preferred_element_type=jnp.float32
        )


def kernel(geom_feats, x):
    gcols = geom_feats.reshape(NPTS, 3).T.reshape(3, 3894, 128)
    idx2d = pl.pallas_call(
        _voxel_body,
        grid=(487,),
        in_specs=[pl.BlockSpec((3, 8, 128), lambda i: (0, i, 0))],
        out_specs=pl.BlockSpec((8, 128), lambda i: (i, 0)),
        out_shape=jax.ShapeDtypeStruct((3896, 128), jnp.int32),
    )(gcols)
    idx = idx2d.reshape(3896 * 128)

    xs = x.reshape(NPTS, 80)

    mesh = plsc.VectorSubcoreMesh(core_axis_name="c", subcore_axis_name="s")
    scatter = functools.partial(
        pl.kernel,
        out_type=jax.ShapeDtypeStruct((NCHUNK, 129664, CCHUNK), jnp.float32),
        mesh=mesh,
        compiler_params=pltpu.CompilerParams(use_tc_tiling_on_sc=False),
        scratch_types=[
            pltpu.VMEM_SHARED((ROWS, CCHUNK), jnp.float32),
            pltpu.VMEM((WSZ, CCHUNK), jnp.float32),
            pltpu.VMEM((WSZ, CCHUNK), jnp.float32),
            pltpu.VMEM((WSZ,), jnp.int32),
            pltpu.VMEM((WSZ,), jnp.int32),
            pltpu.VMEM((ZROWS, CCHUNK), jnp.float32),
            pltpu.SemaphoreType.DMA,
            pltpu.SemaphoreType.DMA,
            pltpu.SemaphoreType.DMA,
            pltpu.SemaphoreType.DMA,
        ],
    )(_scatter_body)
    pooled = scatter(xs, idx)

    out = pl.pallas_call(
        _assemble_body,
        grid=(NCHUNK, 45),
        in_specs=[
            pl.BlockSpec((1, 2880, CCHUNK), lambda j, r: (j, r, 0)),
        ],
        out_specs=pl.BlockSpec(
            (1, CCHUNK, 8, 360), lambda j, r: (0, j, r, 0)
        ),
        out_shape=jax.ShapeDtypeStruct((1, 80, 360, 360), jnp.float32),
    )(pooled)

    return out

# --- scband reference (transcript-rebuilt; emitter-appended) ---
"""Pipeline reference for scband-base-transform-74749610819809 (READ-ONLY COPY).

The authoritative reference and input builder live on the scoring server;
editing this copy changes nothing except your own understanding.
"""

import jax, jax.numpy as jnp
import numpy as np

B, N, D, H, W, C = 1, 6, 118, 16, 44, 80
NX, NY, NZ = 360, 360, 1
DX = jnp.array([0.3, 0.3, 20.0], dtype=jnp.float32)
LOWER = jnp.array([-54.0, -54.0, -10.0], dtype=jnp.float32)  # bx - dx/2


def setup_inputs(seed: int = 0) -> dict:
    key = jax.random.key(seed)
    k1, k2, k3 = jax.random.split(key, 3)
    # 3D ego-frame points; xy in [-60, 60] (some fall outside the [-54,54] grid and get dropped),
    # z mostly inside [-10, 10]
    geom = jax.random.uniform(k1, (B, N, D, H, W, 3), dtype=jnp.float32, minval=-60.0, maxval=60.0)
    gz = jax.random.uniform(k2, (B, N, D, H, W), dtype=jnp.float32, minval=-12.0, maxval=12.0)
    geom = geom.at[..., 2].set(gz)
    x = jax.random.normal(k3, (B, N, D, H, W, C), dtype=jnp.float32)
    return {"geom_feats": geom, "x": x}


def reference(geom_feats, x):
    Bx, Nx_, Dx_, Hx, Wx, Cx = x.shape
    Nprime = Bx * Nx_ * Dx_ * Hx * Wx
    xf = x.reshape(Nprime, Cx)
    # voxelize: geom_feats = ((geom - (bx - dx/2)) / dx).long()
    g = jnp.floor((geom_feats.reshape(Nprime, 3) - LOWER) / DX).astype(jnp.int32)
    batch_ix = jnp.repeat(jnp.arange(Bx, dtype=jnp.int32), Nprime // Bx)
    kept = (
        (g[:, 0] >= 0) & (g[:, 0] < NX)
        & (g[:, 1] >= 0) & (g[:, 1] < NY)
        & (g[:, 2] >= 0) & (g[:, 2] < NZ)
    )
    # instead of boolean compaction (dynamic shape), zero out dropped features and route them to bin 0
    xf = jnp.where(kept[:, None], xf, 0.0)
    gx = jnp.where(kept, g[:, 0], 0)
    gy = jnp.where(kept, g[:, 1], 0)
    gz = jnp.where(kept, g[:, 2], 0)
    flat_idx = ((batch_ix * NZ + gz) * NX + gx) * NY + gy
    # bev_pool == scatter-add (segment sum) into the BEV grid
    pooled = jax.ops.segment_sum(xf, flat_idx, num_segments=Bx * NZ * NX * NY)
    pooled = pooled.reshape(Bx, NZ, NX, NY, Cx)
    pooled = jnp.transpose(pooled, (0, 4, 1, 2, 3))  # [B, C, NZ, NX, NY]
    # final = torch.cat(x.unbind(dim=2), 1)  -> collapse z into channels
    final = pooled.reshape(Bx, Cx * NZ, NX, NY)
    return final

if __name__ == "__main__":
    import jax
    _d = setup_inputs()
    print(jax.jit(kernel)(*tuple(_d.values())))

</pallas_src>

<mosaic_0001>
#map = affine_map<(d0, d1) -> (0, 0)>
#map1 = affine_map<(d0, d1) -> (0)>
#map2 = affine_map<(d0, d1) -> (0, 0, 0)>
module attributes {stable_mosaic.version = 14 : i64} {
  func.func @_scatter_body(%arg0: i32, %arg1: i32, %arg2: memref<498432x80xf32, #tpu.memory_space<hbm>>, %arg3: memref<498688xi32, #tpu.memory_space<hbm>>, %arg4: memref<10x129664x8xf32, #tpu.memory_space<hbm>>, %arg5: memref<130560x8xf32, #tpu.memory_space<vmem_shared>>, %arg6: memref<2832x8xf32, #tpu.memory_space<vmem>>, %arg7: memref<2832x8xf32, #tpu.memory_space<vmem>>, %arg8: memref<2832xi32, #tpu.memory_space<vmem>>, %arg9: memref<2832xi32, #tpu.memory_space<vmem>>, %arg10: memref<1020x8xf32, #tpu.memory_space<vmem>>, %arg11: memref<!tpu.dma_semaphore, #tpu.memory_space<semaphore_mem>>, %arg12: memref<!tpu.dma_semaphore, #tpu.memory_space<semaphore_mem>>, %arg13: memref<!tpu.dma_semaphore, #tpu.memory_space<semaphore_mem>>, %arg14: memref<!tpu.dma_semaphore, #tpu.memory_space<semaphore_mem>>) attributes {dimension_semantics = [#tpu.dimension_semantics<core_parallel>, #tpu.dimension_semantics<subcore_parallel>], iteration_bounds = array<i64: 2, 16>, scalar_prefetch = 0 : i64, scratch_operands = 10 : i64, tpu.core_type = #tpu.core_type<sc_vector_subcore>, window_params = [{transform_indices = #map}, {transform_indices = #map1}, {transform_indices = #map2}]} {
    %scan3A = arith.constant 0 : i32
    %scan3A_0 = arith.constant 0 : i32
    %scan3A_1 = arith.constant 1020 : i32
    %scan3A_2 = arith.addi %scan3A_0, %scan3A_1 : i32
    %scan3A_3 = arith.constant 1 : i32
    scf.for %scan3A_975 = %scan3A_0 to %scan3A_2 step %scan3A_3  : i32 {
      %broadcast_in_dim3A = arith.constant 0.000000e+00 : f32
      %broadcast_in_dim3A_976 = vector.broadcast %broadcast_in_dim3A : f32 to vector<8xf32>
      %swap3A = arith.index_cast %scan3A_975 : i32 to index
      %swap3A_977 = arith.constant 0 : index
      %swap3A_978 = tpu.vector_load %arg10[%swap3A, %swap3A_977] {strides = array<i32>} : memref<1020x8xf32, #tpu.memory_space<vmem>>, vector<1x8xf32>,
      %swap3A_979 = vector.shape_cast %swap3A_978 : vector<1x8xf32> to vector<8xf32>
      %swap3A_980 = vector.shape_cast %broadcast_in_dim3A_976 : vector<8xf32> to vector<1x8xf32>
      tpu.vector_store %arg10[%swap3A, %swap3A_977], %swap3A_980 {strides = array<i32>} : memref<1020x8xf32, #tpu.memory_space<vmem>>, vector<1x8xf32>,
    }
    %scan3A_4 = arith.constant 1020 : i32
    %add3A = arith.constant 0 : i32
    %add3A_5 = arith.addi %add3A, %arg0 : i32
    %mul3A = arith.constant 8160 : i32
    %mul3A_6 = arith.muli %arg1, %mul3A : i32
    %add3A_7 = arith.constant 0 : i32
    %add3A_8 = arith.addi %mul3A_6, %add3A_7 : i32
    "tpu.region"() ({
      %run_scoped3A = tpu.sem_alloc : memref<!tpu.dma_semaphore, #tpu.memory_space<semaphore_mem>>
      %dma_start3A_975 = arith.constant 0 : i32
      %dma_start3A_976 = tpu.memref_slice %arg5[%add3A_8, %dma_start3A_975] : memref<130560x8xf32, #tpu.memory_space<vmem_shared>> -> memref<1020x8xf32, #tpu.memory_space<vmem_shared>>
      %dma_start3A_977 = arith.constant 0 : i32
      %dma_start3A_978 = tpu.memref_slice %arg5[%add3A_8, %dma_start3A_977] : memref<130560x8xf32, #tpu.memory_space<vmem_shared>> -> memref<1020x8xf32, #tpu.memory_space<vmem_shared>>
      tpu.enqueue_dma source(%arg10 : memref<1020x8xf32, #tpu.memory_space<vmem>>) target(%dma_start3A_978 : memref<1020x8xf32, #tpu.memory_space<vmem_shared>>) target_semaphore(%run_scoped3A : memref<!tpu.dma_semaphore, #tpu.memory_space<semaphore_mem>>)
      %dma_wait3A_979 = arith.constant 0 : i32
      %dma_wait3A_980 = tpu.memref_slice %arg5[%add3A_8, %dma_wait3A_979] : memref<130560x8xf32, #tpu.memory_space<vmem_shared>> -> memref<1020x8xf32, #tpu.memory_space<vmem_shared>>
      %dma_wait3A_981 = arith.constant 0 : i32
      %dma_wait3A_982 = tpu.memref_slice %arg5[%add3A_8, %dma_wait3A_981] : memref<130560x8xf32, #tpu.memory_space<vmem_shared>> -> memref<1020x8xf32, #tpu.memory_space<vmem_shared>>
      tpu.wait_dma2 semaphore(%run_scoped3A : memref<!tpu.dma_semaphore, #tpu.memory_space<semaphore_mem>>) src(%arg10 : memref<1020x8xf32, #tpu.memory_space<vmem>>) dst(%dma_wait3A_982 : memref<1020x8xf32, #tpu.memory_space<vmem_shared>>)
      tpu.yield
    }) : () -> ()
    %mul3A_9 = arith.constant 8160 : i32
    %mul3A_10 = arith.muli %arg1, %mul3A_9 : i32
    %add3A_11 = arith.constant 1020 : i32
    %add3A_12 = arith.addi %mul3A_10, %add3A_11 : i32
    "tpu.region"() ({
      %run_scoped3A = tpu.sem_alloc : memref<!tpu.dma_semaphore, #tpu.memory_space<semaphore_mem>>
      %dma_start3A_975 = arith.constant 0 : i32
      %dma_start3A_976 = tpu.memref_slice %arg5[%add3A_12, %dma_start3A_975] : memref<130560x8xf32, #tpu.memory_space<vmem_shared>> -> memref<1020x8xf32, #tpu.memory_space<vmem_shared>>
      %dma_start3A_977 = arith.constant 0 : i32
      %dma_start3A_978 = tpu.memref_slice %arg5[%add3A_12, %dma_start3A_977] : memref<130560x8xf32, #tpu.memory_space<vmem_shared>> -> memref<1020x8xf32, #tpu.memory_space<vmem_shared>>
      tpu.enqueue_dma source(%arg10 : memref<1020x8xf32, #tpu.memory_space<vmem>>) target(%dma_start3A_978 : memref<1020x8xf32, #tpu.memory_space<vmem_shared>>) target_semaphore(%run_scoped3A : memref<!tpu.dma_semaphore, #tpu.memory_space<semaphore_mem>>)
      %dma_wait3A_979 = arith.constant 0 : i32
      %dma_wait3A_980 = tpu.memref_slice %arg5[%add3A_12, %dma_wait3A_979] : memref<130560x8xf32, #tpu.memory_space<vmem_shared>> -> memref<1020x8xf32, #tpu.memory_space<vmem_shared>>
      %dma_wait3A_981 = arith.constant 0 : i32
      %dma_wait3A_982 = tpu.memref_slice %arg5[%add3A_12, %dma_wait3A_981] : memref<130560x8xf32, #tpu.memory_space<vmem_shared>> -> memref<1020x8xf32, #tpu.memory_space<vmem_shared>>
      tpu.wait_dma2 semaphore(%run_scoped3A : memref<!tpu.dma_semaphore, #tpu.memory_space<semaphore_mem>>) src(%arg10 : memref<1020x8xf32, #tpu.memory_space<vmem>>) dst(%dma_wait3A_982 : memref<1020x8xf32, #tpu.memory_space<vmem_shared>>)
      tpu.yield
    }) : () -> ()
    %mul3A_13 = arith.constant 8160 : i32
    %mul3A_14 = arith.muli %arg1, %mul3A_13 : i32
    %add3A_15 = arith.constant 2040 : i32
    %add3A_16 = arith.addi %mul3A_14, %add3A_15 : i32
    "tpu.region"() ({
      %run_scoped3A = tpu.sem_alloc : memref<!tpu.dma_semaphore, #tpu.memory_space<semaphore_mem>>
      %dma_start3A_975 = arith.constant 0 : i32
      %dma_start3A_976 = tpu.memref_slice %arg5[%add3A_16, %dma_start3A_975] : memref<130560x8xf32, #tpu.memory_space<vmem_shared>> -> memref<1020x8xf32, #tpu.memory_space<vmem_shared>>
      %dma_start3A_977 = arith.constant 0 : i32
      %dma_start3A_978 = tpu.memref_slice %arg5[%add3A_16, %dma_start3A_977] : memref<130560x8xf32, #tpu.memory_space<vmem_shared>> -> memref<1020x8xf32, #tpu.memory_space<vmem_shared>>
      tpu.enqueue_dma source(%arg10 : memref<1020x8xf32, #tpu.memory_space<vmem>>) target(%dma_start3A_978 : memref<1020x8xf32, #tpu.memory_space<vmem_shared>>) target_semaphore(%run_scoped3A : memref<!tpu.dma_semaphore, #tpu.memory_space<semaphore_mem>>)
      %dma_wait3A_979 = arith.constant 0 : i32
      %dma_wait3A_980 = tpu.memref_slice %arg5[%add3A_16, %dma_wait3A_979] : memref<130560x8xf32, #tpu.memory_space<vmem_shared>> -> memref<1020x8xf32, #tpu.memory_space<vmem_shared>>
      %dma_wait3A_981 = arith.constant 0 : i32
      %dma_wait3A_982 = tpu.memref_slice %arg5[%add3A_16, %dma_wait3A_981] : memref<130560x8xf32, #tpu.memory_space<vmem_shared>> -> memref<1020x8xf32, #tpu.memory_space<vmem_shared>>
      tpu.wait_dma2 semaphore(%run_scoped3A : memref<!tpu.dma_semaphore, #tpu.memory_space<semaphore_mem>>) src(%arg10 : memref<1020x8xf32, #tpu.memory_space<vmem>>) dst(%dma_wait3A_982 : memref<1020x8xf32, #tpu.memory_space<vmem_shared>>)
      tpu.yield
    }) : () -> ()
    %mul3A_17 = arith.constant 8160 : i32
    %mul3A_18 = arith.muli %arg1, %mul3A_17 : i32
    %add3A_19 = arith.constant 3060 : i32
    %add3A_20 = arith.addi %mul3A_18, %add3A_19 : i32
    "tpu.region"() ({
      %run_scoped3A = tpu.sem_alloc : memref<!tpu.dma_semaphore, #tpu.memory_space<semaphore_mem>>
      %dma_start3A_975 = arith.constant 0 : i32
      %dma_start3A_976 = tpu.memref_slice %arg5[%add3A_20, %dma_start3A_975] : memref<130560x8xf32, #tpu.memory_space<vmem_shared>> -> memref<1020x8xf32, #tpu.memory_space<vmem_shared>>
      %dma_start3A_977 = arith.constant 0 : i32
      %dma_start3A_978 = tpu.memref_slice %arg5[%add3A_20, %dma_start3A_977] : memref<130560x8xf32, #tpu.memory_space<vmem_shared>> -> memref<1020x8xf32, #tpu.memory_space<vmem_shared>>
      tpu.enqueue_dma source(%arg10 : memref<1020x8xf32, #tpu.memory_space<vmem>>) target(%dma_start3A_978 : memref<1020x8xf32, #tpu.memory_space<vmem_shared>>) target_semaphore(%run_scoped3A : memref<!tpu.dma_semaphore, #tpu.memory_space<semaphore_mem>>)
      %dma_wait3A_979 = arith.constant 0 : i32
      %dma_wait3A_980 = tpu.memref_slice %arg5[%add3A_20, %dma_wait3A_979] : memref<130560x8xf32, #tpu.memory_space<vmem_shared>> -> memref<1020x8xf32, #tpu.memory_space<vmem_shared>>
      %dma_wait3A_981 = arith.constant 0 : i32
      %dma_wait3A_982 = tpu.memref_slice %arg5[%add3A_20, %dma_wait3A_981] : memref<130560x8xf32, #tpu.memory_space<vmem_shared>> -> memref<1020x8xf32, #tpu.memory_space<vmem_shared>>
      tpu.wait_dma2 semaphore(%run_scoped3A : memref<!tpu.dma_semaphore, #tpu.memory_space<semaphore_mem>>) src(%arg10 : memref<1020x8xf32, #tpu.memory_space<vmem>>) dst(%dma_wait3A_982 : memref<1020x8xf32, #tpu.memory_space<vmem_shared>>)
      tpu.yield
    }) : () -> ()
    %mul3A_21 = arith.constant 8160 : i32
    %mul3A_22 = arith.muli %arg1, %mul3A_21 : i32
    %add3A_23 = arith.constant 4080 : i32
    %add3A_24 = arith.addi %mul3A_22, %add3A_23 : i32
    "tpu.region"() ({
      %run_scoped3A = tpu.sem_alloc : memref<!tpu.dma_semaphore, #tpu.memory_space<semaphore_mem>>
      %dma_start3A_975 = arith.constant 0 : i32
      %dma_start3A_976 = tpu.memref_slice %arg5[%add3A_24, %dma_start3A_975] : memref<130560x8xf32, #tpu.memory_space<vmem_shared>> -> memref<1020x8xf32, #tpu.memory_space<vmem_shared>>
      %dma_start3A_977 = arith.constant 0 : i32
      %dma_start3A_978 = tpu.memref_slice %arg5[%add3A_24, %dma_start3A_977] : memref<130560x8xf32, #tpu.memory_space<vmem_shared>> -> memref<1020x8xf32, #tpu.memory_space<vmem_shared>>
      tpu.enqueue_dma source(%arg10 : memref<1020x8xf32, #tpu.memory_space<vmem>>) target(%dma_start3A_978 : memref<1020x8xf32, #tpu.memory_space<vmem_shared>>) target_semaphore(%run_scoped3A : memref<!tpu.dma_semaphore, #tpu.memory_space<semaphore_mem>>)
      %dma_wait3A_979 = arith.constant 0 : i32
      %dma_wait3A_980 = tpu.memref_slice %arg5[%add3A_24, %dma_wait3A_979] : memref<130560x8xf32, #tpu.memory_space<vmem_shared>> -> memref<1020x8xf32, #tpu.memory_space<vmem_shared>>
      %dma_wait3A_981 = arith.constant 0 : i32
      %dma_wait3A_982 = tpu.memref_slice %arg5[%add3A_24, %dma_wait3A_981] : memref<130560x8xf32, #tpu.memory_space<vmem_shared>> -> memref<1020x8xf32, #tpu.memory_space<vmem_shared>>
      tpu.wait_dma2 semaphore(%run_scoped3A : memref<!tpu.dma_semaphore, #tpu.memory_space<semaphore_mem>>) src(%arg10 : memref<1020x8xf32, #tpu.memory_space<vmem>>) dst(%dma_wait3A_982 : memref<1020x8xf32, #tpu.memory_space<vmem_shared>>)
      tpu.yield
    }) : () -> ()
    %mul3A_25 = arith.constant 8160 : i32
    %mul3A_26 = arith.muli %arg1, %mul3A_25 : i32
    %add3A_27 = arith.constant 5100 : i32
    %add3A_28 = arith.addi %mul3A_26, %add3A_27 : i32
    "tpu.region"() ({
      %run_scoped3A = tpu.sem_alloc : memref<!tpu.dma_semaphore, #tpu.memory_space<semaphore_mem>>
      %dma_start3A_975 = arith.constant 0 : i32
      %dma_start3A_976 = tpu.memref_slice %arg5[%add3A_28, %dma_start3A_975] : memref<130560x8xf32, #tpu.memory_space<vmem_shared>> -> memref<1020x8xf32, #tpu.memory_space<vmem_shared>>
      %dma_start3A_977 = arith.constant 0 : i32
      %dma_start3A_978 = tpu.memref_slice %arg5[%add3A_28, %dma_start3A_977] : memref<130560x8xf32, #tpu.memory_space<vmem_shared>> -> memref<1020x8xf32, #tpu.memory_space<vmem_shared>>
      tpu.enqueue_dma source(%arg10 : memref<1020x8xf32, #tpu.memory_space<vmem>>) target(%dma_start3A_978 : memref<1020x8xf32, #tpu.memory_space<vmem_shared>>) target_semaphore(%run_scoped3A : memref<!tpu.dma_semaphore, #tpu.memory_space<semaphore_mem>>)
      %dma_wait3A_979 = arith.constant 0 : i32
      %dma_wait3A_980 = tpu.memref_slice %arg5[%add3A_28, %dma_wait3A_979] : memref<130560x8xf32, #tpu.memory_space<vmem_shared>> -> memref<1020x8xf32, #tpu.memory_space<vmem_shared>>
      %dma_wait3A_981 = arith.constant 0 : i32
      %dma_wait3A_982 = tpu.memref_slice %arg5[%add3A_28, %dma_wait3A_981] : memref<130560x8xf32, #tpu.memory_space<vmem_shared>> -> memref<1020x8xf32, #tpu.memory_space<vmem_shared>>
      tpu.wait_dma2 semaphore(%run_scoped3A : memref<!tpu.dma_semaphore, #tpu.memory_space<semaphore_mem>>) src(%arg10 : memref<1020x8xf32, #tpu.memory_space<vmem>>) dst(%dma_wait3A_982 : memref<1020x8xf32, #tpu.memory_space<vmem_shared>>)
      tpu.yield
    }) : () -> ()
    %mul3A_29 = arith.constant 8160 : i32
    %mul3A_30 = arith.muli %arg1, %mul3A_29 : i32
    %add3A_31 = arith.constant 6120 : i32
    %add3A_32 = arith.addi %mul3A_30, %add3A_31 : i32
    "tpu.region"() ({
      %run_scoped3A = tpu.sem_alloc : memref<!tpu.dma_semaphore, #tpu.memory_space<semaphore_mem>>
      %dma_start3A_975 = arith.constant 0 : i32
      %dma_start3A_976 = tpu.memref_slice %arg5[%add3A_32, %dma_start3A_975] : memref<130560x8xf32, #tpu.memory_space<vmem_shared>> -> memref<1020x8xf32, #tpu.memory_space<vmem_shared>>
      %dma_start3A_977 = arith.constant 0 : i32
      %dma_start3A_978 = tpu.memref_slice %arg5[%add3A_32, %dma_start3A_977] : memref<130560x8xf32, #tpu.memory_space<vmem_shared>> -> memref<1020x8xf32, #tpu.memory_space<vmem_shared>>
      tpu.enqueue_dma source(%arg10 : memref<1020x8xf32, #tpu.memory_space<vmem>>) target(%dma_start3A_978 : memref<1020x8xf32, #tpu.memory_space<vmem_shared>>) target_semaphore(%run_scoped3A : memref<!tpu.dma_semaphore, #tpu.memory_space<semaphore_mem>>)
      %dma_wait3A_979 = arith.constant 0 : i32
      %dma_wait3A_980 = tpu.memref_slice %arg5[%add3A_32, %dma_wait3A_979] : memref<130560x8xf32, #tpu.memory_space<vmem_shared>> -> memref<1020x8xf32, #tpu.memory_space<vmem_shared>>
      %dma_wait3A_981 = arith.constant 0 : i32
      %dma_wait3A_982 = tpu.memref_slice %arg5[%add3A_32, %dma_wait3A_981] : memref<130560x8xf32, #tpu.memory_space<vmem_shared>> -> memref<1020x8xf32, #tpu.memory_space<vmem_shared>>
      tpu.wait_dma2 semaphore(%run_scoped3A : memref<!tpu.dma_semaphore, #tpu.memory_space<semaphore_mem>>) src(%arg10 : memref<1020x8xf32, #tpu.memory_space<vmem>>) dst(%dma_wait3A_982 : memref<1020x8xf32, #tpu.memory_space<vmem_shared>>)
      tpu.yield
    }) : () -> ()
    %mul3A_33 = arith.constant 8160 : i32
    %mul3A_34 = arith.muli %arg1, %mul3A_33 : i32
    %add3A_35 = arith.constant 7140 : i32
    %add3A_36 = arith.addi %mul3A_34, %add3A_35 : i32
    "tpu.region"() ({
      %run_scoped3A = tpu.sem_alloc : memref<!tpu.dma_semaphore, #tpu.memory_space<semaphore_mem>>
      %dma_start3A_975 = arith.constant 0 : i32
      %dma_start3A_976 = tpu.memref_slice %arg5[%add3A_36, %dma_start3A_975] : memref<130560x8xf32, #tpu.memory_space<vmem_shared>> -> memref<1020x8xf32, #tpu.memory_space<vmem_shared>>
      %dma_start3A_977 = arith.constant 0 : i32
      %dma_start3A_978 = tpu.memref_slice %arg5[%add3A_36, %dma_start3A_977] : memref<130560x8xf32, #tpu.memory_space<vmem_shared>> -> memref<1020x8xf32, #tpu.memory_space<vmem_shared>>
      tpu.enqueue_dma source(%arg10 : memref<1020x8xf32, #tpu.memory_space<vmem>>) target(%dma_start3A_978 : memref<1020x8xf32, #tpu.memory_space<vmem_shared>>) target_semaphore(%run_scoped3A : memref<!tpu.dma_semaphore, #tpu.memory_space<semaphore_mem>>)
      %dma_wait3A_979 = arith.constant 0 : i32
      %dma_wait3A_980 = tpu.memref_slice %arg5[%add3A_36, %dma_wait3A_979] : memref<130560x8xf32, #tpu.memory_space<vmem_shared>> -> memref<1020x8xf32, #tpu.memory_space<vmem_shared>>
      %dma_wait3A_981 = arith.constant 0 : i32
      %dma_wait3A_982 = tpu.memref_slice %arg5[%add3A_36, %dma_wait3A_981] : memref<130560x8xf32, #tpu.memory_space<vmem_shared>> -> memref<1020x8xf32, #tpu.memory_space<vmem_shared>>
      tpu.wait_dma2 semaphore(%run_scoped3A : memref<!tpu.dma_semaphore, #tpu.memory_space<semaphore_mem>>) src(%arg10 : memref<1020x8xf32, #tpu.memory_space<vmem>>) dst(%dma_wait3A_982 : memref<1020x8xf32, #tpu.memory_space<vmem_shared>>)
      tpu.yield
    }) : () -> ()
    %barrier3A = arith.constant 0 : index
    tpu.barrier barrier_id(%barrier3A)
    %mul3A_37 = arith.constant 31152 : i32
    %mul3A_38 = arith.muli %arg1, %mul3A_37 : i32
    %add3A_39 = arith.constant 0 : i32
    %add3A_40 = arith.addi %mul3A_38, %add3A_39 : i32
    %dma_start3A = tpu.memref_slice %arg3[%add3A_40] : memref<498688xi32, #tpu.memory_space<hbm>> -> memref<2832xi32, #tpu.memory_space<hbm>>
    %dma_start3A_41 = tpu.memref_slice %arg3[%add3A_40] : memref<498688xi32, #tpu.memory_space<hbm>> -> memref<2832xi32, #tpu.memory_space<hbm>>
    tpu.enqueue_dma source(%dma_start3A_41 : memref<2832xi32, #tpu.memory_space<hbm>>) target(%arg8 : memref<2832xi32, #tpu.memory_space<vmem>>) target_semaphore(%arg13 : memref<!tpu.dma_semaphore, #tpu.memory_space<semaphore_mem>>)
    %mul3A_42 = arith.constant 8 : i32
    %mul3A_43 = arith.muli %add3A_5, %mul3A_42 : i32
    %dma_start3A_44 = tpu.memref_slice %arg2[%add3A_40, %mul3A_43] : memref<498432x80xf32, #tpu.memory_space<hbm>> -> memref<2832x8xf32, #tpu.memory_space<hbm>>
    %dma_start3A_45 = tpu.memref_slice %arg2[%add3A_40, %mul3A_43] : memref<498432x80xf32, #tpu.memory_space<hbm>> -> memref<2832x8xf32, #tpu.memory_space<hbm>>
    tpu.enqueue_dma source(%dma_start3A_45 : memref<2832x8xf32, #tpu.memory_space<hbm>>) target(%arg6 : memref<2832x8xf32, #tpu.memory_space<vmem>>) target_semaphore(%arg11 : memref<!tpu.dma_semaphore, #tpu.memory_space<semaphore_mem>>)
    %dma_wait3A = tpu.memref_slice %arg3[%add3A_40] : memref<498688xi32, #tpu.memory_space<hbm>> -> memref<2832xi32, #tpu.memory_space<hbm>>
    %dma_wait3A_46 = tpu.memref_slice %arg3[%add3A_40] : memref<498688xi32, #tpu.memory_space<hbm>> -> memref<2832xi32, #tpu.memory_space<hbm>>
    tpu.wait_dma2 semaphore(%arg13 : memref<!tpu.dma_semaphore, #tpu.memory_space<semaphore_mem>>) src(%dma_wait3A_46 : memref<2832xi32, #tpu.memory_space<hbm>>) dst(%arg8 : memref<2832xi32, #tpu.memory_space<vmem>>)
    %dma_wait3A_47 = tpu.memref_slice %arg2[%add3A_40, %mul3A_43] : memref<498432x80xf32, #tpu.memory_space<hbm>> -> memref<2832x8xf32, #tpu.memory_space<hbm>>
    %dma_wait3A_48 = tpu.memref_slice %arg2[%add3A_40, %mul3A_43] : memref<498432x80xf32, #tpu.memory_space<hbm>> -> memref<2832x8xf32, #tpu.memory_space<hbm>>
    tpu.wait_dma2 semaphore(%arg11 : memref<!tpu.dma_semaphore, #tpu.memory_space<semaphore_mem>>) src(%dma_wait3A_48 : memref<2832x8xf32, #tpu.memory_space<hbm>>) dst(%arg6 : memref<2832x8xf32, #tpu.memory_space<vmem>>)
    %mul3A_49 = arith.constant 31152 : i32
    %mul3A_50 = arith.muli %arg1, %mul3A_49 : i32
    %add3A_51 = arith.constant 2832 : i32
    %add3A_52 = arith.addi %mul3A_50, %add3A_51 : i32
    %dma_start3A_53 = tpu.memref_slice %arg3[%add3A_52] : memref<498688xi32, #tpu.memory_space<hbm>> -> memref<2832xi32, #tpu.memory_space<hbm>>
    %dma_start3A_54 = tpu.memref_slice %arg3[%add3A_52] : memref<498688xi32, #tpu.memory_space<hbm>> -> memref<2832xi32, #tpu.memory_space<hbm>>
    tpu.enqueue_dma source(%dma_start3A_54 : memref<2832xi32, #tpu.memory_space<hbm>>) target(%arg9 : memref<2832xi32, #tpu.memory_space<vmem>>) target_semaphore(%arg14 : memref<!tpu.dma_semaphore, #tpu.memory_space<semaphore_mem>>)
    %mul3A_55 = arith.constant 8 : i32
    %mul3A_56 = arith.muli %add3A_5, %mul3A_55 : i32
    %dma_start3A_57 = tpu.memref_slice %arg2[%add3A_52, %mul3A_56] : memref<498432x80xf32, #tpu.memory_space<hbm>> -> memref<2832x8xf32, #tpu.memory_space<hbm>>
    %dma_start3A_58 = tpu.memref_slice %arg2[%add3A_52, %mul3A_56] : memref<498432x80xf32, #tpu.memory_space<hbm>> -> memref<2832x8xf32, #tpu.memory_space<hbm>>
    tpu.enqueue_dma source(%dma_start3A_58 : memref<2832x8xf32, #tpu.memory_space<hbm>>) target(%arg7 : memref<2832x8xf32, #tpu.memory_space<vmem>>) target_semaphore(%arg12 : memref<!tpu.dma_semaphore, #tpu.memory_space<semaphore_mem>>)
    "tpu.region"() ({
      %run_scoped3A = tpu.sem_alloc : memref<!tpu.dma_semaphore, #tpu.memory_space<semaphore_mem>>
      %dma_start3A_975 = arith.constant 0 : i32
      %dma_start3A_976 = arith.constant 0 : i32
      %dma_start3A_977 = tpu.memref_slice %arg5[%dma_start3A_975, %dma_start3A_976] : memref<130560x8xf32, #tpu.memory_space<vmem_shared>> -> memref<130560x8xf32, #tpu.memory_space<vmem_shared>>
      tpu.enqueue_indirect_dma source(%arg6 : memref<2832x8xf32, #tpu.memory_space<vmem>>) target(%dma_start3A_977 : memref<130560x8xf32, #tpu.memory_space<vmem_shared>>) offsets(%arg8 : memref<2832xi32, #tpu.memory_space<vmem>>) semaphore(%run_scoped3A : memref<!tpu.dma_semaphore, #tpu.memory_space<semaphore_mem>>) {add = true}
      %dma_wait3A_978 = arith.constant 0 : i32
      %dma_wait3A_979 = arith.constant 0 : i32
      %dma_wait3A_980 = tpu.memref_slice %arg5[%dma_wait3A_978, %dma_wait3A_979] : memref<130560x8xf32, #tpu.memory_space<vmem_shared>> -> memref<130560x8xf32, #tpu.memory_space<vmem_shared>>
      tpu.wait_indirect_dma semaphore(%run_scoped3A : memref<!tpu.dma_semaphore, #tpu.memory_space<semaphore_mem>>) src(%arg6 : memref<2832x8xf32, #tpu.memory_space<vmem>>) dst(%dma_wait3A_980 : memref<130560x8xf32, #tpu.memory_space<vmem_shared>>)
      tpu.yield
    }) : () -> ()
    %dma_wait3A_59 = tpu.memref_slice %arg3[%add3A_52] : memref<498688xi32, #tpu.memory_space<hbm>> -> memref<2832xi32, #tpu.memory_space<hbm>>
    %dma_wait3A_60 = tpu.memref_slice %arg3[%add3A_52] : memref<498688xi32, #tpu.memory_space<hbm>> -> memref<2832xi32, #tpu.memory_space<hbm>>
    tpu.wait_dma2 semaphore(%arg14 : memref<!tpu.dma_semaphore, #tpu.memory_space<semaphore_mem>>) src(%dma_wait3A_60 : memref<2832xi32, #tpu.memory_space<hbm>>) dst(%arg9 : memref<2832xi32, #tpu.memory_space<vmem>>)
    %dma_wait3A_61 = tpu.memref_slice %arg2[%add3A_52, %mul3A_56] : memref<498432x80xf32, #tpu.memory_space<hbm>> -> memref<2832x8xf32, #tpu.memory_space<hbm>>
    %dma_wait3A_62 = tpu.memref_slice %arg2[%add3A_52, %mul3A_56] : memref<498432x80xf32, #tpu.memory_space<hbm>> -> memref<2832x8xf32, #tpu.memory_space<hbm>>
    tpu.wait_dma2 semaphore(%arg12 : memref<!tpu.dma_semaphore, #tpu.memory_space<semaphore_mem>>) src(%dma_wait3A_62 : memref<2832x8xf32, #tpu.memory_space<hbm>>) dst(%arg7 : memref<2832x8xf32, #tpu.memory_space<vmem>>)
    %mul3A_63 = arith.constant 31152 : i32
    %mul3A_64 = arith.muli %arg1, %mul3A_63 : i32
    %add3A_65 = arith.constant 5664 : i32
    %add3A_66 = arith.addi %mul3A_64, %add3A_65 : i32
    %dma_start3A_67 = tpu.memref_slice %arg3[%add3A_66] : memref<498688xi32, #tpu.memory_space<hbm>> -> memref<2832xi32, #tpu.memory_space<hbm>>
    %dma_start3A_68 = tpu.memref_slice %arg3[%add3A_66] : memref<498688xi32, #tpu.memory_space<hbm>> -> memref<2832xi32, #tpu.memory_space<hbm>>
    tpu.enqueue_dma source(%dma_start3A_68 : memref<2832xi32, #tpu.memory_space<hbm>>) target(%arg8 : memref<2832xi32, #tpu.memory_space<vmem>>) target_semaphore(%arg13 : memref<!tpu.dma_semaphore, #tpu.memory_space<semaphore_mem>>)
    %mul3A_69 = arith.constant 8 : i32
    %mul3A_70 = arith.muli %add3A_5, %mul3A_69 : i32
    %dma_start3A_71 = tpu.memref_slice %arg2[%add3A_66, %mul3A_70] : memref<498432x80xf32, #tpu.memory_space<hbm>> -> memref<2832x8xf32, #tpu.memory_space<hbm>>
    %dma_start3A_72 = tpu.memref_slice %arg2[%add3A_66, %mul3A_70] : memref<498432x80xf32, #tpu.memory_space<hbm>> -> memref<2832x8xf32, #tpu.memory_space<hbm>>
    tpu.enqueue_dma source(%dma_start3A_72 : memref<2832x8xf32, #tpu.memory_space<hbm>>) target(%arg6 : memref<2832x8xf32, #tpu.memory_space<vmem>>) target_semaphore(%arg11 : memref<!tpu.dma_semaphore, #tpu.memory_space<semaphore_mem>>)
    "tpu.region"() ({
      %run_scoped3A = tpu.sem_alloc : memref<!tpu.dma_semaphore, #tpu.memory_space<semaphore_mem>>
      %dma_start3A_975 = arith.constant 0 : i32
      %dma_start3A_976 = arith.constant 0 : i32
      %dma_start3A_977 = tpu.memref_slice %arg5[%dma_start3A_975, %dma_start3A_976] : memref<130560x8xf32, #tpu.memory_space<vmem_shared>> -> memref<130560x8xf32, #tpu.memory_space<vmem_shared>>
      tpu.enqueue_indirect_dma source(%arg7 : memref<2832x8xf32, #tpu.memory_space<vmem>>) target(%dma_start3A_977 : memref<130560x8xf32, #tpu.memory_space<vmem_shared>>) offsets(%arg9 : memref<2832xi32, #tpu.memory_space<vmem>>) semaphore(%run_scoped3A : memref<!tpu.dma_semaphore, #tpu.memory_space<semaphore_mem>>) {add = true}
      %dma_wait3A_978 = arith.constant 0 : i32
      %dma_wait3A_979 = arith.constant 0 : i32
      %dma_wait3A_980 = tpu.memref_slice %arg5[%dma_wait3A_978, %dma_wait3A_979] : memref<130560x8xf32, #tpu.memory_space<vmem_shared>> -> memref<130560x8xf32, #tpu.memory_space<vmem_shared>>
      tpu.wait_indirect_dma semaphore(%run_scoped3A : memref<!tpu.dma_semaphore, #tpu.memory_space<semaphore_mem>>) src(%arg7 : memref<2832x8xf32, #tpu.memory_space<vmem>>) dst(%dma_wait3A_980 : memref<130560x8xf32, #tpu.memory_space<vmem_shared>>)
      tpu.yield
    }) : () -> ()
    %dma_wait3A_73 = tpu.memref_slice %arg3[%add3A_66] : memref<498688xi32, #tpu.memory_space<hbm>> -> memref<2832xi32, #tpu.memory_space<hbm>>
    %dma_wait3A_74 = tpu.memref_slice %arg3[%add3A_66] : memref<498688xi32, #tpu.memory_space<hbm>> -> memref<2832xi32, #tpu.memory_space<hbm>>
    tpu.wait_dma2 semaphore(%arg13 : memref<!tpu.dma_semaphore, #tpu.memory_space<semaphore_mem>>) src(%dma_wait3A_74 : memref<2832xi32, #tpu.memory_space<hbm>>) dst(%arg8 : memref<2832xi32, #tpu.memory_space<vmem>>)
    %dma_wait3A_75 = tpu.memref_slice %arg2[%add3A_66, %mul3A_70] : memref<498432x80xf32, #tpu.memory_space<hbm>> -> memref<2832x8xf32, #tpu.memory_space<hbm>>
    %dma_wait3A_76 = tpu.memref_slice %arg2[%add3A_66, %mul3A_70] : memref<498432x80xf32, #tpu.memory_space<hbm>> -> memref<2832x8xf32, #tpu.memory_space<hbm>>
    tpu.wait_dma2 semaphore(%arg11 : memref<!tpu.dma_semaphore, #tpu.memory_space<semaphore_mem>>) src(%dma_wait3A_76 : memref<2832x8xf32, #tpu.memory_space<hbm>>) dst(%arg6 : memref<2832x8xf32, #tpu.memory_space<vmem>>)
    %mul3A_77 = arith.constant 31152 : i32
    %mul3A_78 = arith.muli %arg1, %mul3A_77 : i32
    %add3A_79 = arith.constant 8496 : i32
    %add3A_80 = arith.addi %mul3A_78, %add3A_79 : i32
    %dma_start3A_81 = tpu.memref_slice %arg3[%add3A_80] : memref<498688xi32, #tpu.memory_space<hbm>> -> memref<2832xi32, #tpu.memory_space<hbm>>
    %dma_start3A_82 = tpu.memref_slice %arg3[%add3A_80] : memref<498688xi32, #tpu.memory_space<hbm>> -> memref<2832xi32, #tpu.memory_space<hbm>>
    tpu.enqueue_dma source(%dma_start3A_82 : memref<2832xi32, #tpu.memory_space<hbm>>) target(%arg9 : memref<2832xi32, #tpu.memory_space<vmem>>) target_semaphore(%arg14 : memref<!tpu.dma_semaphore, #tpu.memory_space<semaphore_mem>>)
    %mul3A_83 = arith.constant 8 : i32
    %mul3A_84 = arith.muli %add3A_5, %mul3A_83 : i32
    %dma_start3A_85 = tpu.memref_slice %arg2[%add3A_80, %mul3A_84] : memref<498432x80xf32, #tpu.memory_space<hbm>> -> memref<2832x8xf32, #tpu.memory_space<hbm>>
    %dma_start3A_86 = tpu.memref_slice %arg2[%add3A_80, %mul3A_84] : memref<498432x80xf32, #tpu.memory_space<hbm>> -> memref<2832x8xf32, #tpu.memory_space<hbm>>
    tpu.enqueue_dma source(%dma_start3A_86 : memref<2832x8xf32, #tpu.memory_space<hbm>>) target(%arg7 : memref<2832x8xf32, #tpu.memory_space<vmem>>) target_semaphore(%arg12 : memref<!tpu.dma_semaphore, #tpu.memory_space<semaphore_mem>>)
    "tpu.region"() ({
      %run_scoped3A = tpu.sem_alloc : memref<!tpu.dma_semaphore, #tpu.memory_space<semaphore_mem>>
      %dma_start3A_975 = arith.constant 0 : i32
      %dma_start3A_976 = arith.constant 0 : i32
      %dma_start3A_977 = tpu.memref_slice %arg5[%dma_start3A_975, %dma_start3A_976] : memref<130560x8xf32, #tpu.memory_space<vmem_shared>> -> memref<130560x8xf32, #tpu.memory_space<vmem_shared>>
      tpu.enqueue_indirect_dma source(%arg6 : memref<2832x8xf32, #tpu.memory_space<vmem>>) target(%dma_start3A_977 : memref<130560x8xf32, #tpu.memory_space<vmem_shared>>) offsets(%arg8 : memref<2832xi32, #tpu.memory_space<vmem>>) semaphore(%run_scoped3A : memref<!tpu.dma_semaphore, #tpu.memory_space<semaphore_mem>>) {add = true}
      %dma_wait3A_978 = arith.constant 0 : i32
      %dma_wait3A_979 = arith.constant 0 : i32
      %dma_wait3A_980 = tpu.memref_slice %arg5[%dma_wait3A_978, %dma_wait3A_979] : memref<130560x8xf32, #tpu.memory_space<vmem_shared>> -> memref<130560x8xf32, #tpu.memory_space<vmem_shared>>
      tpu.wait_indirect_dma semaphore(%run_scoped3A : memref<!tpu.dma_semaphore, #tpu.memory_space<semaphore_mem>>) src(%arg6 : memref<2832x8xf32, #tpu.memory_space<vmem>>) dst(%dma_wait3A_980 : memref<130560x8xf32, #tpu.memory_space<vmem_shared>>)
      tpu.yield
    }) : () -> ()
    %dma_wait3A_87 = tpu.memref_slice %arg3[%add3A_80] : memref<498688xi32, #tpu.memory_space<hbm>> -> memref<2832xi32, #tpu.memory_space<hbm>>
    %dma_wait3A_88 = tpu.memref_slice %arg3[%add3A_80] : memref<498688xi32, #tpu.memory_space<hbm>> -> memref<2832xi32, #tpu.memory_space<hbm>>
    tpu.wait_dma2 semaphore(%arg14 : memref<!tpu.dma_semaphore, #tpu.memory_space<semaphore_mem>>) src(%dma_wait3A_88 : memref<2832xi32, #tpu.memory_space<hbm>>) dst(%arg9 : memref<2832xi32, #tpu.memory_space<vmem>>)
    %dma_wait3A_89 = tpu.memref_slice %arg2[%add3A_80, %mul3A_84] : memref<498432x80xf32, #tpu.memory_space<hbm>> -> memref<2832x8xf32, #tpu.memory_space<hbm>>
    %dma_wait3A_90 = tpu.memref_slice %arg2[%add3A_80, %mul3A_84] : memref<498432x80xf32, #tpu.memory_space<hbm>> -> memref<2832x8xf32, #tpu.memory_space<hbm>>
    tpu.wait_dma2 semaphore(%arg12 : memref<!tpu.dma_semaphore, #tpu.memory_space<semaphore_mem>>) src(%dma_wait3A_90 : memref<2832x8xf32, #tpu.memory_space<hbm>>) dst(%arg7 : memref<2832x8xf32, #tpu.memory_space<vmem>>)
    %mul3A_91 = arith.constant 31152 : i32
    %mul3A_92 = arith.muli %arg1, %mul3A_91 : i32
    %add3A_93 = arith.constant 11328 : i32
    %add3A_94 = arith.addi %mul3A_92, %add3A_93 : i32
    %dma_start3A_95 = tpu.memref_slice %arg3[%add3A_94] : memref<498688xi32, #tpu.memory_space<hbm>> -> memref<2832xi32, #tpu.memory_space<hbm>>
    %dma_start3A_96 = tpu.memref_slice %arg3[%add3A_94] : memref<498688xi32, #tpu.memory_space<hbm>> -> memref<2832xi32, #tpu.memory_space<hbm>>
    tpu.enqueue_dma source(%dma_start3A_96 : memref<2832xi32, #tpu.memory_space<hbm>>) target(%arg8 : memref<2832xi32, #tpu.memory_space<vmem>>) target_semaphore(%arg13 : memref<!tpu.dma_semaphore, #tpu.memory_space<semaphore_mem>>)
    %mul3A_97 = arith.constant 8 : i32
    %mul3A_98 = arith.muli %add3A_5, %mul3A_97 : i32
    %dma_start3A_99 = tpu.memref_slice %arg2[%add3A_94, %mul3A_98] : memref<498432x80xf32, #tpu.memory_space<hbm>> -> memref<2832x8xf32, #tpu.memory_space<hbm>>
    %dma_start3A_100 = tpu.memref_slice %arg2[%add3A_94, %mul3A_98] : memref<498432x80xf32, #tpu.memory_space<hbm>> -> memref<2832x8xf32, #tpu.memory_space<hbm>>
    tpu.enqueue_dma source(%dma_start3A_100 : memref<2832x8xf32, #tpu.memory_space<hbm>>) target(%arg6 : memref<2832x8xf32, #tpu.memory_space<vmem>>) target_semaphore(%arg11 : memref<!tpu.dma_semaphore, #tpu.memory_space<semaphore_mem>>)
    "tpu.region"() ({
      %run_scoped3A = tpu.sem_alloc : memref<!tpu.dma_semaphore, #tpu.memory_space<semaphore_mem>>
      %dma_start3A_975 = arith.constant 0 : i32
      %dma_start3A_976 = arith.constant 0 : i32
      %dma_start3A_977 = tpu.memref_slice %arg5[%dma_start3A_975, %dma_start3A_976] : memref<130560x8xf32, #tpu.memory_space<vmem_shared>> -> memref<130560x8xf32, #tpu.memory_space<vmem_shared>>
      tpu.enqueue_indirect_dma source(%arg7 : memref<2832x8xf32, #tpu.memory_space<vmem>>) target(%dma_start3A_977 : memref<130560x8xf32, #tpu.memory_space<vmem_shared>>) offsets(%arg9 : memref<2832xi32, #tpu.memory_space<vmem>>) semaphore(%run_scoped3A : memref<!tpu.dma_semaphore, #tpu.memory_space<semaphore_mem>>) {add = true}
      %dma_wait3A_978 = arith.constant 0 : i32
      %dma_wait3A_979 = arith.constant 0 : i32
      %dma_wait3A_980 = tpu.memref_slice %arg5[%dma_wait3A_978, %dma_wait3A_979] : memref<130560x8xf32, #tpu.memory_space<vmem_shared>> -> memref<130560x8xf32, #tpu.memory_space<vmem_shared>>
      tpu.wait_indirect_dma semaphore(%run_scoped3A : memref<!tpu.dma_semaphore, #tpu.memory_space<semaphore_mem>>) src(%arg7 : memref<2832x8xf32, #tpu.memory_space<vmem>>) dst(%dma_wait3A_980 : memref<130560x8xf32, #tpu.memory_space<vmem_shared>>)
      tpu.yield
    }) : () -> ()
    %dma_wait3A_101 = tpu.memref_slice %arg3[%add3A_94] : memref<498688xi32, #tpu.memory_space<hbm>> -> memref<2832xi32, #tpu.memory_space<hbm>>
    %dma_wait3A_102 = tpu.memref_slice %arg3[%add3A_94] : memref<498688xi32, #tpu.memory_space<hbm>> -> memref<2832xi32, #tpu.memory_space<hbm>>
    tpu.wait_dma2 semaphore(%arg13 : memref<!tpu.dma_semaphore, #tpu.memory_space<semaphore_mem>>) src(%dma_wait3A_102 : memref<2832xi32, #tpu.memory_space<hbm>>) dst(%arg8 : memref<2832xi32, #tpu.memory_space<vmem>>)
    %dma_wait3A_103 = tpu.memref_slice %arg2[%add3A_94, %mul3A_98] : memref<498432x80xf32, #tpu.memory_space<hbm>> -> memref<2832x8xf32, #tpu.memory_space<hbm>>
    %dma_wait3A_104 = tpu.memref_slice %arg2[%add3A_94, %mul3A_98] : memref<498432x80xf32, #tpu.memory_space<hbm>> -> memref<2832x8xf32, #tpu.memory_space<hbm>>
    tpu.wait_dma2 semaphore(%arg11 : memref<!tpu.dma_semaphore, #tpu.memory_space<semaphore_mem>>) src(%dma_wait3A_104 : memref<2832x8xf32, #tpu.memory_space<hbm>>) dst(%arg6 : memref<2832x8xf32, #tpu.memory_space<vmem>>)
    %mul3A_105 = arith.constant 31152 : i32
    %mul3A_106 = arith.muli %arg1, %mul3A_105 : i32
    %add3A_107 = arith.constant 14160 : i32
    %add3A_108 = arith.addi %mul3A_106, %add3A_107 : i32
    %dma_start3A_109 = tpu.memref_slice %arg3[%add3A_108] : memref<498688xi32, #tpu.memory_space<hbm>> -> memref<2832xi32, #tpu.memory_space<hbm>>
    %dma_start3A_110 = tpu.memref_slice %arg3[%add3A_108] : memref<498688xi32, #tpu.memory_space<hbm>> -> memref<2832xi32, #tpu.memory_space<hbm>>
    tpu.enqueue_dma source(%dma_start3A_110 : memref<2832xi32, #tpu.memory_space<hbm>>) target(%arg9 : memref<2832xi32, #tpu.memory_space<vmem>>) target_semaphore(%arg14 : memref<!tpu.dma_semaphore, #tpu.memory_space<semaphore_mem>>)
    %mul3A_111 = arith.constant 8 : i32
    %mul3A_112 = arith.muli %add3A_5, %mul3A_111 : i32
    %dma_start3A_113 = tpu.memref_slice %arg2[%add3A_108, %mul3A_112] : memref<498432x80xf32, #tpu.memory_space<hbm>> -> memref<2832x8xf32, #tpu.memory_space<hbm>>
    %dma_start3A_114 = tpu.memref_slice %arg2[%add3A_108, %mul3A_112] : memref<498432x80xf32, #tpu.memory_space<hbm>> -> memref<2832x8xf32, #tpu.memory_space<hbm>>
    tpu.enqueue_dma source(%dma_start3A_114 : memref<2832x8xf32, #tpu.memory_space<hbm>>) target(%arg7 : memref<2832x8xf32, #tpu.memory_space<vmem>>) target_semaphore(%arg12 : memref<!tpu.dma_semaphore, #tpu.memory_space<semaphore_mem>>)
    "tpu.region"() ({
      %run_scoped3A = tpu.sem_alloc : memref<!tpu.dma_semaphore, #tpu.memory_space<semaphore_mem>>
      %dma_start3A_975 = arith.constant 0 : i32
      %dma_start3A_976 = arith.constant 0 : i32
      %dma_start3A_977 = tpu.memref_slice %arg5[%dma_start3A_975, %dma_start3A_976] : memref<130560x8xf32, #tpu.memory_space<vmem_shared>> -> memref<130560x8xf32, #tpu.memory_space<vmem_shared>>
      tpu.enqueue_indirect_dma source(%arg6 : memref<2832x8xf32, #tpu.memory_space<vmem>>) target(%dma_start3A_977 : memref<130560x8xf32, #tpu.memory_space<vmem_shared>>) offsets(%arg8 : memref<2832xi32, #tpu.memory_space<vmem>>) semaphore(%run_scoped3A : memref<!tpu.dma_semaphore, #tpu.memory_space<semaphore_mem>>) {add = true}
      %dma_wait3A_978 = arith.constant 0 : i32
      %dma_wait3A_979 = arith.constant 0 : i32
      %dma_wait3A_980 = tpu.memref_slice %arg5[%dma_wait3A_978, %dma_wait3A_979] : memref<130560x8xf32, #tpu.memory_space<vmem_shared>> -> memref<130560x8xf32, #tpu.memory_space<vmem_shared>>
      tpu.wait_indirect_dma semaphore(%run_scoped3A : memref<!tpu.dma_semaphore, #tpu.memory_space<semaphore_mem>>) src(%arg6 : memref<2832x8xf32, #tpu.memory_space<vmem>>) dst(%dma_wait3A_980 : memref<130560x8xf32, #tpu.memory_space<vmem_shared>>)
      tpu.yield
    }) : () -> ()
    %dma_wait3A_115 = tpu.memref_slice %arg3[%add3A_108] : memref<498688xi32, #tpu.memory_space<hbm>> -> memref<2832xi32, #tpu.memory_space<hbm>>
    %dma_wait3A_116 = tpu.memref_slice %arg3[%add3A_108] : memref<498688xi32, #tpu.memory_space<hbm>> -> memref<2832xi32, #tpu.memory_space<hbm>>
    tpu.wait_dma2 semaphore(%arg14 : memref<!tpu.dma_semaphore, #tpu.memory_space<semaphore_mem>>) src(%dma_wait3A_116 : memref<2832xi32, #tpu.memory_space<hbm>>) dst(%arg9 : memref<2832xi32, #tpu.memory_space<vmem>>)
    %dma_wait3A_117 = tpu.memref_slice %arg2[%add3A_108, %mul3A_112] : memref<498432x80xf32, #tpu.memory_space<hbm>> -> memref<2832x8xf32, #tpu.memory_space<hbm>>
    %dma_wait3A_118 = tpu.memref_slice %arg2[%add3A_108, %mul3A_112] : memref<498432x80xf32, #tpu.memory_space<hbm>> -> memref<2832x8xf32, #tpu.memory_space<hbm>>
    tpu.wait_dma2 semaphore(%arg12 : memref<!tpu.dma_semaphore, #tpu.memory_space<semaphore_mem>>) src(%dma_wait3A_118 : memref<2832x8xf32, #tpu.memory_space<hbm>>) dst(%arg7 : memref<2832x8xf32, #tpu.memory_space<vmem>>)
    %mul3A_119 = arith.constant 31152 : i32
    %mul3A_120 = arith.muli %arg1, %mul3A_119 : i32
    %add3A_121 = arith.constant 16992 : i32
    %add3A_122 = arith.addi %mul3A_120, %add3A_121 : i32
    %dma_start3A_123 = tpu.memref_slice %arg3[%add3A_122] : memref<498688xi32, #tpu.memory_space<hbm>> -> memref<2832xi32, #tpu.memory_space<hbm>>
    %dma_start3A_124 = tpu.memref_slice %arg3[%add3A_122] : memref<498688xi32, #tpu.memory_space<hbm>> -> memref<2832xi32, #tpu.memory_space<hbm>>
    tpu.enqueue_dma source(%dma_start3A_124 : memref<2832xi32, #tpu.memory_space<hbm>>) target(%arg8 : memref<2832xi32, #tpu.memory_space<vmem>>) target_semaphore(%arg13 : memref<!tpu.dma_semaphore, #tpu.memory_space<semaphore_mem>>)
    %mul3A_125 = arith.constant 8 : i32
    %mul3A_126 = arith.muli %add3A_5, %mul3A_125 : i32
    %dma_start3A_127 = tpu.memref_slice %arg2[%add3A_122, %mul3A_126] : memref<498432x80xf32, #tpu.memory_space<hbm>> -> memref<2832x8xf32, #tpu.memory_space<hbm>>
    %dma_start3A_128 = tpu.memref_slice %arg2[%add3A_122, %mul3A_126] : memref<498432x80xf32, #tpu.memory_space<hbm>> -> memref<2832x8xf32, #tpu.memory_space<hbm>>
    tpu.enqueue_dma source(%dma_start3A_128 : memref<2832x8xf32, #tpu.memory_space<hbm>>) target(%arg6 : memref<2832x8xf32, #tpu.memory_space<vmem>>) target_semaphore(%arg11 : memref<!tpu.dma_semaphore, #tpu.memory_space<semaphore_mem>>)
    "tpu.region"() ({
      %run_scoped3A = tpu.sem_alloc : memref<!tpu.dma_semaphore, #tpu.memory_space<semaphore_mem>>
      %dma_start3A_975 = arith.constant 0 : i32
      %dma_start3A_976 = arith.constant 0 : i32
      %dma_start3A_977 = tpu.memref_slice %arg5[%dma_start3A_975, %dma_start3A_976] : memref<130560x8xf32, #tpu.memory_space<vmem_shared>> -> memref<130560x8xf32, #tpu.memory_space<vmem_shared>>
      tpu.enqueue_indirect_dma source(%arg7 : memref<2832x8xf32, #tpu.memory_space<vmem>>) target(%dma_start3A_977 : memref<130560x8xf32, #tpu.memory_space<vmem_shared>>) offsets(%arg9 : memref<2832xi32, #tpu.memory_space<vmem>>) semaphore(%run_scoped3A : memref<!tpu.dma_semaphore, #tpu.memory_space<semaphore_mem>>) {add = true}
      %dma_wait3A_978 = arith.constant 0 : i32
      %dma_wait3A_979 = arith.constant 0 : i32
      %dma_wait3A_980 = tpu.memref_slice %arg5[%dma_wait3A_978, %dma_wait3A_979] : memref<130560x8xf32, #tpu.memory_space<vmem_shared>> -> memref<130560x8xf32, #tpu.memory_space<vmem_shared>>
      tpu.wait_indirect_dma semaphore(%run_scoped3A : memref<!tpu.dma_semaphore, #tpu.memory_space<semaphore_mem>>) src(%arg7 : memref<2832x8xf32, #tpu.memory_space<vmem>>) dst(%dma_wait3A_980 : memref<130560x8xf32, #tpu.memory_space<vmem_shared>>)
      tpu.yield
    }) : () -> ()
    %dma_wait3A_129 = tpu.memref_slice %arg3[%add3A_122] : memref<498688xi32, #tpu.memory_space<hbm>> -> memref<2832xi32, #tpu.memory_space<hbm>>
    %dma_wait3A_130 = tpu.memref_slice %arg3[%add3A_122] : memref<498688xi32, #tpu.memory_space<hbm>> -> memref<2832xi32, #tpu.memory_space<hbm>>
    tpu.wait_dma2 semaphore(%arg13 : memref<!tpu.dma_semaphore, #tpu.memory_space<semaphore_mem>>) src(%dma_wait3A_130 : memref<2832xi32, #tpu.memory_space<hbm>>) dst(%arg8 : memref<2832xi32, #tpu.memory_space<vmem>>)
    %dma_wait3A_131 = tpu.memref_slice %arg2[%add3A_122, %mul3A_126] : memref<498432x80xf32, #tpu.memory_space<hbm>> -> memref<2832x8xf32, #tpu.memory_space<hbm>>
    %dma_wait3A_132 = tpu.memref_slice %arg2[%add3A_122, %mul3A_126] : memref<498432x80xf32, #tpu.memory_space<hbm>> -> memref<2832x8xf32, #tpu.memory_space<hbm>>
    tpu.wait_dma2 semaphore(%arg11 : memref<!tpu.dma_semaphore, #tpu.memory_space<semaphore_mem>>) src(%dma_wait3A_132 : memref<2832x8xf32, #tpu.memory_space<hbm>>) dst(%arg6 : memref<2832x8xf32, #tpu.memory_space<vmem>>)
    %mul3A_133 = arith.constant 31152 : i32
    %mul3A_134 = arith.muli %arg1, %mul3A_133 : i32
    %add3A_135 = arith.constant 19824 : i32
    %add3A_136 = arith.addi %mul3A_134, %add3A_135 : i32
    %dma_start3A_137 = tpu.memref_slice %arg3[%add3A_136] : memref<498688xi32, #tpu.memory_space<hbm>> -> memref<2832xi32, #tpu.memory_space<hbm>>
    %dma_start3A_138 = tpu.memref_slice %arg3[%add3A_136] : memref<498688xi32, #tpu.memory_space<hbm>> -> memref<2832xi32, #tpu.memory_space<hbm>>
    tpu.enqueue_dma source(%dma_start3A_138 : memref<2832xi32, #tpu.memory_space<hbm>>) target(%arg9 : memref<2832xi32, #tpu.memory_space<vmem>>) target_semaphore(%arg14 : memref<!tpu.dma_semaphore, #tpu.memory_space<semaphore_mem>>)
    %mul3A_139 = arith.constant 8 : i32
    %mul3A_140 = arith.muli %add3A_5, %mul3A_139 : i32
    %dma_start3A_141 = tpu.memref_slice %arg2[%add3A_136, %mul3A_140] : memref<498432x80xf32, #tpu.memory_space<hbm>> -> memref<2832x8xf32, #tpu.memory_space<hbm>>
    %dma_start3A_142 = tpu.memref_slice %arg2[%add3A_136, %mul3A_140] : memref<498432x80xf32, #tpu.memory_space<hbm>> -> memref<2832x8xf32, #tpu.memory_space<hbm>>
    tpu.enqueue_dma source(%dma_start3A_142 : memref<2832x8xf32, #tpu.memory_space<hbm>>) target(%arg7 : memref<2832x8xf32, #tpu.memory_space<vmem>>) target_semaphore(%arg12 : memref<!tpu.dma_semaphore, #tpu.memory_space<semaphore_mem>>)
    "tpu.region"() ({
      %run_scoped3A = tpu.sem_alloc : memref<!tpu.dma_semaphore, #tpu.memory_space<semaphore_mem>>
      %dma_start3A_975 = arith.constant 0 : i32
      %dma_start3A_976 = arith.constant 0 : i32
      %dma_start3A_977 = tpu.memref_slice %arg5[%dma_start3A_975, %dma_start3A_976] : memref<130560x8xf32, #tpu.memory_space<vmem_shared>> -> memref<130560x8xf32, #tpu.memory_space<vmem_shared>>
      tpu.enqueue_indirect_dma source(%arg6 : memref<2832x8xf32, #tpu.memory_space<vmem>>) target(%dma_start3A_977 : memref<130560x8xf32, #tpu.memory_space<vmem_shared>>) offsets(%arg8 : memref<2832xi32, #tpu.memory_space<vmem>>) semaphore(%run_scoped3A : memref<!tpu.dma_semaphore, #tpu.memory_space<semaphore_mem>>) {add = true}
      %dma_wait3A_978 = arith.constant 0 : i32
      %dma_wait3A_979 = arith.constant 0 : i32
      %dma_wait3A_980 = tpu.memref_slice %arg5[%dma_wait3A_978, %dma_wait3A_979] : memref<130560x8xf32, #tpu.memory_space<vmem_shared>> -> memref<130560x8xf32, #tpu.memory_space<vmem_shared>>
      tpu.wait_indirect_dma semaphore(%run_scoped3A : memref<!tpu.dma_semaphore, #tpu.memory_space<semaphore_mem>>) src(%arg6 : memref<2832x8xf32, #tpu.memory_space<vmem>>) dst(%dma_wait3A_980 : memref<130560x8xf32, #tpu.memory_space<vmem_shared>>)
      tpu.yield
    }) : () -> ()
    %dma_wait3A_143 = tpu.memref_slice %arg3[%add3A_136] : memref<498688xi32, #tpu.memory_space<hbm>> -> memref<2832xi32, #tpu.memory_space<hbm>>
    %dma_wait3A_144 = tpu.memref_slice %arg3[%add3A_136] : memref<498688xi32, #tpu.memory_space<hbm>> -> memref<2832xi32, #tpu.memory_space<hbm>>
    tpu.wait_dma2 semaphore(%arg14 : memref<!tpu.dma_semaphore, #tpu.memory_space<semaphore_mem>>) src(%dma_wait3A_144 : memref<2832xi32, #tpu.memory_space<hbm>>) dst(%arg9 : memref<2832xi32, #tpu.memory_space<vmem>>)
    %dma_wait3A_145 = tpu.memref_slice %arg2[%add3A_136, %mul3A_140] : memref<498432x80xf32, #tpu.memory_space<hbm>> -> memref<2832x8xf32, #tpu.memory_space<hbm>>
    %dma_wait3A_146 = tpu.memref_slice %arg2[%add3A_136, %mul3A_140] : memref<498432x80xf32, #tpu.memory_space<hbm>> -> memref<2832x8xf32, #tpu.memory_space<hbm>>
    tpu.wait_dma2 semaphore(%arg12 : memref<!tpu.dma_semaphore, #tpu.memory_space<semaphore_mem>>) src(%dma_wait3A_146 : memref<2832x8xf32, #tpu.memory_space<hbm>>) dst(%arg7 : memref<2832x8xf32, #tpu.memory_space<vmem>>)
    %mul3A_147 = arith.constant 31152 : i32
    %mul3A_148 = arith.muli %arg1, %mul3A_147 : i32
    %add3A_149 = arith.constant 22656 : i32
    %add3A_150 = arith.addi %mul3A_148, %add3A_149 : i32
    %dma_start3A_151 = tpu.memref_slice %arg3[%add3A_150] : memref<498688xi32, #tpu.memory_space<hbm>> -> memref<2832xi32, #tpu.memory_space<hbm>>
    %dma_start3A_152 = tpu.memref_slice %arg3[%add3A_150] : memref<498688xi32, #tpu.memory_space<hbm>> -> memref<2832xi32, #tpu.memory_space<hbm>>
    tpu.enqueue_dma source(%dma_start3A_152 : memref<2832xi32, #tpu.memory_space<hbm>>) target(%arg8 : memref<2832xi32, #tpu.memory_space<vmem>>) target_semaphore(%arg13 : memref<!tpu.dma_semaphore, #tpu.memory_space<semaphore_mem>>)
    %mul3A_153 = arith.constant 8 : i32
    %mul3A_154 = arith.muli %add3A_5, %mul3A_153 : i32
    %dma_start3A_155 = tpu.memref_slice %arg2[%add3A_150, %mul3A_154] : memref<498432x80xf32, #tpu.memory_space<hbm>> -> memref<2832x8xf32, #tpu.memory_space<hbm>>
    %dma_start3A_156 = tpu.memref_slice %arg2[%add3A_150, %mul3A_154] : memref<498432x80xf32, #tpu.memory_space<hbm>> -> memref<2832x8xf32, #tpu.memory_space<hbm>>
    tpu.enqueue_dma source(%dma_start3A_156 : memref<2832x8xf32, #tpu.memory_space<hbm>>) target(%arg6 : memref<2832x8xf32, #tpu.memory_space<vmem>>) target_semaphore(%arg11 : memref<!tpu.dma_semaphore, #tpu.memory_space<semaphore_mem>>)
    "tpu.region"() ({
      %run_scoped3A = tpu.sem_alloc : memref<!tpu.dma_semaphore, #tpu.memory_space<semaphore_mem>>
      %dma_start3A_975 = arith.constant 0 : i32
      %dma_start3A_976 = arith.constant 0 : i32
      %dma_start3A_977 = tpu.memref_slice %arg5[%dma_start3A_975, %dma_start3A_976] : memref<130560x8xf32, #tpu.memory_space<vmem_shared>> -> memref<130560x8xf32, #tpu.memory_space<vmem_shared>>
      tpu.enqueue_indirect_dma source(%arg7 : memref<2832x8xf32, #tpu.memory_space<vmem>>) target(%dma_start3A_977 : memref<130560x8xf32, #tpu.memory_space<vmem_shared>>) offsets(%arg9 : memref<2832xi32, #tpu.memory_space<vmem>>) semaphore(%run_scoped3A : memref<!tpu.dma_semaphore, #tpu.memory_space<semaphore_mem>>) {add = true}
      %dma_wait3A_978 = arith.constant 0 : i32
      %dma_wait3A_979 = arith.constant 0 : i32
      %dma_wait3A_980 = tpu.memref_slice %arg5[%dma_wait3A_978, %dma_wait3A_979] : memref<130560x8xf32, #tpu.memory_space<vmem_shared>> -> memref<130560x8xf32, #tpu.memory_space<vmem_shared>>
      tpu.wait_indirect_dma semaphore(%run_scoped3A : memref<!tpu.dma_semaphore, #tpu.memory_space<semaphore_mem>>) src(%arg7 : memref<2832x8xf32, #tpu.memory_space<vmem>>) dst(%dma_wait3A_980 : memref<130560x8xf32, #tpu.memory_space<vmem_shared>>)
      tpu.yield
    }) : () -> ()
    %dma_wait3A_157 = tpu.memref_slice %arg3[%add3A_150] : memref<498688xi32, #tpu.memory_space<hbm>> -> memref<2832xi32, #tpu.memory_space<hbm>>
    %dma_wait3A_158 = tpu.memref_slice %arg3[%add3A_150] : memref<498688xi32, #tpu.memory_space<hbm>> -> memref<2832xi32, #tpu.memory_space<hbm>>
    tpu.wait_dma2 semaphore(%arg13 : memref<!tpu.dma_semaphore, #tpu.memory_space<semaphore_mem>>) src(%dma_wait3A_158 : memref<2832xi32, #tpu.memory_space<hbm>>) dst(%arg8 : memref<2832xi32, #tpu.memory_space<vmem>>)
    %dma_wait3A_159 = tpu.memref_slice %arg2[%add3A_150, %mul3A_154] : memref<498432x80xf32, #tpu.memory_space<hbm>> -> memref<2832x8xf32, #tpu.memory_space<hbm>>
    %dma_wait3A_160 = tpu.memref_slice %arg2[%add3A_150, %mul3A_154] : memref<498432x80xf32, #tpu.memory_space<hbm>> -> memref<2832x8xf32, #tpu.memory_space<hbm>>
    tpu.wait_dma2 semaphore(%arg11 : memref<!tpu.dma_semaphore, #tpu.memory_space<semaphore_mem>>) src(%dma_wait3A_160 : memref<2832x8xf32, #tpu.memory_space<hbm>>) dst(%arg6 : memref<2832x8xf32, #tpu.memory_space<vmem>>)
    %mul3A_161 = arith.constant 31152 : i32
    %mul3A_162 = arith.muli %arg1, %mul3A_161 : i32
    %add3A_163 = arith.constant 25488 : i32
    %add3A_164 = arith.addi %mul3A_162, %add3A_163 : i32
    %dma_start3A_165 = tpu.memref_slice %arg3[%add3A_164] : memref<498688xi32, #tpu.memory_space<hbm>> -> memref<2832xi32, #tpu.memory_space<hbm>>
    %dma_start3A_166 = tpu.memref_slice %arg3[%add3A_164] : memref<498688xi32, #tpu.memory_space<hbm>> -> memref<2832xi32, #tpu.memory_space<hbm>>
    tpu.enqueue_dma source(%dma_start3A_166 : memref<2832xi32, #tpu.memory_space<hbm>>) target(%arg9 : memref<2832xi32, #tpu.memory_space<vmem>>) target_semaphore(%arg14 : memref<!tpu.dma_semaphore, #tpu.memory_space<semaphore_mem>>)
    %mul3A_167 = arith.constant 8 : i32
    %mul3A_168 = arith.muli %add3A_5, %mul3A_167 : i32
    %dma_start3A_169 = tpu.memref_slice %arg2[%add3A_164, %mul3A_168] : memref<498432x80xf32, #tpu.memory_space<hbm>> -> memref<2832x8xf32, #tpu.memory_space<hbm>>
    %dma_start3A_170 = tpu.memref_slice %arg2[%add3A_164, %mul3A_168] : memref<498432x80xf32, #tpu.memory_space<hbm>> -> memref<2832x8xf32, #tpu.memory_space<hbm>>
    tpu.enqueue_dma source(%dma_start3A_170 : memref<2832x8xf32, #tpu.memory_space<hbm>>) target(%arg7 : memref<2832x8xf32, #tpu.memory_space<vmem>>) target_semaphore(%arg12 : memref<!tpu.dma_semaphore, #tpu.memory_space<semaphore_mem>>)
    "tpu.region"() ({
      %run_scoped3A = tpu.sem_alloc : memref<!tpu.dma_semaphore, #tpu.memory_space<semaphore_mem>>
      %dma_start3A_975 = arith.constant 0 : i32
      %dma_start3A_976 = arith.constant 0 : i32
      %dma_start3A_977 = tpu.memref_slice %arg5[%dma_start3A_975, %dma_start3A_976] : memref<130560x8xf32, #tpu.memory_space<vmem_shared>> -> memref<130560x8xf32, #tpu.memory_space<vmem_shared>>
      tpu.enqueue_indirect_dma source(%arg6 : memref<2832x8xf32, #tpu.memory_space<vmem>>) target(%dma_start3A_977 : memref<130560x8xf32, #tpu.memory_space<vmem_shared>>) offsets(%arg8 : memref<2832xi32, #tpu.memory_space<vmem>>) semaphore(%run_scoped3A : memref<!tpu.dma_semaphore, #tpu.memory_space<semaphore_mem>>) {add = true}
      %dma_wait3A_978 = arith.constant 0 : i32
      %dma_wait3A_979 = arith.constant 0 : i32
      %dma_wait3A_980 = tpu.memref_slice %arg5[%dma_wait3A_978, %dma_wait3A_979] : memref<130560x8xf32, #tpu.memory_space<vmem_shared>> -> memref<130560x8xf32, #tpu.memory_space<vmem_shared>>
      tpu.wait_indirect_dma semaphore(%run_scoped3A : memref<!tpu.dma_semaphore, #tpu.memory_space<semaphore_mem>>) src(%arg6 : memref<2832x8xf32, #tpu.memory_space<vmem>>) dst(%dma_wait3A_980 : memref<130560x8xf32, #tpu.memory_space<vmem_shared>>)
      tpu.yield
    }) : () -> ()
    %dma_wait3A_171 = tpu.memref_slice %arg3[%add3A_164] : memref<498688xi32, #tpu.memory_space<hbm>> -> memref<2832xi32, #tpu.memory_space<hbm>>
    %dma_wait3A_172 = tpu.memref_slice %arg3[%add3A_164] : memref<498688xi32, #tpu.memory_space<hbm>> -> memref<2832xi32, #tpu.memory_space<hbm>>
    tpu.wait_dma2 semaphore(%arg14 : memref<!tpu.dma_semaphore, #tpu.memory_space<semaphore_mem>>) src(%dma_wait3A_172 : memref<2832xi32, #tpu.memory_space<hbm>>) dst(%arg9 : memref<2832xi32, #tpu.memory_space<vmem>>)
    %dma_wait3A_173 = tpu.memref_slice %arg2[%add3A_164, %mul3A_168] : memref<498432x80xf32, #tpu.memory_space<hbm>> -> memref<2832x8xf32, #tpu.memory_space<hbm>>
    %dma_wait3A_174 = tpu.memref_slice %arg2[%add3A_164, %mul3A_168] : memref<498432x80xf32, #tpu.memory_space<hbm>> -> memref<2832x8xf32, #tpu.memory_space<hbm>>
    tpu.wait_dma2 semaphore(%arg12 : memref<!tpu.dma_semaphore, #tpu.memory_space<semaphore_mem>>) src(%dma_wait3A_174 : memref<2832x8xf32, #tpu.memory_space<hbm>>) dst(%arg7 : memref<2832x8xf32, #tpu.memory_space<vmem>>)
    %mul3A_175 = arith.constant 31152 : i32
    %mul3A_176 = arith.muli %arg1, %mul3A_175 : i32
    %add3A_177 = arith.constant 28320 : i32
    %add3A_178 = arith.addi %mul3A_176, %add3A_177 : i32
    %dma_start3A_179 = tpu.memref_slice %arg3[%add3A_178] : memref<498688xi32, #tpu.memory_space<hbm>> -> memref<2832xi32, #tpu.memory_space<hbm>>
    %dma_start3A_180 = tpu.memref_slice %arg3[%add3A_178] : memref<498688xi32, #tpu.memory_space<hbm>> -> memref<2832xi32, #tpu.memory_space<hbm>>
    tpu.enqueue_dma source(%dma_start3A_180 : memref<2832xi32, #tpu.memory_space<hbm>>) target(%arg8 : memref<2832xi32, #tpu.memory_space<vmem>>) target_semaphore(%arg13 : memref<!tpu.dma_semaphore, #tpu.memory_space<semaphore_mem>>)
    %mul3A_181 = arith.constant 8 : i32
    %mul3A_182 = arith.muli %add3A_5, %mul3A_181 : i32
    %dma_start3A_183 = tpu.memref_slice %arg2[%add3A_178, %mul3A_182] : memref<498432x80xf32, #tpu.memory_space<hbm>> -> memref<2832x8xf32, #tpu.memory_space<hbm>>
    %dma_start3A_184 = tpu.memref_slice %arg2[%add3A_178, %mul3A_182] : memref<498432x80xf32, #tpu.memory_space<hbm>> -> memref<2832x8xf32, #tpu.memory_space<hbm>>
    tpu.enqueue_dma source(%dma_start3A_184 : memref<2832x8xf32, #tpu.memory_space<hbm>>) target(%arg6 : memref<2832x8xf32, #tpu.memory_space<vmem>>) target_semaphore(%arg11 : memref<!tpu.dma_semaphore, #tpu.memory_space<semaphore_mem>>)
    "tpu.region"() ({
      %run_scoped3A = tpu.sem_alloc : memref<!tpu.dma_semaphore, #tpu.memory_space<semaphore_mem>>
      %dma_start3A_975 = arith.constant 0 : i32
      %dma_start3A_976 = arith.constant 0 : i32
      %dma_start3A_977 = tpu.memref_slice %arg5[%dma_start3A_975, %dma_start3A_976] : memref<130560x8xf32, #tpu.memory_space<vmem_shared>> -> memref<130560x8xf32, #tpu.memory_space<vmem_shared>>
      tpu.enqueue_indirect_dma source(%arg7 : memref<2832x8xf32, #tpu.memory_space<vmem>>) target(%dma_start3A_977 : memref<130560x8xf32, #tpu.memory_space<vmem_shared>>) offsets(%arg9 : memref<2832xi32, #tpu.memory_space<vmem>>) semaphore(%run_scoped3A : memref<!tpu.dma_semaphore, #tpu.memory_space<semaphore_mem>>) {add = true}
      %dma_wait3A_978 = arith.constant 0 : i32
      %dma_wait3A_979 = arith.constant 0 : i32
      %dma_wait3A_980 = tpu.memref_slice %arg5[%dma_wait3A_978, %dma_wait3A_979] : memref<130560x8xf32, #tpu.memory_space<vmem_shared>> -> memref<130560x8xf32, #tpu.memory_space<vmem_shared>>
      tpu.wait_indirect_dma semaphore(%run_scoped3A : memref<!tpu.dma_semaphore, #tpu.memory_space<semaphore_mem>>) src(%arg7 : memref<2832x8xf32, #tpu.memory_space<vmem>>) dst(%dma_wait3A_980 : memref<130560x8xf32, #tpu.memory_space<vmem_shared>>)
      tpu.yield
    }) : () -> ()
    %dma_wait3A_185 = tpu.memref_slice %arg3[%add3A_178] : memref<498688xi32, #tpu.memory_space<hbm>> -> memref<2832xi32, #tpu.memory_space<hbm>>
    %dma_wait3A_186 = tpu.memref_slice %arg3[%add3A_178] : memref<498688xi32, #tpu.memory_space<hbm>> -> memref<2832xi32, #tpu.memory_space<hbm>>
    tpu.wait_dma2 semaphore(%arg13 : memref<!tpu.dma_semaphore, #tpu.memory_space<semaphore_mem>>) src(%dma_wait3A_186 : memref<2832xi32, #tpu.memory_space<hbm>>) dst(%arg8 : memref<2832xi32, #tpu.memory_space<vmem>>)
    %dma_wait3A_187 = tpu.memref_slice %arg2[%add3A_178, %mul3A_182] : memref<498432x80xf32, #tpu.memory_space<hbm>> -> memref<2832x8xf32, #tpu.memory_space<hbm>>
    %dma_wait3A_188 = tpu.memref_slice %arg2[%add3A_178, %mul3A_182] : memref<498432x80xf32, #tpu.memory_space<hbm>> -> memref<2832x8xf32, #tpu.memory_space<hbm>>
    tpu.wait_dma2 semaphore(%arg11 : memref<!tpu.dma_semaphore, #tpu.memory_space<semaphore_mem>>) src(%dma_wait3A_188 : memref<2832x8xf32, #tpu.memory_space<hbm>>) dst(%arg6 : memref<2832x8xf32, #tpu.memory_space<vmem>>)
    "tpu.region"() ({
      %run_scoped3A = tpu.sem_alloc : memref<!tpu.dma_semaphore, #tpu.memory_space<semaphore_mem>>
      %dma_start3A_975 = arith.constant 0 : i32
      %dma_start3A_976 = arith.constant 0 : i32
      %dma_start3A_977 = tpu.memref_slice %arg5[%dma_start3A_975, %dma_start3A_976] : memref<130560x8xf32, #tpu.memory_space<vmem_shared>> -> memref<130560x8xf32, #tpu.memory_space<vmem_shared>>
      tpu.enqueue_indirect_dma source(%arg6 : memref<2832x8xf32, #tpu.memory_space<vmem>>) target(%dma_start3A_977 : memref<130560x8xf32, #tpu.memory_space<vmem_shared>>) offsets(%arg8 : memref<2832xi32, #tpu.memory_space<vmem>>) semaphore(%run_scoped3A : memref<!tpu.dma_semaphore, #tpu.memory_space<semaphore_mem>>) {add = true}
      %dma_wait3A_978 = arith.constant 0 : i32
      %dma_wait3A_979 = arith.constant 0 : i32
      %dma_wait3A_980 = tpu.memref_slice %arg5[%dma_wait3A_978, %dma_wait3A_979] : memref<130560x8xf32, #tpu.memory_space<vmem_shared>> -> memref<130560x8xf32, #tpu.memory_space<vmem_shared>>
      tpu.wait_indirect_dma semaphore(%run_scoped3A : memref<!tpu.dma_semaphore, #tpu.memory_space<semaphore_mem>>) src(%arg6 : memref<2832x8xf32, #tpu.memory_space<vmem>>) dst(%dma_wait3A_980 : memref<130560x8xf32, #tpu.memory_space<vmem_shared>>)
      tpu.yield
    }) : () -> ()
    %barrier3A_189 = arith.constant 0 : index
    tpu.barrier barrier_id(%barrier3A_189)
    %mul3A_190 = arith.constant 8104 : i32
    %mul3A_191 = arith.muli %arg1, %mul3A_190 : i32
    %mul3A_192 = arith.constant 8104 : i32
    %mul3A_193 = arith.muli %arg1, %mul3A_192 : i32
    "tpu.region"() ({
      %run_scoped3A = tpu.sem_alloc : memref<!tpu.dma_semaphore, #tpu.memory_space<semaphore_mem>>
      %dma_start3A_975 = arith.constant 0 : i32
      %dma_start3A_976 = tpu.memref_slice %arg4[%add3A_5, %mul3A_193, %dma_start3A_975] : memref<10x129664x8xf32, #tpu.memory_space<hbm>> -> memref<1x8104x8xf32, #tpu.memory_space<hbm>>
      %dma_start3A_977 = tpu.memref_squeeze %dma_start3A_976 : memref<1x8104x8xf32, #tpu.memory_space<hbm>> -> memref<8104x8xf32, #tpu.memory_space<hbm>>
      %dma_start3A_978 = arith.constant 0 : i32
      %dma_start3A_979 = tpu.memref_slice %arg5[%mul3A_191, %dma_start3A_978] : memref<130560x8xf32, #tpu.memory_space<vmem_shared>> -> memref<8104x8xf32, #tpu.memory_space<vmem_shared>>
      tpu.enqueue_dma source(%dma_start3A_979 : memref<8104x8xf32, #tpu.memory_space<vmem_shared>>) target(%dma_start3A_977 : memref<8104x8xf32, #tpu.memory_space<hbm>>) target_semaphore(%run_scoped3A : memref<!tpu.dma_semaphore, #tpu.memory_space<semaphore_mem>>)
      %dma_wait3A_980 = arith.constant 0 : i32
      %dma_wait3A_981 = tpu.memref_slice %arg4[%add3A_5, %mul3A_193, %dma_wait3A_980] : memref<10x129664x8xf32, #tpu.memory_space<hbm>> -> memref<1x8104x8xf32, #tpu.memory_space<hbm>>
      %dma_wait3A_982 = tpu.memref_squeeze %dma_wait3A_981 : memref<1x8104x8xf32, #tpu.memory_space<hbm>> -> memref<8104x8xf32, #tpu.memory_space<hbm>>
      %dma_wait3A_983 = arith.constant 0 : i32
      %dma_wait3A_984 = tpu.memref_slice %arg5[%mul3A_191, %dma_wait3A_983] : memref<130560x8xf32, #tpu.memory_space<vmem_shared>> -> memref<8104x8xf32, #tpu.memory_space<vmem_shared>>
      tpu.wait_dma2 semaphore(%run_scoped3A : memref<!tpu.dma_semaphore, #tpu.memory_space<semaphore_mem>>) src(%dma_wait3A_984 : memref<8104x8xf32, #tpu.memory_space<vmem_shared>>) dst(%dma_wait3A_982 : memref<8104x8xf32, #tpu.memory_space<hbm>>)
      tpu.yield
    }) : () -> ()
    %barrier3A_194 = arith.constant 0 : index
    tpu.barrier barrier_id(%barrier3A_194)
    %add3A_195 = arith.constant 2 : i32
    %add3A_196 = arith.addi %add3A_195, %arg0 : i32
    %mul3A_197 = arith.constant 8160 : i32
    %mul3A_198 = arith.muli %arg1, %mul3A_197 : i32
    %add3A_199 = arith.constant 0 : i32
    %add3A_200 = arith.addi %mul3A_198, %add3A_199 : i32
    "tpu.region"() ({
      %run_scoped3A = tpu.sem_alloc : memref<!tpu.dma_semaphore, #tpu.memory_space<semaphore_mem>>
      %dma_start3A_975 = arith.constant 0 : i32
      %dma_start3A_976 = tpu.memref_slice %arg5[%add3A_200, %dma_start3A_975] : memref<130560x8xf32, #tpu.memory_space<vmem_shared>> -> memref<1020x8xf32, #tpu.memory_space<vmem_shared>>
      %dma_start3A_977 = arith.constant 0 : i32
      %dma_start3A_978 = tpu.memref_slice %arg5[%add3A_200, %dma_start3A_977] : memref<130560x8xf32, #tpu.memory_space<vmem_shared>> -> memref<1020x8xf32, #tpu.memory_space<vmem_shared>>
      tpu.enqueue_dma source(%arg10 : memref<1020x8xf32, #tpu.memory_space<vmem>>) target(%dma_start3A_978 : memref<1020x8xf32, #tpu.memory_space<vmem_shared>>) target_semaphore(%run_scoped3A : memref<!tpu.dma_semaphore, #tpu.memory_space<semaphore_mem>>)
      %dma_wait3A_979 = arith.constant 0 : i32
      %dma_wait3A_980 = tpu.memref_slice %arg5[%add3A_200, %dma_wait3A_979] : memref<130560x8xf32, #tpu.memory_space<vmem_shared>> -> memref<1020x8xf32, #tpu.memory_space<vmem_shared>>
      %dma_wait3A_981 = arith.constant 0 : i32
      %dma_wait3A_982 = tpu.memref_slice %arg5[%add3A_200, %dma_wait3A_981] : memref<130560x8xf32, #tpu.memory_space<vmem_shared>> -> memref<1020x8xf32, #tpu.memory_space<vmem_shared>>
      tpu.wait_dma2 semaphore(%run_scoped3A : memref<!tpu.dma_semaphore, #tpu.memory_space<semaphore_mem>>) src(%arg10 : memref<1020x8xf32, #tpu.memory_space<vmem>>) dst(%dma_wait3A_982 : memref<1020x8xf32, #tpu.memory_space<vmem_shared>>)
      tpu.yield
    }) : () -> ()
    %mul3A_201 = arith.constant 8160 : i32
    %mul3A_202 = arith.muli %arg1, %mul3A_201 : i32
    %add3A_203 = arith.constant 1020 : i32
    %add3A_204 = arith.addi %mul3A_202, %add3A_203 : i32
    "tpu.region"() ({
      %run_scoped3A = tpu.sem_alloc : memref<!tpu.dma_semaphore, #tpu.memory_space<semaphore_mem>>
      %dma_start3A_975 = arith.constant 0 : i32
      %dma_start3A_976 = tpu.memref_slice %arg5[%add3A_204, %dma_start3A_975] : memref<130560x8xf32, #tpu.memory_space<vmem_shared>> -> memref<1020x8xf32, #tpu.memory_space<vmem_shared>>
      %dma_start3A_977 = arith.constant 0 : i32
      %dma_start3A_978 = tpu.memref_slice %arg5[%add3A_204, %dma_start3A_977] : memref<130560x8xf32, #tpu.memory_space<vmem_shared>> -> memref<1020x8xf32, #tpu.memory_space<vmem_shared>>
      tpu.enqueue_dma source(%arg10 : memref<1020x8xf32, #tpu.memory_space<vmem>>) target(%dma_start3A_978 : memref<1020x8xf32, #tpu.memory_space<vmem_shared>>) target_semaphore(%run_scoped3A : memref<!tpu.dma_semaphore, #tpu.memory_space<semaphore_mem>>)
      %dma_wait3A_979 = arith.constant 0 : i32
      %dma_wait3A_980 = tpu.memref_slice %arg5[%add3A_204, %dma_wait3A_979] : memref<130560x8xf32, #tpu.memory_space<vmem_shared>> -> memref<1020x8xf32, #tpu.memory_space<vmem_shared>>
      %dma_wait3A_981 = arith.constant 0 : i32
      %dma_wait3A_982 = tpu.memref_slice %arg5[%add3A_204, %dma_wait3A_981] : memref<130560x8xf32, #tpu.memory_space<vmem_shared>> -> memref<1020x8xf32, #tpu.memory_space<vmem_shared>>
      tpu.wait_dma2 semaphore(%run_scoped3A : memref<!tpu.dma_semaphore, #tpu.memory_space<semaphore_mem>>) src(%arg10 : memref<1020x8xf32, #tpu.memory_space<vmem>>) dst(%dma_wait3A_982 : memref<1020x8xf32, #tpu.memory_space<vmem_shared>>)
      tpu.yield
    }) : () -> ()
    %mul3A_205 = arith.constant 8160 : i32
    %mul3A_206 = arith.muli %arg1, %mul3A_205 : i32
    %add3A_207 = arith.constant 2040 : i32
    %add3A_208 = arith.addi %mul3A_206, %add3A_207 : i32
    "tpu.region"() ({
      %run_scoped3A = tpu.sem_alloc : memref<!tpu.dma_semaphore, #tpu.memory_space<semaphore_mem>>
      %dma_start3A_975 = arith.constant 0 : i32
      %dma_start3A_976 = tpu.memref_slice %arg5[%add3A_208, %dma_start3A_975] : memref<130560x8xf32, #tpu.memory_space<vmem_shared>> -> memref<1020x8xf32, #tpu.memory_space<vmem_shared>>
      %dma_start3A_977 = arith.constant 0 : i32
      %dma_start3A_978 = tpu.memref_slice %arg5[%add3A_208, %dma_start3A_977] : memref<130560x8xf32, #tpu.memory_space<vmem_shared>> -> memref<1020x8xf32, #tpu.memory_space<vmem_shared>>
      tpu.enqueue_dma source(%arg10 : memref<1020x8xf32, #tpu.memory_space<vmem>>) target(%dma_start3A_978 : memref<1020x8xf32, #tpu.memory_space<vmem_shared>>) target_semaphore(%run_scoped3A : memref<!tpu.dma_semaphore, #tpu.memory_space<semaphore_mem>>)
      %dma_wait3A_979 = arith.constant 0 : i32
      %dma_wait3A_980 = tpu.memref_slice %arg5[%add3A_208, %dma_wait3A_979] : memref<130560x8xf32, #tpu.memory_space<vmem_shared>> -> memref<1020x8xf32, #tpu.memory_space<vmem_shared>>
      %dma_wait3A_981 = arith.constant 0 : i32
      %dma_wait3A_982 = tpu.memref_slice %arg5[%add3A_208, %dma_wait3A_981] : memref<130560x8xf32, #tpu.memory_space<vmem_shared>> -> memref<1020x8xf32, #tpu.memory_space<vmem_shared>>
      tpu.wait_dma2 semaphore(%run_scoped3A : memref<!tpu.dma_semaphore, #tpu.memory_space<semaphore_mem>>) src(%arg10 : memref<1020x8xf32, #tpu.memory_space<vmem>>) dst(%dma_wait3A_982 : memref<1020x8xf32, #tpu.memory_space<vmem_shared>>)
      tpu.yield
    }) : () -> ()
    %mul3A_209 = arith.constant 8160 : i32
    %mul3A_210 = arith.muli %arg1, %mul3A_209 : i32
    %add3A_211 = arith.constant 3060 : i32
    %add3A_212 = arith.addi %mul3A_210, %add3A_211 : i32
    "tpu.region"() ({
      %run_scoped3A = tpu.sem_alloc : memref<!tpu.dma_semaphore, #tpu.memory_space<semaphore_mem>>
      %dma_start3A_975 = arith.constant 0 : i32
      %dma_start3A_976 = tpu.memref_slice %arg5[%add3A_212, %dma_start3A_975] : memref<130560x8xf32, #tpu.memory_space<vmem_shared>> -> memref<1020x8xf32, #tpu.memory_space<vmem_shared>>
      %dma_start3A_977 = arith.constant 0 : i32
      %dma_start3A_978 = tpu.memref_slice %arg5[%add3A_212, %dma_start3A_977] : memref<130560x8xf32, #tpu.memory_space<vmem_shared>> -> memref<1020x8xf32, #tpu.memory_space<vmem_shared>>
      tpu.enqueue_dma source(%arg10 : memref<1020x8xf32, #tpu.memory_space<vmem>>) target(%dma_start3A_978 : memref<1020x8xf32, #tpu.memory_space<vmem_shared>>) target_semaphore(%run_scoped3A : memref<!tpu.dma_semaphore, #tpu.memory_space<semaphore_mem>>)
      %dma_wait3A_979 = arith.constant 0 : i32
      %dma_wait3A_980 = tpu.memref_slice %arg5[%add3A_212, %dma_wait3A_979] : memref<130560x8xf32, #tpu.memory_space<vmem_shared>> -> memref<1020x8xf32, #tpu.memory_space<vmem_shared>>
      %dma_wait3A_981 = arith.constant 0 : i32
      %dma_wait3A_982 = tpu.memref_slice %arg5[%add3A_212, %dma_wait3A_981] : memref<130560x8xf32, #tpu.memory_space<vmem_shared>> -> memref<1020x8xf32, #tpu.memory_space<vmem_shared>>
      tpu.wait_dma2 semaphore(%run_scoped3A : memref<!tpu.dma_semaphore, #tpu.memory_space<semaphore_mem>>) src(%arg10 : memref<1020x8xf32, #tpu.memory_space<vmem>>) dst(%dma_wait3A_982 : memref<1020x8xf32, #tpu.memory_space<vmem_shared>>)
      tpu.yield
    }) : () -> ()
    %mul3A_213 = arith.constant 8160 : i32
    %mul3A_214 = arith.muli %arg1, %mul3A_213 : i32
    %add3A_215 = arith.constant 4080 : i32
    %add3A_216 = arith.addi %mul3A_214, %add3A_215 : i32
    "tpu.region"() ({
      %run_scoped3A = tpu.sem_alloc : memref<!tpu.dma_semaphore, #tpu.memory_space<semaphore_mem>>
      %dma_start3A_975 = arith.constant 0 : i32
      %dma_start3A_976 = tpu.memref_slice %arg5[%add3A_216, %dma_start3A_975] : memref<130560x8xf32, #tpu.memory_space<vmem_shared>> -> memref<1020x8xf32, #tpu.memory_space<vmem_shared>>
      %dma_start3A_977 = arith.constant 0 : i32
      %dma_start3A_978 = tpu.memref_slice %arg5[%add3A_216, %dma_start3A_977] : memref<130560x8xf32, #tpu.memory_space<vmem_shared>> -> memref<1020x8xf32, #tpu.memory_space<vmem_shared>>
      tpu.enqueue_dma source(%arg10 : memref<1020x8xf32, #tpu.memory_space<vmem>>) target(%dma_start3A_978 : memref<1020x8xf32, #tpu.memory_space<vmem_shared>>) target_semaphore(%run_scoped3A : memref<!tpu.dma_semaphore, #tpu.memory_space<semaphore_mem>>)
      %dma_wait3A_979 = arith.constant 0 : i32
      %dma_wait3A_980 = tpu.memref_slice %arg5[%add3A_216, %dma_wait3A_979] : memref<130560x8xf32, #tpu.memory_space<vmem_shared>> -> memref<1020x8xf32, #tpu.memory_space<vmem_shared>>
      %dma_wait3A_981 = arith.constant 0 : i32
      %dma_wait3A_982 = tpu.memref_slice %arg5[%add3A_216, %dma_wait3A_981] : memref<130560x8xf32, #tpu.memory_space<vmem_shared>> -> memref<1020x8xf32, #tpu.memory_space<vmem_shared>>
      tpu.wait_dma2 semaphore(%run_scoped3A : memref<!tpu.dma_semaphore, #tpu.memory_space<semaphore_mem>>) src(%arg10 : memref<1020x8xf32, #tpu.memory_space<vmem>>) dst(%dma_wait3A_982 : memref<1020x8xf32, #tpu.memory_space<vmem_shared>>)
      tpu.yield
    }) : () -> ()
    %mul3A_217 = arith.constant 8160 : i32
    %mul3A_218 = arith.muli %arg1, %mul3A_217 : i32
    %add3A_219 = arith.constant 5100 : i32
    %add3A_220 = arith.addi %mul3A_218, %add3A_219 : i32
    "tpu.region"() ({
      %run_scoped3A = tpu.sem_alloc : memref<!tpu.dma_semaphore, #tpu.memory_space<semaphore_mem>>
      %dma_start3A_975 = arith.constant 0 : i32
      %dma_start3A_976 = tpu.memref_slice %arg5[%add3A_220, %dma_start3A_975] : memref<130560x8xf32, #tpu.memory_space<vmem_shared>> -> memref<1020x8xf32, #tpu.memory_space<vmem_shared>>
      %dma_start3A_977 = arith.constant 0 : i32
      %dma_start3A_978 = tpu.memref_slice %arg5[%add3A_220, %dma_start3A_977] : memref<130560x8xf32, #tpu.memory_space<vmem_shared>> -> memref<1020x8xf32, #tpu.memory_space<vmem_shared>>
      tpu.enqueue_dma source(%arg10 : memref<1020x8xf32, #tpu.memory_space<vmem>>) target(%dma_start3A_978 : memref<1020x8xf32, #tpu.memory_space<vmem_shared>>) target_semaphore(%run_scoped3A : memref<!tpu.dma_semaphore, #tpu.memory_space<semaphore_mem>>)
      %dma_wait3A_979 = arith.constant 0 : i32
      %dma_wait3A_980 = tpu.memref_slice %arg5[%add3A_220, %dma_wait3A_979] : memref<130560x8xf32, #tpu.memory_space<vmem_shared>> -> memref<1020x8xf32, #tpu.memory_space<vmem_shared>>
      %dma_wait3A_981 = arith.constant 0 : i32
      %dma_wait3A_982 = tpu.memref_slice %arg5[%add3A_220, %dma_wait3A_981] : memref<130560x8xf32, #tpu.memory_space<vmem_shared>> -> memref<1020x8xf32, #tpu.memory_space<vmem_shared>>
      tpu.wait_dma2 semaphore(%run_scoped3A : memref<!tpu.dma_semaphore, #tpu.memory_space<semaphore_mem>>) src(%arg10 : memref<1020x8xf32, #tpu.memory_space<vmem>>) dst(%dma_wait3A_982 : memref<1020x8xf32, #tpu.memory_space<vmem_shared>>)
      tpu.yield
    }) : () -> ()
    %mul3A_221 = arith.constant 8160 : i32
    %mul3A_222 = arith.muli %arg1, %mul3A_221 : i32
    %add3A_223 = arith.constant 6120 : i32
    %add3A_224 = arith.addi %mul3A_222, %add3A_223 : i32
    "tpu.region"() ({
      %run_scoped3A = tpu.sem_alloc : memref<!tpu.dma_semaphore, #tpu.memory_space<semaphore_mem>>
      %dma_start3A_975 = arith.constant 0 : i32
      %dma_start3A_976 = tpu.memref_slice %arg5[%add3A_224, %dma_start3A_975] : memref<130560x8xf32, #tpu.memory_space<vmem_shared>> -> memref<1020x8xf32, #tpu.memory_space<vmem_shared>>
      %dma_start3A_977 = arith.constant 0 : i32
      %dma_start3A_978 = tpu.memref_slice %arg5[%add3A_224, %dma_start3A_977] : memref<130560x8xf32, #tpu.memory_space<vmem_shared>> -> memref<1020x8xf32, #tpu.memory_space<vmem_shared>>
      tpu.enqueue_dma source(%arg10 : memref<1020x8xf32, #tpu.memory_space<vmem>>) target(%dma_start3A_978 : memref<1020x8xf32, #tpu.memory_space<vmem_shared>>) target_semaphore(%run_scoped3A : memref<!tpu.dma_semaphore, #tpu.memory_space<semaphore_mem>>)
      %dma_wait3A_979 = arith.constant 0 : i32
      %dma_wait3A_980 = tpu.memref_slice %arg5[%add3A_224, %dma_wait3A_979] : memref<130560x8xf32, #tpu.memory_space<vmem_shared>> -> memref<1020x8xf32, #tpu.memory_space<vmem_shared>>
      %dma_wait3A_981 = arith.constant 0 : i32
      %dma_wait3A_982 = tpu.memref_slice %arg5[%add3A_224, %dma_wait3A_981] : memref<130560x8xf32, #tpu.memory_space<vmem_shared>> -> memref<1020x8xf32, #tpu.memory_space<vmem_shared>>
      tpu.wait_dma2 semaphore(%run_scoped3A : memref<!tpu.dma_semaphore, #tpu.memory_space<semaphore_mem>>) src(%arg10 : memref<1020x8xf32, #tpu.memory_space<vmem>>) dst(%dma_wait3A_982 : memref<1020x8xf32, #tpu.memory_space<vmem_shared>>)
      tpu.yield
    }) : () -> ()
    %mul3A_225 = arith.constant 8160 : i32
    %mul3A_226 = arith.muli %arg1, %mul3A_225 : i32
    %add3A_227 = arith.constant 7140 : i32
    %add3A_228 = arith.addi %mul3A_226, %add3A_227 : i32
    "tpu.region"() ({
      %run_scoped3A = tpu.sem_alloc : memref<!tpu.dma_semaphore, #tpu.memory_space<semaphore_mem>>
      %dma_start3A_975 = arith.constant 0 : i32
      %dma_start3A_976 = tpu.memref_slice %arg5[%add3A_228, %dma_start3A_975] : memref<130560x8xf32, #tpu.memory_space<vmem_shared>> -> memref<1020x8xf32, #tpu.memory_space<vmem_shared>>
      %dma_start3A_977 = arith.constant 0 : i32
      %dma_start3A_978 = tpu.memref_slice %arg5[%add3A_228, %dma_start3A_977] : memref<130560x8xf32, #tpu.memory_space<vmem_shared>> -> memref<1020x8xf32, #tpu.memory_space<vmem_shared>>
      tpu.enqueue_dma source(%arg10 : memref<1020x8xf32, #tpu.memory_space<vmem>>) target(%dma_start3A_978 : memref<1020x8xf32, #tpu.memory_space<vmem_shared>>) target_semaphore(%run_scoped3A : memref<!tpu.dma_semaphore, #tpu.memory_space<semaphore_mem>>)
      %dma_wait3A_979 = arith.constant 0 : i32
      %dma_wait3A_980 = tpu.memref_slice %arg5[%add3A_228, %dma_wait3A_979] : memref<130560x8xf32, #tpu.memory_space<vmem_shared>> -> memref<1020x8xf32, #tpu.memory_space<vmem_shared>>
      %dma_wait3A_981 = arith.constant 0 : i32
      %dma_wait3A_982 = tpu.memref_slice %arg5[%add3A_228, %dma_wait3A_981] : memref<130560x8xf32, #tpu.memory_space<vmem_shared>> -> memref<1020x8xf32, #tpu.memory_space<vmem_shared>>
      tpu.wait_dma2 semaphore(%run_scoped3A : memref<!tpu.dma_semaphore, #tpu.memory_space<semaphore_mem>>) src(%arg10 : memref<1020x8xf32, #tpu.memory_space<vmem>>) dst(%dma_wait3A_982 : memref<1020x8xf32, #tpu.memory_space<vmem_shared>>)
      tpu.yield
    }) : () -> ()
    %barrier3A_229 = arith.constant 0 : index
    tpu.barrier barrier_id(%barrier3A_229)
    %mul3A_230 = arith.constant 31152 : i32
    %mul3A_231 = arith.muli %arg1, %mul3A_230 : i32
    %add3A_232 = arith.constant 0 : i32
    %add3A_233 = arith.addi %mul3A_231, %add3A_232 : i32
    %dma_start3A_234 = tpu.memref_slice %arg3[%add3A_233] : memref<498688xi32, #tpu.memory_space<hbm>> -> memref<2832xi32, #tpu.memory_space<hbm>>
    %dma_start3A_235 = tpu.memref_slice %arg3[%add3A_233] : memref<498688xi32, #tpu.memory_space<hbm>> -> memref<2832xi32, #tpu.memory_space<hbm>>
    tpu.enqueue_dma source(%dma_start3A_235 : memref<2832xi32, #tpu.memory_space<hbm>>) target(%arg8 : memref<2832xi32, #tpu.memory_space<vmem>>) target_semaphore(%arg13 : memref<!tpu.dma_semaphore, #tpu.memory_space<semaphore_mem>>)
    %mul3A_236 = arith.constant 8 : i32
    %mul3A_237 = arith.muli %add3A_196, %mul3A_236 : i32
    %dma_start3A_238 = tpu.memref_slice %arg2[%add3A_233, %mul3A_237] : memref<498432x80xf32, #tpu.memory_space<hbm>> -> memref<2832x8xf32, #tpu.memory_space<hbm>>
    %dma_start3A_239 = tpu.memref_slice %arg2[%add3A_233, %mul3A_237] : memref<498432x80xf32, #tpu.memory_space<hbm>> -> memref<2832x8xf32, #tpu.memory_space<hbm>>
    tpu.enqueue_dma source(%dma_start3A_239 : memref<2832x8xf32, #tpu.memory_space<hbm>>) target(%arg6 : memref<2832x8xf32, #tpu.memory_space<vmem>>) target_semaphore(%arg11 : memref<!tpu.dma_semaphore, #tpu.memory_space<semaphore_mem>>)
    %dma_wait3A_240 = tpu.memref_slice %arg3[%add3A_233] : memref<498688xi32, #tpu.memory_space<hbm>> -> memref<2832xi32, #tpu.memory_space<hbm>>
    %dma_wait3A_241 = tpu.memref_slice %arg3[%add3A_233] : memref<498688xi32, #tpu.memory_space<hbm>> -> memref<2832xi32, #tpu.memory_space<hbm>>
    tpu.wait_dma2 semaphore(%arg13 : memref<!tpu.dma_semaphore, #tpu.memory_space<semaphore_mem>>) src(%dma_wait3A_241 : memref<2832xi32, #tpu.memory_space<hbm>>) dst(%arg8 : memref<2832xi32, #tpu.memory_space<vmem>>)
    %dma_wait3A_242 = tpu.memref_slice %arg2[%add3A_233, %mul3A_237] : memref<498432x80xf32, #tpu.memory_space<hbm>> -> memref<2832x8xf32, #tpu.memory_space<hbm>>
    %dma_wait3A_243 = tpu.memref_slice %arg2[%add3A_233, %mul3A_237] : memref<498432x80xf32, #tpu.memory_space<hbm>> -> memref<2832x8xf32, #tpu.memory_space<hbm>>
    tpu.wait_dma2 semaphore(%arg11 : memref<!tpu.dma_semaphore, #tpu.memory_space<semaphore_mem>>) src(%dma_wait3A_243 : memref<2832x8xf32, #tpu.memory_space<hbm>>) dst(%arg6 : memref<2832x8xf32, #tpu.memory_space<vmem>>)
    %mul3A_244 = arith.constant 31152 : i32
    %mul3A_245 = arith.muli %arg1, %mul3A_244 : i32
    %add3A_246 = arith.constant 2832 : i32
    %add3A_247 = arith.addi %mul3A_245, %add3A_246 : i32
    %dma_start3A_248 = tpu.memref_slice %arg3[%add3A_247] : memref<498688xi32, #tpu.memory_space<hbm>> -> memref<2832xi32, #tpu.memory_space<hbm>>
    %dma_start3A_249 = tpu.memref_slice %arg3[%add3A_247] : memref<498688xi32, #tpu.memory_space<hbm>> -> memref<2832xi32, #tpu.memory_space<hbm>>
    tpu.enqueue_dma source(%dma_start3A_249 : memref<2832xi32, #tpu.memory_space<hbm>>) target(%arg9 : memref<2832xi32, #tpu.memory_space<vmem>>) target_semaphore(%arg14 : memref<!tpu.dma_semaphore, #tpu.memory_space<semaphore_mem>>)
    %mul3A_250 = arith.constant 8 : i32
    %mul3A_251 = arith.muli %add3A_196, %mul3A_250 : i32
    %dma_start3A_252 = tpu.memref_slice %arg2[%add3A_247, %mul3A_251] : memref<498432x80xf32, #tpu.memory_space<hbm>> -> memref<2832x8xf32, #tpu.memory_space<hbm>>
    %dma_start3A_253 = tpu.memref_slice %arg2[%add3A_247, %mul3A_251] : memref<498432x80xf32, #tpu.memory_space<hbm>> -> memref<2832x8xf32, #tpu.memory_space<hbm>>
    tpu.enqueue_dma source(%dma_start3A_253 : memref<2832x8xf32, #tpu.memory_space<hbm>>) target(%arg7 : memref<2832x8xf32, #tpu.memory_space<vmem>>) target_semaphore(%arg12 : memref<!tpu.dma_semaphore, #tpu.memory_space<semaphore_mem>>)
    "tpu.region"() ({
      %run_scoped3A = tpu.sem_alloc : memref<!tpu.dma_semaphore, #tpu.memory_space<semaphore_mem>>
      %dma_start3A_975 = arith.constant 0 : i32
      %dma_start3A_976 = arith.constant 0 : i32
      %dma_start3A_977 = tpu.memref_slice %arg5[%dma_start3A_975, %dma_start3A_976] : memref<130560x8xf32, #tpu.memory_space<vmem_shared>> -> memref<130560x8xf32, #tpu.memory_space<vmem_shared>>
      tpu.enqueue_indirect_dma source(%arg6 : memref<2832x8xf32, #tpu.memory_space<vmem>>) target(%dma_start3A_977 : memref<130560x8xf32, #tpu.memory_space<vmem_shared>>) offsets(%arg8 : memref<2832xi32, #tpu.memory_space<vmem>>) semaphore(%run_scoped3A : memref<!tpu.dma_semaphore, #tpu.memory_space<semaphore_mem>>) {add = true}
      %dma_wait3A_978 = arith.constant 0 : i32
      %dma_wait3A_979 = arith.constant 0 : i32
      %dma_wait3A_980 = tpu.memref_slice %arg5[%dma_wait3A_978, %dma_wait3A_979] : memref<130560x8xf32, #tpu.memory_space<vmem_shared>> -> memref<130560x8xf32, #tpu.memory_space<vmem_shared>>
      tpu.wait_indirect_dma semaphore(%run_scoped3A : memref<!tpu.dma_semaphore, #tpu.memory_space<semaphore_mem>>) src(%arg6 : memref<2832x8xf32, #tpu.memory_space<vmem>>) dst(%dma_wait3A_980 : memref<130560x8xf32, #tpu.memory_space<vmem_shared>>)
      tpu.yield
    }) : () -> ()
    %dma_wait3A_254 = tpu.memref_slice %arg3[%add3A_247] : memref<498688xi32, #tpu.memory_space<hbm>> -> memref<2832xi32, #tpu.memory_space<hbm>>
    %dma_wait3A_255 = tpu.memref_slice %arg3[%add3A_247] : memref<498688xi32, #tpu.memory_space<hbm>> -> memref<2832xi32, #tpu.memory_space<hbm>>
    tpu.wait_dma2 semaphore(%arg14 : memref<!tpu.dma_semaphore, #tpu.memory_space<semaphore_mem>>) src(%dma_wait3A_255 : memref<2832xi32, #tpu.memory_space<hbm>>) dst(%arg9 : memref<2832xi32, #tpu.memory_space<vmem>>)
    %dma_wait3A_256 = tpu.memref_slice %arg2[%add3A_247, %mul3A_251] : memref<498432x80xf32, #tpu.memory_space<hbm>> -> memref<2832x8xf32, #tpu.memory_space<hbm>>
    %dma_wait3A_257 = tpu.memref_slice %arg2[%add3A_247, %mul3A_251] : memref<498432x80xf32, #tpu.memory_space<hbm>> -> memref<2832x8xf32, #tpu.memory_space<hbm>>
    tpu.wait_dma2 semaphore(%arg12 : memref<!tpu.dma_semaphore, #tpu.memory_space<semaphore_mem>>) src(%dma_wait3A_257 : memref<2832x8xf32, #tpu.memory_space<hbm>>) dst(%arg7 : memref<2832x8xf32, #tpu.memory_space<vmem>>)
    %mul3A_258 = arith.constant 31152 : i32
    %mul3A_259 = arith.muli %arg1, %mul3A_258 : i32
    %add3A_260 = arith.constant 5664 : i32
    %add3A_261 = arith.addi %mul3A_259, %add3A_260 : i32
    %dma_start3A_262 = tpu.memref_slice %arg3[%add3A_261] : memref<498688xi32, #tpu.memory_space<hbm>> -> memref<2832xi32, #tpu.memory_space<hbm>>
    %dma_start3A_263 = tpu.memref_slice %arg3[%add3A_261] : memref<498688xi32, #tpu.memory_space<hbm>> -> memref<2832xi32, #tpu.memory_space<hbm>>
    tpu.enqueue_dma source(%dma_start3A_263 : memref<2832xi32, #tpu.memory_space<hbm>>) target(%arg8 : memref<2832xi32, #tpu.memory_space<vmem>>) target_semaphore(%arg13 : memref<!tpu.dma_semaphore, #tpu.memory_space<semaphore_mem>>)
    %mul3A_264 = arith.constant 8 : i32
    %mul3A_265 = arith.muli %add3A_196, %mul3A_264 : i32
    %dma_start3A_266 = tpu.memref_slice %arg2[%add3A_261, %mul3A_265] : memref<498432x80xf32, #tpu.memory_space<hbm>> -> memref<2832x8xf32, #tpu.memory_space<hbm>>
    %dma_start3A_267 = tpu.memref_slice %arg2[%add3A_261, %mul3A_265] : memref<498432x80xf32, #tpu.memory_space<hbm>> -> memref<2832x8xf32, #tpu.memory_space<hbm>>
    tpu.enqueue_dma source(%dma_start3A_267 : memref<2832x8xf32, #tpu.memory_space<hbm>>) target(%arg6 : memref<2832x8xf32, #tpu.memory_space<vmem>>) target_semaphore(%arg11 : memref<!tpu.dma_semaphore, #tpu.memory_space<semaphore_mem>>)
    "tpu.region"() ({
      %run_scoped3A = tpu.sem_alloc : memref<!tpu.dma_semaphore, #tpu.memory_space<semaphore_mem>>
      %dma_start3A_975 = arith.constant 0 : i32
      %dma_start3A_976 = arith.constant 0 : i32
      %dma_start3A_977 = tpu.memref_slice %arg5[%dma_start3A_975, %dma_start3A_976] : memref<130560x8xf32, #tpu.memory_space<vmem_shared>> -> memref<130560x8xf32, #tpu.memory_space<vmem_shared>>
      tpu.enqueue_indirect_dma source(%arg7 : memref<2832x8xf32, #tpu.memory_space<vmem>>) target(%dma_start3A_977 : memref<130560x8xf32, #tpu.memory_space<vmem_shared>>) offsets(%arg9 : memref<2832xi32, #tpu.memory_space<vmem>>) semaphore(%run_scoped3A : memref<!tpu.dma_semaphore, #tpu.memory_space<semaphore_mem>>) {add = true}
      %dma_wait3A_978 = arith.constant 0 : i32
      %dma_wait3A_979 = arith.constant 0 : i32
      %dma_wait3A_980 = tpu.memref_slice %arg5[%dma_wait3A_978, %dma_wait3A_979] : memref<130560x8xf32, #tpu.memory_space<vmem_shared>> -> memref<130560x8xf32, #tpu.memory_space<vmem_shared>>
      tpu.wait_indirect_dma semaphore(%run_scoped3A : memref<!tpu.dma_semaphore, #tpu.memory_space<semaphore_mem>>) src(%arg7 : memref<2832x8xf32, #tpu.memory_space<vmem>>) dst(%dma_wait3A_980 : memref<130560x8xf32, #tpu.memory_space<vmem_shared>>)
      tpu.yield
    }) : () -> ()
    %dma_wait3A_268 = tpu.memref_slice %arg3[%add3A_261] : memref<498688xi32, #tpu.memory_space<hbm>> -> memref<2832xi32, #tpu.memory_space<hbm>>
    %dma_wait3A_269 = tpu.memref_slice %arg3[%add3A_261] : memref<498688xi32, #tpu.memory_space<hbm>> -> memref<2832xi32, #tpu.memory_space<hbm>>
    tpu.wait_dma2 semaphore(%arg13 : memref<!tpu.dma_semaphore, #tpu.memory_space<semaphore_mem>>) src(%dma_wait3A_269 : memref<2832xi32, #tpu.memory_space<hbm>>) dst(%arg8 : memref<2832xi32, #tpu.memory_space<vmem>>)
    %dma_wait3A_270 = tpu.memref_slice %arg2[%add3A_261, %mul3A_265] : memref<498432x80xf32, #tpu.memory_space<hbm>> -> memref<2832x8xf32, #tpu.memory_space<hbm>>
    %dma_wait3A_271 = tpu.memref_slice %arg2[%add3A_261, %mul3A_265] : memref<498432x80xf32, #tpu.memory_space<hbm>> -> memref<2832x8xf32, #tpu.memory_space<hbm>>
    tpu.wait_dma2 semaphore(%arg11 : memref<!tpu.dma_semaphore, #tpu.memory_space<semaphore_mem>>) src(%dma_wait3A_271 : memref<2832x8xf32, #tpu.memory_space<hbm>>) dst(%arg6 : memref<2832x8xf32, #tpu.memory_space<vmem>>)
    %mul3A_272 = arith.constant 31152 : i32
    %mul3A_273 = arith.muli %arg1, %mul3A_272 : i32
    %add3A_274 = arith.constant 8496 : i32
    %add3A_275 = arith.addi %mul3A_273, %add3A_274 : i32
    %dma_start3A_276 = tpu.memref_slice %arg3[%add3A_275] : memref<498688xi32, #tpu.memory_space<hbm>> -> memref<2832xi32, #tpu.memory_space<hbm>>
    %dma_start3A_277 = tpu.memref_slice %arg3[%add3A_275] : memref<498688xi32, #tpu.memory_space<hbm>> -> memref<2832xi32, #tpu.memory_space<hbm>>
    tpu.enqueue_dma source(%dma_start3A_277 : memref<2832xi32, #tpu.memory_space<hbm>>) target(%arg9 : memref<2832xi32, #tpu.memory_space<vmem>>) target_semaphore(%arg14 : memref<!tpu.dma_semaphore, #tpu.memory_space<semaphore_mem>>)
    %mul3A_278 = arith.constant 8 : i32
    %mul3A_279 = arith.muli %add3A_196, %mul3A_278 : i32
    %dma_start3A_280 = tpu.memref_slice %arg2[%add3A_275, %mul3A_279] : memref<498432x80xf32, #tpu.memory_space<hbm>> -> memref<2832x8xf32, #tpu.memory_space<hbm>>
    %dma_start3A_281 = tpu.memref_slice %arg2[%add3A_275, %mul3A_279] : memref<498432x80xf32, #tpu.memory_space<hbm>> -> memref<2832x8xf32, #tpu.memory_space<hbm>>
    tpu.enqueue_dma source(%dma_start3A_281 : memref<2832x8xf32, #tpu.memory_space<hbm>>) target(%arg7 : memref<2832x8xf32, #tpu.memory_space<vmem>>) target_semaphore(%arg12 : memref<!tpu.dma_semaphore, #tpu.memory_space<semaphore_mem>>)
    "tpu.region"() ({
      %run_scoped3A = tpu.sem_alloc : memref<!tpu.dma_semaphore, #tpu.memory_space<semaphore_mem>>
      %dma_start3A_975 = arith.constant 0 : i32
      %dma_start3A_976 = arith.constant 0 : i32
      %dma_start3A_977 = tpu.memref_slice %arg5[%dma_start3A_975, %dma_start3A_976] : memref<130560x8xf32, #tpu.memory_space<vmem_shared>> -> memref<130560x8xf32, #tpu.memory_space<vmem_shared>>
      tpu.enqueue_indirect_dma source(%arg6 : memref<2832x8xf32, #tpu.memory_space<vmem>>) target(%dma_start3A_977 : memref<130560x8xf32, #tpu.memory_space<vmem_shared>>) offsets(%arg8 : memref<2832xi32, #tpu.memory_space<vmem>>) semaphore(%run_scoped3A : memref<!tpu.dma_semaphore, #tpu.memory_space<semaphore_mem>>) {add = true}
      %dma_wait3A_978 = arith.constant 0 : i32
      %dma_wait3A_979 = arith.constant 0 : i32
      %dma_wait3A_980 = tpu.memref_slice %arg5[%dma_wait3A_978, %dma_wait3A_979] : memref<130560x8xf32, #tpu.memory_space<vmem_shared>> -> memref<130560x8xf32, #tpu.memory_space<vmem_shared>>
      tpu.wait_indirect_dma semaphore(%run_scoped3A : memref<!tpu.dma_semaphore, #tpu.memory_space<semaphore_mem>>) src(%arg6 : memref<2832x8xf32, #tpu.memory_space<vmem>>) dst(%dma_wait3A_980 : memref<130560x8xf32, #tpu.memory_space<vmem_shared>>)
      tpu.yield
    }) : () -> ()
    %dma_wait3A_282 = tpu.memref_slice %arg3[%add3A_275] : memref<498688xi32, #tpu.memory_space<hbm>> -> memref<2832xi32, #tpu.memory_space<hbm>>
    %dma_wait3A_283 = tpu.memref_slice %arg3[%add3A_275] : memref<498688xi32, #tpu.memory_space<hbm>> -> memref<2832xi32, #tpu.memory_space<hbm>>
    tpu.wait_dma2 semaphore(%arg14 : memref<!tpu.dma_semaphore, #tpu.memory_space<semaphore_mem>>) src(%dma_wait3A_283 : memref<2832xi32, #tpu.memory_space<hbm>>) dst(%arg9 : memref<2832xi32, #tpu.memory_space<vmem>>)
    %dma_wait3A_284 = tpu.memref_slice %arg2[%add3A_275, %mul3A_279] : memref<498432x80xf32, #tpu.memory_space<hbm>> -> memref<2832x8xf32, #tpu.memory_space<hbm>>
    %dma_wait3A_285 = tpu.memref_slice %arg2[%add3A_275, %mul3A_279] : memref<498432x80xf32, #tpu.memory_space<hbm>> -> memref<2832x8xf32, #tpu.memory_space<hbm>>
    tpu.wait_dma2 semaphore(%arg12 : memref<!tpu.dma_semaphore, #tpu.memory_space<semaphore_mem>>) src(%dma_wait3A_285 : memref<2832x8xf32, #tpu.memory_space<hbm>>) dst(%arg7 : memref<2832x8xf32, #tpu.memory_space<vmem>>)
    %mul3A_286 = arith.constant 31152 : i32
    %mul3A_287 = arith.muli %arg1, %mul3A_286 : i32
    %add3A_288 = arith.constant 11328 : i32
    %add3A_289 = arith.addi %mul3A_287, %add3A_288 : i32
    %dma_start3A_290 = tpu.memref_slice %arg3[%add3A_289] : memref<498688xi32, #tpu.memory_space<hbm>> -> memref<2832xi32, #tpu.memory_space<hbm>>
    %dma_start3A_291 = tpu.memref_slice %arg3[%add3A_289] : memref<498688xi32, #tpu.memory_space<hbm>> -> memref<2832xi32, #tpu.memory_space<hbm>>
    tpu.enqueue_dma source(%dma_start3A_291 : memref<2832xi32, #tpu.memory_space<hbm>>) target(%arg8 : memref<2832xi32, #tpu.memory_space<vmem>>) target_semaphore(%arg13 : memref<!tpu.dma_semaphore, #tpu.memory_space<semaphore_mem>>)
    %mul3A_292 = arith.constant 8 : i32
    %mul3A_293 = arith.muli %add3A_196, %mul3A_292 : i32
    %dma_start3A_294 = tpu.memref_slice %arg2[%add3A_289, %mul3A_293] : memref<498432x80xf32, #tpu.memory_space<hbm>> -> memref<2832x8xf32, #tpu.memory_space<hbm>>
    %dma_start3A_295 = tpu.memref_slice %arg2[%add3A_289, %mul3A_293] : memref<498432x80xf32, #tpu.memory_space<hbm>> -> memref<2832x8xf32, #tpu.memory_space<hbm>>
    tpu.enqueue_dma source(%dma_start3A_295 : memref<2832x8xf32, #tpu.memory_space<hbm>>) target(%arg6 : memref<2832x8xf32, #tpu.memory_space<vmem>>) target_semaphore(%arg11 : memref<!tpu.dma_semaphore, #tpu.memory_space<semaphore_mem>>)
    "tpu.region"() ({
      %run_scoped3A = tpu.sem_alloc : memref<!tpu.dma_semaphore, #tpu.memory_space<semaphore_mem>>
      %dma_start3A_975 = arith.constant 0 : i32
      %dma_start3A_976 = arith.constant 0 : i32
      %dma_start3A_977 = tpu.memref_slice %arg5[%dma_start3A_975, %dma_start3A_976] : memref<130560x8xf32, #tpu.memory_space<vmem_shared>> -> memref<130560x8xf32, #tpu.memory_space<vmem_shared>>
      tpu.enqueue_indirect_dma source(%arg7 : memref<2832x8xf32, #tpu.memory_space<vmem>>) target(%dma_start3A_977 : memref<130560x8xf32, #tpu.memory_space<vmem_shared>>) offsets(%arg9 : memref<2832xi32, #tpu.memory_space<vmem>>) semaphore(%run_scoped3A : memref<!tpu.dma_semaphore, #tpu.memory_space<semaphore_mem>>) {add = true}
      %dma_wait3A_978 = arith.constant 0 : i32
      %dma_wait3A_979 = arith.constant 0 : i32
      %dma_wait3A_980 = tpu.memref_slice %arg5[%dma_wait3A_978, %dma_wait3A_979] : memref<130560x8xf32, #tpu.memory_space<vmem_shared>> -> memref<130560x8xf32, #tpu.memory_space<vmem_shared>>
      tpu.wait_indirect_dma semaphore(%run_scoped3A : memref<!tpu.dma_semaphore, #tpu.memory_space<semaphore_mem>>) src(%arg7 : memref<2832x8xf32, #tpu.memory_space<vmem>>) dst(%dma_wait3A_980 : memref<130560x8xf32, #tpu.memory_space<vmem_shared>>)
      tpu.yield
    }) : () -> ()
    %dma_wait3A_296 = tpu.memref_slice %arg3[%add3A_289] : memref<498688xi32, #tpu.memory_space<hbm>> -> memref<2832xi32, #tpu.memory_space<hbm>>
    %dma_wait3A_297 = tpu.memref_slice %arg3[%add3A_289] : memref<498688xi32, #tpu.memory_space<hbm>> -> memref<2832xi32, #tpu.memory_space<hbm>>
    tpu.wait_dma2 semaphore(%arg13 : memref<!tpu.dma_semaphore, #tpu.memory_space<semaphore_mem>>) src(%dma_wait3A_297 : memref<2832xi32, #tpu.memory_space<hbm>>) dst(%arg8 : memref<2832xi32, #tpu.memory_space<vmem>>)
    %dma_wait3A_298 = tpu.memref_slice %arg2[%add3A_289, %mul3A_293] : memref<498432x80xf32, #tpu.memory_space<hbm>> -> memref<2832x8xf32, #tpu.memory_space<hbm>>
    %dma_wait3A_299 = tpu.memref_slice %arg2[%add3A_289, %mul3A_293] : memref<498432x80xf32, #tpu.memory_space<hbm>> -> memref<2832x8xf32, #tpu.memory_space<hbm>>
    tpu.wait_dma2 semaphore(%arg11 : memref<!tpu.dma_semaphore, #tpu.memory_space<semaphore_mem>>) src(%dma_wait3A_299 : memref<2832x8xf32, #tpu.memory_space<hbm>>) dst(%arg6 : memref<2832x8xf32, #tpu.memory_space<vmem>>)
    %mul3A_300 = arith.constant 31152 : i32
    %mul3A_301 = arith.muli %arg1, %mul3A_300 : i32
    %add3A_302 = arith.constant 14160 : i32
    %add3A_303 = arith.addi %mul3A_301, %add3A_302 : i32
    %dma_start3A_304 = tpu.memref_slice %arg3[%add3A_303] : memref<498688xi32, #tpu.memory_space<hbm>> -> memref<2832xi32, #tpu.memory_space<hbm>>
    %dma_start3A_305 = tpu.memref_slice %arg3[%add3A_303] : memref<498688xi32, #tpu.memory_space<hbm>> -> memref<2832xi32, #tpu.memory_space<hbm>>
    tpu.enqueue_dma source(%dma_start3A_305 : memref<2832xi32, #tpu.memory_space<hbm>>) target(%arg9 : memref<2832xi32, #tpu.memory_space<vmem>>) target_semaphore(%arg14 : memref<!tpu.dma_semaphore, #tpu.memory_space<semaphore_mem>>)
    %mul3A_306 = arith.constant 8 : i32
    %mul3A_307 = arith.muli %add3A_196, %mul3A_306 : i32
    %dma_start3A_308 = tpu.memref_slice %arg2[%add3A_303, %mul3A_307] : memref<498432x80xf32, #tpu.memory_space<hbm>> -> memref<2832x8xf32, #tpu.memory_space<hbm>>
    %dma_start3A_309 = tpu.memref_slice %arg2[%add3A_303, %mul3A_307] : memref<498432x80xf32, #tpu.memory_space<hbm>> -> memref<2832x8xf32, #tpu.memory_space<hbm>>
    tpu.enqueue_dma source(%dma_start3A_309 : memref<2832x8xf32, #tpu.memory_space<hbm>>) target(%arg7 : memref<2832x8xf32, #tpu.memory_space<vmem>>) target_semaphore(%arg12 : memref<!tpu.dma_semaphore, #tpu.memory_space<semaphore_mem>>)
    "tpu.region"() ({
      %run_scoped3A = tpu.sem_alloc : memref<!tpu.dma_semaphore, #tpu.memory_space<semaphore_mem>>
      %dma_start3A_975 = arith.constant 0 : i32
      %dma_start3A_976 = arith.constant 0 : i32
      %dma_start3A_977 = tpu.memref_slice %arg5[%dma_start3A_975, %dma_start3A_976] : memref<130560x8xf32, #tpu.memory_space<vmem_shared>> -> memref<130560x8xf32, #tpu.memory_space<vmem_shared>>
      tpu.enqueue_indirect_dma source(%arg6 : memref<2832x8xf32, #tpu.memory_space<vmem>>) target(%dma_start3A_977 : memref<130560x8xf32, #tpu.memory_space<vmem_shared>>) offsets(%arg8 : memref<2832xi32, #tpu.memory_space<vmem>>) semaphore(%run_scoped3A : memref<!tpu.dma_semaphore, #tpu.memory_space<semaphore_mem>>) {add = true}
      %dma_wait3A_978 = arith.constant 0 : i32
      %dma_wait3A_979 = arith.constant 0 : i32
      %dma_wait3A_980 = tpu.memref_slice %arg5[%dma_wait3A_978, %dma_wait3A_979] : memref<130560x8xf32, #tpu.memory_space<vmem_shared>> -> memref<130560x8xf32, #tpu.memory_space<vmem_shared>>
      tpu.wait_indirect_dma semaphore(%run_scoped3A : memref<!tpu.dma_semaphore, #tpu.memory_space<semaphore_mem>>) src(%arg6 : memref<2832x8xf32, #tpu.memory_space<vmem>>) dst(%dma_wait3A_980 : memref<130560x8xf32, #tpu.memory_space<vmem_shared>>)
      tpu.yield
    }) : () -> ()
    %dma_wait3A_310 = tpu.memref_slice %arg3[%add3A_303] : memref<498688xi32, #tpu.memory_space<hbm>> -> memref<2832xi32, #tpu.memory_space<hbm>>
    %dma_wait3A_311 = tpu.memref_slice %arg3[%add3A_303] : memref<498688xi32, #tpu.memory_space<hbm>> -> memref<2832xi32, #tpu.memory_space<hbm>>
    tpu.wait_dma2 semaphore(%arg14 : memref<!tpu.dma_semaphore, #tpu.memory_space<semaphore_mem>>) src(%dma_wait3A_311 : memref<2832xi32, #tpu.memory_space<hbm>>) dst(%arg9 : memref<2832xi32, #tpu.memory_space<vmem>>)
    %dma_wait3A_312 = tpu.memref_slice %arg2[%add3A_303, %mul3A_307] : memref<498432x80xf32, #tpu.memory_space<hbm>> -> memref<2832x8xf32, #tpu.memory_space<hbm>>
    %dma_wait3A_313 = tpu.memref_slice %arg2[%add3A_303, %mul3A_307] : memref<498432x80xf32, #tpu.memory_space<hbm>> -> memref<2832x8xf32, #tpu.memory_space<hbm>>
    tpu.wait_dma2 semaphore(%arg12 : memref<!tpu.dma_semaphore, #tpu.memory_space<semaphore_mem>>) src(%dma_wait3A_313 : memref<2832x8xf32, #tpu.memory_space<hbm>>) dst(%arg7 : memref<2832x8xf32, #tpu.memory_space<vmem>>)
    %mul3A_314 = arith.constant 31152 : i32
    %mul3A_315 = arith.muli %arg1, %mul3A_314 : i32
    %add3A_316 = arith.constant 16992 : i32
    %add3A_317 = arith.addi %mul3A_315, %add3A_316 : i32
    %dma_start3A_318 = tpu.memref_slice %arg3[%add3A_317] : memref<498688xi32, #tpu.memory_space<hbm>> -> memref<2832xi32, #tpu.memory_space<hbm>>
    %dma_start3A_319 = tpu.memref_slice %arg3[%add3A_317] : memref<498688xi32, #tpu.memory_space<hbm>> -> memref<2832xi32, #tpu.memory_space<hbm>>
    tpu.enqueue_dma source(%dma_start3A_319 : memref<2832xi32, #tpu.memory_space<hbm>>) target(%arg8 : memref<2832xi32, #tpu.memory_space<vmem>>) target_semaphore(%arg13 : memref<!tpu.dma_semaphore, #tpu.memory_space<semaphore_mem>>)
    %mul3A_320 = arith.constant 8 : i32
    %mul3A_321 = arith.muli %add3A_196, %mul3A_320 : i32
    %dma_start3A_322 = tpu.memref_slice %arg2[%add3A_317, %mul3A_321] : memref<498432x80xf32, #tpu.memory_space<hbm>> -> memref<2832x8xf32, #tpu.memory_space<hbm>>
    %dma_start3A_323 = tpu.memref_slice %arg2[%add3A_317, %mul3A_321] : memref<498432x80xf32, #tpu.memory_space<hbm>> -> memref<2832x8xf32, #tpu.memory_space<hbm>>
    tpu.enqueue_dma source(%dma_start3A_323 : memref<2832x8xf32, #tpu.memory_space<hbm>>) target(%arg6 : memref<2832x8xf32, #tpu.memory_space<vmem>>) target_semaphore(%arg11 : memref<!tpu.dma_semaphore, #tpu.memory_space<semaphore_mem>>)
    "tpu.region"() ({
      %run_scoped3A = tpu.sem_alloc : memref<!tpu.dma_semaphore, #tpu.memory_space<semaphore_mem>>
      %dma_start3A_975 = arith.constant 0 : i32
      %dma_start3A_976 = arith.constant 0 : i32
      %dma_start3A_977 = tpu.memref_slice %arg5[%dma_start3A_975, %dma_start3A_976] : memref<130560x8xf32, #tpu.memory_space<vmem_shared>> -> memref<130560x8xf32, #tpu.memory_space<vmem_shared>>
      tpu.enqueue_indirect_dma source(%arg7 : memref<2832x8xf32, #tpu.memory_space<vmem>>) target(%dma_start3A_977 : memref<130560x8xf32, #tpu.memory_space<vmem_shared>>) offsets(%arg9 : memref<2832xi32, #tpu.memory_space<vmem>>) semaphore(%run_scoped3A : memref<!tpu.dma_semaphore, #tpu.memory_space<semaphore_mem>>) {add = true}
      %dma_wait3A_978 = arith.constant 0 : i32
      %dma_wait3A_979 = arith.constant 0 : i32
      %dma_wait3A_980 = tpu.memref_slice %arg5[%dma_wait3A_978, %dma_wait3A_979] : memref<130560x8xf32, #tpu.memory_space<vmem_shared>> -> memref<130560x8xf32, #tpu.memory_space<vmem_shared>>
      tpu.wait_indirect_dma semaphore(%run_scoped3A : memref<!tpu.dma_semaphore, #tpu.memory_space<semaphore_mem>>) src(%arg7 : memref<2832x8xf32, #tpu.memory_space<vmem>>) dst(%dma_wait3A_980 : memref<130560x8xf32, #tpu.memory_space<vmem_shared>>)
      tpu.yield
    }) : () -> ()
    %dma_wait3A_324 = tpu.memref_slice %arg3[%add3A_317] : memref<498688xi32, #tpu.memory_space<hbm>> -> memref<2832xi32, #tpu.memory_space<hbm>>
    %dma_wait3A_325 = tpu.memref_slice %arg3[%add3A_317] : memref<498688xi32, #tpu.memory_space<hbm>> -> memref<2832xi32, #tpu.memory_space<hbm>>
    tpu.wait_dma2 semaphore(%arg13 : memref<!tpu.dma_semaphore, #tpu.memory_space<semaphore_mem>>) src(%dma_wait3A_325 : memref<2832xi32, #tpu.memory_space<hbm>>) dst(%arg8 : memref<2832xi32, #tpu.memory_space<vmem>>)
    %dma_wait3A_326 = tpu.memref_slice %arg2[%add3A_317, %mul3A_321] : memref<498432x80xf32, #tpu.memory_space<hbm>> -> memref<2832x8xf32, #tpu.memory_space<hbm>>
    %dma_wait3A_327 = tpu.memref_slice %arg2[%add3A_317, %mul3A_321] : memref<498432x80xf32, #tpu.memory_space<hbm>> -> memref<2832x8xf32, #tpu.memory_space<hbm>>
    tpu.wait_dma2 semaphore(%arg11 : memref<!tpu.dma_semaphore, #tpu.memory_space<semaphore_mem>>) src(%dma_wait3A_327 : memref<2832x8xf32, #tpu.memory_space<hbm>>) dst(%arg6 : memref<2832x8xf32, #tpu.memory_space<vmem>>)
    %mul3A_328 = arith.constant 31152 : i32
    %mul3A_329 = arith.muli %arg1, %mul3A_328 : i32
    %add3A_330 = arith.constant 19824 : i32
    %add3A_331 = arith.addi %mul3A_329, %add3A_330 : i32
    %dma_start3A_332 = tpu.memref_slice %arg3[%add3A_331] : memref<498688xi32, #tpu.memory_space<hbm>> -> memref<2832xi32, #tpu.memory_space<hbm>>
    %dma_start3A_333 = tpu.memref_slice %arg3[%add3A_331] : memref<498688xi32, #tpu.memory_space<hbm>> -> memref<2832xi32, #tpu.memory_space<hbm>>
    tpu.enqueue_dma source(%dma_start3A_333 : memref<2832xi32, #tpu.memory_space<hbm>>) target(%arg9 : memref<2832xi32, #tpu.memory_space<vmem>>) target_semaphore(%arg14 : memref<!tpu.dma_semaphore, #tpu.memory_space<semaphore_mem>>)
    %mul3A_334 = arith.constant 8 : i32
    %mul3A_335 = arith.muli %add3A_196, %mul3A_334 : i32
    %dma_start3A_336 = tpu.memref_slice %arg2[%add3A_331, %mul3A_335] : memref<498432x80xf32, #tpu.memory_space<hbm>> -> memref<2832x8xf32, #tpu.memory_space<hbm>>
    %dma_start3A_337 = tpu.memref_slice %arg2[%add3A_331, %mul3A_335] : memref<498432x80xf32, #tpu.memory_space<hbm>> -> memref<2832x8xf32, #tpu.memory_space<hbm>>
    tpu.enqueue_dma source(%dma_start3A_337 : memref<2832x8xf32, #tpu.memory_space<hbm>>) target(%arg7 : memref<2832x8xf32, #tpu.memory_space<vmem>>) target_semaphore(%arg12 : memref<!tpu.dma_semaphore, #tpu.memory_space<semaphore_mem>>)
    "tpu.region"() ({
      %run_scoped3A = tpu.sem_alloc : memref<!tpu.dma_semaphore, #tpu.memory_space<semaphore_mem>>
      %dma_start3A_975 = arith.constant 0 : i32
      %dma_start3A_976 = arith.constant 0 : i32
      %dma_start3A_977 = tpu.memref_slice %arg5[%dma_start3A_975, %dma_start3A_976] : memref<130560x8xf32, #tpu.memory_space<vmem_shared>> -> memref<130560x8xf32, #tpu.memory_space<vmem_shared>>
      tpu.enqueue_indirect_dma source(%arg6 : memref<2832x8xf32, #tpu.memory_space<vmem>>) target(%dma_start3A_977 : memref<130560x8xf32, #tpu.memory_space<vmem_shared>>) offsets(%arg8 : memref<2832xi32, #tpu.memory_space<vmem>>) semaphore(%run_scoped3A : memref<!tpu.dma_semaphore, #tpu.memory_space<semaphore_mem>>) {add = true}
      %dma_wait3A_978 = arith.constant 0 : i32
      %dma_wait3A_979 = arith.constant 0 : i32
      %dma_wait3A_980 = tpu.memref_slice %arg5[%dma_wait3A_978, %dma_wait3A_979] : memref<130560x8xf32, #tpu.memory_space<vmem_shared>> -> memref<130560x8xf32, #tpu.memory_space<vmem_shared>>
      tpu.wait_indirect_dma semaphore(%run_scoped3A : memref<!tpu.dma_semaphore, #tpu.memory_space<semaphore_mem>>) src(%arg6 : memref<2832x8xf32, #tpu.memory_space<vmem>>) dst(%dma_wait3A_980 : memref<130560x8xf32, #tpu.memory_space<vmem_shared>>)
      tpu.yield
    }) : () -> ()
    %dma_wait3A_338 = tpu.memref_slice %arg3[%add3A_331] : memref<498688xi32, #tpu.memory_space<hbm>> -> memref<2832xi32, #tpu.memory_space<hbm>>
    %dma_wait3A_339 = tpu.memref_slice %arg3[%add3A_331] : memref<498688xi32, #tpu.memory_space<hbm>> -> memref<2832xi32, #tpu.memory_space<hbm>>
    tpu.wait_dma2 semaphore(%arg14 : memref<!tpu.dma_semaphore, #tpu.memory_space<semaphore_mem>>) src(%dma_wait3A_339 : memref<2832xi32, #tpu.memory_space<hbm>>) dst(%arg9 : memref<2832xi32, #tpu.memory_space<vmem>>)
    %dma_wait3A_340 = tpu.memref_slice %arg2[%add3A_331, %mul3A_335] : memref<498432x80xf32, #tpu.memory_space<hbm>> -> memref<2832x8xf32, #tpu.memory_space<hbm>>
    %dma_wait3A_341 = tpu.memref_slice %arg2[%add3A_331, %mul3A_335] : memref<498432x80xf32, #tpu.memory_space<hbm>> -> memref<2832x8xf32, #tpu.memory_space<hbm>>
    tpu.wait_dma2 semaphore(%arg12 : memref<!tpu.dma_semaphore, #tpu.memory_space<semaphore_mem>>) src(%dma_wait3A_341 : memref<2832x8xf32, #tpu.memory_space<hbm>>) dst(%arg7 : memref<2832x8xf32, #tpu.memory_space<vmem>>)
    %mul3A_342 = arith.constant 31152 : i32
    %mul3A_343 = arith.muli %arg1, %mul3A_342 : i32
    %add3A_344 = arith.constant 22656 : i32
    %add3A_345 = arith.addi %mul3A_343, %add3A_344 : i32
    %dma_start3A_346 = tpu.memref_slice %arg3[%add3A_345] : memref<498688xi32, #tpu.memory_space<hbm>> -> memref<2832xi32, #tpu.memory_space<hbm>>
    %dma_start3A_347 = tpu.memref_slice %arg3[%add3A_345] : memref<498688xi32, #tpu.memory_space<hbm>> -> memref<2832xi32, #tpu.memory_space<hbm>>
    tpu.enqueue_dma source(%dma_start3A_347 : memref<2832xi32, #tpu.memory_space<hbm>>) target(%arg8 : memref<2832xi32, #tpu.memory_space<vmem>>) target_semaphore(%arg13 : memref<!tpu.dma_semaphore, #tpu.memory_space<semaphore_mem>>)
    %mul3A_348 = arith.constant 8 : i32
    %mul3A_349 = arith.muli %add3A_196, %mul3A_348 : i32
    %dma_start3A_350 = tpu.memref_slice %arg2[%add3A_345, %mul3A_349] : memref<498432x80xf32, #tpu.memory_space<hbm>> -> memref<2832x8xf32, #tpu.memory_space<hbm>>
    %dma_start3A_351 = tpu.memref_slice %arg2[%add3A_345, %mul3A_349] : memref<498432x80xf32, #tpu.memory_space<hbm>> -> memref<2832x8xf32, #tpu.memory_space<hbm>>
    tpu.enqueue_dma source(%dma_start3A_351 : memref<2832x8xf32, #tpu.memory_space<hbm>>) target(%arg6 : memref<2832x8xf32, #tpu.memory_space<vmem>>) target_semaphore(%arg11 : memref<!tpu.dma_semaphore, #tpu.memory_space<semaphore_mem>>)
    "tpu.region"() ({
      %run_scoped3A = tpu.sem_alloc : memref<!tpu.dma_semaphore, #tpu.memory_space<semaphore_mem>>
      %dma_start3A_975 = arith.constant 0 : i32
      %dma_start3A_976 = arith.constant 0 : i32
      %dma_start3A_977 = tpu.memref_slice %arg5[%dma_start3A_975, %dma_start3A_976] : memref<130560x8xf32, #tpu.memory_space<vmem_shared>> -> memref<130560x8xf32, #tpu.memory_space<vmem_shared>>
      tpu.enqueue_indirect_dma source(%arg7 : memref<2832x8xf32, #tpu.memory_space<vmem>>) target(%dma_start3A_977 : memref<130560x8xf32, #tpu.memory_space<vmem_shared>>) offsets(%arg9 : memref<2832xi32, #tpu.memory_space<vmem>>) semaphore(%run_scoped3A : memref<!tpu.dma_semaphore, #tpu.memory_space<semaphore_mem>>) {add = true}
      %dma_wait3A_978 = arith.constant 0 : i32
      %dma_wait3A_979 = arith.constant 0 : i32
      %dma_wait3A_980 = tpu.memref_slice %arg5[%dma_wait3A_978, %dma_wait3A_979] : memref<130560x8xf32, #tpu.memory_space<vmem_shared>> -> memref<130560x8xf32, #tpu.memory_space<vmem_shared>>
      tpu.wait_indirect_dma semaphore(%run_scoped3A : memref<!tpu.dma_semaphore, #tpu.memory_space<semaphore_mem>>) src(%arg7 : memref<2832x8xf32, #tpu.memory_space<vmem>>) dst(%dma_wait3A_980 : memref<130560x8xf32, #tpu.memory_space<vmem_shared>>)
      tpu.yield
    }) : () -> ()
    %dma_wait3A_352 = tpu.memref_slice %arg3[%add3A_345] : memref<498688xi32, #tpu.memory_space<hbm>> -> memref<2832xi32, #tpu.memory_space<hbm>>
    %dma_wait3A_353 = tpu.memref_slice %arg3[%add3A_345] : memref<498688xi32, #tpu.memory_space<hbm>> -> memref<2832xi32, #tpu.memory_space<hbm>>
    tpu.wait_dma2 semaphore(%arg13 : memref<!tpu.dma_semaphore, #tpu.memory_space<semaphore_mem>>) src(%dma_wait3A_353 : memref<2832xi32, #tpu.memory_space<hbm>>) dst(%arg8 : memref<2832xi32, #tpu.memory_space<vmem>>)
    %dma_wait3A_354 = tpu.memref_slice %arg2[%add3A_345, %mul3A_349] : memref<498432x80xf32, #tpu.memory_space<hbm>> -> memref<2832x8xf32, #tpu.memory_space<hbm>>
    %dma_wait3A_355 = tpu.memref_slice %arg2[%add3A_345, %mul3A_349] : memref<498432x80xf32, #tpu.memory_space<hbm>> -> memref<2832x8xf32, #tpu.memory_space<hbm>>
    tpu.wait_dma2 semaphore(%arg11 : memref<!tpu.dma_semaphore, #tpu.memory_space<semaphore_mem>>) src(%dma_wait3A_355 : memref<2832x8xf32, #tpu.memory_space<hbm>>) dst(%arg6 : memref<2832x8xf32, #tpu.memory_space<vmem>>)
    %mul3A_356 = arith.constant 31152 : i32
    %mul3A_357 = arith.muli %arg1, %mul3A_356 : i32
    %add3A_358 = arith.constant 25488 : i32
    %add3A_359 = arith.addi %mul3A_357, %add3A_358 : i32
    %dma_start3A_360 = tpu.memref_slice %arg3[%add3A_359] : memref<498688xi32, #tpu.memory_space<hbm>> -> memref<2832xi32, #tpu.memory_space<hbm>>
    %dma_start3A_361 = tpu.memref_slice %arg3[%add3A_359] : memref<498688xi32, #tpu.memory_space<hbm>> -> memref<2832xi32, #tpu.memory_space<hbm>>
    tpu.enqueue_dma source(%dma_start3A_361 : memref<2832xi32, #tpu.memory_space<hbm>>) target(%arg9 : memref<2832xi32, #tpu.memory_space<vmem>>) target_semaphore(%arg14 : memref<!tpu.dma_semaphore, #tpu.memory_space<semaphore_mem>>)
    %mul3A_362 = arith.constant 8 : i32
    %mul3A_363 = arith.muli %add3A_196, %mul3A_362 : i32
    %dma_start3A_364 = tpu.memref_slice %arg2[%add3A_359, %mul3A_363] : memref<498432x80xf32, #tpu.memory_space<hbm>> -> memref<2832x8xf32, #tpu.memory_space<hbm>>
    %dma_start3A_365 = tpu.memref_slice %arg2[%add3A_359, %mul3A_363] : memref<498432x80xf32, #tpu.memory_space<hbm>> -> memref<2832x8xf32, #tpu.memory_space<hbm>>
    tpu.enqueue_dma source(%dma_start3A_365 : memref<2832x8xf32, #tpu.memory_space<hbm>>) target(%arg7 : memref<2832x8xf32, #tpu.memory_space<vmem>>) target_semaphore(%arg12 : memref<!tpu.dma_semaphore, #tpu.memory_space<semaphore_mem>>)
    "tpu.region"() ({
      %run_scoped3A = tpu.sem_alloc : memref<!tpu.dma_semaphore, #tpu.memory_space<semaphore_mem>>
      %dma_start3A_975 = arith.constant 0 : i32
      %dma_start3A_976 = arith.constant 0 : i32
      %dma_start3A_977 = tpu.memref_slice %arg5[%dma_start3A_975, %dma_start3A_976] : memref<130560x8xf32, #tpu.memory_space<vmem_shared>> -> memref<130560x8xf32, #tpu.memory_space<vmem_shared>>
      tpu.enqueue_indirect_dma source(%arg6 : memref<2832x8xf32, #tpu.memory_space<vmem>>) target(%dma_start3A_977 : memref<130560x8xf32, #tpu.memory_space<vmem_shared>>) offsets(%arg8 : memref<2832xi32, #tpu.memory_space<vmem>>) semaphore(%run_scoped3A : memref<!tpu.dma_semaphore, #tpu.memory_space<semaphore_mem>>) {add = true}
      %dma_wait3A_978 = arith.constant 0 : i32
      %dma_wait3A_979 = arith.constant 0 : i32
      %dma_wait3A_980 = tpu.memref_slice %arg5[%dma_wait3A_978, %dma_wait3A_979] : memref<130560x8xf32, #tpu.memory_space<vmem_shared>> -> memref<130560x8xf32, #tpu.memory_space<vmem_shared>>
      tpu.wait_indirect_dma semaphore(%run_scoped3A : memref<!tpu.dma_semaphore, #tpu.memory_space<semaphore_mem>>) src(%arg6 : memref<2832x8xf32, #tpu.memory_space<vmem>>) dst(%dma_wait3A_980 : memref<130560x8xf32, #tpu.memory_space<vmem_shared>>)
      tpu.yield
    }) : () -> ()
    %dma_wait3A_366 = tpu.memref_slice %arg3[%add3A_359] : memref<498688xi32, #tpu.memory_space<hbm>> -> memref<2832xi32, #tpu.memory_space<hbm>>
    %dma_wait3A_367 = tpu.memref_slice %arg3[%add3A_359] : memref<498688xi32, #tpu.memory_space<hbm>> -> memref<2832xi32, #tpu.memory_space<hbm>>
    tpu.wait_dma2 semaphore(%arg14 : memref<!tpu.dma_semaphore, #tpu.memory_space<semaphore_mem>>) src(%dma_wait3A_367 : memref<2832xi32, #tpu.memory_space<hbm>>) dst(%arg9 : memref<2832xi32, #tpu.memory_space<vmem>>)
    %dma_wait3A_368 = tpu.memref_slice %arg2[%add3A_359, %mul3A_363] : memref<498432x80xf32, #tpu.memory_space<hbm>> -> memref<2832x8xf32, #tpu.memory_space<hbm>>
    %dma_wait3A_369 = tpu.memref_slice %arg2[%add3A_359, %mul3A_363] : memref<498432x80xf32, #tpu.memory_space<hbm>> -> memref<2832x8xf32, #tpu.memory_space<hbm>>
    tpu.wait_dma2 semaphore(%arg12 : memref<!tpu.dma_semaphore, #tpu.memory_space<semaphore_mem>>) src(%dma_wait3A_369 : memref<2832x8xf32, #tpu.memory_space<hbm>>) dst(%arg7 : memref<2832x8xf32, #tpu.memory_space<vmem>>)
    %mul3A_370 = arith.constant 31152 : i32
    %mul3A_371 = arith.muli %arg1, %mul3A_370 : i32
    %add3A_372 = arith.constant 28320 : i32
    %add3A_373 = arith.addi %mul3A_371, %add3A_372 : i32
    %dma_start3A_374 = tpu.memref_slice %arg3[%add3A_373] : memref<498688xi32, #tpu.memory_space<hbm>> -> memref<2832xi32, #tpu.memory_space<hbm>>
    %dma_start3A_375 = tpu.memref_slice %arg3[%add3A_373] : memref<498688xi32, #tpu.memory_space<hbm>> -> memref<2832xi32, #tpu.memory_space<hbm>>
    tpu.enqueue_dma source(%dma_start3A_375 : memref<2832xi32, #tpu.memory_space<hbm>>) target(%arg8 : memref<2832xi32, #tpu.memory_space<vmem>>) target_semaphore(%arg13 : memref<!tpu.dma_semaphore, #tpu.memory_space<semaphore_mem>>)
    %mul3A_376 = arith.constant 8 : i32
    %mul3A_377 = arith.muli %add3A_196, %mul3A_376 : i32
    %dma_start3A_378 = tpu.memref_slice %arg2[%add3A_373, %mul3A_377] : memref<498432x80xf32, #tpu.memory_space<hbm>> -> memref<2832x8xf32, #tpu.memory_space<hbm>>
    %dma_start3A_379 = tpu.memref_slice %arg2[%add3A_373, %mul3A_377] : memref<498432x80xf32, #tpu.memory_space<hbm>> -> memref<2832x8xf32, #tpu.memory_space<hbm>>
    tpu.enqueue_dma source(%dma_start3A_379 : memref<2832x8xf32, #tpu.memory_space<hbm>>) target(%arg6 : memref<2832x8xf32, #tpu.memory_space<vmem>>) target_semaphore(%arg11 : memref<!tpu.dma_semaphore, #tpu.memory_space<semaphore_mem>>)
    "tpu.region"() ({
      %run_scoped3A = tpu.sem_alloc : memref<!tpu.dma_semaphore, #tpu.memory_space<semaphore_mem>>
      %dma_start3A_975 = arith.constant 0 : i32
      %dma_start3A_976 = arith.constant 0 : i32
      %dma_start3A_977 = tpu.memref_slice %arg5[%dma_start3A_975, %dma_start3A_976] : memref<130560x8xf32, #tpu.memory_space<vmem_shared>> -> memref<130560x8xf32, #tpu.memory_space<vmem_shared>>
      tpu.enqueue_indirect_dma source(%arg7 : memref<2832x8xf32, #tpu.memory_space<vmem>>) target(%dma_start3A_977 : memref<130560x8xf32, #tpu.memory_space<vmem_shared>>) offsets(%arg9 : memref<2832xi32, #tpu.memory_space<vmem>>) semaphore(%run_scoped3A : memref<!tpu.dma_semaphore, #tpu.memory_space<semaphore_mem>>) {add = true}
      %dma_wait3A_978 = arith.constant 0 : i32
      %dma_wait3A_979 = arith.constant 0 : i32
      %dma_wait3A_980 = tpu.memref_slice %arg5[%dma_wait3A_978, %dma_wait3A_979] : memref<130560x8xf32, #tpu.memory_space<vmem_shared>> -> memref<130560x8xf32, #tpu.memory_space<vmem_shared>>
      tpu.wait_indirect_dma semaphore(%run_scoped3A : memref<!tpu.dma_semaphore, #tpu.memory_space<semaphore_mem>>) src(%arg7 : memref<2832x8xf32, #tpu.memory_space<vmem>>) dst(%dma_wait3A_980 : memref<130560x8xf32, #tpu.memory_space<vmem_shared>>)
      tpu.yield
    }) : () -> ()
    %dma_wait3A_380 = tpu.memref_slice %arg3[%add3A_373] : memref<498688xi32, #tpu.memory_space<hbm>> -> memref<2832xi32, #tpu.memory_space<hbm>>
    %dma_wait3A_381 = tpu.memref_slice %arg3[%add3A_373] : memref<498688xi32, #tpu.memory_space<hbm>> -> memref<2832xi32, #tpu.memory_space<hbm>>
    tpu.wait_dma2 semaphore(%arg13 : memref<!tpu.dma_semaphore, #tpu.memory_space<semaphore_mem>>) src(%dma_wait3A_381 : memref<2832xi32, #tpu.memory_space<hbm>>) dst(%arg8 : memref<2832xi32, #tpu.memory_space<vmem>>)
    %dma_wait3A_382 = tpu.memref_slice %arg2[%add3A_373, %mul3A_377] : memref<498432x80xf32, #tpu.memory_space<hbm>> -> memref<2832x8xf32, #tpu.memory_space<hbm>>
    %dma_wait3A_383 = tpu.memref_slice %arg2[%add3A_373, %mul3A_377] : memref<498432x80xf32, #tpu.memory_space<hbm>> -> memref<2832x8xf32, #tpu.memory_space<hbm>>
    tpu.wait_dma2 semaphore(%arg11 : memref<!tpu.dma_semaphore, #tpu.memory_space<semaphore_mem>>) src(%dma_wait3A_383 : memref<2832x8xf32, #tpu.memory_space<hbm>>) dst(%arg6 : memref<2832x8xf32, #tpu.memory_space<vmem>>)
    "tpu.region"() ({
      %run_scoped3A = tpu.sem_alloc : memref<!tpu.dma_semaphore, #tpu.memory_space<semaphore_mem>>
      %dma_start3A_975 = arith.constant 0 : i32
      %dma_start3A_976 = arith.constant 0 : i32
      %dma_start3A_977 = tpu.memref_slice %arg5[%dma_start3A_975, %dma_start3A_976] : memref<130560x8xf32, #tpu.memory_space<vmem_shared>> -> memref<130560x8xf32, #tpu.memory_space<vmem_shared>>
      tpu.enqueue_indirect_dma source(%arg6 : memref<2832x8xf32, #tpu.memory_space<vmem>>) target(%dma_start3A_977 : memref<130560x8xf32, #tpu.memory_space<vmem_shared>>) offsets(%arg8 : memref<2832xi32, #tpu.memory_space<vmem>>) semaphore(%run_scoped3A : memref<!tpu.dma_semaphore, #tpu.memory_space<semaphore_mem>>) {add = true}
      %dma_wait3A_978 = arith.constant 0 : i32
      %dma_wait3A_979 = arith.constant 0 : i32
      %dma_wait3A_980 = tpu.memref_slice %arg5[%dma_wait3A_978, %dma_wait3A_979] : memref<130560x8xf32, #tpu.memory_space<vmem_shared>> -> memref<130560x8xf32, #tpu.memory_space<vmem_shared>>
      tpu.wait_indirect_dma semaphore(%run_scoped3A : memref<!tpu.dma_semaphore, #tpu.memory_space<semaphore_mem>>) src(%arg6 : memref<2832x8xf32, #tpu.memory_space<vmem>>) dst(%dma_wait3A_980 : memref<130560x8xf32, #tpu.memory_space<vmem_shared>>)
      tpu.yield
    }) : () -> ()
    %barrier3A_384 = arith.constant 0 : index
    tpu.barrier barrier_id(%barrier3A_384)
    %mul3A_385 = arith.constant 8104 : i32
    %mul3A_386 = arith.muli %arg1, %mul3A_385 : i32
    %mul3A_387 = arith.constant 8104 : i32
    %mul3A_388 = arith.muli %arg1, %mul3A_387 : i32
    "tpu.region"() ({
      %run_scoped3A = tpu.sem_alloc : memref<!tpu.dma_semaphore, #tpu.memory_space<semaphore_mem>>
      %dma_start3A_975 = arith.constant 0 : i32
      %dma_start3A_976 = tpu.memref_slice %arg4[%add3A_196, %mul3A_388, %dma_start3A_975] : memref<10x129664x8xf32, #tpu.memory_space<hbm>> -> memref<1x8104x8xf32, #tpu.memory_space<hbm>>
      %dma_start3A_977 = tpu.memref_squeeze %dma_start3A_976 : memref<1x8104x8xf32, #tpu.memory_space<hbm>> -> memref<8104x8xf32, #tpu.memory_space<hbm>>
      %dma_start3A_978 = arith.constant 0 : i32
      %dma_start3A_979 = tpu.memref_slice %arg5[%mul3A_386, %dma_start3A_978] : memref<130560x8xf32, #tpu.memory_space<vmem_shared>> -> memref<8104x8xf32, #tpu.memory_space<vmem_shared>>
      tpu.enqueue_dma source(%dma_start3A_979 : memref<8104x8xf32, #tpu.memory_space<vmem_shared>>) target(%dma_start3A_977 : memref<8104x8xf32, #tpu.memory_space<hbm>>) target_semaphore(%run_scoped3A : memref<!tpu.dma_semaphore, #tpu.memory_space<semaphore_mem>>)
      %dma_wait3A_980 = arith.constant 0 : i32
      %dma_wait3A_981 = tpu.memref_slice %arg4[%add3A_196, %mul3A_388, %dma_wait3A_980] : memref<10x129664x8xf32, #tpu.memory_space<hbm>> -> memref<1x8104x8xf32, #tpu.memory_space<hbm>>
      %dma_wait3A_982 = tpu.memref_squeeze %dma_wait3A_981 : memref<1x8104x8xf32, #tpu.memory_space<hbm>> -> memref<8104x8xf32, #tpu.memory_space<hbm>>
      %dma_wait3A_983 = arith.constant 0 : i32
      %dma_wait3A_984 = tpu.memref_slice %arg5[%mul3A_386, %dma_wait3A_983] : memref<130560x8xf32, #tpu.memory_space<vmem_shared>> -> memref<8104x8xf32, #tpu.memory_space<vmem_shared>>
      tpu.wait_dma2 semaphore(%run_scoped3A : memref<!tpu.dma_semaphore, #tpu.memory_space<semaphore_mem>>) src(%dma_wait3A_984 : memref<8104x8xf32, #tpu.memory_space<vmem_shared>>) dst(%dma_wait3A_982 : memref<8104x8xf32, #tpu.memory_space<hbm>>)
      tpu.yield
    }) : () -> ()
    %barrier3A_389 = arith.constant 0 : index
    tpu.barrier barrier_id(%barrier3A_389)
    %add3A_390 = arith.constant 4 : i32
    %add3A_391 = arith.addi %add3A_390, %arg0 : i32
    %mul3A_392 = arith.constant 8160 : i32
    %mul3A_393 = arith.muli %arg1, %mul3A_392 : i32
    %add3A_394 = arith.constant 0 : i32
    %add3A_395 = arith.addi %mul3A_393, %add3A_394 : i32
    "tpu.region"() ({
      %run_scoped3A = tpu.sem_alloc : memref<!tpu.dma_semaphore, #tpu.memory_space<semaphore_mem>>
      %dma_start3A_975 = arith.constant 0 : i32
      %dma_start3A_976 = tpu.memref_slice %arg5[%add3A_395, %dma_start3A_975] : memref<130560x8xf32, #tpu.memory_space<vmem_shared>> -> memref<1020x8xf32, #tpu.memory_space<vmem_shared>>
      %dma_start3A_977 = arith.constant 0 : i32
      %dma_start3A_978 = tpu.memref_slice %arg5[%add3A_395, %dma_start3A_977] : memref<130560x8xf32, #tpu.memory_space<vmem_shared>> -> memref<1020x8xf32, #tpu.memory_space<vmem_shared>>
      tpu.enqueue_dma source(%arg10 : memref<1020x8xf32, #tpu.memory_space<vmem>>) target(%dma_start3A_978 : memref<1020x8xf32, #tpu.memory_space<vmem_shared>>) target_semaphore(%run_scoped3A : memref<!tpu.dma_semaphore, #tpu.memory_space<semaphore_mem>>)
      %dma_wait3A_979 = arith.constant 0 : i32
      %dma_wait3A_980 = tpu.memref_slice %arg5[%add3A_395, %dma_wait3A_979] : memref<130560x8xf32, #tpu.memory_space<vmem_shared>> -> memref<1020x8xf32, #tpu.memory_space<vmem_shared>>
      %dma_wait3A_981 = arith.constant 0 : i32
      %dma_wait3A_982 = tpu.memref_slice %arg5[%add3A_395, %dma_wait3A_981] : memref<130560x8xf32, #tpu.memory_space<vmem_shared>> -> memref<1020x8xf32, #tpu.memory_space<vmem_shared>>
      tpu.wait_dma2 semaphore(%run_scoped3A : memref<!tpu.dma_semaphore, #tpu.memory_space<semaphore_mem>>) src(%arg10 : memref<1020x8xf32, #tpu.memory_space<vmem>>) dst(%dma_wait3A_982 : memref<1020x8xf32, #tpu.memory_space<vmem_shared>>)
      tpu.yield
    }) : () -> ()
    %mul3A_396 = arith.constant 8160 : i32
    %mul3A_397 = arith.muli %arg1, %mul3A_396 : i32
    %add3A_398 = arith.constant 1020 : i32
    %add3A_399 = arith.addi %mul3A_397, %add3A_398 : i32
    "tpu.region"() ({
      %run_scoped3A = tpu.sem_alloc : memref<!tpu.dma_semaphore, #tpu.memory_space<semaphore_mem>>
      %dma_start3A_975 = arith.constant 0 : i32
      %dma_start3A_976 = tpu.memref_slice %arg5[%add3A_399, %dma_start3A_975] : memref<130560x8xf32, #tpu.memory_space<vmem_shared>> -> memref<1020x8xf32, #tpu.memory_space<vmem_shared>>
      %dma_start3A_977 = arith.constant 0 : i32
      %dma_start3A_978 = tpu.memref_slice %arg5[%add3A_399, %dma_start3A_977] : memref<130560x8xf32, #tpu.memory_space<vmem_shared>> -> memref<1020x8xf32, #tpu.memory_space<vmem_shared>>
      tpu.enqueue_dma source(%arg10 : memref<1020x8xf32, #tpu.memory_space<vmem>>) target(%dma_start3A_978 : memref<1020x8xf32, #tpu.memory_space<vmem_shared>>) target_semaphore(%run_scoped3A : memref<!tpu.dma_semaphore, #tpu.memory_space<semaphore_mem>>)
      %dma_wait3A_979 = arith.constant 0 : i32
      %dma_wait3A_980 = tpu.memref_slice %arg5[%add3A_399, %dma_wait3A_979] : memref<130560x8xf32, #tpu.memory_space<vmem_shared>> -> memref<1020x8xf32, #tpu.memory_space<vmem_shared>>
      %dma_wait3A_981 = arith.constant 0 : i32
      %dma_wait3A_982 = tpu.memref_slice %arg5[%add3A_399, %dma_wait3A_981] : memref<130560x8xf32, #tpu.memory_space<vmem_shared>> -> memref<1020x8xf32, #tpu.memory_space<vmem_shared>>
      tpu.wait_dma2 semaphore(%run_scoped3A : memref<!tpu.dma_semaphore, #tpu.memory_space<semaphore_mem>>) src(%arg10 : memref<1020x8xf32, #tpu.memory_space<vmem>>) dst(%dma_wait3A_982 : memref<1020x8xf32, #tpu.memory_space<vmem_shared>>)
      tpu.yield
    }) : () -> ()
    %mul3A_400 = arith.constant 8160 : i32
    %mul3A_401 = arith.muli %arg1, %mul3A_400 : i32
    %add3A_402 = arith.constant 2040 : i32
    %add3A_403 = arith.addi %mul3A_401, %add3A_402 : i32
    "tpu.region"() ({
      %run_scoped3A = tpu.sem_alloc : memref<!tpu.dma_semaphore, #tpu.memory_space<semaphore_mem>>
      %dma_start3A_975 = arith.constant 0 : i32
      %dma_start3A_976 = tpu.memref_slice %arg5[%add3A_403, %dma_start3A_975] : memref<130560x8xf32, #tpu.memory_space<vmem_shared>> -> memref<1020x8xf32, #tpu.memory_space<vmem_shared>>
      %dma_start3A_977 = arith.constant 0 : i32
      %dma_start3A_978 = tpu.memref_slice %arg5[%add3A_403, %dma_start3A_977] : memref<130560x8xf32, #tpu.memory_space<vmem_shared>> -> memref<1020x8xf32, #tpu.memory_space<vmem_shared>>
      tpu.enqueue_dma source(%arg10 : memref<1020x8xf32, #tpu.memory_space<vmem>>) target(%dma_start3A_978 : memref<1020x8xf32, #tpu.memory_space<vmem_shared>>) target_semaphore(%run_scoped3A : memref<!tpu.dma_semaphore, #tpu.memory_space<semaphore_mem>>)
      %dma_wait3A_979 = arith.constant 0 : i32
      %dma_wait3A_980 = tpu.memref_slice %arg5[%add3A_403, %dma_wait3A_979] : memref<130560x8xf32, #tpu.memory_space<vmem_shared>> -> memref<1020x8xf32, #tpu.memory_space<vmem_shared>>
      %dma_wait3A_981 = arith.constant 0 : i32
      %dma_wait3A_982 = tpu.memref_slice %arg5[%add3A_403, %dma_wait3A_981] : memref<130560x8xf32, #tpu.memory_space<vmem_shared>> -> memref<1020x8xf32, #tpu.memory_space<vmem_shared>>
      tpu.wait_dma2 semaphore(%run_scoped3A : memref<!tpu.dma_semaphore, #tpu.memory_space<semaphore_mem>>) src(%arg10 : memref<1020x8xf32, #tpu.memory_space<vmem>>) dst(%dma_wait3A_982 : memref<1020x8xf32, #tpu.memory_space<vmem_shared>>)
      tpu.yield
    }) : () -> ()
    %mul3A_404 = arith.constant 8160 : i32
    %mul3A_405 = arith.muli %arg1, %mul3A_404 : i32
    %add3A_406 = arith.constant 3060 : i32
    %add3A_407 = arith.addi %mul3A_405, %add3A_406 : i32
    "tpu.region"() ({
      %run_scoped3A = tpu.sem_alloc : memref<!tpu.dma_semaphore, #tpu.memory_space<semaphore_mem>>
      %dma_start3A_975 = arith.constant 0 : i32
      %dma_start3A_976 = tpu.memref_slice %arg5[%add3A_407, %dma_start3A_975] : memref<130560x8xf32, #tpu.memory_space<vmem_shared>> -> memref<1020x8xf32, #tpu.memory_space<vmem_shared>>
      %dma_start3A_977 = arith.constant 0 : i32
      %dma_start3A_978 = tpu.memref_slice %arg5[%add3A_407, %dma_start3A_977] : memref<130560x8xf32, #tpu.memory_space<vmem_shared>> -> memref<1020x8xf32, #tpu.memory_space<vmem_shared>>
      tpu.enqueue_dma source(%arg10 : memref<1020x8xf32, #tpu.memory_space<vmem>>) target(%dma_start3A_978 : memref<1020x8xf32, #tpu.memory_space<vmem_shared>>) target_semaphore(%run_scoped3A : memref<!tpu.dma_semaphore, #tpu.memory_space<semaphore_mem>>)
      %dma_wait3A_979 = arith.constant 0 : i32
      %dma_wait3A_980 = tpu.memref_slice %arg5[%add3A_407, %dma_wait3A_979] : memref<130560x8xf32, #tpu.memory_space<vmem_shared>> -> memref<1020x8xf32, #tpu.memory_space<vmem_shared>>
      %dma_wait3A_981 = arith.constant 0 : i32
      %dma_wait3A_982 = tpu.memref_slice %arg5[%add3A_407, %dma_wait3A_981] : memref<130560x8xf32, #tpu.memory_space<vmem_shared>> -> memref<1020x8xf32, #tpu.memory_space<vmem_shared>>
      tpu.wait_dma2 semaphore(%run_scoped3A : memref<!tpu.dma_semaphore, #tpu.memory_space<semaphore_mem>>) src(%arg10 : memref<1020x8xf32, #tpu.memory_space<vmem>>) dst(%dma_wait3A_982 : memref<1020x8xf32, #tpu.memory_space<vmem_shared>>)
      tpu.yield
    }) : () -> ()
    %mul3A_408 = arith.constant 8160 : i32
    %mul3A_409 = arith.muli %arg1, %mul3A_408 : i32
    %add3A_410 = arith.constant 4080 : i32
    %add3A_411 = arith.addi %mul3A_409, %add3A_410 : i32
    "tpu.region"() ({
      %run_scoped3A = tpu.sem_alloc : memref<!tpu.dma_semaphore, #tpu.memory_space<semaphore_mem>>
      %dma_start3A_975 = arith.constant 0 : i32
      %dma_start3A_976 = tpu.memref_slice %arg5[%add3A_411, %dma_start3A_975] : memref<130560x8xf32, #tpu.memory_space<vmem_shared>> -> memref<1020x8xf32, #tpu.memory_space<vmem_shared>>
      %dma_start3A_977 = arith.constant 0 : i32
      %dma_start3A_978 = tpu.memref_slice %arg5[%add3A_411, %dma_start3A_977] : memref<130560x8xf32, #tpu.memory_space<vmem_shared>> -> memref<1020x8xf32, #tpu.memory_space<vmem_shared>>
      tpu.enqueue_dma source(%arg10 : memref<1020x8xf32, #tpu.memory_space<vmem>>) target(%dma_start3A_978 : memref<1020x8xf32, #tpu.memory_space<vmem_shared>>) target_semaphore(%run_scoped3A : memref<!tpu.dma_semaphore, #tpu.memory_space<semaphore_mem>>)
      %dma_wait3A_979 = arith.constant 0 : i32
      %dma_wait3A_980 = tpu.memref_slice %arg5[%add3A_411, %dma_wait3A_979] : memref<130560x8xf32, #tpu.memory_space<vmem_shared>> -> memref<1020x8xf32, #tpu.memory_space<vmem_shared>>
      %dma_wait3A_981 = arith.constant 0 : i32
      %dma_wait3A_982 = tpu.memref_slice %arg5[%add3A_411, %dma_wait3A_981] : memref<130560x8xf32, #tpu.memory_space<vmem_shared>> -> memref<1020x8xf32, #tpu.memory_space<vmem_shared>>
      tpu.wait_dma2 semaphore(%run_scoped3A : memref<!tpu.dma_semaphore, #tpu.memory_space<semaphore_mem>>) src(%arg10 : memref<1020x8xf32, #tpu.memory_space<vmem>>) dst(%dma_wait3A_982 : memref<1020x8xf32, #tpu.memory_space<vmem_shared>>)
      tpu.yield
    }) : () -> ()
    %mul3A_412 = arith.constant 8160 : i32
    %mul3A_413 = arith.muli %arg1, %mul3A_412 : i32
    %add3A_414 = arith.constant 5100 : i32
    %add3A_415 = arith.addi %mul3A_413, %add3A_414 : i32
    "tpu.region"() ({
      %run_scoped3A = tpu.sem_alloc : memref<!tpu.dma_semaphore, #tpu.memory_space<semaphore_mem>>
      %dma_start3A_975 = arith.constant 0 : i32
      %dma_start3A_976 = tpu.memref_slice %arg5[%add3A_415, %dma_start3A_975] : memref<130560x8xf32, #tpu.memory_space<vmem_shared>> -> memref<1020x8xf32, #tpu.memory_space<vmem_shared>>
      %dma_start3A_977 = arith.constant 0 : i32
      %dma_start3A_978 = tpu.memref_slice %arg5[%add3A_415, %dma_start3A_977] : memref<130560x8xf32, #tpu.memory_space<vmem_shared>> -> memref<1020x8xf32, #tpu.memory_space<vmem_shared>>
      tpu.enqueue_dma source(%arg10 : memref<1020x8xf32, #tpu.memory_space<vmem>>) target(%dma_start3A_978 : memref<1020x8xf32, #tpu.memory_space<vmem_shared>>) target_semaphore(%run_scoped3A : memref<!tpu.dma_semaphore, #tpu.memory_space<semaphore_mem>>)
      %dma_wait3A_979 = arith.constant 0 : i32
      %dma_wait3A_980 = tpu.memref_slice %arg5[%add3A_415, %dma_wait3A_979] : memref<130560x8xf32, #tpu.memory_space<vmem_shared>> -> memref<1020x8xf32, #tpu.memory_space<vmem_shared>>
      %dma_wait3A_981 = arith.constant 0 : i32
      %dma_wait3A_982 = tpu.memref_slice %arg5[%add3A_415, %dma_wait3A_981] : memref<130560x8xf32, #tpu.memory_space<vmem_shared>> -> memref<1020x8xf32, #tpu.memory_space<vmem_shared>>
      tpu.wait_dma2 semaphore(%run_scoped3A : memref<!tpu.dma_semaphore, #tpu.memory_space<semaphore_mem>>) src(%arg10 : memref<1020x8xf32, #tpu.memory_space<vmem>>) dst(%dma_wait3A_982 : memref<1020x8xf32, #tpu.memory_space<vmem_shared>>)
      tpu.yield
    }) : () -> ()
    %mul3A_416 = arith.constant 8160 : i32
    %mul3A_417 = arith.muli %arg1, %mul3A_416 : i32
    %add3A_418 = arith.constant 6120 : i32
    %add3A_419 = arith.addi %mul3A_417, %add3A_418 : i32
    "tpu.region"() ({
      %run_scoped3A = tpu.sem_alloc : memref<!tpu.dma_semaphore, #tpu.memory_space<semaphore_mem>>
      %dma_start3A_975 = arith.constant 0 : i32
      %dma_start3A_976 = tpu.memref_slice %arg5[%add3A_419, %dma_start3A_975] : memref<130560x8xf32, #tpu.memory_space<vmem_shared>> -> memref<1020x8xf32, #tpu.memory_space<vmem_shared>>
      %dma_start3A_977 = arith.constant 0 : i32
      %dma_start3A_978 = tpu.memref_slice %arg5[%add3A_419, %dma_start3A_977] : memref<130560x8xf32, #tpu.memory_space<vmem_shared>> -> memref<1020x8xf32, #tpu.memory_space<vmem_shared>>
      tpu.enqueue_dma source(%arg10 : memref<1020x8xf32, #tpu.memory_space<vmem>>) target(%dma_start3A_978 : memref<1020x8xf32, #tpu.memory_space<vmem_shared>>) target_semaphore(%run_scoped3A : memref<!tpu.dma_semaphore, #tpu.memory_space<semaphore_mem>>)
      %dma_wait3A_979 = arith.constant 0 : i32
      %dma_wait3A_980 = tpu.memref_slice %arg5[%add3A_419, %dma_wait3A_979] : memref<130560x8xf32, #tpu.memory_space<vmem_shared>> -> memref<1020x8xf32, #tpu.memory_space<vmem_shared>>
      %dma_wait3A_981 = arith.constant 0 : i32
      %dma_wait3A_982 = tpu.memref_slice %arg5[%add3A_419, %dma_wait3A_981] : memref<130560x8xf32, #tpu.memory_space<vmem_shared>> -> memref<1020x8xf32, #tpu.memory_space<vmem_shared>>
      tpu.wait_dma2 semaphore(%run_scoped3A : memref<!tpu.dma_semaphore, #tpu.memory_space<semaphore_mem>>) src(%arg10 : memref<1020x8xf32, #tpu.memory_space<vmem>>) dst(%dma_wait3A_982 : memref<1020x8xf32, #tpu.memory_space<vmem_shared>>)
      tpu.yield
    }) : () -> ()
    %mul3A_420 = arith.constant 8160 : i32
    %mul3A_421 = arith.muli %arg1, %mul3A_420 : i32
    %add3A_422 = arith.constant 7140 : i32
    %add3A_423 = arith.addi %mul3A_421, %add3A_422 : i32
    "tpu.region"() ({
      %run_scoped3A = tpu.sem_alloc : memref<!tpu.dma_semaphore, #tpu.memory_space<semaphore_mem>>
      %dma_start3A_975 = arith.constant 0 : i32
      %dma_start3A_976 = tpu.memref_slice %arg5[%add3A_423, %dma_start3A_975] : memref<130560x8xf32, #tpu.memory_space<vmem_shared>> -> memref<1020x8xf32, #tpu.memory_space<vmem_shared>>
      %dma_start3A_977 = arith.constant 0 : i32
      %dma_start3A_978 = tpu.memref_slice %arg5[%add3A_423, %dma_start3A_977] : memref<130560x8xf32, #tpu.memory_space<vmem_shared>> -> memref<1020x8xf32, #tpu.memory_space<vmem_shared>>
      tpu.enqueue_dma source(%arg10 : memref<1020x8xf32, #tpu.memory_space<vmem>>) target(%dma_start3A_978 : memref<1020x8xf32, #tpu.memory_space<vmem_shared>>) target_semaphore(%run_scoped3A : memref<!tpu.dma_semaphore, #tpu.memory_space<semaphore_mem>>)
      %dma_wait3A_979 = arith.constant 0 : i32
      %dma_wait3A_980 = tpu.memref_slice %arg5[%add3A_423, %dma_wait3A_979] : memref<130560x8xf32, #tpu.memory_space<vmem_shared>> -> memref<1020x8xf32, #tpu.memory_space<vmem_shared>>
      %dma_wait3A_981 = arith.constant 0 : i32
      %dma_wait3A_982 = tpu.memref_slice %arg5[%add3A_423, %dma_wait3A_981] : memref<130560x8xf32, #tpu.memory_space<vmem_shared>> -> memref<1020x8xf32, #tpu.memory_space<vmem_shared>>
      tpu.wait_dma2 semaphore(%run_scoped3A : memref<!tpu.dma_semaphore, #tpu.memory_space<semaphore_mem>>) src(%arg10 : memref<1020x8xf32, #tpu.memory_space<vmem>>) dst(%dma_wait3A_982 : memref<1020x8xf32, #tpu.memory_space<vmem_shared>>)
      tpu.yield
    }) : () -> ()
    %barrier3A_424 = arith.constant 0 : index
    tpu.barrier barrier_id(%barrier3A_424)
    %mul3A_425 = arith.constant 31152 : i32
    %mul3A_426 = arith.muli %arg1, %mul3A_425 : i32
    %add3A_427 = arith.constant 0 : i32
    %add3A_428 = arith.addi %mul3A_426, %add3A_427 : i32
    %dma_start3A_429 = tpu.memref_slice %arg3[%add3A_428] : memref<498688xi32, #tpu.memory_space<hbm>> -> memref<2832xi32, #tpu.memory_space<hbm>>
    %dma_start3A_430 = tpu.memref_slice %arg3[%add3A_428] : memref<498688xi32, #tpu.memory_space<hbm>> -> memref<2832xi32, #tpu.memory_space<hbm>>
    tpu.enqueue_dma source(%dma_start3A_430 : memref<2832xi32, #tpu.memory_space<hbm>>) target(%arg8 : memref<2832xi32, #tpu.memory_space<vmem>>) target_semaphore(%arg13 : memref<!tpu.dma_semaphore, #tpu.memory_space<semaphore_mem>>)
    %mul3A_431 = arith.constant 8 : i32
    %mul3A_432 = arith.muli %add3A_391, %mul3A_431 : i32
    %dma_start3A_433 = tpu.memref_slice %arg2[%add3A_428, %mul3A_432] : memref<498432x80xf32, #tpu.memory_space<hbm>> -> memref<2832x8xf32, #tpu.memory_space<hbm>>
    %dma_start3A_434 = tpu.memref_slice %arg2[%add3A_428, %mul3A_432] : memref<498432x80xf32, #tpu.memory_space<hbm>> -> memref<2832x8xf32, #tpu.memory_space<hbm>>
    tpu.enqueue_dma source(%dma_start3A_434 : memref<2832x8xf32, #tpu.memory_space<hbm>>) target(%arg6 : memref<2832x8xf32, #tpu.memory_space<vmem>>) target_semaphore(%arg11 : memref<!tpu.dma_semaphore, #tpu.memory_space<semaphore_mem>>)
    %dma_wait3A_435 = tpu.memref_slice %arg3[%add3A_428] : memref<498688xi32, #tpu.memory_space<hbm>> -> memref<2832xi32, #tpu.memory_space<hbm>>
    %dma_wait3A_436 = tpu.memref_slice %arg3[%add3A_428] : memref<498688xi32, #tpu.memory_space<hbm>> -> memref<2832xi32, #tpu.memory_space<hbm>>
    tpu.wait_dma2 semaphore(%arg13 : memref<!tpu.dma_semaphore, #tpu.memory_space<semaphore_mem>>) src(%dma_wait3A_436 : memref<2832xi32, #tpu.memory_space<hbm>>) dst(%arg8 : memref<2832xi32, #tpu.memory_space<vmem>>)
    %dma_wait3A_437 = tpu.memref_slice %arg2[%add3A_428, %mul3A_432] : memref<498432x80xf32, #tpu.memory_space<hbm>> -> memref<2832x8xf32, #tpu.memory_space<hbm>>
    %dma_wait3A_438 = tpu.memref_slice %arg2[%add3A_428, %mul3A_432] : memref<498432x80xf32, #tpu.memory_space<hbm>> -> memref<2832x8xf32, #tpu.memory_space<hbm>>
    tpu.wait_dma2 semaphore(%arg11 : memref<!tpu.dma_semaphore, #tpu.memory_space<semaphore_mem>>) src(%dma_wait3A_438 : memref<2832x8xf32, #tpu.memory_space<hbm>>) dst(%arg6 : memref<2832x8xf32, #tpu.memory_space<vmem>>)
    %mul3A_439 = arith.constant 31152 : i32
    %mul3A_440 = arith.muli %arg1, %mul3A_439 : i32
    %add3A_441 = arith.constant 2832 : i32
    %add3A_442 = arith.addi %mul3A_440, %add3A_441 : i32
    %dma_start3A_443 = tpu.memref_slice %arg3[%add3A_442] : memref<498688xi32, #tpu.memory_space<hbm>> -> memref<2832xi32, #tpu.memory_space<hbm>>
    %dma_start3A_444 = tpu.memref_slice %arg3[%add3A_442] : memref<498688xi32, #tpu.memory_space<hbm>> -> memref<2832xi32, #tpu.memory_space<hbm>>
    tpu.enqueue_dma source(%dma_start3A_444 : memref<2832xi32, #tpu.memory_space<hbm>>) target(%arg9 : memref<2832xi32, #tpu.memory_space<vmem>>) target_semaphore(%arg14 : memref<!tpu.dma_semaphore, #tpu.memory_space<semaphore_mem>>)
    %mul3A_445 = arith.constant 8 : i32
    %mul3A_446 = arith.muli %add3A_391, %mul3A_445 : i32
    %dma_start3A_447 = tpu.memref_slice %arg2[%add3A_442, %mul3A_446] : memref<498432x80xf32, #tpu.memory_space<hbm>> -> memref<2832x8xf32, #tpu.memory_space<hbm>>
    %dma_start3A_448 = tpu.memref_slice %arg2[%add3A_442, %mul3A_446] : memref<498432x80xf32, #tpu.memory_space<hbm>> -> memref<2832x8xf32, #tpu.memory_space<hbm>>
    tpu.enqueue_dma source(%dma_start3A_448 : memref<2832x8xf32, #tpu.memory_space<hbm>>) target(%arg7 : memref<2832x8xf32, #tpu.memory_space<vmem>>) target_semaphore(%arg12 : memref<!tpu.dma_semaphore, #tpu.memory_space<semaphore_mem>>)
    "tpu.region"() ({
      %run_scoped3A = tpu.sem_alloc : memref<!tpu.dma_semaphore, #tpu.memory_space<semaphore_mem>>
      %dma_start3A_975 = arith.constant 0 : i32
      %dma_start3A_976 = arith.constant 0 : i32
      %dma_start3A_977 = tpu.memref_slice %arg5[%dma_start3A_975, %dma_start3A_976] : memref<130560x8xf32, #tpu.memory_space<vmem_shared>> -> memref<130560x8xf32, #tpu.memory_space<vmem_shared>>
      tpu.enqueue_indirect_dma source(%arg6 : memref<2832x8xf32, #tpu.memory_space<vmem>>) target(%dma_start3A_977 : memref<130560x8xf32, #tpu.memory_space<vmem_shared>>) offsets(%arg8 : memref<2832xi32, #tpu.memory_space<vmem>>) semaphore(%run_scoped3A : memref<!tpu.dma_semaphore, #tpu.memory_space<semaphore_mem>>) {add = true}
      %dma_wait3A_978 = arith.constant 0 : i32
      %dma_wait3A_979 = arith.constant 0 : i32
      %dma_wait3A_980 = tpu.memref_slice %arg5[%dma_wait3A_978, %dma_wait3A_979] : memref<130560x8xf32, #tpu.memory_space<vmem_shared>> -> memref<130560x8xf32, #tpu.memory_space<vmem_shared>>
      tpu.wait_indirect_dma semaphore(%run_scoped3A : memref<!tpu.dma_semaphore, #tpu.memory_space<semaphore_mem>>) src(%arg6 : memref<2832x8xf32, #tpu.memory_space<vmem>>) dst(%dma_wait3A_980 : memref<130560x8xf32, #tpu.memory_space<vmem_shared>>)
      tpu.yield
    }) : () -> ()
    %dma_wait3A_449 = tpu.memref_slice %arg3[%add3A_442] : memref<498688xi32, #tpu.memory_space<hbm>> -> memref<2832xi32, #tpu.memory_space<hbm>>
    %dma_wait3A_450 = tpu.memref_slice %arg3[%add3A_442] : memref<498688xi32, #tpu.memory_space<hbm>> -> memref<2832xi32, #tpu.memory_space<hbm>>
    tpu.wait_dma2 semaphore(%arg14 : memref<!tpu.dma_semaphore, #tpu.memory_space<semaphore_mem>>) src(%dma_wait3A_450 : memref<2832xi32, #tpu.memory_space<hbm>>) dst(%arg9 : memref<2832xi32, #tpu.memory_space<vmem>>)
    %dma_wait3A_451 = tpu.memref_slice %arg2[%add3A_442, %mul3A_446] : memref<498432x80xf32, #tpu.memory_space<hbm>> -> memref<2832x8xf32, #tpu.memory_space<hbm>>
    %dma_wait3A_452 = tpu.memref_slice %arg2[%add3A_442, %mul3A_446] : memref<498432x80xf32, #tpu.memory_space<hbm>> -> memref<2832x8xf32, #tpu.memory_space<hbm>>
    tpu.wait_dma2 semaphore(%arg12 : memref<!tpu.dma_semaphore, #tpu.memory_space<semaphore_mem>>) src(%dma_wait3A_452 : memref<2832x8xf32, #tpu.memory_space<hbm>>) dst(%arg7 : memref<2832x8xf32, #tpu.memory_space<vmem>>)
    %mul3A_453 = arith.constant 31152 : i32
    %mul3A_454 = arith.muli %arg1, %mul3A_453 : i32
    %add3A_455 = arith.constant 5664 : i32
    %add3A_456 = arith.addi %mul3A_454, %add3A_455 : i32
    %dma_start3A_457 = tpu.memref_slice %arg3[%add3A_456] : memref<498688xi32, #tpu.memory_space<hbm>> -> memref<2832xi32, #tpu.memory_space<hbm>>
    %dma_start3A_458 = tpu.memref_slice %arg3[%add3A_456] : memref<498688xi32, #tpu.memory_space<hbm>> -> memref<2832xi32, #tpu.memory_space<hbm>>
    tpu.enqueue_dma source(%dma_start3A_458 : memref<2832xi32, #tpu.memory_space<hbm>>) target(%arg8 : memref<2832xi32, #tpu.memory_space<vmem>>) target_semaphore(%arg13 : memref<!tpu.dma_semaphore, #tpu.memory_space<semaphore_mem>>)
    %mul3A_459 = arith.constant 8 : i32
    %mul3A_460 = arith.muli %add3A_391, %mul3A_459 : i32
    %dma_start3A_461 = tpu.memref_slice %arg2[%add3A_456, %mul3A_460] : memref<498432x80xf32, #tpu.memory_space<hbm>> -> memref<2832x8xf32, #tpu.memory_space<hbm>>
    %dma_start3A_462 = tpu.memref_slice %arg2[%add3A_456, %mul3A_460] : memref<498432x80xf32, #tpu.memory_space<hbm>> -> memref<2832x8xf32, #tpu.memory_space<hbm>>
    tpu.enqueue_dma source(%dma_start3A_462 : memref<2832x8xf32, #tpu.memory_space<hbm>>) target(%arg6 : memref<2832x8xf32, #tpu.memory_space<vmem>>) target_semaphore(%arg11 : memref<!tpu.dma_semaphore, #tpu.memory_space<semaphore_mem>>)
    "tpu.region"() ({
      %run_scoped3A = tpu.sem_alloc : memref<!tpu.dma_semaphore, #tpu.memory_space<semaphore_mem>>
      %dma_start3A_975 = arith.constant 0 : i32
      %dma_start3A_976 = arith.constant 0 : i32
      %dma_start3A_977 = tpu.memref_slice %arg5[%dma_start3A_975, %dma_start3A_976] : memref<130560x8xf32, #tpu.memory_space<vmem_shared>> -> memref<130560x8xf32, #tpu.memory_space<vmem_shared>>
      tpu.enqueue_indirect_dma source(%arg7 : memref<2832x8xf32, #tpu.memory_space<vmem>>) target(%dma_start3A_977 : memref<130560x8xf32, #tpu.memory_space<vmem_shared>>) offsets(%arg9 : memref<2832xi32, #tpu.memory_space<vmem>>) semaphore(%run_scoped3A : memref<!tpu.dma_semaphore, #tpu.memory_space<semaphore_mem>>) {add = true}
      %dma_wait3A_978 = arith.constant 0 : i32
      %dma_wait3A_979 = arith.constant 0 : i32
      %dma_wait3A_980 = tpu.memref_slice %arg5[%dma_wait3A_978, %dma_wait3A_979] : memref<130560x8xf32, #tpu.memory_space<vmem_shared>> -> memref<130560x8xf32, #tpu.memory_space<vmem_shared>>
      tpu.wait_indirect_dma semaphore(%run_scoped3A : memref<!tpu.dma_semaphore, #tpu.memory_space<semaphore_mem>>) src(%arg7 : memref<2832x8xf32, #tpu.memory_space<vmem>>) dst(%dma_wait3A_980 : memref<130560x8xf32, #tpu.memory_space<vmem_shared>>)
      tpu.yield
    }) : () -> ()
    %dma_wait3A_463 = tpu.memref_slice %arg3[%add3A_456] : memref<498688xi32, #tpu.memory_space<hbm>> -> memref<2832xi32, #tpu.memory_space<hbm>>
    %dma_wait3A_464 = tpu.memref_slice %arg3[%add3A_456] : memref<498688xi32, #tpu.memory_space<hbm>> -> memref<2832xi32, #tpu.memory_space<hbm>>
    tpu.wait_dma2 semaphore(%arg13 : memref<!tpu.dma_semaphore, #tpu.memory_space<semaphore_mem>>) src(%dma_wait3A_464 : memref<2832xi32, #tpu.memory_space<hbm>>) dst(%arg8 : memref<2832xi32, #tpu.memory_space<vmem>>)
    %dma_wait3A_465 = tpu.memref_slice %arg2[%add3A_456, %mul3A_460] : memref<498432x80xf32, #tpu.memory_space<hbm>> -> memref<2832x8xf32, #tpu.memory_space<hbm>>
    %dma_wait3A_466 = tpu.memref_slice %arg2[%add3A_456, %mul3A_460] : memref<498432x80xf32, #tpu.memory_space<hbm>> -> memref<2832x8xf32, #tpu.memory_space<hbm>>
    tpu.wait_dma2 semaphore(%arg11 : memref<!tpu.dma_semaphore, #tpu.memory_space<semaphore_mem>>) src(%dma_wait3A_466 : memref<2832x8xf32, #tpu.memory_space<hbm>>) dst(%arg6 : memref<2832x8xf32, #tpu.memory_space<vmem>>)
    %mul3A_467 = arith.constant 31152 : i32
    %mul3A_468 = arith.muli %arg1, %mul3A_467 : i32
    %add3A_469 = arith.constant 8496 : i32
    %add3A_470 = arith.addi %mul3A_468, %add3A_469 : i32
    %dma_start3A_471 = tpu.memref_slice %arg3[%add3A_470] : memref<498688xi32, #tpu.memory_space<hbm>> -> memref<2832xi32, #tpu.memory_space<hbm>>
    %dma_start3A_472 = tpu.memref_slice %arg3[%add3A_470] : memref<498688xi32, #tpu.memory_space<hbm>> -> memref<2832xi32, #tpu.memory_space<hbm>>
    tpu.enqueue_dma source(%dma_start3A_472 : memref<2832xi32, #tpu.memory_space<hbm>>) target(%arg9 : memref<2832xi32, #tpu.memory_space<vmem>>) target_semaphore(%arg14 : memref<!tpu.dma_semaphore, #tpu.memory_space<semaphore_mem>>)
    %mul3A_473 = arith.constant 8 : i32
    %mul3A_474 = arith.muli %add3A_391, %mul3A_473 : i32
    %dma_start3A_475 = tpu.memref_slice %arg2[%add3A_470, %mul3A_474] : memref<498432x80xf32, #tpu.memory_space<hbm>> -> memref<2832x8xf32, #tpu.memory_space<hbm>>
    %dma_start3A_476 = tpu.memref_slice %arg2[%add3A_470, %mul3A_474] : memref<498432x80xf32, #tpu.memory_space<hbm>> -> memref<2832x8xf32, #tpu.memory_space<hbm>>
    tpu.enqueue_dma source(%dma_start3A_476 : memref<2832x8xf32, #tpu.memory_space<hbm>>) target(%arg7 : memref<2832x8xf32, #tpu.memory_space<vmem>>) target_semaphore(%arg12 : memref<!tpu.dma_semaphore, #tpu.memory_space<semaphore_mem>>)
    "tpu.region"() ({
      %run_scoped3A = tpu.sem_alloc : memref<!tpu.dma_semaphore, #tpu.memory_space<semaphore_mem>>
      %dma_start3A_975 = arith.constant 0 : i32
      %dma_start3A_976 = arith.constant 0 : i32
      %dma_start3A_977 = tpu.memref_slice %arg5[%dma_start3A_975, %dma_start3A_976] : memref<130560x8xf32, #tpu.memory_space<vmem_shared>> -> memref<130560x8xf32, #tpu.memory_space<vmem_shared>>
      tpu.enqueue_indirect_dma source(%arg6 : memref<2832x8xf32, #tpu.memory_space<vmem>>) target(%dma_start3A_977 : memref<130560x8xf32, #tpu.memory_space<vmem_shared>>) offsets(%arg8 : memref<2832xi32, #tpu.memory_space<vmem>>) semaphore(%run_scoped3A : memref<!tpu.dma_semaphore, #tpu.memory_space<semaphore_mem>>) {add = true}
      %dma_wait3A_978 = arith.constant 0 : i32
      %dma_wait3A_979 = arith.constant 0 : i32
      %dma_wait3A_980 = tpu.memref_slice %arg5[%dma_wait3A_978, %dma_wait3A_979] : memref<130560x8xf32, #tpu.memory_space<vmem_shared>> -> memref<130560x8xf32, #tpu.memory_space<vmem_shared>>
      tpu.wait_indirect_dma semaphore(%run_scoped3A : memref<!tpu.dma_semaphore, #tpu.memory_space<semaphore_mem>>) src(%arg6 : memref<2832x8xf32, #tpu.memory_space<vmem>>) dst(%dma_wait3A_980 : memref<130560x8xf32, #tpu.memory_space<vmem_shared>>)
      tpu.yield
    }) : () -> ()
    %dma_wait3A_477 = tpu.memref_slice %arg3[%add3A_470] : memref<498688xi32, #tpu.memory_space<hbm>> -> memref<2832xi32, #tpu.memory_space<hbm>>
    %dma_wait3A_478 = tpu.memref_slice %arg3[%add3A_470] : memref<498688xi32, #tpu.memory_space<hbm>> -> memref<2832xi32, #tpu.memory_space<hbm>>
    tpu.wait_dma2 semaphore(%arg14 : memref<!tpu.dma_semaphore, #tpu.memory_space<semaphore_mem>>) src(%dma_wait3A_478 : memref<2832xi32, #tpu.memory_space<hbm>>) dst(%arg9 : memref<2832xi32, #tpu.memory_space<vmem>>)
    %dma_wait3A_479 = tpu.memref_slice %arg2[%add3A_470, %mul3A_474] : memref<498432x80xf32, #tpu.memory_space<hbm>> -> memref<2832x8xf32, #tpu.memory_space<hbm>>
    %dma_wait3A_480 = tpu.memref_slice %arg2[%add3A_470, %mul3A_474] : memref<498432x80xf32, #tpu.memory_space<hbm>> -> memref<2832x8xf32, #tpu.memory_space<hbm>>
    tpu.wait_dma2 semaphore(%arg12 : memref<!tpu.dma_semaphore, #tpu.memory_space<semaphore_mem>>) src(%dma_wait3A_480 : memref<2832x8xf32, #tpu.memory_space<hbm>>) dst(%arg7 : memref<2832x8xf32, #tpu.memory_space<vmem>>)
    %mul3A_481 = arith.constant 31152 : i32
    %mul3A_482 = arith.muli %arg1, %mul3A_481 : i32
    %add3A_483 = arith.constant 11328 : i32
    %add3A_484 = arith.addi %mul3A_482, %add3A_483 : i32
    %dma_start3A_485 = tpu.memref_slice %arg3[%add3A_484] : memref<498688xi32, #tpu.memory_space<hbm>> -> memref<2832xi32, #tpu.memory_space<hbm>>
    %dma_start3A_486 = tpu.memref_slice %arg3[%add3A_484] : memref<498688xi32, #tpu.memory_space<hbm>> -> memref<2832xi32, #tpu.memory_space<hbm>>
    tpu.enqueue_dma source(%dma_start3A_486 : memref<2832xi32, #tpu.memory_space<hbm>>) target(%arg8 : memref<2832xi32, #tpu.memory_space<vmem>>) target_semaphore(%arg13 : memref<!tpu.dma_semaphore, #tpu.memory_space<semaphore_mem>>)
    %mul3A_487 = arith.constant 8 : i32
    %mul3A_488 = arith.muli %add3A_391, %mul3A_487 : i32
    %dma_start3A_489 = tpu.memref_slice %arg2[%add3A_484, %mul3A_488] : memref<498432x80xf32, #tpu.memory_space<hbm>> -> memref<2832x8xf32, #tpu.memory_space<hbm>>
    %dma_start3A_490 = tpu.memref_slice %arg2[%add3A_484, %mul3A_488] : memref<498432x80xf32, #tpu.memory_space<hbm>> -> memref<2832x8xf32, #tpu.memory_space<hbm>>
    tpu.enqueue_dma source(%dma_start3A_490 : memref<2832x8xf32, #tpu.memory_space<hbm>>) target(%arg6 : memref<2832x8xf32, #tpu.memory_space<vmem>>) target_semaphore(%arg11 : memref<!tpu.dma_semaphore, #tpu.memory_space<semaphore_mem>>)
    "tpu.region"() ({
      %run_scoped3A = tpu.sem_alloc : memref<!tpu.dma_semaphore, #tpu.memory_space<semaphore_mem>>
      %dma_start3A_975 = arith.constant 0 : i32
      %dma_start3A_976 = arith.constant 0 : i32
      %dma_start3A_977 = tpu.memref_slice %arg5[%dma_start3A_975, %dma_start3A_976] : memref<130560x8xf32, #tpu.memory_space<vmem_shared>> -> memref<130560x8xf32, #tpu.memory_space<vmem_shared>>
      tpu.enqueue_indirect_dma source(%arg7 : memref<2832x8xf32, #tpu.memory_space<vmem>>) target(%dma_start3A_977 : memref<130560x8xf32, #tpu.memory_space<vmem_shared>>) offsets(%arg9 : memref<2832xi32, #tpu.memory_space<vmem>>) semaphore(%run_scoped3A : memref<!tpu.dma_semaphore, #tpu.memory_space<semaphore_mem>>) {add = true}
      %dma_wait3A_978 = arith.constant 0 : i32
      %dma_wait3A_979 = arith.constant 0 : i32
      %dma_wait3A_980 = tpu.memref_slice %arg5[%dma_wait3A_978, %dma_wait3A_979] : memref<130560x8xf32, #tpu.memory_space<vmem_shared>> -> memref<130560x8xf32, #tpu.memory_space<vmem_shared>>
      tpu.wait_indirect_dma semaphore(%run_scoped3A : memref<!tpu.dma_semaphore, #tpu.memory_space<semaphore_mem>>) src(%arg7 : memref<2832x8xf32, #tpu.memory_space<vmem>>) dst(%dma_wait3A_980 : memref<130560x8xf32, #tpu.memory_space<vmem_shared>>)
      tpu.yield
    }) : () -> ()
    %dma_wait3A_491 = tpu.memref_slice %arg3[%add3A_484] : memref<498688xi32, #tpu.memory_space<hbm>> -> memref<2832xi32, #tpu.memory_space<hbm>>
    %dma_wait3A_492 = tpu.memref_slice %arg3[%add3A_484] : memref<498688xi32, #tpu.memory_space<hbm>> -> memref<2832xi32, #tpu.memory_space<hbm>>
    tpu.wait_dma2 semaphore(%arg13 : memref<!tpu.dma_semaphore, #tpu.memory_space<semaphore_mem>>) src(%dma_wait3A_492 : memref<2832xi32, #tpu.memory_space<hbm>>) dst(%arg8 : memref<2832xi32, #tpu.memory_space<vmem>>)
    %dma_wait3A_493 = tpu.memref_slice %arg2[%add3A_484, %mul3A_488] : memref<498432x80xf32, #tpu.memory_space<hbm>> -> memref<2832x8xf32, #tpu.memory_space<hbm>>
    %dma_wait3A_494 = tpu.memref_slice %arg2[%add3A_484, %mul3A_488] : memref<498432x80xf32, #tpu.memory_space<hbm>> -> memref<2832x8xf32, #tpu.memory_space<hbm>>
    tpu.wait_dma2 semaphore(%arg11 : memref<!tpu.dma_semaphore, #tpu.memory_space<semaphore_mem>>) src(%dma_wait3A_494 : memref<2832x8xf32, #tpu.memory_space<hbm>>) dst(%arg6 : memref<2832x8xf32, #tpu.memory_space<vmem>>)
    %mul3A_495 = arith.constant 31152 : i32
    %mul3A_496 = arith.muli %arg1, %mul3A_495 : i32
    %add3A_497 = arith.constant 14160 : i32
    %add3A_498 = arith.addi %mul3A_496, %add3A_497 : i32
    %dma_start3A_499 = tpu.memref_slice %arg3[%add3A_498] : memref<498688xi32, #tpu.memory_space<hbm>> -> memref<2832xi32, #tpu.memory_space<hbm>>
    %dma_start3A_500 = tpu.memref_slice %arg3[%add3A_498] : memref<498688xi32, #tpu.memory_space<hbm>> -> memref<2832xi32, #tpu.memory_space<hbm>>
    tpu.enqueue_dma source(%dma_start3A_500 : memref<2832xi32, #tpu.memory_space<hbm>>) target(%arg9 : memref<2832xi32, #tpu.memory_space<vmem>>) target_semaphore(%arg14 : memref<!tpu.dma_semaphore, #tpu.memory_space<semaphore_mem>>)
    %mul3A_501 = arith.constant 8 : i32
    %mul3A_502 = arith.muli %add3A_391, %mul3A_501 : i32
    %dma_start3A_503 = tpu.memref_slice %arg2[%add3A_498, %mul3A_502] : memref<498432x80xf32, #tpu.memory_space<hbm>> -> memref<2832x8xf32, #tpu.memory_space<hbm>>
    %dma_start3A_504 = tpu.memref_slice %arg2[%add3A_498, %mul3A_502] : memref<498432x80xf32, #tpu.memory_space<hbm>> -> memref<2832x8xf32, #tpu.memory_space<hbm>>
    tpu.enqueue_dma source(%dma_start3A_504 : memref<2832x8xf32, #tpu.memory_space<hbm>>) target(%arg7 : memref<2832x8xf32, #tpu.memory_space<vmem>>) target_semaphore(%arg12 : memref<!tpu.dma_semaphore, #tpu.memory_space<semaphore_mem>>)
    "tpu.region"() ({
      %run_scoped3A = tpu.sem_alloc : memref<!tpu.dma_semaphore, #tpu.memory_space<semaphore_mem>>
      %dma_start3A_975 = arith.constant 0 : i32
      %dma_start3A_976 = arith.constant 0 : i32
      %dma_start3A_977 = tpu.memref_slice %arg5[%dma_start3A_975, %dma_start3A_976] : memref<130560x8xf32, #tpu.memory_space<vmem_shared>> -> memref<130560x8xf32, #tpu.memory_space<vmem_shared>>
      tpu.enqueue_indirect_dma source(%arg6 : memref<2832x8xf32, #tpu.memory_space<vmem>>) target(%dma_start3A_977 : memref<130560x8xf32, #tpu.memory_space<vmem_shared>>) offsets(%arg8 : memref<2832xi32, #tpu.memory_space<vmem>>) semaphore(%run_scoped3A : memref<!tpu.dma_semaphore, #tpu.memory_space<semaphore_mem>>) {add = true}
      %dma_wait3A_978 = arith.constant 0 : i32
      %dma_wait3A_979 = arith.constant 0 : i32
      %dma_wait3A_980 = tpu.memref_slice %arg5[%dma_wait3A_978, %dma_wait3A_979] : memref<130560x8xf32, #tpu.memory_space<vmem_shared>> -> memref<130560x8xf32, #tpu.memory_space<vmem_shared>>
      tpu.wait_indirect_dma semaphore(%run_scoped3A : memref<!tpu.dma_semaphore, #tpu.memory_space<semaphore_mem>>) src(%arg6 : memref<2832x8xf32, #tpu.memory_space<vmem>>) dst(%dma_wait3A_980 : memref<130560x8xf32, #tpu.memory_space<vmem_shared>>)
      tpu.yield
    }) : () -> ()
    %dma_wait3A_505 = tpu.memref_slice %arg3[%add3A_498] : memref<498688xi32, #tpu.memory_space<hbm>> -> memref<2832xi32, #tpu.memory_space<hbm>>
    %dma_wait3A_506 = tpu.memref_slice %arg3[%add3A_498] : memref<498688xi32, #tpu.memory_space<hbm>> -> memref<2832xi32, #tpu.memory_space<hbm>>
    tpu.wait_dma2 semaphore(%arg14 : memref<!tpu.dma_semaphore, #tpu.memory_space<semaphore_mem>>) src(%dma_wait3A_506 : memref<2832xi32, #tpu.memory_space<hbm>>) dst(%arg9 : memref<2832xi32, #tpu.memory_space<vmem>>)
    %dma_wait3A_507 = tpu.memref_slice %arg2[%add3A_498, %mul3A_502] : memref<498432x80xf32, #tpu.memory_space<hbm>> -> memref<2832x8xf32, #tpu.memory_space<hbm>>
    %dma_wait3A_508 = tpu.memref_slice %arg2[%add3A_498, %mul3A_502] : memref<498432x80xf32, #tpu.memory_space<hbm>> -> memref<2832x8xf32, #tpu.memory_space<hbm>>
    tpu.wait_dma2 semaphore(%arg12 : memref<!tpu.dma_semaphore, #tpu.memory_space<semaphore_mem>>) src(%dma_wait3A_508 : memref<2832x8xf32, #tpu.memory_space<hbm>>) dst(%arg7 : memref<2832x8xf32, #tpu.memory_space<vmem>>)
    %mul3A_509 = arith.constant 31152 : i32
    %mul3A_510 = arith.muli %arg1, %mul3A_509 : i32
    %add3A_511 = arith.constant 16992 : i32
    %add3A_512 = arith.addi %mul3A_510, %add3A_511 : i32
    %dma_start3A_513 = tpu.memref_slice %arg3[%add3A_512] : memref<498688xi32, #tpu.memory_space<hbm>> -> memref<2832xi32, #tpu.memory_space<hbm>>
    %dma_start3A_514 = tpu.memref_slice %arg3[%add3A_512] : memref<498688xi32, #tpu.memory_space<hbm>> -> memref<2832xi32, #tpu.memory_space<hbm>>
    tpu.enqueue_dma source(%dma_start3A_514 : memref<2832xi32, #tpu.memory_space<hbm>>) target(%arg8 : memref<2832xi32, #tpu.memory_space<vmem>>) target_semaphore(%arg13 : memref<!tpu.dma_semaphore, #tpu.memory_space<semaphore_mem>>)
    %mul3A_515 = arith.constant 8 : i32
    %mul3A_516 = arith.muli %add3A_391, %mul3A_515 : i32
    %dma_start3A_517 = tpu.memref_slice %arg2[%add3A_512, %mul3A_516] : memref<498432x80xf32, #tpu.memory_space<hbm>> -> memref<2832x8xf32, #tpu.memory_space<hbm>>
    %dma_start3A_518 = tpu.memref_slice %arg2[%add3A_512, %mul3A_516] : memref<498432x80xf32, #tpu.memory_space<hbm>> -> memref<2832x8xf32, #tpu.memory_space<hbm>>
    tpu.enqueue_dma source(%dma_start3A_518 : memref<2832x8xf32, #tpu.memory_space<hbm>>) target(%arg6 : memref<2832x8xf32, #tpu.memory_space<vmem>>) target_semaphore(%arg11 : memref<!tpu.dma_semaphore, #tpu.memory_space<semaphore_mem>>)
    "tpu.region"() ({
      %run_scoped3A = tpu.sem_alloc : memref<!tpu.dma_semaphore, #tpu.memory_space<semaphore_mem>>
      %dma_start3A_975 = arith.constant 0 : i32
      %dma_start3A_976 = arith.constant 0 : i32
      %dma_start3A_977 = tpu.memref_slice %arg5[%dma_start3A_975, %dma_start3A_976] : memref<130560x8xf32, #tpu.memory_space<vmem_shared>> -> memref<130560x8xf32, #tpu.memory_space<vmem_shared>>
      tpu.enqueue_indirect_dma source(%arg7 : memref<2832x8xf32, #tpu.memory_space<vmem>>) target(%dma_start3A_977 : memref<130560x8xf32, #tpu.memory_space<vmem_shared>>) offsets(%arg9 : memref<2832xi32, #tpu.memory_space<vmem>>) semaphore(%run_scoped3A : memref<!tpu.dma_semaphore, #tpu.memory_space<semaphore_mem>>) {add = true}
      %dma_wait3A_978 = arith.constant 0 : i32
      %dma_wait3A_979 = arith.constant 0 : i32
      %dma_wait3A_980 = tpu.memref_slice %arg5[%dma_wait3A_978, %dma_wait3A_979] : memref<130560x8xf32, #tpu.memory_space<vmem_shared>> -> memref<130560x8xf32, #tpu.memory_space<vmem_shared>>
      tpu.wait_indirect_dma semaphore(%run_scoped3A : memref<!tpu.dma_semaphore, #tpu.memory_space<semaphore_mem>>) src(%arg7 : memref<2832x8xf32, #tpu.memory_space<vmem>>) dst(%dma_wait3A_980 : memref<130560x8xf32, #tpu.memory_space<vmem_shared>>)
      tpu.yield
    }) : () -> ()
    %dma_wait3A_519 = tpu.memref_slice %arg3[%add3A_512] : memref<498688xi32, #tpu.memory_space<hbm>> -> memref<2832xi32, #tpu.memory_space<hbm>>
    %dma_wait3A_520 = tpu.memref_slice %arg3[%add3A_512] : memref<498688xi32, #tpu.memory_space<hbm>> -> memref<2832xi32, #tpu.memory_space<hbm>>
    tpu.wait_dma2 semaphore(%arg13 : memref<!tpu.dma_semaphore, #tpu.memory_space<semaphore_mem>>) src(%dma_wait3A_520 : memref<2832xi32, #tpu.memory_space<hbm>>) dst(%arg8 : memref<2832xi32, #tpu.memory_space<vmem>>)
    %dma_wait3A_521 = tpu.memref_slice %arg2[%add3A_512, %mul3A_516] : memref<498432x80xf32, #tpu.memory_space<hbm>> -> memref<2832x8xf32, #tpu.memory_space<hbm>>
    %dma_wait3A_522 = tpu.memref_slice %arg2[%add3A_512, %mul3A_516] : memref<498432x80xf32, #tpu.memory_space<hbm>> -> memref<2832x8xf32, #tpu.memory_space<hbm>>
    tpu.wait_dma2 semaphore(%arg11 : memref<!tpu.dma_semaphore, #tpu.memory_space<semaphore_mem>>) src(%dma_wait3A_522 : memref<2832x8xf32, #tpu.memory_space<hbm>>) dst(%arg6 : memref<2832x8xf32, #tpu.memory_space<vmem>>)
    %mul3A_523 = arith.constant 31152 : i32
    %mul3A_524 = arith.muli %arg1, %mul3A_523 : i32
    %add3A_525 = arith.constant 19824 : i32
    %add3A_526 = arith.addi %mul3A_524, %add3A_525 : i32
    %dma_start3A_527 = tpu.memref_slice %arg3[%add3A_526] : memref<498688xi32, #tpu.memory_space<hbm>> -> memref<2832xi32, #tpu.memory_space<hbm>>
    %dma_start3A_528 = tpu.memref_slice %arg3[%add3A_526] : memref<498688xi32, #tpu.memory_space<hbm>> -> memref<2832xi32, #tpu.memory_space<hbm>>
    tpu.enqueue_dma source(%dma_start3A_528 : memref<2832xi32, #tpu.memory_space<hbm>>) target(%arg9 : memref<2832xi32, #tpu.memory_space<vmem>>) target_semaphore(%arg14 : memref<!tpu.dma_semaphore, #tpu.memory_space<semaphore_mem>>)
    %mul3A_529 = arith.constant 8 : i32
    %mul3A_530 = arith.muli %add3A_391, %mul3A_529 : i32
    %dma_start3A_531 = tpu.memref_slice %arg2[%add3A_526, %mul3A_530] : memref<498432x80xf32, #tpu.memory_space<hbm>> -> memref<2832x8xf32, #tpu.memory_space<hbm>>
    %dma_start3A_532 = tpu.memref_slice %arg2[%add3A_526, %mul3A_530] : memref<498432x80xf32, #tpu.memory_space<hbm>> -> memref<2832x8xf32, #tpu.memory_space<hbm>>
    tpu.enqueue_dma source(%dma_start3A_532 : memref<2832x8xf32, #tpu.memory_space<hbm>>) target(%arg7 : memref<2832x8xf32, #tpu.memory_space<vmem>>) target_semaphore(%arg12 : memref<!tpu.dma_semaphore, #tpu.memory_space<semaphore_mem>>)
    "tpu.region"() ({
      %run_scoped3A = tpu.sem_alloc : memref<!tpu.dma_semaphore, #tpu.memory_space<semaphore_mem>>
      %dma_start3A_975 = arith.constant 0 : i32
      %dma_start3A_976 = arith.constant 0 : i32
      %dma_start3A_977 = tpu.memref_slice %arg5[%dma_start3A_975, %dma_start3A_976] : memref<130560x8xf32, #tpu.memory_space<vmem_shared>> -> memref<130560x8xf32, #tpu.memory_space<vmem_shared>>
      tpu.enqueue_indirect_dma source(%arg6 : memref<2832x8xf32, #tpu.memory_space<vmem>>) target(%dma_start3A_977 : memref<130560x8xf32, #tpu.memory_space<vmem_shared>>) offsets(%arg8 : memref<2832xi32, #tpu.memory_space<vmem>>) semaphore(%run_scoped3A : memref<!tpu.dma_semaphore, #tpu.memory_space<semaphore_mem>>) {add = true}
      %dma_wait3A_978 = arith.constant 0 : i32
      %dma_wait3A_979 = arith.constant 0 : i32
      %dma_wait3A_980 = tpu.memref_slice %arg5[%dma_wait3A_978, %dma_wait3A_979] : memref<130560x8xf32, #tpu.memory_space<vmem_shared>> -> memref<130560x8xf32, #tpu.memory_space<vmem_shared>>
      tpu.wait_indirect_dma semaphore(%run_scoped3A : memref<!tpu.dma_semaphore, #tpu.memory_space<semaphore_mem>>) src(%arg6 : memref<2832x8xf32, #tpu.memory_space<vmem>>) dst(%dma_wait3A_980 : memref<130560x8xf32, #tpu.memory_space<vmem_shared>>)
      tpu.yield
    }) : () -> ()
    %dma_wait3A_533 = tpu.memref_slice %arg3[%add3A_526] : memref<498688xi32, #tpu.memory_space<hbm>> -> memref<2832xi32, #tpu.memory_space<hbm>>
    %dma_wait3A_534 = tpu.memref_slice %arg3[%add3A_526] : memref<498688xi32, #tpu.memory_space<hbm>> -> memref<2832xi32, #tpu.memory_space<hbm>>
    tpu.wait_dma2 semaphore(%arg14 : memref<!tpu.dma_semaphore, #tpu.memory_space<semaphore_mem>>) src(%dma_wait3A_534 : memref<2832xi32, #tpu.memory_space<hbm>>) dst(%arg9 : memref<2832xi32, #tpu.memory_space<vmem>>)
    %dma_wait3A_535 = tpu.memref_slice %arg2[%add3A_526, %mul3A_530] : memref<498432x80xf32, #tpu.memory_space<hbm>> -> memref<2832x8xf32, #tpu.memory_space<hbm>>
    %dma_wait3A_536 = tpu.memref_slice %arg2[%add3A_526, %mul3A_530] : memref<498432x80xf32, #tpu.memory_space<hbm>> -> memref<2832x8xf32, #tpu.memory_space<hbm>>
    tpu.wait_dma2 semaphore(%arg12 : memref<!tpu.dma_semaphore, #tpu.memory_space<semaphore_mem>>) src(%dma_wait3A_536 : memref<2832x8xf32, #tpu.memory_space<hbm>>) dst(%arg7 : memref<2832x8xf32, #tpu.memory_space<vmem>>)
    %mul3A_537 = arith.constant 31152 : i32
    %mul3A_538 = arith.muli %arg1, %mul3A_537 : i32
    %add3A_539 = arith.constant 22656 : i32
    %add3A_540 = arith.addi %mul3A_538, %add3A_539 : i32
    %dma_start3A_541 = tpu.memref_slice %arg3[%add3A_540] : memref<498688xi32, #tpu.memory_space<hbm>> -> memref<2832xi32, #tpu.memory_space<hbm>>
    %dma_start3A_542 = tpu.memref_slice %arg3[%add3A_540] : memref<498688xi32, #tpu.memory_space<hbm>> -> memref<2832xi32, #tpu.memory_space<hbm>>
    tpu.enqueue_dma source(%dma_start3A_542 : memref<2832xi32, #tpu.memory_space<hbm>>) target(%arg8 : memref<2832xi32, #tpu.memory_space<vmem>>) target_semaphore(%arg13 : memref<!tpu.dma_semaphore, #tpu.memory_space<semaphore_mem>>)
    %mul3A_543 = arith.constant 8 : i32
    %mul3A_544 = arith.muli %add3A_391, %mul3A_543 : i32
    %dma_start3A_545 = tpu.memref_slice %arg2[%add3A_540, %mul3A_544] : memref<498432x80xf32, #tpu.memory_space<hbm>> -> memref<2832x8xf32, #tpu.memory_space<hbm>>
    %dma_start3A_546 = tpu.memref_slice %arg2[%add3A_540, %mul3A_544] : memref<498432x80xf32, #tpu.memory_space<hbm>> -> memref<2832x8xf32, #tpu.memory_space<hbm>>
    tpu.enqueue_dma source(%dma_start3A_546 : memref<2832x8xf32, #tpu.memory_space<hbm>>) target(%arg6 : memref<2832x8xf32, #tpu.memory_space<vmem>>) target_semaphore(%arg11 : memref<!tpu.dma_semaphore, #tpu.memory_space<semaphore_mem>>)
    "tpu.region"() ({
      %run_scoped3A = tpu.sem_alloc : memref<!tpu.dma_semaphore, #tpu.memory_space<semaphore_mem>>
      %dma_start3A_975 = arith.constant 0 : i32
      %dma_start3A_976 = arith.constant 0 : i32
      %dma_start3A_977 = tpu.memref_slice %arg5[%dma_start3A_975, %dma_start3A_976] : memref<130560x8xf32, #tpu.memory_space<vmem_shared>> -> memref<130560x8xf32, #tpu.memory_space<vmem_shared>>
      tpu.enqueue_indirect_dma source(%arg7 : memref<2832x8xf32, #tpu.memory_space<vmem>>) target(%dma_start3A_977 : memref<130560x8xf32, #tpu.memory_space<vmem_shared>>) offsets(%arg9 : memref<2832xi32, #tpu.memory_space<vmem>>) semaphore(%run_scoped3A : memref<!tpu.dma_semaphore, #tpu.memory_space<semaphore_mem>>) {add = true}
      %dma_wait3A_978 = arith.constant 0 : i32
      %dma_wait3A_979 = arith.constant 0 : i32
      %dma_wait3A_980 = tpu.memref_slice %arg5[%dma_wait3A_978, %dma_wait3A_979] : memref<130560x8xf32, #tpu.memory_space<vmem_shared>> -> memref<130560x8xf32, #tpu.memory_space<vmem_shared>>
      tpu.wait_indirect_dma semaphore(%run_scoped3A : memref<!tpu.dma_semaphore, #tpu.memory_space<semaphore_mem>>) src(%arg7 : memref<2832x8xf32, #tpu.memory_space<vmem>>) dst(%dma_wait3A_980 : memref<130560x8xf32, #tpu.memory_space<vmem_shared>>)
      tpu.yield
    }) : () -> ()
    %dma_wait3A_547 = tpu.memref_slice %arg3[%add3A_540] : memref<498688xi32, #tpu.memory_space<hbm>> -> memref<2832xi32, #tpu.memory_space<hbm>>
    %dma_wait3A_548 = tpu.memref_slice %arg3[%add3A_540] : memref<498688xi32, #tpu.memory_space<hbm>> -> memref<2832xi32, #tpu.memory_space<hbm>>
    tpu.wait_dma2 semaphore(%arg13 : memref<!tpu.dma_semaphore, #tpu.memory_space<semaphore_mem>>) src(%dma_wait3A_548 : memref<2832xi32, #tpu.memory_space<hbm>>) dst(%arg8 : memref<2832xi32, #tpu.memory_space<vmem>>)
    %dma_wait3A_549 = tpu.memref_slice %arg2[%add3A_540, %mul3A_544] : memref<498432x80xf32, #tpu.memory_space<hbm>> -> memref<2832x8xf32, #tpu.memory_space<hbm>>
    %dma_wait3A_550 = tpu.memref_slice %arg2[%add3A_540, %mul3A_544] : memref<498432x80xf32, #tpu.memory_space<hbm>> -> memref<2832x8xf32, #tpu.memory_space<hbm>>
    tpu.wait_dma2 semaphore(%arg11 : memref<!tpu.dma_semaphore, #tpu.memory_space<semaphore_mem>>) src(%dma_wait3A_550 : memref<2832x8xf32, #tpu.memory_space<hbm>>) dst(%arg6 : memref<2832x8xf32, #tpu.memory_space<vmem>>)
    %mul3A_551 = arith.constant 31152 : i32
    %mul3A_552 = arith.muli %arg1, %mul3A_551 : i32
    %add3A_553 = arith.constant 25488 : i32
    %add3A_554 = arith.addi %mul3A_552, %add3A_553 : i32
    %dma_start3A_555 = tpu.memref_slice %arg3[%add3A_554] : memref<498688xi32, #tpu.memory_space<hbm>> -> memref<2832xi32, #tpu.memory_space<hbm>>
    %dma_start3A_556 = tpu.memref_slice %arg3[%add3A_554] : memref<498688xi32, #tpu.memory_space<hbm>> -> memref<2832xi32, #tpu.memory_space<hbm>>
    tpu.enqueue_dma source(%dma_start3A_556 : memref<2832xi32, #tpu.memory_space<hbm>>) target(%arg9 : memref<2832xi32, #tpu.memory_space<vmem>>) target_semaphore(%arg14 : memref<!tpu.dma_semaphore, #tpu.memory_space<semaphore_mem>>)
    %mul3A_557 = arith.constant 8 : i32
    %mul3A_558 = arith.muli %add3A_391, %mul3A_557 : i32
    %dma_start3A_559 = tpu.memref_slice %arg2[%add3A_554, %mul3A_558] : memref<498432x80xf32, #tpu.memory_space<hbm>> -> memref<2832x8xf32, #tpu.memory_space<hbm>>
    %dma_start3A_560 = tpu.memref_slice %arg2[%add3A_554, %mul3A_558] : memref<498432x80xf32, #tpu.memory_space<hbm>> -> memref<2832x8xf32, #tpu.memory_space<hbm>>
    tpu.enqueue_dma source(%dma_start3A_560 : memref<2832x8xf32, #tpu.memory_space<hbm>>) target(%arg7 : memref<2832x8xf32, #tpu.memory_space<vmem>>) target_semaphore(%arg12 : memref<!tpu.dma_semaphore, #tpu.memory_space<semaphore_mem>>)
    "tpu.region"() ({
      %run_scoped3A = tpu.sem_alloc : memref<!tpu.dma_semaphore, #tpu.memory_space<semaphore_mem>>
      %dma_start3A_975 = arith.constant 0 : i32
      %dma_start3A_976 = arith.constant 0 : i32
      %dma_start3A_977 = tpu.memref_slice %arg5[%dma_start3A_975, %dma_start3A_976] : memref<130560x8xf32, #tpu.memory_space<vmem_shared>> -> memref<130560x8xf32, #tpu.memory_space<vmem_shared>>
      tpu.enqueue_indirect_dma source(%arg6 : memref<2832x8xf32, #tpu.memory_space<vmem>>) target(%dma_start3A_977 : memref<130560x8xf32, #tpu.memory_space<vmem_shared>>) offsets(%arg8 : memref<2832xi32, #tpu.memory_space<vmem>>) semaphore(%run_scoped3A : memref<!tpu.dma_semaphore, #tpu.memory_space<semaphore_mem>>) {add = true}
      %dma_wait3A_978 = arith.constant 0 : i32
      %dma_wait3A_979 = arith.constant 0 : i32
      %dma_wait3A_980 = tpu.memref_slice %arg5[%dma_wait3A_978, %dma_wait3A_979] : memref<130560x8xf32, #tpu.memory_space<vmem_shared>> -> memref<130560x8xf32, #tpu.memory_space<vmem_shared>>
      tpu.wait_indirect_dma semaphore(%run_scoped3A : memref<!tpu.dma_semaphore, #tpu.memory_space<semaphore_mem>>) src(%arg6 : memref<2832x8xf32, #tpu.memory_space<vmem>>) dst(%dma_wait3A_980 : memref<130560x8xf32, #tpu.memory_space<vmem_shared>>)
      tpu.yield
    }) : () -> ()
    %dma_wait3A_561 = tpu.memref_slice %arg3[%add3A_554] : memref<498688xi32, #tpu.memory_space<hbm>> -> memref<2832xi32, #tpu.memory_space<hbm>>
    %dma_wait3A_562 = tpu.memref_slice %arg3[%add3A_554] : memref<498688xi32, #tpu.memory_space<hbm>> -> memref<2832xi32, #tpu.memory_space<hbm>>
    tpu.wait_dma2 semaphore(%arg14 : memref<!tpu.dma_semaphore, #tpu.memory_space<semaphore_mem>>) src(%dma_wait3A_562 : memref<2832xi32, #tpu.memory_space<hbm>>) dst(%arg9 : memref<2832xi32, #tpu.memory_space<vmem>>)
    %dma_wait3A_563 = tpu.memref_slice %arg2[%add3A_554, %mul3A_558] : memref<498432x80xf32, #tpu.memory_space<hbm>> -> memref<2832x8xf32, #tpu.memory_space<hbm>>
    %dma_wait3A_564 = tpu.memref_slice %arg2[%add3A_554, %mul3A_558] : memref<498432x80xf32, #tpu.memory_space<hbm>> -> memref<2832x8xf32, #tpu.memory_space<hbm>>
    tpu.wait_dma2 semaphore(%arg12 : memref<!tpu.dma_semaphore, #tpu.memory_space<semaphore_mem>>) src(%dma_wait3A_564 : memref<2832x8xf32, #tpu.memory_space<hbm>>) dst(%arg7 : memref<2832x8xf32, #tpu.memory_space<vmem>>)
    %mul3A_565 = arith.constant 31152 : i32
    %mul3A_566 = arith.muli %arg1, %mul3A_565 : i32
    %add3A_567 = arith.constant 28320 : i32
    %add3A_568 = arith.addi %mul3A_566, %add3A_567 : i32
    %dma_start3A_569 = tpu.memref_slice %arg3[%add3A_568] : memref<498688xi32, #tpu.memory_space<hbm>> -> memref<2832xi32, #tpu.memory_space<hbm>>
    %dma_start3A_570 = tpu.memref_slice %arg3[%add3A_568] : memref<498688xi32, #tpu.memory_space<hbm>> -> memref<2832xi32, #tpu.memory_space<hbm>>
    tpu.enqueue_dma source(%dma_start3A_570 : memref<2832xi32, #tpu.memory_space<hbm>>) target(%arg8 : memref<2832xi32, #tpu.memory_space<vmem>>) target_semaphore(%arg13 : memref<!tpu.dma_semaphore, #tpu.memory_space<semaphore_mem>>)
    %mul3A_571 = arith.constant 8 : i32
    %mul3A_572 = arith.muli %add3A_391, %mul3A_571 : i32
    %dma_start3A_573 = tpu.memref_slice %arg2[%add3A_568, %mul3A_572] : memref<498432x80xf32, #tpu.memory_space<hbm>> -> memref<2832x8xf32, #tpu.memory_space<hbm>>
    %dma_start3A_574 = tpu.memref_slice %arg2[%add3A_568, %mul3A_572] : memref<498432x80xf32, #tpu.memory_space<hbm>> -> memref<2832x8xf32, #tpu.memory_space<hbm>>
    tpu.enqueue_dma source(%dma_start3A_574 : memref<2832x8xf32, #tpu.memory_space<hbm>>) target(%arg6 : memref<2832x8xf32, #tpu.memory_space<vmem>>) target_semaphore(%arg11 : memref<!tpu.dma_semaphore, #tpu.memory_space<semaphore_mem>>)
    "tpu.region"() ({
      %run_scoped3A = tpu.sem_alloc : memref<!tpu.dma_semaphore, #tpu.memory_space<semaphore_mem>>
      %dma_start3A_975 = arith.constant 0 : i32
      %dma_start3A_976 = arith.constant 0 : i32
      %dma_start3A_977 = tpu.memref_slice %arg5[%dma_start3A_975, %dma_start3A_976] : memref<130560x8xf32, #tpu.memory_space<vmem_shared>> -> memref<130560x8xf32, #tpu.memory_space<vmem_shared>>
      tpu.enqueue_indirect_dma source(%arg7 : memref<2832x8xf32, #tpu.memory_space<vmem>>) target(%dma_start3A_977 : memref<130560x8xf32, #tpu.memory_space<vmem_shared>>) offsets(%arg9 : memref<2832xi32, #tpu.memory_space<vmem>>) semaphore(%run_scoped3A : memref<!tpu.dma_semaphore, #tpu.memory_space<semaphore_mem>>) {add = true}
      %dma_wait3A_978 = arith.constant 0 : i32
      %dma_wait3A_979 = arith.constant 0 : i32
      %dma_wait3A_980 = tpu.memref_slice %arg5[%dma_wait3A_978, %dma_wait3A_979] : memref<130560x8xf32, #tpu.memory_space<vmem_shared>> -> memref<130560x8xf32, #tpu.memory_space<vmem_shared>>
      tpu.wait_indirect_dma semaphore(%run_scoped3A : memref<!tpu.dma_semaphore, #tpu.memory_space<semaphore_mem>>) src(%arg7 : memref<2832x8xf32, #tpu.memory_space<vmem>>) dst(%dma_wait3A_980 : memref<130560x8xf32, #tpu.memory_space<vmem_shared>>)
      tpu.yield
    }) : () -> ()
    %dma_wait3A_575 = tpu.memref_slice %arg3[%add3A_568] : memref<498688xi32, #tpu.memory_space<hbm>> -> memref<2832xi32, #tpu.memory_space<hbm>>
    %dma_wait3A_576 = tpu.memref_slice %arg3[%add3A_568] : memref<498688xi32, #tpu.memory_space<hbm>> -> memref<2832xi32, #tpu.memory_space<hbm>>
    tpu.wait_dma2 semaphore(%arg13 : memref<!tpu.dma_semaphore, #tpu.memory_space<semaphore_mem>>) src(%dma_wait3A_576 : memref<2832xi32, #tpu.memory_space<hbm>>) dst(%arg8 : memref<2832xi32, #tpu.memory_space<vmem>>)
    %dma_wait3A_577 = tpu.memref_slice %arg2[%add3A_568, %mul3A_572] : memref<498432x80xf32, #tpu.memory_space<hbm>> -> memref<2832x8xf32, #tpu.memory_space<hbm>>
    %dma_wait3A_578 = tpu.memref_slice %arg2[%add3A_568, %mul3A_572] : memref<498432x80xf32, #tpu.memory_space<hbm>> -> memref<2832x8xf32, #tpu.memory_space<hbm>>
    tpu.wait_dma2 semaphore(%arg11 : memref<!tpu.dma_semaphore, #tpu.memory_space<semaphore_mem>>) src(%dma_wait3A_578 : memref<2832x8xf32, #tpu.memory_space<hbm>>) dst(%arg6 : memref<2832x8xf32, #tpu.memory_space<vmem>>)
    "tpu.region"() ({
      %run_scoped3A = tpu.sem_alloc : memref<!tpu.dma_semaphore, #tpu.memory_space<semaphore_mem>>
      %dma_start3A_975 = arith.constant 0 : i32
      %dma_start3A_976 = arith.constant 0 : i32
      %dma_start3A_977 = tpu.memref_slice %arg5[%dma_start3A_975, %dma_start3A_976] : memref<130560x8xf32, #tpu.memory_space<vmem_shared>> -> memref<130560x8xf32, #tpu.memory_space<vmem_shared>>
      tpu.enqueue_indirect_dma source(%arg6 : memref<2832x8xf32, #tpu.memory_space<vmem>>) target(%dma_start3A_977 : memref<130560x8xf32, #tpu.memory_space<vmem_shared>>) offsets(%arg8 : memref<2832xi32, #tpu.memory_space<vmem>>) semaphore(%run_scoped3A : memref<!tpu.dma_semaphore, #tpu.memory_space<semaphore_mem>>) {add = true}
      %dma_wait3A_978 = arith.constant 0 : i32
      %dma_wait3A_979 = arith.constant 0 : i32
      %dma_wait3A_980 = tpu.memref_slice %arg5[%dma_wait3A_978, %dma_wait3A_979] : memref<130560x8xf32, #tpu.memory_space<vmem_shared>> -> memref<130560x8xf32, #tpu.memory_space<vmem_shared>>
      tpu.wait_indirect_dma semaphore(%run_scoped3A : memref<!tpu.dma_semaphore, #tpu.memory_space<semaphore_mem>>) src(%arg6 : memref<2832x8xf32, #tpu.memory_space<vmem>>) dst(%dma_wait3A_980 : memref<130560x8xf32, #tpu.memory_space<vmem_shared>>)
      tpu.yield
    }) : () -> ()
    %barrier3A_579 = arith.constant 0 : index
    tpu.barrier barrier_id(%barrier3A_579)
    %mul3A_580 = arith.constant 8104 : i32
    %mul3A_581 = arith.muli %arg1, %mul3A_580 : i32
    %mul3A_582 = arith.constant 8104 : i32
    %mul3A_583 = arith.muli %arg1, %mul3A_582 : i32
    "tpu.region"() ({
      %run_scoped3A = tpu.sem_alloc : memref<!tpu.dma_semaphore, #tpu.memory_space<semaphore_mem>>
      %dma_start3A_975 = arith.constant 0 : i32
      %dma_start3A_976 = tpu.memref_slice %arg4[%add3A_391, %mul3A_583, %dma_start3A_975] : memref<10x129664x8xf32, #tpu.memory_space<hbm>> -> memref<1x8104x8xf32, #tpu.memory_space<hbm>>
      %dma_start3A_977 = tpu.memref_squeeze %dma_start3A_976 : memref<1x8104x8xf32, #tpu.memory_space<hbm>> -> memref<8104x8xf32, #tpu.memory_space<hbm>>
      %dma_start3A_978 = arith.constant 0 : i32
      %dma_start3A_979 = tpu.memref_slice %arg5[%mul3A_581, %dma_start3A_978] : memref<130560x8xf32, #tpu.memory_space<vmem_shared>> -> memref<8104x8xf32, #tpu.memory_space<vmem_shared>>
      tpu.enqueue_dma source(%dma_start3A_979 : memref<8104x8xf32, #tpu.memory_space<vmem_shared>>) target(%dma_start3A_977 : memref<8104x8xf32, #tpu.memory_space<hbm>>) target_semaphore(%run_scoped3A : memref<!tpu.dma_semaphore, #tpu.memory_space<semaphore_mem>>)
      %dma_wait3A_980 = arith.constant 0 : i32
      %dma_wait3A_981 = tpu.memref_slice %arg4[%add3A_391, %mul3A_583, %dma_wait3A_980] : memref<10x129664x8xf32, #tpu.memory_space<hbm>> -> memref<1x8104x8xf32, #tpu.memory_space<hbm>>
      %dma_wait3A_982 = tpu.memref_squeeze %dma_wait3A_981 : memref<1x8104x8xf32, #tpu.memory_space<hbm>> -> memref<8104x8xf32, #tpu.memory_space<hbm>>
      %dma_wait3A_983 = arith.constant 0 : i32
      %dma_wait3A_984 = tpu.memref_slice %arg5[%mul3A_581, %dma_wait3A_983] : memref<130560x8xf32, #tpu.memory_space<vmem_shared>> -> memref<8104x8xf32, #tpu.memory_space<vmem_shared>>
      tpu.wait_dma2 semaphore(%run_scoped3A : memref<!tpu.dma_semaphore, #tpu.memory_space<semaphore_mem>>) src(%dma_wait3A_984 : memref<8104x8xf32, #tpu.memory_space<vmem_shared>>) dst(%dma_wait3A_982 : memref<8104x8xf32, #tpu.memory_space<hbm>>)
      tpu.yield
    }) : () -> ()
    %barrier3A_584 = arith.constant 0 : index
    tpu.barrier barrier_id(%barrier3A_584)
    %add3A_585 = arith.constant 6 : i32
    %add3A_586 = arith.addi %add3A_585, %arg0 : i32
    %mul3A_587 = arith.constant 8160 : i32
    %mul3A_588 = arith.muli %arg1, %mul3A_587 : i32
    %add3A_589 = arith.constant 0 : i32
    %add3A_590 = arith.addi %mul3A_588, %add3A_589 : i32
    "tpu.region"() ({
      %run_scoped3A = tpu.sem_alloc : memref<!tpu.dma_semaphore, #tpu.memory_space<semaphore_mem>>
      %dma_start3A_975 = arith.constant 0 : i32
      %dma_start3A_976 = tpu.memref_slice %arg5[%add3A_590, %dma_start3A_975] : memref<130560x8xf32, #tpu.memory_space<vmem_shared>> -> memref<1020x8xf32, #tpu.memory_space<vmem_shared>>
      %dma_start3A_977 = arith.constant 0 : i32
      %dma_start3A_978 = tpu.memref_slice %arg5[%add3A_590, %dma_start3A_977] : memref<130560x8xf32, #tpu.memory_space<vmem_shared>> -> memref<1020x8xf32, #tpu.memory_space<vmem_shared>>
      tpu.enqueue_dma source(%arg10 : memref<1020x8xf32, #tpu.memory_space<vmem>>) target(%dma_start3A_978 : memref<1020x8xf32, #tpu.memory_space<vmem_shared>>) target_semaphore(%run_scoped3A : memref<!tpu.dma_semaphore, #tpu.memory_space<semaphore_mem>>)
      %dma_wait3A_979 = arith.constant 0 : i32
      %dma_wait3A_980 = tpu.memref_slice %arg5[%add3A_590, %dma_wait3A_979] : memref<130560x8xf32, #tpu.memory_space<vmem_shared>> -> memref<1020x8xf32, #tpu.memory_space<vmem_shared>>
      %dma_wait3A_981 = arith.constant 0 : i32
      %dma_wait3A_982 = tpu.memref_slice %arg5[%add3A_590, %dma_wait3A_981] : memref<130560x8xf32, #tpu.memory_space<vmem_shared>> -> memref<1020x8xf32, #tpu.memory_space<vmem_shared>>
      tpu.wait_dma2 semaphore(%run_scoped3A : memref<!tpu.dma_semaphore, #tpu.memory_space<semaphore_mem>>) src(%arg10 : memref<1020x8xf32, #tpu.memory_space<vmem>>) dst(%dma_wait3A_982 : memref<1020x8xf32, #tpu.memory_space<vmem_shared>>)
      tpu.yield
    }) : () -> ()
    %mul3A_591 = arith.constant 8160 : i32
    %mul3A_592 = arith.muli %arg1, %mul3A_591 : i32
    %add3A_593 = arith.constant 1020 : i32
    %add3A_594 = arith.addi %mul3A_592, %add3A_593 : i32
    "tpu.region"() ({
      %run_scoped3A = tpu.sem_alloc : memref<!tpu.dma_semaphore, #tpu.memory_space<semaphore_mem>>
      %dma_start3A_975 = arith.constant 0 : i32
      %dma_start3A_976 = tpu.memref_slice %arg5[%add3A_594, %dma_start3A_975] : memref<130560x8xf32, #tpu.memory_space<vmem_shared>> -> memref<1020x8xf32, #tpu.memory_space<vmem_shared>>
      %dma_start3A_977 = arith.constant 0 : i32
      %dma_start3A_978 = tpu.memref_slice %arg5[%add3A_594, %dma_start3A_977] : memref<130560x8xf32, #tpu.memory_space<vmem_shared>> -> memref<1020x8xf32, #tpu.memory_space<vmem_shared>>
      tpu.enqueue_dma source(%arg10 : memref<1020x8xf32, #tpu.memory_space<vmem>>) target(%dma_start3A_978 : memref<1020x8xf32, #tpu.memory_space<vmem_shared>>) target_semaphore(%run_scoped3A : memref<!tpu.dma_semaphore, #tpu.memory_space<semaphore_mem>>)
      %dma_wait3A_979 = arith.constant 0 : i32
      %dma_wait3A_980 = tpu.memref_slice %arg5[%add3A_594, %dma_wait3A_979] : memref<130560x8xf32, #tpu.memory_space<vmem_shared>> -> memref<1020x8xf32, #tpu.memory_space<vmem_shared>>
      %dma_wait3A_981 = arith.constant 0 : i32
      %dma_wait3A_982 = tpu.memref_slice %arg5[%add3A_594, %dma_wait3A_981] : memref<130560x8xf32, #tpu.memory_space<vmem_shared>> -> memref<1020x8xf32, #tpu.memory_space<vmem_shared>>
      tpu.wait_dma2 semaphore(%run_scoped3A : memref<!tpu.dma_semaphore, #tpu.memory_space<semaphore_mem>>) src(%arg10 : memref<1020x8xf32, #tpu.memory_space<vmem>>) dst(%dma_wait3A_982 : memref<1020x8xf32, #tpu.memory_space<vmem_shared>>)
      tpu.yield
    }) : () -> ()
    %mul3A_595 = arith.constant 8160 : i32
    %mul3A_596 = arith.muli %arg1, %mul3A_595 : i32
    %add3A_597 = arith.constant 2040 : i32
    %add3A_598 = arith.addi %mul3A_596, %add3A_597 : i32
    "tpu.region"() ({
      %run_scoped3A = tpu.sem_alloc : memref<!tpu.dma_semaphore, #tpu.memory_space<semaphore_mem>>
      %dma_start3A_975 = arith.constant 0 : i32
      %dma_start3A_976 = tpu.memref_slice %arg5[%add3A_598, %dma_start3A_975] : memref<130560x8xf32, #tpu.memory_space<vmem_shared>> -> memref<1020x8xf32, #tpu.memory_space<vmem_shared>>
      %dma_start3A_977 = arith.constant 0 : i32
      %dma_start3A_978 = tpu.memref_slice %arg5[%add3A_598, %dma_start3A_977] : memref<130560x8xf32, #tpu.memory_space<vmem_shared>> -> memref<1020x8xf32, #tpu.memory_space<vmem_shared>>
      tpu.enqueue_dma source(%arg10 : memref<1020x8xf32, #tpu.memory_space<vmem>>) target(%dma_start3A_978 : memref<1020x8xf32, #tpu.memory_space<vmem_shared>>) target_semaphore(%run_scoped3A : memref<!tpu.dma_semaphore, #tpu.memory_space<semaphore_mem>>)
      %dma_wait3A_979 = arith.constant 0 : i32
      %dma_wait3A_980 = tpu.memref_slice %arg5[%add3A_598, %dma_wait3A_979] : memref<130560x8xf32, #tpu.memory_space<vmem_shared>> -> memref<1020x8xf32, #tpu.memory_space<vmem_shared>>
      %dma_wait3A_981 = arith.constant 0 : i32
      %dma_wait3A_982 = tpu.memref_slice %arg5[%add3A_598, %dma_wait3A_981] : memref<130560x8xf32, #tpu.memory_space<vmem_shared>> -> memref<1020x8xf32, #tpu.memory_space<vmem_shared>>
      tpu.wait_dma2 semaphore(%run_scoped3A : memref<!tpu.dma_semaphore, #tpu.memory_space<semaphore_mem>>) src(%arg10 : memref<1020x8xf32, #tpu.memory_space<vmem>>) dst(%dma_wait3A_982 : memref<1020x8xf32, #tpu.memory_space<vmem_shared>>)
      tpu.yield
    }) : () -> ()
    %mul3A_599 = arith.constant 8160 : i32
    %mul3A_600 = arith.muli %arg1, %mul3A_599 : i32
    %add3A_601 = arith.constant 3060 : i32
    %add3A_602 = arith.addi %mul3A_600, %add3A_601 : i32
    "tpu.region"() ({
      %run_scoped3A = tpu.sem_alloc : memref<!tpu.dma_semaphore, #tpu.memory_space<semaphore_mem>>
      %dma_start3A_975 = arith.constant 0 : i32
      %dma_start3A_976 = tpu.memref_slice %arg5[%add3A_602, %dma_start3A_975] : memref<130560x8xf32, #tpu.memory_space<vmem_shared>> -> memref<1020x8xf32, #tpu.memory_space<vmem_shared>>
      %dma_start3A_977 = arith.constant 0 : i32
      %dma_start3A_978 = tpu.memref_slice %arg5[%add3A_602, %dma_start3A_977] : memref<130560x8xf32, #tpu.memory_space<vmem_shared>> -> memref<1020x8xf32, #tpu.memory_space<vmem_shared>>
      tpu.enqueue_dma source(%arg10 : memref<1020x8xf32, #tpu.memory_space<vmem>>) target(%dma_start3A_978 : memref<1020x8xf32, #tpu.memory_space<vmem_shared>>) target_semaphore(%run_scoped3A : memref<!tpu.dma_semaphore, #tpu.memory_space<semaphore_mem>>)
      %dma_wait3A_979 = arith.constant 0 : i32
      %dma_wait3A_980 = tpu.memref_slice %arg5[%add3A_602, %dma_wait3A_979] : memref<130560x8xf32, #tpu.memory_space<vmem_shared>> -> memref<1020x8xf32, #tpu.memory_space<vmem_shared>>
      %dma_wait3A_981 = arith.constant 0 : i32
      %dma_wait3A_982 = tpu.memref_slice %arg5[%add3A_602, %dma_wait3A_981] : memref<130560x8xf32, #tpu.memory_space<vmem_shared>> -> memref<1020x8xf32, #tpu.memory_space<vmem_shared>>
      tpu.wait_dma2 semaphore(%run_scoped3A : memref<!tpu.dma_semaphore, #tpu.memory_space<semaphore_mem>>) src(%arg10 : memref<1020x8xf32, #tpu.memory_space<vmem>>) dst(%dma_wait3A_982 : memref<1020x8xf32, #tpu.memory_space<vmem_shared>>)
      tpu.yield
    }) : () -> ()
    %mul3A_603 = arith.constant 8160 : i32
    %mul3A_604 = arith.muli %arg1, %mul3A_603 : i32
    %add3A_605 = arith.constant 4080 : i32
    %add3A_606 = arith.addi %mul3A_604, %add3A_605 : i32
    "tpu.region"() ({
      %run_scoped3A = tpu.sem_alloc : memref<!tpu.dma_semaphore, #tpu.memory_space<semaphore_mem>>
      %dma_start3A_975 = arith.constant 0 : i32
      %dma_start3A_976 = tpu.memref_slice %arg5[%add3A_606, %dma_start3A_975] : memref<130560x8xf32, #tpu.memory_space<vmem_shared>> -> memref<1020x8xf32, #tpu.memory_space<vmem_shared>>
      %dma_start3A_977 = arith.constant 0 : i32
      %dma_start3A_978 = tpu.memref_slice %arg5[%add3A_606, %dma_start3A_977] : memref<130560x8xf32, #tpu.memory_space<vmem_shared>> -> memref<1020x8xf32, #tpu.memory_space<vmem_shared>>
      tpu.enqueue_dma source(%arg10 : memref<1020x8xf32, #tpu.memory_space<vmem>>) target(%dma_start3A_978 : memref<1020x8xf32, #tpu.memory_space<vmem_shared>>) target_semaphore(%run_scoped3A : memref<!tpu.dma_semaphore, #tpu.memory_space<semaphore_mem>>)
      %dma_wait3A_979 = arith.constant 0 : i32
      %dma_wait3A_980 = tpu.memref_slice %arg5[%add3A_606, %dma_wait3A_979] : memref<130560x8xf32, #tpu.memory_space<vmem_shared>> -> memref<1020x8xf32, #tpu.memory_space<vmem_shared>>
      %dma_wait3A_981 = arith.constant 0 : i32
      %dma_wait3A_982 = tpu.memref_slice %arg5[%add3A_606, %dma_wait3A_981] : memref<130560x8xf32, #tpu.memory_space<vmem_shared>> -> memref<1020x8xf32, #tpu.memory_space<vmem_shared>>
      tpu.wait_dma2 semaphore(%run_scoped3A : memref<!tpu.dma_semaphore, #tpu.memory_space<semaphore_mem>>) src(%arg10 : memref<1020x8xf32, #tpu.memory_space<vmem>>) dst(%dma_wait3A_982 : memref<1020x8xf32, #tpu.memory_space<vmem_shared>>)
      tpu.yield
    }) : () -> ()
    %mul3A_607 = arith.constant 8160 : i32
    %mul3A_608 = arith.muli %arg1, %mul3A_607 : i32
    %add3A_609 = arith.constant 5100 : i32
    %add3A_610 = arith.addi %mul3A_608, %add3A_609 : i32
    "tpu.region"() ({
      %run_scoped3A = tpu.sem_alloc : memref<!tpu.dma_semaphore, #tpu.memory_space<semaphore_mem>>
      %dma_start3A_975 = arith.constant 0 : i32
      %dma_start3A_976 = tpu.memref_slice %arg5[%add3A_610, %dma_start3A_975] : memref<130560x8xf32, #tpu.memory_space<vmem_shared>> -> memref<1020x8xf32, #tpu.memory_space<vmem_shared>>
      %dma_start3A_977 = arith.constant 0 : i32
      %dma_start3A_978 = tpu.memref_slice %arg5[%add3A_610, %dma_start3A_977] : memref<130560x8xf32, #tpu.memory_space<vmem_shared>> -> memref<1020x8xf32, #tpu.memory_space<vmem_shared>>
      tpu.enqueue_dma source(%arg10 : memref<1020x8xf32, #tpu.memory_space<vmem>>) target(%dma_start3A_978 : memref<1020x8xf32, #tpu.memory_space<vmem_shared>>) target_semaphore(%run_scoped3A : memref<!tpu.dma_semaphore, #tpu.memory_space<semaphore_mem>>)
      %dma_wait3A_979 = arith.constant 0 : i32
      %dma_wait3A_980 = tpu.memref_slice %arg5[%add3A_610, %dma_wait3A_979] : memref<130560x8xf32, #tpu.memory_space<vmem_shared>> -> memref<1020x8xf32, #tpu.memory_space<vmem_shared>>
      %dma_wait3A_981 = arith.constant 0 : i32
      %dma_wait3A_982 = tpu.memref_slice %arg5[%add3A_610, %dma_wait3A_981] : memref<130560x8xf32, #tpu.memory_space<vmem_shared>> -> memref<1020x8xf32, #tpu.memory_space<vmem_shared>>
      tpu.wait_dma2 semaphore(%run_scoped3A : memref<!tpu.dma_semaphore, #tpu.memory_space<semaphore_mem>>) src(%arg10 : memref<1020x8xf32, #tpu.memory_space<vmem>>) dst(%dma_wait3A_982 : memref<1020x8xf32, #tpu.memory_space<vmem_shared>>)
      tpu.yield
    }) : () -> ()
    %mul3A_611 = arith.constant 8160 : i32
    %mul3A_612 = arith.muli %arg1, %mul3A_611 : i32
    %add3A_613 = arith.constant 6120 : i32
    %add3A_614 = arith.addi %mul3A_612, %add3A_613 : i32
    "tpu.region"() ({
      %run_scoped3A = tpu.sem_alloc : memref<!tpu.dma_semaphore, #tpu.memory_space<semaphore_mem>>
      %dma_start3A_975 = arith.constant 0 : i32
      %dma_start3A_976 = tpu.memref_slice %arg5[%add3A_614, %dma_start3A_975] : memref<130560x8xf32, #tpu.memory_space<vmem_shared>> -> memref<1020x8xf32, #tpu.memory_space<vmem_shared>>
      %dma_start3A_977 = arith.constant 0 : i32
      %dma_start3A_978 = tpu.memref_slice %arg5[%add3A_614, %dma_start3A_977] : memref<130560x8xf32, #tpu.memory_space<vmem_shared>> -> memref<1020x8xf32, #tpu.memory_space<vmem_shared>>
      tpu.enqueue_dma source(%arg10 : memref<1020x8xf32, #tpu.memory_space<vmem>>) target(%dma_start3A_978 : memref<1020x8xf32, #tpu.memory_space<vmem_shared>>) target_semaphore(%run_scoped3A : memref<!tpu.dma_semaphore, #tpu.memory_space<semaphore_mem>>)
      %dma_wait3A_979 = arith.constant 0 : i32
      %dma_wait3A_980 = tpu.memref_slice %arg5[%add3A_614, %dma_wait3A_979] : memref<130560x8xf32, #tpu.memory_space<vmem_shared>> -> memref<1020x8xf32, #tpu.memory_space<vmem_shared>>
      %dma_wait3A_981 = arith.constant 0 : i32
      %dma_wait3A_982 = tpu.memref_slice %arg5[%add3A_614, %dma_wait3A_981] : memref<130560x8xf32, #tpu.memory_space<vmem_shared>> -> memref<1020x8xf32, #tpu.memory_space<vmem_shared>>
      tpu.wait_dma2 semaphore(%run_scoped3A : memref<!tpu.dma_semaphore, #tpu.memory_space<semaphore_mem>>) src(%arg10 : memref<1020x8xf32, #tpu.memory_space<vmem>>) dst(%dma_wait3A_982 : memref<1020x8xf32, #tpu.memory_space<vmem_shared>>)
      tpu.yield
    }) : () -> ()
    %mul3A_615 = arith.constant 8160 : i32
    %mul3A_616 = arith.muli %arg1, %mul3A_615 : i32
    %add3A_617 = arith.constant 7140 : i32
    %add3A_618 = arith.addi %mul3A_616, %add3A_617 : i32
    "tpu.region"() ({
      %run_scoped3A = tpu.sem_alloc : memref<!tpu.dma_semaphore, #tpu.memory_space<semaphore_mem>>
      %dma_start3A_975 = arith.constant 0 : i32
      %dma_start3A_976 = tpu.memref_slice %arg5[%add3A_618, %dma_start3A_975] : memref<130560x8xf32, #tpu.memory_space<vmem_shared>> -> memref<1020x8xf32, #tpu.memory_space<vmem_shared>>
      %dma_start3A_977 = arith.constant 0 : i32
      %dma_start3A_978 = tpu.memref_slice %arg5[%add3A_618, %dma_start3A_977] : memref<130560x8xf32, #tpu.memory_space<vmem_shared>> -> memref<1020x8xf32, #tpu.memory_space<vmem_shared>>
      tpu.enqueue_dma source(%arg10 : memref<1020x8xf32, #tpu.memory_space<vmem>>) target(%dma_start3A_978 : memref<1020x8xf32, #tpu.memory_space<vmem_shared>>) target_semaphore(%run_scoped3A : memref<!tpu.dma_semaphore, #tpu.memory_space<semaphore_mem>>)
      %dma_wait3A_979 = arith.constant 0 : i32
      %dma_wait3A_980 = tpu.memref_slice %arg5[%add3A_618, %dma_wait3A_979] : memref<130560x8xf32, #tpu.memory_space<vmem_shared>> -> memref<1020x8xf32, #tpu.memory_space<vmem_shared>>
      %dma_wait3A_981 = arith.constant 0 : i32
      %dma_wait3A_982 = tpu.memref_slice %arg5[%add3A_618, %dma_wait3A_981] : memref<130560x8xf32, #tpu.memory_space<vmem_shared>> -> memref<1020x8xf32, #tpu.memory_space<vmem_shared>>
      tpu.wait_dma2 semaphore(%run_scoped3A : memref<!tpu.dma_semaphore, #tpu.memory_space<semaphore_mem>>) src(%arg10 : memref<1020x8xf32, #tpu.memory_space<vmem>>) dst(%dma_wait3A_982 : memref<1020x8xf32, #tpu.memory_space<vmem_shared>>)
      tpu.yield
    }) : () -> ()
    %barrier3A_619 = arith.constant 0 : index
    tpu.barrier barrier_id(%barrier3A_619)
    %mul3A_620 = arith.constant 31152 : i32
    %mul3A_621 = arith.muli %arg1, %mul3A_620 : i32
    %add3A_622 = arith.constant 0 : i32
    %add3A_623 = arith.addi %mul3A_621, %add3A_622 : i32
    %dma_start3A_624 = tpu.memref_slice %arg3[%add3A_623] : memref<498688xi32, #tpu.memory_space<hbm>> -> memref<2832xi32, #tpu.memory_space<hbm>>
    %dma_start3A_625 = tpu.memref_slice %arg3[%add3A_623] : memref<498688xi32, #tpu.memory_space<hbm>> -> memref<2832xi32, #tpu.memory_space<hbm>>
    tpu.enqueue_dma source(%dma_start3A_625 : memref<2832xi32, #tpu.memory_space<hbm>>) target(%arg8 : memref<2832xi32, #tpu.memory_space<vmem>>) target_semaphore(%arg13 : memref<!tpu.dma_semaphore, #tpu.memory_space<semaphore_mem>>)
    %mul3A_626 = arith.constant 8 : i32
    %mul3A_627 = arith.muli %add3A_586, %mul3A_626 : i32
    %dma_start3A_628 = tpu.memref_slice %arg2[%add3A_623, %mul3A_627] : memref<498432x80xf32, #tpu.memory_space<hbm>> -> memref<2832x8xf32, #tpu.memory_space<hbm>>
    %dma_start3A_629 = tpu.memref_slice %arg2[%add3A_623, %mul3A_627] : memref<498432x80xf32, #tpu.memory_space<hbm>> -> memref<2832x8xf32, #tpu.memory_space<hbm>>
    tpu.enqueue_dma source(%dma_start3A_629 : memref<2832x8xf32, #tpu.memory_space<hbm>>) target(%arg6 : memref<2832x8xf32, #tpu.memory_space<vmem>>) target_semaphore(%arg11 : memref<!tpu.dma_semaphore, #tpu.memory_space<semaphore_mem>>)
    %dma_wait3A_630 = tpu.memref_slice %arg3[%add3A_623] : memref<498688xi32, #tpu.memory_space<hbm>> -> memref<2832xi32, #tpu.memory_space<hbm>>
    %dma_wait3A_631 = tpu.memref_slice %arg3[%add3A_623] : memref<498688xi32, #tpu.memory_space<hbm>> -> memref<2832xi32, #tpu.memory_space<hbm>>
    tpu.wait_dma2 semaphore(%arg13 : memref<!tpu.dma_semaphore, #tpu.memory_space<semaphore_mem>>) src(%dma_wait3A_631 : memref<2832xi32, #tpu.memory_space<hbm>>) dst(%arg8 : memref<2832xi32, #tpu.memory_space<vmem>>)
    %dma_wait3A_632 = tpu.memref_slice %arg2[%add3A_623, %mul3A_627] : memref<498432x80xf32, #tpu.memory_space<hbm>> -> memref<2832x8xf32, #tpu.memory_space<hbm>>
    %dma_wait3A_633 = tpu.memref_slice %arg2[%add3A_623, %mul3A_627] : memref<498432x80xf32, #tpu.memory_space<hbm>> -> memref<2832x8xf32, #tpu.memory_space<hbm>>
    tpu.wait_dma2 semaphore(%arg11 : memref<!tpu.dma_semaphore, #tpu.memory_space<semaphore_mem>>) src(%dma_wait3A_633 : memref<2832x8xf32, #tpu.memory_space<hbm>>) dst(%arg6 : memref<2832x8xf32, #tpu.memory_space<vmem>>)
    %mul3A_634 = arith.constant 31152 : i32
    %mul3A_635 = arith.muli %arg1, %mul3A_634 : i32
    %add3A_636 = arith.constant 2832 : i32
    %add3A_637 = arith.addi %mul3A_635, %add3A_636 : i32
    %dma_start3A_638 = tpu.memref_slice %arg3[%add3A_637] : memref<498688xi32, #tpu.memory_space<hbm>> -> memref<2832xi32, #tpu.memory_space<hbm>>
    %dma_start3A_639 = tpu.memref_slice %arg3[%add3A_637] : memref<498688xi32, #tpu.memory_space<hbm>> -> memref<2832xi32, #tpu.memory_space<hbm>>
    tpu.enqueue_dma source(%dma_start3A_639 : memref<2832xi32, #tpu.memory_space<hbm>>) target(%arg9 : memref<2832xi32, #tpu.memory_space<vmem>>) target_semaphore(%arg14 : memref<!tpu.dma_semaphore, #tpu.memory_space<semaphore_mem>>)
    %mul3A_640 = arith.constant 8 : i32
    %mul3A_641 = arith.muli %add3A_586, %mul3A_640 : i32
    %dma_start3A_642 = tpu.memref_slice %arg2[%add3A_637, %mul3A_641] : memref<498432x80xf32, #tpu.memory_space<hbm>> -> memref<2832x8xf32, #tpu.memory_space<hbm>>
    %dma_start3A_643 = tpu.memref_slice %arg2[%add3A_637, %mul3A_641] : memref<498432x80xf32, #tpu.memory_space<hbm>> -> memref<2832x8xf32, #tpu.memory_space<hbm>>
    tpu.enqueue_dma source(%dma_start3A_643 : memref<2832x8xf32, #tpu.memory_space<hbm>>) target(%arg7 : memref<2832x8xf32, #tpu.memory_space<vmem>>) target_semaphore(%arg12 : memref<!tpu.dma_semaphore, #tpu.memory_space<semaphore_mem>>)
    "tpu.region"() ({
      %run_scoped3A = tpu.sem_alloc : memref<!tpu.dma_semaphore, #tpu.memory_space<semaphore_mem>>
      %dma_start3A_975 = arith.constant 0 : i32
      %dma_start3A_976 = arith.constant 0 : i32
      %dma_start3A_977 = tpu.memref_slice %arg5[%dma_start3A_975, %dma_start3A_976] : memref<130560x8xf32, #tpu.memory_space<vmem_shared>> -> memref<130560x8xf32, #tpu.memory_space<vmem_shared>>
      tpu.enqueue_indirect_dma source(%arg6 : memref<2832x8xf32, #tpu.memory_space<vmem>>) target(%dma_start3A_977 : memref<130560x8xf32, #tpu.memory_space<vmem_shared>>) offsets(%arg8 : memref<2832xi32, #tpu.memory_space<vmem>>) semaphore(%run_scoped3A : memref<!tpu.dma_semaphore, #tpu.memory_space<semaphore_mem>>) {add = true}
      %dma_wait3A_978 = arith.constant 0 : i32
      %dma_wait3A_979 = arith.constant 0 : i32
      %dma_wait3A_980 = tpu.memref_slice %arg5[%dma_wait3A_978, %dma_wait3A_979] : memref<130560x8xf32, #tpu.memory_space<vmem_shared>> -> memref<130560x8xf32, #tpu.memory_space<vmem_shared>>
      tpu.wait_indirect_dma semaphore(%run_scoped3A : memref<!tpu.dma_semaphore, #tpu.memory_space<semaphore_mem>>) src(%arg6 : memref<2832x8xf32, #tpu.memory_space<vmem>>) dst(%dma_wait3A_980 : memref<130560x8xf32, #tpu.memory_space<vmem_shared>>)
      tpu.yield
    }) : () -> ()
    %dma_wait3A_644 = tpu.memref_slice %arg3[%add3A_637] : memref<498688xi32, #tpu.memory_space<hbm>> -> memref<2832xi32, #tpu.memory_space<hbm>>
    %dma_wait3A_645 = tpu.memref_slice %arg3[%add3A_637] : memref<498688xi32, #tpu.memory_space<hbm>> -> memref<2832xi32, #tpu.memory_space<hbm>>
    tpu.wait_dma2 semaphore(%arg14 : memref<!tpu.dma_semaphore, #tpu.memory_space<semaphore_mem>>) src(%dma_wait3A_645 : memref<2832xi32, #tpu.memory_space<hbm>>) dst(%arg9 : memref<2832xi32, #tpu.memory_space<vmem>>)
    %dma_wait3A_646 = tpu.memref_slice %arg2[%add3A_637, %mul3A_641] : memref<498432x80xf32, #tpu.memory_space<hbm>> -> memref<2832x8xf32, #tpu.memory_space<hbm>>
    %dma_wait3A_647 = tpu.memref_slice %arg2[%add3A_637, %mul3A_641] : memref<498432x80xf32, #tpu.memory_space<hbm>> -> memref<2832x8xf32, #tpu.memory_space<hbm>>
    tpu.wait_dma2 semaphore(%arg12 : memref<!tpu.dma_semaphore, #tpu.memory_space<semaphore_mem>>) src(%dma_wait3A_647 : memref<2832x8xf32, #tpu.memory_space<hbm>>) dst(%arg7 : memref<2832x8xf32, #tpu.memory_space<vmem>>)
    %mul3A_648 = arith.constant 31152 : i32
    %mul3A_649 = arith.muli %arg1, %mul3A_648 : i32
    %add3A_650 = arith.constant 5664 : i32
    %add3A_651 = arith.addi %mul3A_649, %add3A_650 : i32
    %dma_start3A_652 = tpu.memref_slice %arg3[%add3A_651] : memref<498688xi32, #tpu.memory_space<hbm>> -> memref<2832xi32, #tpu.memory_space<hbm>>
    %dma_start3A_653 = tpu.memref_slice %arg3[%add3A_651] : memref<498688xi32, #tpu.memory_space<hbm>> -> memref<2832xi32, #tpu.memory_space<hbm>>
    tpu.enqueue_dma source(%dma_start3A_653 : memref<2832xi32, #tpu.memory_space<hbm>>) target(%arg8 : memref<2832xi32, #tpu.memory_space<vmem>>) target_semaphore(%arg13 : memref<!tpu.dma_semaphore, #tpu.memory_space<semaphore_mem>>)
    %mul3A_654 = arith.constant 8 : i32
    %mul3A_655 = arith.muli %add3A_586, %mul3A_654 : i32
    %dma_start3A_656 = tpu.memref_slice %arg2[%add3A_651, %mul3A_655] : memref<498432x80xf32, #tpu.memory_space<hbm>> -> memref<2832x8xf32, #tpu.memory_space<hbm>>
    %dma_start3A_657 = tpu.memref_slice %arg2[%add3A_651, %mul3A_655] : memref<498432x80xf32, #tpu.memory_space<hbm>> -> memref<2832x8xf32, #tpu.memory_space<hbm>>
    tpu.enqueue_dma source(%dma_start3A_657 : memref<2832x8xf32, #tpu.memory_space<hbm>>) target(%arg6 : memref<2832x8xf32, #tpu.memory_space<vmem>>) target_semaphore(%arg11 : memref<!tpu.dma_semaphore, #tpu.memory_space<semaphore_mem>>)
    "tpu.region"() ({
      %run_scoped3A = tpu.sem_alloc : memref<!tpu.dma_semaphore, #tpu.memory_space<semaphore_mem>>
      %dma_start3A_975 = arith.constant 0 : i32
      %dma_start3A_976 = arith.constant 0 : i32
      %dma_start3A_977 = tpu.memref_slice %arg5[%dma_start3A_975, %dma_start3A_976] : memref<130560x8xf32, #tpu.memory_space<vmem_shared>> -> memref<130560x8xf32, #tpu.memory_space<vmem_shared>>
      tpu.enqueue_indirect_dma source(%arg7 : memref<2832x8xf32, #tpu.memory_space<vmem>>) target(%dma_start3A_977 : memref<130560x8xf32, #tpu.memory_space<vmem_shared>>) offsets(%arg9 : memref<2832xi32, #tpu.memory_space<vmem>>) semaphore(%run_scoped3A : memref<!tpu.dma_semaphore, #tpu.memory_space<semaphore_mem>>) {add = true}
      %dma_wait3A_978 = arith.constant 0 : i32
      %dma_wait3A_979 = arith.constant 0 : i32
      %dma_wait3A_980 = tpu.memref_slice %arg5[%dma_wait3A_978, %dma_wait3A_979] : memref<130560x8xf32, #tpu.memory_space<vmem_shared>> -> memref<130560x8xf32, #tpu.memory_space<vmem_shared>>
      tpu.wait_indirect_dma semaphore(%run_scoped3A : memref<!tpu.dma_semaphore, #tpu.memory_space<semaphore_mem>>) src(%arg7 : memref<2832x8xf32, #tpu.memory_space<vmem>>) dst(%dma_wait3A_980 : memref<130560x8xf32, #tpu.memory_space<vmem_shared>>)
      tpu.yield
    }) : () -> ()
    %dma_wait3A_658 = tpu.memref_slice %arg3[%add3A_651] : memref<498688xi32, #tpu.memory_space<hbm>> -> memref<2832xi32, #tpu.memory_space<hbm>>
    %dma_wait3A_659 = tpu.memref_slice %arg3[%add3A_651] : memref<498688xi32, #tpu.memory_space<hbm>> -> memref<2832xi32, #tpu.memory_space<hbm>>
    tpu.wait_dma2 semaphore(%arg13 : memref<!tpu.dma_semaphore, #tpu.memory_space<semaphore_mem>>) src(%dma_wait3A_659 : memref<2832xi32, #tpu.memory_space<hbm>>) dst(%arg8 : memref<2832xi32, #tpu.memory_space<vmem>>)
    %dma_wait3A_660 = tpu.memref_slice %arg2[%add3A_651, %mul3A_655] : memref<498432x80xf32, #tpu.memory_space<hbm>> -> memref<2832x8xf32, #tpu.memory_space<hbm>>
    %dma_wait3A_661 = tpu.memref_slice %arg2[%add3A_651, %mul3A_655] : memref<498432x80xf32, #tpu.memory_space<hbm>> -> memref<2832x8xf32, #tpu.memory_space<hbm>>
    tpu.wait_dma2 semaphore(%arg11 : memref<!tpu.dma_semaphore, #tpu.memory_space<semaphore_mem>>) src(%dma_wait3A_661 : memref<2832x8xf32, #tpu.memory_space<hbm>>) dst(%arg6 : memref<2832x8xf32, #tpu.memory_space<vmem>>)
    %mul3A_662 = arith.constant 31152 : i32
    %mul3A_663 = arith.muli %arg1, %mul3A_662 : i32
    %add3A_664 = arith.constant 8496 : i32
    %add3A_665 = arith.addi %mul3A_663, %add3A_664 : i32
    %dma_start3A_666 = tpu.memref_slice %arg3[%add3A_665] : memref<498688xi32, #tpu.memory_space<hbm>> -> memref<2832xi32, #tpu.memory_space<hbm>>
    %dma_start3A_667 = tpu.memref_slice %arg3[%add3A_665] : memref<498688xi32, #tpu.memory_space<hbm>> -> memref<2832xi32, #tpu.memory_space<hbm>>
    tpu.enqueue_dma source(%dma_start3A_667 : memref<2832xi32, #tpu.memory_space<hbm>>) target(%arg9 : memref<2832xi32, #tpu.memory_space<vmem>>) target_semaphore(%arg14 : memref<!tpu.dma_semaphore, #tpu.memory_space<semaphore_mem>>)
    %mul3A_668 = arith.constant 8 : i32
    %mul3A_669 = arith.muli %add3A_586, %mul3A_668 : i32
    %dma_start3A_670 = tpu.memref_slice %arg2[%add3A_665, %mul3A_669] : memref<498432x80xf32, #tpu.memory_space<hbm>> -> memref<2832x8xf32, #tpu.memory_space<hbm>>
    %dma_start3A_671 = tpu.memref_slice %arg2[%add3A_665, %mul3A_669] : memref<498432x80xf32, #tpu.memory_space<hbm>> -> memref<2832x8xf32, #tpu.memory_space<hbm>>
    tpu.enqueue_dma source(%dma_start3A_671 : memref<2832x8xf32, #tpu.memory_space<hbm>>) target(%arg7 : memref<2832x8xf32, #tpu.memory_space<vmem>>) target_semaphore(%arg12 : memref<!tpu.dma_semaphore, #tpu.memory_space<semaphore_mem>>)
    "tpu.region"() ({
      %run_scoped3A = tpu.sem_alloc : memref<!tpu.dma_semaphore, #tpu.memory_space<semaphore_mem>>
      %dma_start3A_975 = arith.constant 0 : i32
      %dma_start3A_976 = arith.constant 0 : i32
      %dma_start3A_977 = tpu.memref_slice %arg5[%dma_start3A_975, %dma_start3A_976] : memref<130560x8xf32, #tpu.memory_space<vmem_shared>> -> memref<130560x8xf32, #tpu.memory_space<vmem_shared>>
      tpu.enqueue_indirect_dma source(%arg6 : memref<2832x8xf32, #tpu.memory_space<vmem>>) target(%dma_start3A_977 : memref<130560x8xf32, #tpu.memory_space<vmem_shared>>) offsets(%arg8 : memref<2832xi32, #tpu.memory_space<vmem>>) semaphore(%run_scoped3A : memref<!tpu.dma_semaphore, #tpu.memory_space<semaphore_mem>>) {add = true}
      %dma_wait3A_978 = arith.constant 0 : i32
      %dma_wait3A_979 = arith.constant 0 : i32
      %dma_wait3A_980 = tpu.memref_slice %arg5[%dma_wait3A_978, %dma_wait3A_979] : memref<130560x8xf32, #tpu.memory_space<vmem_shared>> -> memref<130560x8xf32, #tpu.memory_space<vmem_shared>>
      tpu.wait_indirect_dma semaphore(%run_scoped3A : memref<!tpu.dma_semaphore, #tpu.memory_space<semaphore_mem>>) src(%arg6 : memref<2832x8xf32, #tpu.memory_space<vmem>>) dst(%dma_wait3A_980 : memref<130560x8xf32, #tpu.memory_space<vmem_shared>>)
      tpu.yield
    }) : () -> ()
    %dma_wait3A_672 = tpu.memref_slice %arg3[%add3A_665] : memref<498688xi32, #tpu.memory_space<hbm>> -> memref<2832xi32, #tpu.memory_space<hbm>>
    %dma_wait3A_673 = tpu.memref_slice %arg3[%add3A_665] : memref<498688xi32, #tpu.memory_space<hbm>> -> memref<2832xi32, #tpu.memory_space<hbm>>
    tpu.wait_dma2 semaphore(%arg14 : memref<!tpu.dma_semaphore, #tpu.memory_space<semaphore_mem>>) src(%dma_wait3A_673 : memref<2832xi32, #tpu.memory_space<hbm>>) dst(%arg9 : memref<2832xi32, #tpu.memory_space<vmem>>)
    %dma_wait3A_674 = tpu.memref_slice %arg2[%add3A_665, %mul3A_669] : memref<498432x80xf32, #tpu.memory_space<hbm>> -> memref<2832x8xf32, #tpu.memory_space<hbm>>
    %dma_wait3A_675 = tpu.memref_slice %arg2[%add3A_665, %mul3A_669] : memref<498432x80xf32, #tpu.memory_space<hbm>> -> memref<2832x8xf32, #tpu.memory_space<hbm>>
    tpu.wait_dma2 semaphore(%arg12 : memref<!tpu.dma_semaphore, #tpu.memory_space<semaphore_mem>>) src(%dma_wait3A_675 : memref<2832x8xf32, #tpu.memory_space<hbm>>) dst(%arg7 : memref<2832x8xf32, #tpu.memory_space<vmem>>)
    %mul3A_676 = arith.constant 31152 : i32
    %mul3A_677 = arith.muli %arg1, %mul3A_676 : i32
    %add3A_678 = arith.constant 11328 : i32
    %add3A_679 = arith.addi %mul3A_677, %add3A_678 : i32
    %dma_start3A_680 = tpu.memref_slice %arg3[%add3A_679] : memref<498688xi32, #tpu.memory_space<hbm>> -> memref<2832xi32, #tpu.memory_space<hbm>>
    %dma_start3A_681 = tpu.memref_slice %arg3[%add3A_679] : memref<498688xi32, #tpu.memory_space<hbm>> -> memref<2832xi32, #tpu.memory_space<hbm>>
    tpu.enqueue_dma source(%dma_start3A_681 : memref<2832xi32, #tpu.memory_space<hbm>>) target(%arg8 : memref<2832xi32, #tpu.memory_space<vmem>>) target_semaphore(%arg13 : memref<!tpu.dma_semaphore, #tpu.memory_space<semaphore_mem>>)
    %mul3A_682 = arith.constant 8 : i32
    %mul3A_683 = arith.muli %add3A_586, %mul3A_682 : i32
    %dma_start3A_684 = tpu.memref_slice %arg2[%add3A_679, %mul3A_683] : memref<498432x80xf32, #tpu.memory_space<hbm>> -> memref<2832x8xf32, #tpu.memory_space<hbm>>
    %dma_start3A_685 = tpu.memref_slice %arg2[%add3A_679, %mul3A_683] : memref<498432x80xf32, #tpu.memory_space<hbm>> -> memref<2832x8xf32, #tpu.memory_space<hbm>>
    tpu.enqueue_dma source(%dma_start3A_685 : memref<2832x8xf32, #tpu.memory_space<hbm>>) target(%arg6 : memref<2832x8xf32, #tpu.memory_space<vmem>>) target_semaphore(%arg11 : memref<!tpu.dma_semaphore, #tpu.memory_space<semaphore_mem>>)
    "tpu.region"() ({
      %run_scoped3A = tpu.sem_alloc : memref<!tpu.dma_semaphore, #tpu.memory_space<semaphore_mem>>
      %dma_start3A_975 = arith.constant 0 : i32
      %dma_start3A_976 = arith.constant 0 : i32
      %dma_start3A_977 = tpu.memref_slice %arg5[%dma_start3A_975, %dma_start3A_976] : memref<130560x8xf32, #tpu.memory_space<vmem_shared>> -> memref<130560x8xf32, #tpu.memory_space<vmem_shared>>
      tpu.enqueue_indirect_dma source(%arg7 : memref<2832x8xf32, #tpu.memory_space<vmem>>) target(%dma_start3A_977 : memref<130560x8xf32, #tpu.memory_space<vmem_shared>>) offsets(%arg9 : memref<2832xi32, #tpu.memory_space<vmem>>) semaphore(%run_scoped3A : memref<!tpu.dma_semaphore, #tpu.memory_space<semaphore_mem>>) {add = true}
      %dma_wait3A_978 = arith.constant 0 : i32
      %dma_wait3A_979 = arith.constant 0 : i32
      %dma_wait3A_980 = tpu.memref_slice %arg5[%dma_wait3A_978, %dma_wait3A_979] : memref<130560x8xf32, #tpu.memory_space<vmem_shared>> -> memref<130560x8xf32, #tpu.memory_space<vmem_shared>>
      tpu.wait_indirect_dma semaphore(%run_scoped3A : memref<!tpu.dma_semaphore, #tpu.memory_space<semaphore_mem>>) src(%arg7 : memref<2832x8xf32, #tpu.memory_space<vmem>>) dst(%dma_wait3A_980 : memref<130560x8xf32, #tpu.memory_space<vmem_shared>>)
      tpu.yield
    }) : () -> ()
    %dma_wait3A_686 = tpu.memref_slice %arg3[%add3A_679] : memref<498688xi32, #tpu.memory_space<hbm>> -> memref<2832xi32, #tpu.memory_space<hbm>>
    %dma_wait3A_687 = tpu.memref_slice %arg3[%add3A_679] : memref<498688xi32, #tpu.memory_space<hbm>> -> memref<2832xi32, #tpu.memory_space<hbm>>
    tpu.wait_dma2 semaphore(%arg13 : memref<!tpu.dma_semaphore, #tpu.memory_space<semaphore_mem>>) src(%dma_wait3A_687 : memref<2832xi32, #tpu.memory_space<hbm>>) dst(%arg8 : memref<2832xi32, #tpu.memory_space<vmem>>)
    %dma_wait3A_688 = tpu.memref_slice %arg2[%add3A_679, %mul3A_683] : memref<498432x80xf32, #tpu.memory_space<hbm>> -> memref<2832x8xf32, #tpu.memory_space<hbm>>
    %dma_wait3A_689 = tpu.memref_slice %arg2[%add3A_679, %mul3A_683] : memref<498432x80xf32, #tpu.memory_space<hbm>> -> memref<2832x8xf32, #tpu.memory_space<hbm>>
    tpu.wait_dma2 semaphore(%arg11 : memref<!tpu.dma_semaphore, #tpu.memory_space<semaphore_mem>>) src(%dma_wait3A_689 : memref<2832x8xf32, #tpu.memory_space<hbm>>) dst(%arg6 : memref<2832x8xf32, #tpu.memory_space<vmem>>)
    %mul3A_690 = arith.constant 31152 : i32
    %mul3A_691 = arith.muli %arg1, %mul3A_690 : i32
    %add3A_692 = arith.constant 14160 : i32
    %add3A_693 = arith.addi %mul3A_691, %add3A_692 : i32
    %dma_start3A_694 = tpu.memref_slice %arg3[%add3A_693] : memref<498688xi32, #tpu.memory_space<hbm>> -> memref<2832xi32, #tpu.memory_space<hbm>>
    %dma_start3A_695 = tpu.memref_slice %arg3[%add3A_693] : memref<498688xi32, #tpu.memory_space<hbm>> -> memref<2832xi32, #tpu.memory_space<hbm>>
    tpu.enqueue_dma source(%dma_start3A_695 : memref<2832xi32, #tpu.memory_space<hbm>>) target(%arg9 : memref<2832xi32, #tpu.memory_space<vmem>>) target_semaphore(%arg14 : memref<!tpu.dma_semaphore, #tpu.memory_space<semaphore_mem>>)
    %mul3A_696 = arith.constant 8 : i32
    %mul3A_697 = arith.muli %add3A_586, %mul3A_696 : i32
    %dma_start3A_698 = tpu.memref_slice %arg2[%add3A_693, %mul3A_697] : memref<498432x80xf32, #tpu.memory_space<hbm>> -> memref<2832x8xf32, #tpu.memory_space<hbm>>
    %dma_start3A_699 = tpu.memref_slice %arg2[%add3A_693, %mul3A_697] : memref<498432x80xf32, #tpu.memory_space<hbm>> -> memref<2832x8xf32, #tpu.memory_space<hbm>>
    tpu.enqueue_dma source(%dma_start3A_699 : memref<2832x8xf32, #tpu.memory_space<hbm>>) target(%arg7 : memref<2832x8xf32, #tpu.memory_space<vmem>>) target_semaphore(%arg12 : memref<!tpu.dma_semaphore, #tpu.memory_space<semaphore_mem>>)
    "tpu.region"() ({
      %run_scoped3A = tpu.sem_alloc : memref<!tpu.dma_semaphore, #tpu.memory_space<semaphore_mem>>
      %dma_start3A_975 = arith.constant 0 : i32
      %dma_start3A_976 = arith.constant 0 : i32
      %dma_start3A_977 = tpu.memref_slice %arg5[%dma_start3A_975, %dma_start3A_976] : memref<130560x8xf32, #tpu.memory_space<vmem_shared>> -> memref<130560x8xf32, #tpu.memory_space<vmem_shared>>
      tpu.enqueue_indirect_dma source(%arg6 : memref<2832x8xf32, #tpu.memory_space<vmem>>) target(%dma_start3A_977 : memref<130560x8xf32, #tpu.memory_space<vmem_shared>>) offsets(%arg8 : memref<2832xi32, #tpu.memory_space<vmem>>) semaphore(%run_scoped3A : memref<!tpu.dma_semaphore, #tpu.memory_space<semaphore_mem>>) {add = true}
      %dma_wait3A_978 = arith.constant 0 : i32
      %dma_wait3A_979 = arith.constant 0 : i32
      %dma_wait3A_980 = tpu.memref_slice %arg5[%dma_wait3A_978, %dma_wait3A_979] : memref<130560x8xf32, #tpu.memory_space<vmem_shared>> -> memref<130560x8xf32, #tpu.memory_space<vmem_shared>>
      tpu.wait_indirect_dma semaphore(%run_scoped3A : memref<!tpu.dma_semaphore, #tpu.memory_space<semaphore_mem>>) src(%arg6 : memref<2832x8xf32, #tpu.memory_space<vmem>>) dst(%dma_wait3A_980 : memref<130560x8xf32, #tpu.memory_space<vmem_shared>>)
      tpu.yield
    }) : () -> ()
    %dma_wait3A_700 = tpu.memref_slice %arg3[%add3A_693] : memref<498688xi32, #tpu.memory_space<hbm>> -> memref<2832xi32, #tpu.memory_space<hbm>>
    %dma_wait3A_701 = tpu.memref_slice %arg3[%add3A_693] : memref<498688xi32, #tpu.memory_space<hbm>> -> memref<2832xi32, #tpu.memory_space<hbm>>
    tpu.wait_dma2 semaphore(%arg14 : memref<!tpu.dma_semaphore, #tpu.memory_space<semaphore_mem>>) src(%dma_wait3A_701 : memref<2832xi32, #tpu.memory_space<hbm>>) dst(%arg9 : memref<2832xi32, #tpu.memory_space<vmem>>)
    %dma_wait3A_702 = tpu.memref_slice %arg2[%add3A_693, %mul3A_697] : memref<498432x80xf32, #tpu.memory_space<hbm>> -> memref<2832x8xf32, #tpu.memory_space<hbm>>
    %dma_wait3A_703 = tpu.memref_slice %arg2[%add3A_693, %mul3A_697] : memref<498432x80xf32, #tpu.memory_space<hbm>> -> memref<2832x8xf32, #tpu.memory_space<hbm>>
    tpu.wait_dma2 semaphore(%arg12 : memref<!tpu.dma_semaphore, #tpu.memory_space<semaphore_mem>>) src(%dma_wait3A_703 : memref<2832x8xf32, #tpu.memory_space<hbm>>) dst(%arg7 : memref<2832x8xf32, #tpu.memory_space<vmem>>)
    %mul3A_704 = arith.constant 31152 : i32
    %mul3A_705 = arith.muli %arg1, %mul3A_704 : i32
    %add3A_706 = arith.constant 16992 : i32
    %add3A_707 = arith.addi %mul3A_705, %add3A_706 : i32
    %dma_start3A_708 = tpu.memref_slice %arg3[%add3A_707] : memref<498688xi32, #tpu.memory_space<hbm>> -> memref<2832xi32, #tpu.memory_space<hbm>>
    %dma_start3A_709 = tpu.memref_slice %arg3[%add3A_707] : memref<498688xi32, #tpu.memory_space<hbm>> -> memref<2832xi32, #tpu.memory_space<hbm>>
    tpu.enqueue_dma source(%dma_start3A_709 : memref<2832xi32, #tpu.memory_space<hbm>>) target(%arg8 : memref<2832xi32, #tpu.memory_space<vmem>>) target_semaphore(%arg13 : memref<!tpu.dma_semaphore, #tpu.memory_space<semaphore_mem>>)
    %mul3A_710 = arith.constant 8 : i32
    %mul3A_711 = arith.muli %add3A_586, %mul3A_710 : i32
    %dma_start3A_712 = tpu.memref_slice %arg2[%add3A_707, %mul3A_711] : memref<498432x80xf32, #tpu.memory_space<hbm>> -> memref<2832x8xf32, #tpu.memory_space<hbm>>
    %dma_start3A_713 = tpu.memref_slice %arg2[%add3A_707, %mul3A_711] : memref<498432x80xf32, #tpu.memory_space<hbm>> -> memref<2832x8xf32, #tpu.memory_space<hbm>>
    tpu.enqueue_dma source(%dma_start3A_713 : memref<2832x8xf32, #tpu.memory_space<hbm>>) target(%arg6 : memref<2832x8xf32, #tpu.memory_space<vmem>>) target_semaphore(%arg11 : memref<!tpu.dma_semaphore, #tpu.memory_space<semaphore_mem>>)
    "tpu.region"() ({
      %run_scoped3A = tpu.sem_alloc : memref<!tpu.dma_semaphore, #tpu.memory_space<semaphore_mem>>
      %dma_start3A_975 = arith.constant 0 : i32
      %dma_start3A_976 = arith.constant 0 : i32
      %dma_start3A_977 = tpu.memref_slice %arg5[%dma_start3A_975, %dma_start3A_976] : memref<130560x8xf32, #tpu.memory_space<vmem_shared>> -> memref<130560x8xf32, #tpu.memory_space<vmem_shared>>
      tpu.enqueue_indirect_dma source(%arg7 : memref<2832x8xf32, #tpu.memory_space<vmem>>) target(%dma_start3A_977 : memref<130560x8xf32, #tpu.memory_space<vmem_shared>>) offsets(%arg9 : memref<2832xi32, #tpu.memory_space<vmem>>) semaphore(%run_scoped3A : memref<!tpu.dma_semaphore, #tpu.memory_space<semaphore_mem>>) {add = true}
      %dma_wait3A_978 = arith.constant 0 : i32
      %dma_wait3A_979 = arith.constant 0 : i32
      %dma_wait3A_980 = tpu.memref_slice %arg5[%dma_wait3A_978, %dma_wait3A_979] : memref<130560x8xf32, #tpu.memory_space<vmem_shared>> -> memref<130560x8xf32, #tpu.memory_space<vmem_shared>>
      tpu.wait_indirect_dma semaphore(%run_scoped3A : memref<!tpu.dma_semaphore, #tpu.memory_space<semaphore_mem>>) src(%arg7 : memref<2832x8xf32, #tpu.memory_space<vmem>>) dst(%dma_wait3A_980 : memref<130560x8xf32, #tpu.memory_space<vmem_shared>>)
      tpu.yield
    }) : () -> ()
    %dma_wait3A_714 = tpu.memref_slice %arg3[%add3A_707] : memref<498688xi32, #tpu.memory_space<hbm>> -> memref<2832xi32, #tpu.memory_space<hbm>>
    %dma_wait3A_715 = tpu.memref_slice %arg3[%add3A_707] : memref<498688xi32, #tpu.memory_space<hbm>> -> memref<2832xi32, #tpu.memory_space<hbm>>
    tpu.wait_dma2 semaphore(%arg13 : memref<!tpu.dma_semaphore, #tpu.memory_space<semaphore_mem>>) src(%dma_wait3A_715 : memref<2832xi32, #tpu.memory_space<hbm>>) dst(%arg8 : memref<2832xi32, #tpu.memory_space<vmem>>)
    %dma_wait3A_716 = tpu.memref_slice %arg2[%add3A_707, %mul3A_711] : memref<498432x80xf32, #tpu.memory_space<hbm>> -> memref<2832x8xf32, #tpu.memory_space<hbm>>
    %dma_wait3A_717 = tpu.memref_slice %arg2[%add3A_707, %mul3A_711] : memref<498432x80xf32, #tpu.memory_space<hbm>> -> memref<2832x8xf32, #tpu.memory_space<hbm>>
    tpu.wait_dma2 semaphore(%arg11 : memref<!tpu.dma_semaphore, #tpu.memory_space<semaphore_mem>>) src(%dma_wait3A_717 : memref<2832x8xf32, #tpu.memory_space<hbm>>) dst(%arg6 : memref<2832x8xf32, #tpu.memory_space<vmem>>)
    %mul3A_718 = arith.constant 31152 : i32
    %mul3A_719 = arith.muli %arg1, %mul3A_718 : i32
    %add3A_720 = arith.constant 19824 : i32
    %add3A_721 = arith.addi %mul3A_719, %add3A_720 : i32
    %dma_start3A_722 = tpu.memref_slice %arg3[%add3A_721] : memref<498688xi32, #tpu.memory_space<hbm>> -> memref<2832xi32, #tpu.memory_space<hbm>>
    %dma_start3A_723 = tpu.memref_slice %arg3[%add3A_721] : memref<498688xi32, #tpu.memory_space<hbm>> -> memref<2832xi32, #tpu.memory_space<hbm>>
    tpu.enqueue_dma source(%dma_start3A_723 : memref<2832xi32, #tpu.memory_space<hbm>>) target(%arg9 : memref<2832xi32, #tpu.memory_space<vmem>>) target_semaphore(%arg14 : memref<!tpu.dma_semaphore, #tpu.memory_space<semaphore_mem>>)
    %mul3A_724 = arith.constant 8 : i32
    %mul3A_725 = arith.muli %add3A_586, %mul3A_724 : i32
    %dma_start3A_726 = tpu.memref_slice %arg2[%add3A_721, %mul3A_725] : memref<498432x80xf32, #tpu.memory_space<hbm>> -> memref<2832x8xf32, #tpu.memory_space<hbm>>
    %dma_start3A_727 = tpu.memref_slice %arg2[%add3A_721, %mul3A_725] : memref<498432x80xf32, #tpu.memory_space<hbm>> -> memref<2832x8xf32, #tpu.memory_space<hbm>>
    tpu.enqueue_dma source(%dma_start3A_727 : memref<2832x8xf32, #tpu.memory_space<hbm>>) target(%arg7 : memref<2832x8xf32, #tpu.memory_space<vmem>>) target_semaphore(%arg12 : memref<!tpu.dma_semaphore, #tpu.memory_space<semaphore_mem>>)
    "tpu.region"() ({
      %run_scoped3A = tpu.sem_alloc : memref<!tpu.dma_semaphore, #tpu.memory_space<semaphore_mem>>
      %dma_start3A_975 = arith.constant 0 : i32
      %dma_start3A_976 = arith.constant 0 : i32
      %dma_start3A_977 = tpu.memref_slice %arg5[%dma_start3A_975, %dma_start3A_976] : memref<130560x8xf32, #tpu.memory_space<vmem_shared>> -> memref<130560x8xf32, #tpu.memory_space<vmem_shared>>
      tpu.enqueue_indirect_dma source(%arg6 : memref<2832x8xf32, #tpu.memory_space<vmem>>) target(%dma_start3A_977 : memref<130560x8xf32, #tpu.memory_space<vmem_shared>>) offsets(%arg8 : memref<2832xi32, #tpu.memory_space<vmem>>) semaphore(%run_scoped3A : memref<!tpu.dma_semaphore, #tpu.memory_space<semaphore_mem>>) {add = true}
      %dma_wait3A_978 = arith.constant 0 : i32
      %dma_wait3A_979 = arith.constant 0 : i32
      %dma_wait3A_980 = tpu.memref_slice %arg5[%dma_wait3A_978, %dma_wait3A_979] : memref<130560x8xf32, #tpu.memory_space<vmem_shared>> -> memref<130560x8xf32, #tpu.memory_space<vmem_shared>>
      tpu.wait_indirect_dma semaphore(%run_scoped3A : memref<!tpu.dma_semaphore, #tpu.memory_space<semaphore_mem>>) src(%arg6 : memref<2832x8xf32, #tpu.memory_space<vmem>>) dst(%dma_wait3A_980 : memref<130560x8xf32, #tpu.memory_space<vmem_shared>>)
      tpu.yield
    }) : () -> ()
    %dma_wait3A_728 = tpu.memref_slice %arg3[%add3A_721] : memref<498688xi32, #tpu.memory_space<hbm>> -> memref<2832xi32, #tpu.memory_space<hbm>>
    %dma_wait3A_729 = tpu.memref_slice %arg3[%add3A_721] : memref<498688xi32, #tpu.memory_space<hbm>> -> memref<2832xi32, #tpu.memory_space<hbm>>
    tpu.wait_dma2 semaphore(%arg14 : memref<!tpu.dma_semaphore, #tpu.memory_space<semaphore_mem>>) src(%dma_wait3A_729 : memref<2832xi32, #tpu.memory_space<hbm>>) dst(%arg9 : memref<2832xi32, #tpu.memory_space<vmem>>)
    %dma_wait3A_730 = tpu.memref_slice %arg2[%add3A_721, %mul3A_725] : memref<498432x80xf32, #tpu.memory_space<hbm>> -> memref<2832x8xf32, #tpu.memory_space<hbm>>
    %dma_wait3A_731 = tpu.memref_slice %arg2[%add3A_721, %mul3A_725] : memref<498432x80xf32, #tpu.memory_space<hbm>> -> memref<2832x8xf32, #tpu.memory_space<hbm>>
    tpu.wait_dma2 semaphore(%arg12 : memref<!tpu.dma_semaphore, #tpu.memory_space<semaphore_mem>>) src(%dma_wait3A_731 : memref<2832x8xf32, #tpu.memory_space<hbm>>) dst(%arg7 : memref<2832x8xf32, #tpu.memory_space<vmem>>)
    %mul3A_732 = arith.constant 31152 : i32
    %mul3A_733 = arith.muli %arg1, %mul3A_732 : i32
    %add3A_734 = arith.constant 22656 : i32
    %add3A_735 = arith.addi %mul3A_733, %add3A_734 : i32
    %dma_start3A_736 = tpu.memref_slice %arg3[%add3A_735] : memref<498688xi32, #tpu.memory_space<hbm>> -> memref<2832xi32, #tpu.memory_space<hbm>>
    %dma_start3A_737 = tpu.memref_slice %arg3[%add3A_735] : memref<498688xi32, #tpu.memory_space<hbm>> -> memref<2832xi32, #tpu.memory_space<hbm>>
    tpu.enqueue_dma source(%dma_start3A_737 : memref<2832xi32, #tpu.memory_space<hbm>>) target(%arg8 : memref<2832xi32, #tpu.memory_space<vmem>>) target_semaphore(%arg13 : memref<!tpu.dma_semaphore, #tpu.memory_space<semaphore_mem>>)
    %mul3A_738 = arith.constant 8 : i32
    %mul3A_739 = arith.muli %add3A_586, %mul3A_738 : i32
    %dma_start3A_740 = tpu.memref_slice %arg2[%add3A_735, %mul3A_739] : memref<498432x80xf32, #tpu.memory_space<hbm>> -> memref<2832x8xf32, #tpu.memory_space<hbm>>
    %dma_start3A_741 = tpu.memref_slice %arg2[%add3A_735, %mul3A_739] : memref<498432x80xf32, #tpu.memory_space<hbm>> -> memref<2832x8xf32, #tpu.memory_space<hbm>>
    tpu.enqueue_dma source(%dma_start3A_741 : memref<2832x8xf32, #tpu.memory_space<hbm>>) target(%arg6 : memref<2832x8xf32, #tpu.memory_space<vmem>>) target_semaphore(%arg11 : memref<!tpu.dma_semaphore, #tpu.memory_space<semaphore_mem>>)
    "tpu.region"() ({
      %run_scoped3A = tpu.sem_alloc : memref<!tpu.dma_semaphore, #tpu.memory_space<semaphore_mem>>
      %dma_start3A_975 = arith.constant 0 : i32
      %dma_start3A_976 = arith.constant 0 : i32
      %dma_start3A_977 = tpu.memref_slice %arg5[%dma_start3A_975, %dma_start3A_976] : memref<130560x8xf32, #tpu.memory_space<vmem_shared>> -> memref<130560x8xf32, #tpu.memory_space<vmem_shared>>
      tpu.enqueue_indirect_dma source(%arg7 : memref<2832x8xf32, #tpu.memory_space<vmem>>) target(%dma_start3A_977 : memref<130560x8xf32, #tpu.memory_space<vmem_shared>>) offsets(%arg9 : memref<2832xi32, #tpu.memory_space<vmem>>) semaphore(%run_scoped3A : memref<!tpu.dma_semaphore, #tpu.memory_space<semaphore_mem>>) {add = true}
      %dma_wait3A_978 = arith.constant 0 : i32
      %dma_wait3A_979 = arith.constant 0 : i32
      %dma_wait3A_980 = tpu.memref_slice %arg5[%dma_wait3A_978, %dma_wait3A_979] : memref<130560x8xf32, #tpu.memory_space<vmem_shared>> -> memref<130560x8xf32, #tpu.memory_space<vmem_shared>>
      tpu.wait_indirect_dma semaphore(%run_scoped3A : memref<!tpu.dma_semaphore, #tpu.memory_space<semaphore_mem>>) src(%arg7 : memref<2832x8xf32, #tpu.memory_space<vmem>>) dst(%dma_wait3A_980 : memref<130560x8xf32, #tpu.memory_space<vmem_shared>>)
      tpu.yield
    }) : () -> ()
    %dma_wait3A_742 = tpu.memref_slice %arg3[%add3A_735] : memref<498688xi32, #tpu.memory_space<hbm>> -> memref<2832xi32, #tpu.memory_space<hbm>>
    %dma_wait3A_743 = tpu.memref_slice %arg3[%add3A_735] : memref<498688xi32, #tpu.memory_space<hbm>> -> memref<2832xi32, #tpu.memory_space<hbm>>
    tpu.wait_dma2 semaphore(%arg13 : memref<!tpu.dma_semaphore, #tpu.memory_space<semaphore_mem>>) src(%dma_wait3A_743 : memref<2832xi32, #tpu.memory_space<hbm>>) dst(%arg8 : memref<2832xi32, #tpu.memory_space<vmem>>)
    %dma_wait3A_744 = tpu.memref_slice %arg2[%add3A_735, %mul3A_739] : memref<498432x80xf32, #tpu.memory_space<hbm>> -> memref<2832x8xf32, #tpu.memory_space<hbm>>
    %dma_wait3A_745 = tpu.memref_slice %arg2[%add3A_735, %mul3A_739] : memref<498432x80xf32, #tpu.memory_space<hbm>> -> memref<2832x8xf32, #tpu.memory_space<hbm>>
    tpu.wait_dma2 semaphore(%arg11 : memref<!tpu.dma_semaphore, #tpu.memory_space<semaphore_mem>>) src(%dma_wait3A_745 : memref<2832x8xf32, #tpu.memory_space<hbm>>) dst(%arg6 : memref<2832x8xf32, #tpu.memory_space<vmem>>)
    %mul3A_746 = arith.constant 31152 : i32
    %mul3A_747 = arith.muli %arg1, %mul3A_746 : i32
    %add3A_748 = arith.constant 25488 : i32
    %add3A_749 = arith.addi %mul3A_747, %add3A_748 : i32
    %dma_start3A_750 = tpu.memref_slice %arg3[%add3A_749] : memref<498688xi32, #tpu.memory_space<hbm>> -> memref<2832xi32, #tpu.memory_space<hbm>>
    %dma_start3A_751 = tpu.memref_slice %arg3[%add3A_749] : memref<498688xi32, #tpu.memory_space<hbm>> -> memref<2832xi32, #tpu.memory_space<hbm>>
    tpu.enqueue_dma source(%dma_start3A_751 : memref<2832xi32, #tpu.memory_space<hbm>>) target(%arg9 : memref<2832xi32, #tpu.memory_space<vmem>>) target_semaphore(%arg14 : memref<!tpu.dma_semaphore, #tpu.memory_space<semaphore_mem>>)
    %mul3A_752 = arith.constant 8 : i32
    %mul3A_753 = arith.muli %add3A_586, %mul3A_752 : i32
    %dma_start3A_754 = tpu.memref_slice %arg2[%add3A_749, %mul3A_753] : memref<498432x80xf32, #tpu.memory_space<hbm>> -> memref<2832x8xf32, #tpu.memory_space<hbm>>
    %dma_start3A_755 = tpu.memref_slice %arg2[%add3A_749, %mul3A_753] : memref<498432x80xf32, #tpu.memory_space<hbm>> -> memref<2832x8xf32, #tpu.memory_space<hbm>>
    tpu.enqueue_dma source(%dma_start3A_755 : memref<2832x8xf32, #tpu.memory_space<hbm>>) target(%arg7 : memref<2832x8xf32, #tpu.memory_space<vmem>>) target_semaphore(%arg12 : memref<!tpu.dma_semaphore, #tpu.memory_space<semaphore_mem>>)
    "tpu.region"() ({
      %run_scoped3A = tpu.sem_alloc : memref<!tpu.dma_semaphore, #tpu.memory_space<semaphore_mem>>
      %dma_start3A_975 = arith.constant 0 : i32
      %dma_start3A_976 = arith.constant 0 : i32
      %dma_start3A_977 = tpu.memref_slice %arg5[%dma_start3A_975, %dma_start3A_976] : memref<130560x8xf32, #tpu.memory_space<vmem_shared>> -> memref<130560x8xf32, #tpu.memory_space<vmem_shared>>
      tpu.enqueue_indirect_dma source(%arg6 : memref<2832x8xf32, #tpu.memory_space<vmem>>) target(%dma_start3A_977 : memref<130560x8xf32, #tpu.memory_space<vmem_shared>>) offsets(%arg8 : memref<2832xi32, #tpu.memory_space<vmem>>) semaphore(%run_scoped3A : memref<!tpu.dma_semaphore, #tpu.memory_space<semaphore_mem>>) {add = true}
      %dma_wait3A_978 = arith.constant 0 : i32
      %dma_wait3A_979 = arith.constant 0 : i32
      %dma_wait3A_980 = tpu.memref_slice %arg5[%dma_wait3A_978, %dma_wait3A_979] : memref<130560x8xf32, #tpu.memory_space<vmem_shared>> -> memref<130560x8xf32, #tpu.memory_space<vmem_shared>>
      tpu.wait_indirect_dma semaphore(%run_scoped3A : memref<!tpu.dma_semaphore, #tpu.memory_space<semaphore_mem>>) src(%arg6 : memref<2832x8xf32, #tpu.memory_space<vmem>>) dst(%dma_wait3A_980 : memref<130560x8xf32, #tpu.memory_space<vmem_shared>>)
      tpu.yield
    }) : () -> ()
    %dma_wait3A_756 = tpu.memref_slice %arg3[%add3A_749] : memref<498688xi32, #tpu.memory_space<hbm>> -> memref<2832xi32, #tpu.memory_space<hbm>>
    %dma_wait3A_757 = tpu.memref_slice %arg3[%add3A_749] : memref<498688xi32, #tpu.memory_space<hbm>> -> memref<2832xi32, #tpu.memory_space<hbm>>
    tpu.wait_dma2 semaphore(%arg14 : memref<!tpu.dma_semaphore, #tpu.memory_space<semaphore_mem>>) src(%dma_wait3A_757 : memref<2832xi32, #tpu.memory_space<hbm>>) dst(%arg9 : memref<2832xi32, #tpu.memory_space<vmem>>)
    %dma_wait3A_758 = tpu.memref_slice %arg2[%add3A_749, %mul3A_753] : memref<498432x80xf32, #tpu.memory_space<hbm>> -> memref<2832x8xf32, #tpu.memory_space<hbm>>
    %dma_wait3A_759 = tpu.memref_slice %arg2[%add3A_749, %mul3A_753] : memref<498432x80xf32, #tpu.memory_space<hbm>> -> memref<2832x8xf32, #tpu.memory_space<hbm>>
    tpu.wait_dma2 semaphore(%arg12 : memref<!tpu.dma_semaphore, #tpu.memory_space<semaphore_mem>>) src(%dma_wait3A_759 : memref<2832x8xf32, #tpu.memory_space<hbm>>) dst(%arg7 : memref<2832x8xf32, #tpu.memory_space<vmem>>)
    %mul3A_760 = arith.constant 31152 : i32
    %mul3A_761 = arith.muli %arg1, %mul3A_760 : i32
    %add3A_762 = arith.constant 28320 : i32
    %add3A_763 = arith.addi %mul3A_761, %add3A_762 : i32
    %dma_start3A_764 = tpu.memref_slice %arg3[%add3A_763] : memref<498688xi32, #tpu.memory_space<hbm>> -> memref<2832xi32, #tpu.memory_space<hbm>>
    %dma_start3A_765 = tpu.memref_slice %arg3[%add3A_763] : memref<498688xi32, #tpu.memory_space<hbm>> -> memref<2832xi32, #tpu.memory_space<hbm>>
    tpu.enqueue_dma source(%dma_start3A_765 : memref<2832xi32, #tpu.memory_space<hbm>>) target(%arg8 : memref<2832xi32, #tpu.memory_space<vmem>>) target_semaphore(%arg13 : memref<!tpu.dma_semaphore, #tpu.memory_space<semaphore_mem>>)
    %mul3A_766 = arith.constant 8 : i32
    %mul3A_767 = arith.muli %add3A_586, %mul3A_766 : i32
    %dma_start3A_768 = tpu.memref_slice %arg2[%add3A_763, %mul3A_767] : memref<498432x80xf32, #tpu.memory_space<hbm>> -> memref<2832x8xf32, #tpu.memory_space<hbm>>
    %dma_start3A_769 = tpu.memref_slice %arg2[%add3A_763, %mul3A_767] : memref<498432x80xf32, #tpu.memory_space<hbm>> -> memref<2832x8xf32, #tpu.memory_space<hbm>>
    tpu.enqueue_dma source(%dma_start3A_769 : memref<2832x8xf32, #tpu.memory_space<hbm>>) target(%arg6 : memref<2832x8xf32, #tpu.memory_space<vmem>>) target_semaphore(%arg11 : memref<!tpu.dma_semaphore, #tpu.memory_space<semaphore_mem>>)
    "tpu.region"() ({
      %run_scoped3A = tpu.sem_alloc : memref<!tpu.dma_semaphore, #tpu.memory_space<semaphore_mem>>
      %dma_start3A_975 = arith.constant 0 : i32
      %dma_start3A_976 = arith.constant 0 : i32
      %dma_start3A_977 = tpu.memref_slice %arg5[%dma_start3A_975, %dma_start3A_976] : memref<130560x8xf32, #tpu.memory_space<vmem_shared>> -> memref<130560x8xf32, #tpu.memory_space<vmem_shared>>
      tpu.enqueue_indirect_dma source(%arg7 : memref<2832x8xf32, #tpu.memory_space<vmem>>) target(%dma_start3A_977 : memref<130560x8xf32, #tpu.memory_space<vmem_shared>>) offsets(%arg9 : memref<2832xi32, #tpu.memory_space<vmem>>) semaphore(%run_scoped3A : memref<!tpu.dma_semaphore, #tpu.memory_space<semaphore_mem>>) {add = true}
      %dma_wait3A_978 = arith.constant 0 : i32
      %dma_wait3A_979 = arith.constant 0 : i32
      %dma_wait3A_980 = tpu.memref_slice %arg5[%dma_wait3A_978, %dma_wait3A_979] : memref<130560x8xf32, #tpu.memory_space<vmem_shared>> -> memref<130560x8xf32, #tpu.memory_space<vmem_shared>>
      tpu.wait_indirect_dma semaphore(%run_scoped3A : memref<!tpu.dma_semaphore, #tpu.memory_space<semaphore_mem>>) src(%arg7 : memref<2832x8xf32, #tpu.memory_space<vmem>>) dst(%dma_wait3A_980 : memref<130560x8xf32, #tpu.memory_space<vmem_shared>>)
      tpu.yield
    }) : () -> ()
    %dma_wait3A_770 = tpu.memref_slice %arg3[%add3A_763] : memref<498688xi32, #tpu.memory_space<hbm>> -> memref<2832xi32, #tpu.memory_space<hbm>>
    %dma_wait3A_771 = tpu.memref_slice %arg3[%add3A_763] : memref<498688xi32, #tpu.memory_space<hbm>> -> memref<2832xi32, #tpu.memory_space<hbm>>
    tpu.wait_dma2 semaphore(%arg13 : memref<!tpu.dma_semaphore, #tpu.memory_space<semaphore_mem>>) src(%dma_wait3A_771 : memref<2832xi32, #tpu.memory_space<hbm>>) dst(%arg8 : memref<2832xi32, #tpu.memory_space<vmem>>)
    %dma_wait3A_772 = tpu.memref_slice %arg2[%add3A_763, %mul3A_767] : memref<498432x80xf32, #tpu.memory_space<hbm>> -> memref<2832x8xf32, #tpu.memory_space<hbm>>
    %dma_wait3A_773 = tpu.memref_slice %arg2[%add3A_763, %mul3A_767] : memref<498432x80xf32, #tpu.memory_space<hbm>> -> memref<2832x8xf32, #tpu.memory_space<hbm>>
    tpu.wait_dma2 semaphore(%arg11 : memref<!tpu.dma_semaphore, #tpu.memory_space<semaphore_mem>>) src(%dma_wait3A_773 : memref<2832x8xf32, #tpu.memory_space<hbm>>) dst(%arg6 : memref<2832x8xf32, #tpu.memory_space<vmem>>)
    "tpu.region"() ({
      %run_scoped3A = tpu.sem_alloc : memref<!tpu.dma_semaphore, #tpu.memory_space<semaphore_mem>>
      %dma_start3A_975 = arith.constant 0 : i32
      %dma_start3A_976 = arith.constant 0 : i32
      %dma_start3A_977 = tpu.memref_slice %arg5[%dma_start3A_975, %dma_start3A_976] : memref<130560x8xf32, #tpu.memory_space<vmem_shared>> -> memref<130560x8xf32, #tpu.memory_space<vmem_shared>>
      tpu.enqueue_indirect_dma source(%arg6 : memref<2832x8xf32, #tpu.memory_space<vmem>>) target(%dma_start3A_977 : memref<130560x8xf32, #tpu.memory_space<vmem_shared>>) offsets(%arg8 : memref<2832xi32, #tpu.memory_space<vmem>>) semaphore(%run_scoped3A : memref<!tpu.dma_semaphore, #tpu.memory_space<semaphore_mem>>) {add = true}
      %dma_wait3A_978 = arith.constant 0 : i32
      %dma_wait3A_979 = arith.constant 0 : i32
      %dma_wait3A_980 = tpu.memref_slice %arg5[%dma_wait3A_978, %dma_wait3A_979] : memref<130560x8xf32, #tpu.memory_space<vmem_shared>> -> memref<130560x8xf32, #tpu.memory_space<vmem_shared>>
      tpu.wait_indirect_dma semaphore(%run_scoped3A : memref<!tpu.dma_semaphore, #tpu.memory_space<semaphore_mem>>) src(%arg6 : memref<2832x8xf32, #tpu.memory_space<vmem>>) dst(%dma_wait3A_980 : memref<130560x8xf32, #tpu.memory_space<vmem_shared>>)
      tpu.yield
    }) : () -> ()
    %barrier3A_774 = arith.constant 0 : index
    tpu.barrier barrier_id(%barrier3A_774)
    %mul3A_775 = arith.constant 8104 : i32
    %mul3A_776 = arith.muli %arg1, %mul3A_775 : i32
    %mul3A_777 = arith.constant 8104 : i32
    %mul3A_778 = arith.muli %arg1, %mul3A_777 : i32
    "tpu.region"() ({
      %run_scoped3A = tpu.sem_alloc : memref<!tpu.dma_semaphore, #tpu.memory_space<semaphore_mem>>
      %dma_start3A_975 = arith.constant 0 : i32
      %dma_start3A_976 = tpu.memref_slice %arg4[%add3A_586, %mul3A_778, %dma_start3A_975] : memref<10x129664x8xf32, #tpu.memory_space<hbm>> -> memref<1x8104x8xf32, #tpu.memory_space<hbm>>
      %dma_start3A_977 = tpu.memref_squeeze %dma_start3A_976 : memref<1x8104x8xf32, #tpu.memory_space<hbm>> -> memref<8104x8xf32, #tpu.memory_space<hbm>>
      %dma_start3A_978 = arith.constant 0 : i32
      %dma_start3A_979 = tpu.memref_slice %arg5[%mul3A_776, %dma_start3A_978] : memref<130560x8xf32, #tpu.memory_space<vmem_shared>> -> memref<8104x8xf32, #tpu.memory_space<vmem_shared>>
      tpu.enqueue_dma source(%dma_start3A_979 : memref<8104x8xf32, #tpu.memory_space<vmem_shared>>) target(%dma_start3A_977 : memref<8104x8xf32, #tpu.memory_space<hbm>>) target_semaphore(%run_scoped3A : memref<!tpu.dma_semaphore, #tpu.memory_space<semaphore_mem>>)
      %dma_wait3A_980 = arith.constant 0 : i32
      %dma_wait3A_981 = tpu.memref_slice %arg4[%add3A_586, %mul3A_778, %dma_wait3A_980] : memref<10x129664x8xf32, #tpu.memory_space<hbm>> -> memref<1x8104x8xf32, #tpu.memory_space<hbm>>
      %dma_wait3A_982 = tpu.memref_squeeze %dma_wait3A_981 : memref<1x8104x8xf32, #tpu.memory_space<hbm>> -> memref<8104x8xf32, #tpu.memory_space<hbm>>
      %dma_wait3A_983 = arith.constant 0 : i32
      %dma_wait3A_984 = tpu.memref_slice %arg5[%mul3A_776, %dma_wait3A_983] : memref<130560x8xf32, #tpu.memory_space<vmem_shared>> -> memref<8104x8xf32, #tpu.memory_space<vmem_shared>>
      tpu.wait_dma2 semaphore(%run_scoped3A : memref<!tpu.dma_semaphore, #tpu.memory_space<semaphore_mem>>) src(%dma_wait3A_984 : memref<8104x8xf32, #tpu.memory_space<vmem_shared>>) dst(%dma_wait3A_982 : memref<8104x8xf32, #tpu.memory_space<hbm>>)
      tpu.yield
    }) : () -> ()
    %barrier3A_779 = arith.constant 0 : index
    tpu.barrier barrier_id(%barrier3A_779)
    %add3A_780 = arith.constant 8 : i32
    %add3A_781 = arith.addi %add3A_780, %arg0 : i32
    %mul3A_782 = arith.constant 8160 : i32
    %mul3A_783 = arith.muli %arg1, %mul3A_782 : i32
    %add3A_784 = arith.constant 0 : i32
    %add3A_785 = arith.addi %mul3A_783, %add3A_784 : i32
    "tpu.region"() ({
      %run_scoped3A = tpu.sem_alloc : memref<!tpu.dma_semaphore, #tpu.memory_space<semaphore_mem>>
      %dma_start3A_975 = arith.constant 0 : i32
      %dma_start3A_976 = tpu.memref_slice %arg5[%add3A_785, %dma_start3A_975] : memref<130560x8xf32, #tpu.memory_space<vmem_shared>> -> memref<1020x8xf32, #tpu.memory_space<vmem_shared>>
      %dma_start3A_977 = arith.constant 0 : i32
      %dma_start3A_978 = tpu.memref_slice %arg5[%add3A_785, %dma_start3A_977] : memref<130560x8xf32, #tpu.memory_space<vmem_shared>> -> memref<1020x8xf32, #tpu.memory_space<vmem_shared>>
      tpu.enqueue_dma source(%arg10 : memref<1020x8xf32, #tpu.memory_space<vmem>>) target(%dma_start3A_978 : memref<1020x8xf32, #tpu.memory_space<vmem_shared>>) target_semaphore(%run_scoped3A : memref<!tpu.dma_semaphore, #tpu.memory_space<semaphore_mem>>)
      %dma_wait3A_979 = arith.constant 0 : i32
      %dma_wait3A_980 = tpu.memref_slice %arg5[%add3A_785, %dma_wait3A_979] : memref<130560x8xf32, #tpu.memory_space<vmem_shared>> -> memref<1020x8xf32, #tpu.memory_space<vmem_shared>>
      %dma_wait3A_981 = arith.constant 0 : i32
      %dma_wait3A_982 = tpu.memref_slice %arg5[%add3A_785, %dma_wait3A_981] : memref<130560x8xf32, #tpu.memory_space<vmem_shared>> -> memref<1020x8xf32, #tpu.memory_space<vmem_shared>>
      tpu.wait_dma2 semaphore(%run_scoped3A : memref<!tpu.dma_semaphore, #tpu.memory_space<semaphore_mem>>) src(%arg10 : memref<1020x8xf32, #tpu.memory_space<vmem>>) dst(%dma_wait3A_982 : memref<1020x8xf32, #tpu.memory_space<vmem_shared>>)
      tpu.yield
    }) : () -> ()
    %mul3A_786 = arith.constant 8160 : i32
    %mul3A_787 = arith.muli %arg1, %mul3A_786 : i32
    %add3A_788 = arith.constant 1020 : i32
    %add3A_789 = arith.addi %mul3A_787, %add3A_788 : i32
    "tpu.region"() ({
      %run_scoped3A = tpu.sem_alloc : memref<!tpu.dma_semaphore, #tpu.memory_space<semaphore_mem>>
      %dma_start3A_975 = arith.constant 0 : i32
      %dma_start3A_976 = tpu.memref_slice %arg5[%add3A_789, %dma_start3A_975] : memref<130560x8xf32, #tpu.memory_space<vmem_shared>> -> memref<1020x8xf32, #tpu.memory_space<vmem_shared>>
      %dma_start3A_977 = arith.constant 0 : i32
      %dma_start3A_978 = tpu.memref_slice %arg5[%add3A_789, %dma_start3A_977] : memref<130560x8xf32, #tpu.memory_space<vmem_shared>> -> memref<1020x8xf32, #tpu.memory_space<vmem_shared>>
      tpu.enqueue_dma source(%arg10 : memref<1020x8xf32, #tpu.memory_space<vmem>>) target(%dma_start3A_978 : memref<1020x8xf32, #tpu.memory_space<vmem_shared>>) target_semaphore(%run_scoped3A : memref<!tpu.dma_semaphore, #tpu.memory_space<semaphore_mem>>)
      %dma_wait3A_979 = arith.constant 0 : i32
      %dma_wait3A_980 = tpu.memref_slice %arg5[%add3A_789, %dma_wait3A_979] : memref<130560x8xf32, #tpu.memory_space<vmem_shared>> -> memref<1020x8xf32, #tpu.memory_space<vmem_shared>>
      %dma_wait3A_981 = arith.constant 0 : i32
      %dma_wait3A_982 = tpu.memref_slice %arg5[%add3A_789, %dma_wait3A_981] : memref<130560x8xf32, #tpu.memory_space<vmem_shared>> -> memref<1020x8xf32, #tpu.memory_space<vmem_shared>>
      tpu.wait_dma2 semaphore(%run_scoped3A : memref<!tpu.dma_semaphore, #tpu.memory_space<semaphore_mem>>) src(%arg10 : memref<1020x8xf32, #tpu.memory_space<vmem>>) dst(%dma_wait3A_982 : memref<1020x8xf32, #tpu.memory_space<vmem_shared>>)
      tpu.yield
    }) : () -> ()
    %mul3A_790 = arith.constant 8160 : i32
    %mul3A_791 = arith.muli %arg1, %mul3A_790 : i32
    %add3A_792 = arith.constant 2040 : i32
    %add3A_793 = arith.addi %mul3A_791, %add3A_792 : i32
    "tpu.region"() ({
      %run_scoped3A = tpu.sem_alloc : memref<!tpu.dma_semaphore, #tpu.memory_space<semaphore_mem>>
      %dma_start3A_975 = arith.constant 0 : i32
      %dma_start3A_976 = tpu.memref_slice %arg5[%add3A_793, %dma_start3A_975] : memref<130560x8xf32, #tpu.memory_space<vmem_shared>> -> memref<1020x8xf32, #tpu.memory_space<vmem_shared>>
      %dma_start3A_977 = arith.constant 0 : i32
      %dma_start3A_978 = tpu.memref_slice %arg5[%add3A_793, %dma_start3A_977] : memref<130560x8xf32, #tpu.memory_space<vmem_shared>> -> memref<1020x8xf32, #tpu.memory_space<vmem_shared>>
      tpu.enqueue_dma source(%arg10 : memref<1020x8xf32, #tpu.memory_space<vmem>>) target(%dma_start3A_978 : memref<1020x8xf32, #tpu.memory_space<vmem_shared>>) target_semaphore(%run_scoped3A : memref<!tpu.dma_semaphore, #tpu.memory_space<semaphore_mem>>)
      %dma_wait3A_979 = arith.constant 0 : i32
      %dma_wait3A_980 = tpu.memref_slice %arg5[%add3A_793, %dma_wait3A_979] : memref<130560x8xf32, #tpu.memory_space<vmem_shared>> -> memref<1020x8xf32, #tpu.memory_space<vmem_shared>>
      %dma_wait3A_981 = arith.constant 0 : i32
      %dma_wait3A_982 = tpu.memref_slice %arg5[%add3A_793, %dma_wait3A_981] : memref<130560x8xf32, #tpu.memory_space<vmem_shared>> -> memref<1020x8xf32, #tpu.memory_space<vmem_shared>>
      tpu.wait_dma2 semaphore(%run_scoped3A : memref<!tpu.dma_semaphore, #tpu.memory_space<semaphore_mem>>) src(%arg10 : memref<1020x8xf32, #tpu.memory_space<vmem>>) dst(%dma_wait3A_982 : memref<1020x8xf32, #tpu.memory_space<vmem_shared>>)
      tpu.yield
    }) : () -> ()
    %mul3A_794 = arith.constant 8160 : i32
    %mul3A_795 = arith.muli %arg1, %mul3A_794 : i32
    %add3A_796 = arith.constant 3060 : i32
    %add3A_797 = arith.addi %mul3A_795, %add3A_796 : i32
    "tpu.region"() ({
      %run_scoped3A = tpu.sem_alloc : memref<!tpu.dma_semaphore, #tpu.memory_space<semaphore_mem>>
      %dma_start3A_975 = arith.constant 0 : i32
      %dma_start3A_976 = tpu.memref_slice %arg5[%add3A_797, %dma_start3A_975] : memref<130560x8xf32, #tpu.memory_space<vmem_shared>> -> memref<1020x8xf32, #tpu.memory_space<vmem_shared>>
      %dma_start3A_977 = arith.constant 0 : i32
      %dma_start3A_978 = tpu.memref_slice %arg5[%add3A_797, %dma_start3A_977] : memref<130560x8xf32, #tpu.memory_space<vmem_shared>> -> memref<1020x8xf32, #tpu.memory_space<vmem_shared>>
      tpu.enqueue_dma source(%arg10 : memref<1020x8xf32, #tpu.memory_space<vmem>>) target(%dma_start3A_978 : memref<1020x8xf32, #tpu.memory_space<vmem_shared>>) target_semaphore(%run_scoped3A : memref<!tpu.dma_semaphore, #tpu.memory_space<semaphore_mem>>)
      %dma_wait3A_979 = arith.constant 0 : i32
      %dma_wait3A_980 = tpu.memref_slice %arg5[%add3A_797, %dma_wait3A_979] : memref<130560x8xf32, #tpu.memory_space<vmem_shared>> -> memref<1020x8xf32, #tpu.memory_space<vmem_shared>>
      %dma_wait3A_981 = arith.constant 0 : i32
      %dma_wait3A_982 = tpu.memref_slice %arg5[%add3A_797, %dma_wait3A_981] : memref<130560x8xf32, #tpu.memory_space<vmem_shared>> -> memref<1020x8xf32, #tpu.memory_space<vmem_shared>>
      tpu.wait_dma2 semaphore(%run_scoped3A : memref<!tpu.dma_semaphore, #tpu.memory_space<semaphore_mem>>) src(%arg10 : memref<1020x8xf32, #tpu.memory_space<vmem>>) dst(%dma_wait3A_982 : memref<1020x8xf32, #tpu.memory_space<vmem_shared>>)
      tpu.yield
    }) : () -> ()
    %mul3A_798 = arith.constant 8160 : i32
    %mul3A_799 = arith.muli %arg1, %mul3A_798 : i32
    %add3A_800 = arith.constant 4080 : i32
    %add3A_801 = arith.addi %mul3A_799, %add3A_800 : i32
    "tpu.region"() ({
      %run_scoped3A = tpu.sem_alloc : memref<!tpu.dma_semaphore, #tpu.memory_space<semaphore_mem>>
      %dma_start3A_975 = arith.constant 0 : i32
      %dma_start3A_976 = tpu.memref_slice %arg5[%add3A_801, %dma_start3A_975] : memref<130560x8xf32, #tpu.memory_space<vmem_shared>> -> memref<1020x8xf32, #tpu.memory_space<vmem_shared>>
      %dma_start3A_977 = arith.constant 0 : i32
      %dma_start3A_978 = tpu.memref_slice %arg5[%add3A_801, %dma_start3A_977] : memref<130560x8xf32, #tpu.memory_space<vmem_shared>> -> memref<1020x8xf32, #tpu.memory_space<vmem_shared>>
      tpu.enqueue_dma source(%arg10 : memref<1020x8xf32, #tpu.memory_space<vmem>>) target(%dma_start3A_978 : memref<1020x8xf32, #tpu.memory_space<vmem_shared>>) target_semaphore(%run_scoped3A : memref<!tpu.dma_semaphore, #tpu.memory_space<semaphore_mem>>)
      %dma_wait3A_979 = arith.constant 0 : i32
      %dma_wait3A_980 = tpu.memref_slice %arg5[%add3A_801, %dma_wait3A_979] : memref<130560x8xf32, #tpu.memory_space<vmem_shared>> -> memref<1020x8xf32, #tpu.memory_space<vmem_shared>>
      %dma_wait3A_981 = arith.constant 0 : i32
      %dma_wait3A_982 = tpu.memref_slice %arg5[%add3A_801, %dma_wait3A_981] : memref<130560x8xf32, #tpu.memory_space<vmem_shared>> -> memref<1020x8xf32, #tpu.memory_space<vmem_shared>>
      tpu.wait_dma2 semaphore(%run_scoped3A : memref<!tpu.dma_semaphore, #tpu.memory_space<semaphore_mem>>) src(%arg10 : memref<1020x8xf32, #tpu.memory_space<vmem>>) dst(%dma_wait3A_982 : memref<1020x8xf32, #tpu.memory_space<vmem_shared>>)
      tpu.yield
    }) : () -> ()
    %mul3A_802 = arith.constant 8160 : i32
    %mul3A_803 = arith.muli %arg1, %mul3A_802 : i32
    %add3A_804 = arith.constant 5100 : i32
    %add3A_805 = arith.addi %mul3A_803, %add3A_804 : i32
    "tpu.region"() ({
      %run_scoped3A = tpu.sem_alloc : memref<!tpu.dma_semaphore, #tpu.memory_space<semaphore_mem>>
      %dma_start3A_975 = arith.constant 0 : i32
      %dma_start3A_976 = tpu.memref_slice %arg5[%add3A_805, %dma_start3A_975] : memref<130560x8xf32, #tpu.memory_space<vmem_shared>> -> memref<1020x8xf32, #tpu.memory_space<vmem_shared>>
      %dma_start3A_977 = arith.constant 0 : i32
      %dma_start3A_978 = tpu.memref_slice %arg5[%add3A_805, %dma_start3A_977] : memref<130560x8xf32, #tpu.memory_space<vmem_shared>> -> memref<1020x8xf32, #tpu.memory_space<vmem_shared>>
      tpu.enqueue_dma source(%arg10 : memref<1020x8xf32, #tpu.memory_space<vmem>>) target(%dma_start3A_978 : memref<1020x8xf32, #tpu.memory_space<vmem_shared>>) target_semaphore(%run_scoped3A : memref<!tpu.dma_semaphore, #tpu.memory_space<semaphore_mem>>)
      %dma_wait3A_979 = arith.constant 0 : i32
      %dma_wait3A_980 = tpu.memref_slice %arg5[%add3A_805, %dma_wait3A_979] : memref<130560x8xf32, #tpu.memory_space<vmem_shared>> -> memref<1020x8xf32, #tpu.memory_space<vmem_shared>>
      %dma_wait3A_981 = arith.constant 0 : i32
      %dma_wait3A_982 = tpu.memref_slice %arg5[%add3A_805, %dma_wait3A_981] : memref<130560x8xf32, #tpu.memory_space<vmem_shared>> -> memref<1020x8xf32, #tpu.memory_space<vmem_shared>>
      tpu.wait_dma2 semaphore(%run_scoped3A : memref<!tpu.dma_semaphore, #tpu.memory_space<semaphore_mem>>) src(%arg10 : memref<1020x8xf32, #tpu.memory_space<vmem>>) dst(%dma_wait3A_982 : memref<1020x8xf32, #tpu.memory_space<vmem_shared>>)
      tpu.yield
    }) : () -> ()
    %mul3A_806 = arith.constant 8160 : i32
    %mul3A_807 = arith.muli %arg1, %mul3A_806 : i32
    %add3A_808 = arith.constant 6120 : i32
    %add3A_809 = arith.addi %mul3A_807, %add3A_808 : i32
    "tpu.region"() ({
      %run_scoped3A = tpu.sem_alloc : memref<!tpu.dma_semaphore, #tpu.memory_space<semaphore_mem>>
      %dma_start3A_975 = arith.constant 0 : i32
      %dma_start3A_976 = tpu.memref_slice %arg5[%add3A_809, %dma_start3A_975] : memref<130560x8xf32, #tpu.memory_space<vmem_shared>> -> memref<1020x8xf32, #tpu.memory_space<vmem_shared>>
      %dma_start3A_977 = arith.constant 0 : i32
      %dma_start3A_978 = tpu.memref_slice %arg5[%add3A_809, %dma_start3A_977] : memref<130560x8xf32, #tpu.memory_space<vmem_shared>> -> memref<1020x8xf32, #tpu.memory_space<vmem_shared>>
      tpu.enqueue_dma source(%arg10 : memref<1020x8xf32, #tpu.memory_space<vmem>>) target(%dma_start3A_978 : memref<1020x8xf32, #tpu.memory_space<vmem_shared>>) target_semaphore(%run_scoped3A : memref<!tpu.dma_semaphore, #tpu.memory_space<semaphore_mem>>)
      %dma_wait3A_979 = arith.constant 0 : i32
      %dma_wait3A_980 = tpu.memref_slice %arg5[%add3A_809, %dma_wait3A_979] : memref<130560x8xf32, #tpu.memory_space<vmem_shared>> -> memref<1020x8xf32, #tpu.memory_space<vmem_shared>>
      %dma_wait3A_981 = arith.constant 0 : i32
      %dma_wait3A_982 = tpu.memref_slice %arg5[%add3A_809, %dma_wait3A_981] : memref<130560x8xf32, #tpu.memory_space<vmem_shared>> -> memref<1020x8xf32, #tpu.memory_space<vmem_shared>>
      tpu.wait_dma2 semaphore(%run_scoped3A : memref<!tpu.dma_semaphore, #tpu.memory_space<semaphore_mem>>) src(%arg10 : memref<1020x8xf32, #tpu.memory_space<vmem>>) dst(%dma_wait3A_982 : memref<1020x8xf32, #tpu.memory_space<vmem_shared>>)
      tpu.yield
    }) : () -> ()
    %mul3A_810 = arith.constant 8160 : i32
    %mul3A_811 = arith.muli %arg1, %mul3A_810 : i32
    %add3A_812 = arith.constant 7140 : i32
    %add3A_813 = arith.addi %mul3A_811, %add3A_812 : i32
    "tpu.region"() ({
      %run_scoped3A = tpu.sem_alloc : memref<!tpu.dma_semaphore, #tpu.memory_space<semaphore_mem>>
      %dma_start3A_975 = arith.constant 0 : i32
      %dma_start3A_976 = tpu.memref_slice %arg5[%add3A_813, %dma_start3A_975] : memref<130560x8xf32, #tpu.memory_space<vmem_shared>> -> memref<1020x8xf32, #tpu.memory_space<vmem_shared>>
      %dma_start3A_977 = arith.constant 0 : i32
      %dma_start3A_978 = tpu.memref_slice %arg5[%add3A_813, %dma_start3A_977] : memref<130560x8xf32, #tpu.memory_space<vmem_shared>> -> memref<1020x8xf32, #tpu.memory_space<vmem_shared>>
      tpu.enqueue_dma source(%arg10 : memref<1020x8xf32, #tpu.memory_space<vmem>>) target(%dma_start3A_978 : memref<1020x8xf32, #tpu.memory_space<vmem_shared>>) target_semaphore(%run_scoped3A : memref<!tpu.dma_semaphore, #tpu.memory_space<semaphore_mem>>)
      %dma_wait3A_979 = arith.constant 0 : i32
      %dma_wait3A_980 = tpu.memref_slice %arg5[%add3A_813, %dma_wait3A_979] : memref<130560x8xf32, #tpu.memory_space<vmem_shared>> -> memref<1020x8xf32, #tpu.memory_space<vmem_shared>>
      %dma_wait3A_981 = arith.constant 0 : i32
      %dma_wait3A_982 = tpu.memref_slice %arg5[%add3A_813, %dma_wait3A_981] : memref<130560x8xf32, #tpu.memory_space<vmem_shared>> -> memref<1020x8xf32, #tpu.memory_space<vmem_shared>>
      tpu.wait_dma2 semaphore(%run_scoped3A : memref<!tpu.dma_semaphore, #tpu.memory_space<semaphore_mem>>) src(%arg10 : memref<1020x8xf32, #tpu.memory_space<vmem>>) dst(%dma_wait3A_982 : memref<1020x8xf32, #tpu.memory_space<vmem_shared>>)
      tpu.yield
    }) : () -> ()
    %barrier3A_814 = arith.constant 0 : index
    tpu.barrier barrier_id(%barrier3A_814)
    %mul3A_815 = arith.constant 31152 : i32
    %mul3A_816 = arith.muli %arg1, %mul3A_815 : i32
    %add3A_817 = arith.constant 0 : i32
    %add3A_818 = arith.addi %mul3A_816, %add3A_817 : i32
    %dma_start3A_819 = tpu.memref_slice %arg3[%add3A_818] : memref<498688xi32, #tpu.memory_space<hbm>> -> memref<2832xi32, #tpu.memory_space<hbm>>
    %dma_start3A_820 = tpu.memref_slice %arg3[%add3A_818] : memref<498688xi32, #tpu.memory_space<hbm>> -> memref<2832xi32, #tpu.memory_space<hbm>>
    tpu.enqueue_dma source(%dma_start3A_820 : memref<2832xi32, #tpu.memory_space<hbm>>) target(%arg8 : memref<2832xi32, #tpu.memory_space<vmem>>) target_semaphore(%arg13 : memref<!tpu.dma_semaphore, #tpu.memory_space<semaphore_mem>>)
    %mul3A_821 = arith.constant 8 : i32
    %mul3A_822 = arith.muli %add3A_781, %mul3A_821 : i32
    %dma_start3A_823 = tpu.memref_slice %arg2[%add3A_818, %mul3A_822] : memref<498432x80xf32, #tpu.memory_space<hbm>> -> memref<2832x8xf32, #tpu.memory_space<hbm>>
    %dma_start3A_824 = tpu.memref_slice %arg2[%add3A_818, %mul3A_822] : memref<498432x80xf32, #tpu.memory_space<hbm>> -> memref<2832x8xf32, #tpu.memory_space<hbm>>
    tpu.enqueue_dma source(%dma_start3A_824 : memref<2832x8xf32, #tpu.memory_space<hbm>>) target(%arg6 : memref<2832x8xf32, #tpu.memory_space<vmem>>) target_semaphore(%arg11 : memref<!tpu.dma_semaphore, #tpu.memory_space<semaphore_mem>>)
    %dma_wait3A_825 = tpu.memref_slice %arg3[%add3A_818] : memref<498688xi32, #tpu.memory_space<hbm>> -> memref<2832xi32, #tpu.memory_space<hbm>>
    %dma_wait3A_826 = tpu.memref_slice %arg3[%add3A_818] : memref<498688xi32, #tpu.memory_space<hbm>> -> memref<2832xi32, #tpu.memory_space<hbm>>
    tpu.wait_dma2 semaphore(%arg13 : memref<!tpu.dma_semaphore, #tpu.memory_space<semaphore_mem>>) src(%dma_wait3A_826 : memref<2832xi32, #tpu.memory_space<hbm>>) dst(%arg8 : memref<2832xi32, #tpu.memory_space<vmem>>)
    %dma_wait3A_827 = tpu.memref_slice %arg2[%add3A_818, %mul3A_822] : memref<498432x80xf32, #tpu.memory_space<hbm>> -> memref<2832x8xf32, #tpu.memory_space<hbm>>
    %dma_wait3A_828 = tpu.memref_slice %arg2[%add3A_818, %mul3A_822] : memref<498432x80xf32, #tpu.memory_space<hbm>> -> memref<2832x8xf32, #tpu.memory_space<hbm>>
    tpu.wait_dma2 semaphore(%arg11 : memref<!tpu.dma_semaphore, #tpu.memory_space<semaphore_mem>>) src(%dma_wait3A_828 : memref<2832x8xf32, #tpu.memory_space<hbm>>) dst(%arg6 : memref<2832x8xf32, #tpu.memory_space<vmem>>)
    %mul3A_829 = arith.constant 31152 : i32
    %mul3A_830 = arith.muli %arg1, %mul3A_829 : i32
    %add3A_831 = arith.constant 2832 : i32
    %add3A_832 = arith.addi %mul3A_830, %add3A_831 : i32
    %dma_start3A_833 = tpu.memref_slice %arg3[%add3A_832] : memref<498688xi32, #tpu.memory_space<hbm>> -> memref<2832xi32, #tpu.memory_space<hbm>>
    %dma_start3A_834 = tpu.memref_slice %arg3[%add3A_832] : memref<498688xi32, #tpu.memory_space<hbm>> -> memref<2832xi32, #tpu.memory_space<hbm>>
    tpu.enqueue_dma source(%dma_start3A_834 : memref<2832xi32, #tpu.memory_space<hbm>>) target(%arg9 : memref<2832xi32, #tpu.memory_space<vmem>>) target_semaphore(%arg14 : memref<!tpu.dma_semaphore, #tpu.memory_space<semaphore_mem>>)
    %mul3A_835 = arith.constant 8 : i32
    %mul3A_836 = arith.muli %add3A_781, %mul3A_835 : i32
    %dma_start3A_837 = tpu.memref_slice %arg2[%add3A_832, %mul3A_836] : memref<498432x80xf32, #tpu.memory_space<hbm>> -> memref<2832x8xf32, #tpu.memory_space<hbm>>
    %dma_start3A_838 = tpu.memref_slice %arg2[%add3A_832, %mul3A_836] : memref<498432x80xf32, #tpu.memory_space<hbm>> -> memref<2832x8xf32, #tpu.memory_space<hbm>>
    tpu.enqueue_dma source(%dma_start3A_838 : memref<2832x8xf32, #tpu.memory_space<hbm>>) target(%arg7 : memref<2832x8xf32, #tpu.memory_space<vmem>>) target_semaphore(%arg12 : memref<!tpu.dma_semaphore, #tpu.memory_space<semaphore_mem>>)
    "tpu.region"() ({
      %run_scoped3A = tpu.sem_alloc : memref<!tpu.dma_semaphore, #tpu.memory_space<semaphore_mem>>
      %dma_start3A_975 = arith.constant 0 : i32
      %dma_start3A_976 = arith.constant 0 : i32
      %dma_start3A_977 = tpu.memref_slice %arg5[%dma_start3A_975, %dma_start3A_976] : memref<130560x8xf32, #tpu.memory_space<vmem_shared>> -> memref<130560x8xf32, #tpu.memory_space<vmem_shared>>
      tpu.enqueue_indirect_dma source(%arg6 : memref<2832x8xf32, #tpu.memory_space<vmem>>) target(%dma_start3A_977 : memref<130560x8xf32, #tpu.memory_space<vmem_shared>>) offsets(%arg8 : memref<2832xi32, #tpu.memory_space<vmem>>) semaphore(%run_scoped3A : memref<!tpu.dma_semaphore, #tpu.memory_space<semaphore_mem>>) {add = true}
      %dma_wait3A_978 = arith.constant 0 : i32
      %dma_wait3A_979 = arith.constant 0 : i32
      %dma_wait3A_980 = tpu.memref_slice %arg5[%dma_wait3A_978, %dma_wait3A_979] : memref<130560x8xf32, #tpu.memory_space<vmem_shared>> -> memref<130560x8xf32, #tpu.memory_space<vmem_shared>>
      tpu.wait_indirect_dma semaphore(%run_scoped3A : memref<!tpu.dma_semaphore, #tpu.memory_space<semaphore_mem>>) src(%arg6 : memref<2832x8xf32, #tpu.memory_space<vmem>>) dst(%dma_wait3A_980 : memref<130560x8xf32, #tpu.memory_space<vmem_shared>>)
      tpu.yield
    }) : () -> ()
    %dma_wait3A_839 = tpu.memref_slice %arg3[%add3A_832] : memref<498688xi32, #tpu.memory_space<hbm>> -> memref<2832xi32, #tpu.memory_space<hbm>>
    %dma_wait3A_840 = tpu.memref_slice %arg3[%add3A_832] : memref<498688xi32, #tpu.memory_space<hbm>> -> memref<2832xi32, #tpu.memory_space<hbm>>
    tpu.wait_dma2 semaphore(%arg14 : memref<!tpu.dma_semaphore, #tpu.memory_space<semaphore_mem>>) src(%dma_wait3A_840 : memref<2832xi32, #tpu.memory_space<hbm>>) dst(%arg9 : memref<2832xi32, #tpu.memory_space<vmem>>)
    %dma_wait3A_841 = tpu.memref_slice %arg2[%add3A_832, %mul3A_836] : memref<498432x80xf32, #tpu.memory_space<hbm>> -> memref<2832x8xf32, #tpu.memory_space<hbm>>
    %dma_wait3A_842 = tpu.memref_slice %arg2[%add3A_832, %mul3A_836] : memref<498432x80xf32, #tpu.memory_space<hbm>> -> memref<2832x8xf32, #tpu.memory_space<hbm>>
    tpu.wait_dma2 semaphore(%arg12 : memref<!tpu.dma_semaphore, #tpu.memory_space<semaphore_mem>>) src(%dma_wait3A_842 : memref<2832x8xf32, #tpu.memory_space<hbm>>) dst(%arg7 : memref<2832x8xf32, #tpu.memory_space<vmem>>)
    %mul3A_843 = arith.constant 31152 : i32
    %mul3A_844 = arith.muli %arg1, %mul3A_843 : i32
    %add3A_845 = arith.constant 5664 : i32
    %add3A_846 = arith.addi %mul3A_844, %add3A_845 : i32
    %dma_start3A_847 = tpu.memref_slice %arg3[%add3A_846] : memref<498688xi32, #tpu.memory_space<hbm>> -> memref<2832xi32, #tpu.memory_space<hbm>>
    %dma_start3A_848 = tpu.memref_slice %arg3[%add3A_846] : memref<498688xi32, #tpu.memory_space<hbm>> -> memref<2832xi32, #tpu.memory_space<hbm>>
    tpu.enqueue_dma source(%dma_start3A_848 : memref<2832xi32, #tpu.memory_space<hbm>>) target(%arg8 : memref<2832xi32, #tpu.memory_space<vmem>>) target_semaphore(%arg13 : memref<!tpu.dma_semaphore, #tpu.memory_space<semaphore_mem>>)
    %mul3A_849 = arith.constant 8 : i32
    %mul3A_850 = arith.muli %add3A_781, %mul3A_849 : i32
    %dma_start3A_851 = tpu.memref_slice %arg2[%add3A_846, %mul3A_850] : memref<498432x80xf32, #tpu.memory_space<hbm>> -> memref<2832x8xf32, #tpu.memory_space<hbm>>
    %dma_start3A_852 = tpu.memref_slice %arg2[%add3A_846, %mul3A_850] : memref<498432x80xf32, #tpu.memory_space<hbm>> -> memref<2832x8xf32, #tpu.memory_space<hbm>>
    tpu.enqueue_dma source(%dma_start3A_852 : memref<2832x8xf32, #tpu.memory_space<hbm>>) target(%arg6 : memref<2832x8xf32, #tpu.memory_space<vmem>>) target_semaphore(%arg11 : memref<!tpu.dma_semaphore, #tpu.memory_space<semaphore_mem>>)
    "tpu.region"() ({
      %run_scoped3A = tpu.sem_alloc : memref<!tpu.dma_semaphore, #tpu.memory_space<semaphore_mem>>
      %dma_start3A_975 = arith.constant 0 : i32
      %dma_start3A_976 = arith.constant 0 : i32
      %dma_start3A_977 = tpu.memref_slice %arg5[%dma_start3A_975, %dma_start3A_976] : memref<130560x8xf32, #tpu.memory_space<vmem_shared>> -> memref<130560x8xf32, #tpu.memory_space<vmem_shared>>
      tpu.enqueue_indirect_dma source(%arg7 : memref<2832x8xf32, #tpu.memory_space<vmem>>) target(%dma_start3A_977 : memref<130560x8xf32, #tpu.memory_space<vmem_shared>>) offsets(%arg9 : memref<2832xi32, #tpu.memory_space<vmem>>) semaphore(%run_scoped3A : memref<!tpu.dma_semaphore, #tpu.memory_space<semaphore_mem>>) {add = true}
      %dma_wait3A_978 = arith.constant 0 : i32
      %dma_wait3A_979 = arith.constant 0 : i32
      %dma_wait3A_980 = tpu.memref_slice %arg5[%dma_wait3A_978, %dma_wait3A_979] : memref<130560x8xf32, #tpu.memory_space<vmem_shared>> -> memref<130560x8xf32, #tpu.memory_space<vmem_shared>>
      tpu.wait_indirect_dma semaphore(%run_scoped3A : memref<!tpu.dma_semaphore, #tpu.memory_space<semaphore_mem>>) src(%arg7 : memref<2832x8xf32, #tpu.memory_space<vmem>>) dst(%dma_wait3A_980 : memref<130560x8xf32, #tpu.memory_space<vmem_shared>>)
      tpu.yield
    }) : () -> ()
    %dma_wait3A_853 = tpu.memref_slice %arg3[%add3A_846] : memref<498688xi32, #tpu.memory_space<hbm>> -> memref<2832xi32, #tpu.memory_space<hbm>>
    %dma_wait3A_854 = tpu.memref_slice %arg3[%add3A_846] : memref<498688xi32, #tpu.memory_space<hbm>> -> memref<2832xi32, #tpu.memory_space<hbm>>
    tpu.wait_dma2 semaphore(%arg13 : memref<!tpu.dma_semaphore, #tpu.memory_space<semaphore_mem>>) src(%dma_wait3A_854 : memref<2832xi32, #tpu.memory_space<hbm>>) dst(%arg8 : memref<2832xi32, #tpu.memory_space<vmem>>)
    %dma_wait3A_855 = tpu.memref_slice %arg2[%add3A_846, %mul3A_850] : memref<498432x80xf32, #tpu.memory_space<hbm>> -> memref<2832x8xf32, #tpu.memory_space<hbm>>
    %dma_wait3A_856 = tpu.memref_slice %arg2[%add3A_846, %mul3A_850] : memref<498432x80xf32, #tpu.memory_space<hbm>> -> memref<2832x8xf32, #tpu.memory_space<hbm>>
    tpu.wait_dma2 semaphore(%arg11 : memref<!tpu.dma_semaphore, #tpu.memory_space<semaphore_mem>>) src(%dma_wait3A_856 : memref<2832x8xf32, #tpu.memory_space<hbm>>) dst(%arg6 : memref<2832x8xf32, #tpu.memory_space<vmem>>)
    %mul3A_857 = arith.constant 31152 : i32
    %mul3A_858 = arith.muli %arg1, %mul3A_857 : i32
    %add3A_859 = arith.constant 8496 : i32
    %add3A_860 = arith.addi %mul3A_858, %add3A_859 : i32
    %dma_start3A_861 = tpu.memref_slice %arg3[%add3A_860] : memref<498688xi32, #tpu.memory_space<hbm>> -> memref<2832xi32, #tpu.memory_space<hbm>>
    %dma_start3A_862 = tpu.memref_slice %arg3[%add3A_860] : memref<498688xi32, #tpu.memory_space<hbm>> -> memref<2832xi32, #tpu.memory_space<hbm>>
    tpu.enqueue_dma source(%dma_start3A_862 : memref<2832xi32, #tpu.memory_space<hbm>>) target(%arg9 : memref<2832xi32, #tpu.memory_space<vmem>>) target_semaphore(%arg14 : memref<!tpu.dma_semaphore, #tpu.memory_space<semaphore_mem>>)
    %mul3A_863 = arith.constant 8 : i32
    %mul3A_864 = arith.muli %add3A_781, %mul3A_863 : i32
    %dma_start3A_865 = tpu.memref_slice %arg2[%add3A_860, %mul3A_864] : memref<498432x80xf32, #tpu.memory_space<hbm>> -> memref<2832x8xf32, #tpu.memory_space<hbm>>
    %dma_start3A_866 = tpu.memref_slice %arg2[%add3A_860, %mul3A_864] : memref<498432x80xf32, #tpu.memory_space<hbm>> -> memref<2832x8xf32, #tpu.memory_space<hbm>>
    tpu.enqueue_dma source(%dma_start3A_866 : memref<2832x8xf32, #tpu.memory_space<hbm>>) target(%arg7 : memref<2832x8xf32, #tpu.memory_space<vmem>>) target_semaphore(%arg12 : memref<!tpu.dma_semaphore, #tpu.memory_space<semaphore_mem>>)
    "tpu.region"() ({
      %run_scoped3A = tpu.sem_alloc : memref<!tpu.dma_semaphore, #tpu.memory_space<semaphore_mem>>
      %dma_start3A_975 = arith.constant 0 : i32
      %dma_start3A_976 = arith.constant 0 : i32
      %dma_start3A_977 = tpu.memref_slice %arg5[%dma_start3A_975, %dma_start3A_976] : memref<130560x8xf32, #tpu.memory_space<vmem_shared>> -> memref<130560x8xf32, #tpu.memory_space<vmem_shared>>
      tpu.enqueue_indirect_dma source(%arg6 : memref<2832x8xf32, #tpu.memory_space<vmem>>) target(%dma_start3A_977 : memref<130560x8xf32, #tpu.memory_space<vmem_shared>>) offsets(%arg8 : memref<2832xi32, #tpu.memory_space<vmem>>) semaphore(%run_scoped3A : memref<!tpu.dma_semaphore, #tpu.memory_space<semaphore_mem>>) {add = true}
      %dma_wait3A_978 = arith.constant 0 : i32
      %dma_wait3A_979 = arith.constant 0 : i32
      %dma_wait3A_980 = tpu.memref_slice %arg5[%dma_wait3A_978, %dma_wait3A_979] : memref<130560x8xf32, #tpu.memory_space<vmem_shared>> -> memref<130560x8xf32, #tpu.memory_space<vmem_shared>>
      tpu.wait_indirect_dma semaphore(%run_scoped3A : memref<!tpu.dma_semaphore, #tpu.memory_space<semaphore_mem>>) src(%arg6 : memref<2832x8xf32, #tpu.memory_space<vmem>>) dst(%dma_wait3A_980 : memref<130560x8xf32, #tpu.memory_space<vmem_shared>>)
      tpu.yield
    }) : () -> ()
    %dma_wait3A_867 = tpu.memref_slice %arg3[%add3A_860] : memref<498688xi32, #tpu.memory_space<hbm>> -> memref<2832xi32, #tpu.memory_space<hbm>>
    %dma_wait3A_868 = tpu.memref_slice %arg3[%add3A_860] : memref<498688xi32, #tpu.memory_space<hbm>> -> memref<2832xi32, #tpu.memory_space<hbm>>
    tpu.wait_dma2 semaphore(%arg14 : memref<!tpu.dma_semaphore, #tpu.memory_space<semaphore_mem>>) src(%dma_wait3A_868 : memref<2832xi32, #tpu.memory_space<hbm>>) dst(%arg9 : memref<2832xi32, #tpu.memory_space<vmem>>)
    %dma_wait3A_869 = tpu.memref_slice %arg2[%add3A_860, %mul3A_864] : memref<498432x80xf32, #tpu.memory_space<hbm>> -> memref<2832x8xf32, #tpu.memory_space<hbm>>
    %dma_wait3A_870 = tpu.memref_slice %arg2[%add3A_860, %mul3A_864] : memref<498432x80xf32, #tpu.memory_space<hbm>> -> memref<2832x8xf32, #tpu.memory_space<hbm>>
    tpu.wait_dma2 semaphore(%arg12 : memref<!tpu.dma_semaphore, #tpu.memory_space<semaphore_mem>>) src(%dma_wait3A_870 : memref<2832x8xf32, #tpu.memory_space<hbm>>) dst(%arg7 : memref<2832x8xf32, #tpu.memory_space<vmem>>)
    %mul3A_871 = arith.constant 31152 : i32
    %mul3A_872 = arith.muli %arg1, %mul3A_871 : i32
    %add3A_873 = arith.constant 11328 : i32
    %add3A_874 = arith.addi %mul3A_872, %add3A_873 : i32
    %dma_start3A_875 = tpu.memref_slice %arg3[%add3A_874] : memref<498688xi32, #tpu.memory_space<hbm>> -> memref<2832xi32, #tpu.memory_space<hbm>>
    %dma_start3A_876 = tpu.memref_slice %arg3[%add3A_874] : memref<498688xi32, #tpu.memory_space<hbm>> -> memref<2832xi32, #tpu.memory_space<hbm>>
    tpu.enqueue_dma source(%dma_start3A_876 : memref<2832xi32, #tpu.memory_space<hbm>>) target(%arg8 : memref<2832xi32, #tpu.memory_space<vmem>>) target_semaphore(%arg13 : memref<!tpu.dma_semaphore, #tpu.memory_space<semaphore_mem>>)
    %mul3A_877 = arith.constant 8 : i32
    %mul3A_878 = arith.muli %add3A_781, %mul3A_877 : i32
    %dma_start3A_879 = tpu.memref_slice %arg2[%add3A_874, %mul3A_878] : memref<498432x80xf32, #tpu.memory_space<hbm>> -> memref<2832x8xf32, #tpu.memory_space<hbm>>
    %dma_start3A_880 = tpu.memref_slice %arg2[%add3A_874, %mul3A_878] : memref<498432x80xf32, #tpu.memory_space<hbm>> -> memref<2832x8xf32, #tpu.memory_space<hbm>>
    tpu.enqueue_dma source(%dma_start3A_880 : memref<2832x8xf32, #tpu.memory_space<hbm>>) target(%arg6 : memref<2832x8xf32, #tpu.memory_space<vmem>>) target_semaphore(%arg11 : memref<!tpu.dma_semaphore, #tpu.memory_space<semaphore_mem>>)
    "tpu.region"() ({
      %run_scoped3A = tpu.sem_alloc : memref<!tpu.dma_semaphore, #tpu.memory_space<semaphore_mem>>
      %dma_start3A_975 = arith.constant 0 : i32
      %dma_start3A_976 = arith.constant 0 : i32
      %dma_start3A_977 = tpu.memref_slice %arg5[%dma_start3A_975, %dma_start3A_976] : memref<130560x8xf32, #tpu.memory_space<vmem_shared>> -> memref<130560x8xf32, #tpu.memory_space<vmem_shared>>
      tpu.enqueue_indirect_dma source(%arg7 : memref<2832x8xf32, #tpu.memory_space<vmem>>) target(%dma_start3A_977 : memref<130560x8xf32, #tpu.memory_space<vmem_shared>>) offsets(%arg9 : memref<2832xi32, #tpu.memory_space<vmem>>) semaphore(%run_scoped3A : memref<!tpu.dma_semaphore, #tpu.memory_space<semaphore_mem>>) {add = true}
      %dma_wait3A_978 = arith.constant 0 : i32
      %dma_wait3A_979 = arith.constant 0 : i32
      %dma_wait3A_980 = tpu.memref_slice %arg5[%dma_wait3A_978, %dma_wait3A_979] : memref<130560x8xf32, #tpu.memory_space<vmem_shared>> -> memref<130560x8xf32, #tpu.memory_space<vmem_shared>>
      tpu.wait_indirect_dma semaphore(%run_scoped3A : memref<!tpu.dma_semaphore, #tpu.memory_space<semaphore_mem>>) src(%arg7 : memref<2832x8xf32, #tpu.memory_space<vmem>>) dst(%dma_wait3A_980 : memref<130560x8xf32, #tpu.memory_space<vmem_shared>>)
      tpu.yield
    }) : () -> ()
    %dma_wait3A_881 = tpu.memref_slice %arg3[%add3A_874] : memref<498688xi32, #tpu.memory_space<hbm>> -> memref<2832xi32, #tpu.memory_space<hbm>>
    %dma_wait3A_882 = tpu.memref_slice %arg3[%add3A_874] : memref<498688xi32, #tpu.memory_space<hbm>> -> memref<2832xi32, #tpu.memory_space<hbm>>
    tpu.wait_dma2 semaphore(%arg13 : memref<!tpu.dma_semaphore, #tpu.memory_space<semaphore_mem>>) src(%dma_wait3A_882 : memref<2832xi32, #tpu.memory_space<hbm>>) dst(%arg8 : memref<2832xi32, #tpu.memory_space<vmem>>)
    %dma_wait3A_883 = tpu.memref_slice %arg2[%add3A_874, %mul3A_878] : memref<498432x80xf32, #tpu.memory_space<hbm>> -> memref<2832x8xf32, #tpu.memory_space<hbm>>
    %dma_wait3A_884 = tpu.memref_slice %arg2[%add3A_874, %mul3A_878] : memref<498432x80xf32, #tpu.memory_space<hbm>> -> memref<2832x8xf32, #tpu.memory_space<hbm>>
    tpu.wait_dma2 semaphore(%arg11 : memref<!tpu.dma_semaphore, #tpu.memory_space<semaphore_mem>>) src(%dma_wait3A_884 : memref<2832x8xf32, #tpu.memory_space<hbm>>) dst(%arg6 : memref<2832x8xf32, #tpu.memory_space<vmem>>)
    %mul3A_885 = arith.constant 31152 : i32
    %mul3A_886 = arith.muli %arg1, %mul3A_885 : i32
    %add3A_887 = arith.constant 14160 : i32
    %add3A_888 = arith.addi %mul3A_886, %add3A_887 : i32
    %dma_start3A_889 = tpu.memref_slice %arg3[%add3A_888] : memref<498688xi32, #tpu.memory_space<hbm>> -> memref<2832xi32, #tpu.memory_space<hbm>>
    %dma_start3A_890 = tpu.memref_slice %arg3[%add3A_888] : memref<498688xi32, #tpu.memory_space<hbm>> -> memref<2832xi32, #tpu.memory_space<hbm>>
    tpu.enqueue_dma source(%dma_start3A_890 : memref<2832xi32, #tpu.memory_space<hbm>>) target(%arg9 : memref<2832xi32, #tpu.memory_space<vmem>>) target_semaphore(%arg14 : memref<!tpu.dma_semaphore, #tpu.memory_space<semaphore_mem>>)
    %mul3A_891 = arith.constant 8 : i32
    %mul3A_892 = arith.muli %add3A_781, %mul3A_891 : i32
    %dma_start3A_893 = tpu.memref_slice %arg2[%add3A_888, %mul3A_892] : memref<498432x80xf32, #tpu.memory_space<hbm>> -> memref<2832x8xf32, #tpu.memory_space<hbm>>
    %dma_start3A_894 = tpu.memref_slice %arg2[%add3A_888, %mul3A_892] : memref<498432x80xf32, #tpu.memory_space<hbm>> -> memref<2832x8xf32, #tpu.memory_space<hbm>>
    tpu.enqueue_dma source(%dma_start3A_894 : memref<2832x8xf32, #tpu.memory_space<hbm>>) target(%arg7 : memref<2832x8xf32, #tpu.memory_space<vmem>>) target_semaphore(%arg12 : memref<!tpu.dma_semaphore, #tpu.memory_space<semaphore_mem>>)
    "tpu.region"() ({
      %run_scoped3A = tpu.sem_alloc : memref<!tpu.dma_semaphore, #tpu.memory_space<semaphore_mem>>
      %dma_start3A_975 = arith.constant 0 : i32
      %dma_start3A_976 = arith.constant 0 : i32
      %dma_start3A_977 = tpu.memref_slice %arg5[%dma_start3A_975, %dma_start3A_976] : memref<130560x8xf32, #tpu.memory_space<vmem_shared>> -> memref<130560x8xf32, #tpu.memory_space<vmem_shared>>
      tpu.enqueue_indirect_dma source(%arg6 : memref<2832x8xf32, #tpu.memory_space<vmem>>) target(%dma_start3A_977 : memref<130560x8xf32, #tpu.memory_space<vmem_shared>>) offsets(%arg8 : memref<2832xi32, #tpu.memory_space<vmem>>) semaphore(%run_scoped3A : memref<!tpu.dma_semaphore, #tpu.memory_space<semaphore_mem>>) {add = true}
      %dma_wait3A_978 = arith.constant 0 : i32
      %dma_wait3A_979 = arith.constant 0 : i32
      %dma_wait3A_980 = tpu.memref_slice %arg5[%dma_wait3A_978, %dma_wait3A_979] : memref<130560x8xf32, #tpu.memory_space<vmem_shared>> -> memref<130560x8xf32, #tpu.memory_space<vmem_shared>>
      tpu.wait_indirect_dma semaphore(%run_scoped3A : memref<!tpu.dma_semaphore, #tpu.memory_space<semaphore_mem>>) src(%arg6 : memref<2832x8xf32, #tpu.memory_space<vmem>>) dst(%dma_wait3A_980 : memref<130560x8xf32, #tpu.memory_space<vmem_shared>>)
      tpu.yield
    }) : () -> ()
    %dma_wait3A_895 = tpu.memref_slice %arg3[%add3A_888] : memref<498688xi32, #tpu.memory_space<hbm>> -> memref<2832xi32, #tpu.memory_space<hbm>>
    %dma_wait3A_896 = tpu.memref_slice %arg3[%add3A_888] : memref<498688xi32, #tpu.memory_space<hbm>> -> memref<2832xi32, #tpu.memory_space<hbm>>
    tpu.wait_dma2 semaphore(%arg14 : memref<!tpu.dma_semaphore, #tpu.memory_space<semaphore_mem>>) src(%dma_wait3A_896 : memref<2832xi32, #tpu.memory_space<hbm>>) dst(%arg9 : memref<2832xi32, #tpu.memory_space<vmem>>)
    %dma_wait3A_897 = tpu.memref_slice %arg2[%add3A_888, %mul3A_892] : memref<498432x80xf32, #tpu.memory_space<hbm>> -> memref<2832x8xf32, #tpu.memory_space<hbm>>
    %dma_wait3A_898 = tpu.memref_slice %arg2[%add3A_888, %mul3A_892] : memref<498432x80xf32, #tpu.memory_space<hbm>> -> memref<2832x8xf32, #tpu.memory_space<hbm>>
    tpu.wait_dma2 semaphore(%arg12 : memref<!tpu.dma_semaphore, #tpu.memory_space<semaphore_mem>>) src(%dma_wait3A_898 : memref<2832x8xf32, #tpu.memory_space<hbm>>) dst(%arg7 : memref<2832x8xf32, #tpu.memory_space<vmem>>)
    %mul3A_899 = arith.constant 31152 : i32
    %mul3A_900 = arith.muli %arg1, %mul3A_899 : i32
    %add3A_901 = arith.constant 16992 : i32
    %add3A_902 = arith.addi %mul3A_900, %add3A_901 : i32
    %dma_start3A_903 = tpu.memref_slice %arg3[%add3A_902] : memref<498688xi32, #tpu.memory_space<hbm>> -> memref<2832xi32, #tpu.memory_space<hbm>>
    %dma_start3A_904 = tpu.memref_slice %arg3[%add3A_902] : memref<498688xi32, #tpu.memory_space<hbm>> -> memref<2832xi32, #tpu.memory_space<hbm>>
    tpu.enqueue_dma source(%dma_start3A_904 : memref<2832xi32, #tpu.memory_space<hbm>>) target(%arg8 : memref<2832xi32, #tpu.memory_space<vmem>>) target_semaphore(%arg13 : memref<!tpu.dma_semaphore, #tpu.memory_space<semaphore_mem>>)
    %mul3A_905 = arith.constant 8 : i32
    %mul3A_906 = arith.muli %add3A_781, %mul3A_905 : i32
    %dma_start3A_907 = tpu.memref_slice %arg2[%add3A_902, %mul3A_906] : memref<498432x80xf32, #tpu.memory_space<hbm>> -> memref<2832x8xf32, #tpu.memory_space<hbm>>
    %dma_start3A_908 = tpu.memref_slice %arg2[%add3A_902, %mul3A_906] : memref<498432x80xf32, #tpu.memory_space<hbm>> -> memref<2832x8xf32, #tpu.memory_space<hbm>>
    tpu.enqueue_dma source(%dma_start3A_908 : memref<2832x8xf32, #tpu.memory_space<hbm>>) target(%arg6 : memref<2832x8xf32, #tpu.memory_space<vmem>>) target_semaphore(%arg11 : memref<!tpu.dma_semaphore, #tpu.memory_space<semaphore_mem>>)
    "tpu.region"() ({
      %run_scoped3A = tpu.sem_alloc : memref<!tpu.dma_semaphore, #tpu.memory_space<semaphore_mem>>
      %dma_start3A_975 = arith.constant 0 : i32
      %dma_start3A_976 = arith.constant 0 : i32
      %dma_start3A_977 = tpu.memref_slice %arg5[%dma_start3A_975, %dma_start3A_976] : memref<130560x8xf32, #tpu.memory_space<vmem_shared>> -> memref<130560x8xf32, #tpu.memory_space<vmem_shared>>
      tpu.enqueue_indirect_dma source(%arg7 : memref<2832x8xf32, #tpu.memory_space<vmem>>) target(%dma_start3A_977 : memref<130560x8xf32, #tpu.memory_space<vmem_shared>>) offsets(%arg9 : memref<2832xi32, #tpu.memory_space<vmem>>) semaphore(%run_scoped3A : memref<!tpu.dma_semaphore, #tpu.memory_space<semaphore_mem>>) {add = true}
      %dma_wait3A_978 = arith.constant 0 : i32
      %dma_wait3A_979 = arith.constant 0 : i32
      %dma_wait3A_980 = tpu.memref_slice %arg5[%dma_wait3A_978, %dma_wait3A_979] : memref<130560x8xf32, #tpu.memory_space<vmem_shared>> -> memref<130560x8xf32, #tpu.memory_space<vmem_shared>>
      tpu.wait_indirect_dma semaphore(%run_scoped3A : memref<!tpu.dma_semaphore, #tpu.memory_space<semaphore_mem>>) src(%arg7 : memref<2832x8xf32, #tpu.memory_space<vmem>>) dst(%dma_wait3A_980 : memref<130560x8xf32, #tpu.memory_space<vmem_shared>>)
      tpu.yield
    }) : () -> ()
    %dma_wait3A_909 = tpu.memref_slice %arg3[%add3A_902] : memref<498688xi32, #tpu.memory_space<hbm>> -> memref<2832xi32, #tpu.memory_space<hbm>>
    %dma_wait3A_910 = tpu.memref_slice %arg3[%add3A_902] : memref<498688xi32, #tpu.memory_space<hbm>> -> memref<2832xi32, #tpu.memory_space<hbm>>
    tpu.wait_dma2 semaphore(%arg13 : memref<!tpu.dma_semaphore, #tpu.memory_space<semaphore_mem>>) src(%dma_wait3A_910 : memref<2832xi32, #tpu.memory_space<hbm>>) dst(%arg8 : memref<2832xi32, #tpu.memory_space<vmem>>)
    %dma_wait3A_911 = tpu.memref_slice %arg2[%add3A_902, %mul3A_906] : memref<498432x80xf32, #tpu.memory_space<hbm>> -> memref<2832x8xf32, #tpu.memory_space<hbm>>
    %dma_wait3A_912 = tpu.memref_slice %arg2[%add3A_902, %mul3A_906] : memref<498432x80xf32, #tpu.memory_space<hbm>> -> memref<2832x8xf32, #tpu.memory_space<hbm>>
    tpu.wait_dma2 semaphore(%arg11 : memref<!tpu.dma_semaphore, #tpu.memory_space<semaphore_mem>>) src(%dma_wait3A_912 : memref<2832x8xf32, #tpu.memory_space<hbm>>) dst(%arg6 : memref<2832x8xf32, #tpu.memory_space<vmem>>)
    %mul3A_913 = arith.constant 31152 : i32
    %mul3A_914 = arith.muli %arg1, %mul3A_913 : i32
    %add3A_915 = arith.constant 19824 : i32
    %add3A_916 = arith.addi %mul3A_914, %add3A_915 : i32
    %dma_start3A_917 = tpu.memref_slice %arg3[%add3A_916] : memref<498688xi32, #tpu.memory_space<hbm>> -> memref<2832xi32, #tpu.memory_space<hbm>>
    %dma_start3A_918 = tpu.memref_slice %arg3[%add3A_916] : memref<498688xi32, #tpu.memory_space<hbm>> -> memref<2832xi32, #tpu.memory_space<hbm>>
    tpu.enqueue_dma source(%dma_start3A_918 : memref<2832xi32, #tpu.memory_space<hbm>>) target(%arg9 : memref<2832xi32, #tpu.memory_space<vmem>>) target_semaphore(%arg14 : memref<!tpu.dma_semaphore, #tpu.memory_space<semaphore_mem>>)
    %mul3A_919 = arith.constant 8 : i32
    %mul3A_920 = arith.muli %add3A_781, %mul3A_919 : i32
    %dma_start3A_921 = tpu.memref_slice %arg2[%add3A_916, %mul3A_920] : memref<498432x80xf32, #tpu.memory_space<hbm>> -> memref<2832x8xf32, #tpu.memory_space<hbm>>
    %dma_start3A_922 = tpu.memref_slice %arg2[%add3A_916, %mul3A_920] : memref<498432x80xf32, #tpu.memory_space<hbm>> -> memref<2832x8xf32, #tpu.memory_space<hbm>>
    tpu.enqueue_dma source(%dma_start3A_922 : memref<2832x8xf32, #tpu.memory_space<hbm>>) target(%arg7 : memref<2832x8xf32, #tpu.memory_space<vmem>>) target_semaphore(%arg12 : memref<!tpu.dma_semaphore, #tpu.memory_space<semaphore_mem>>)
    "tpu.region"() ({
      %run_scoped3A = tpu.sem_alloc : memref<!tpu.dma_semaphore, #tpu.memory_space<semaphore_mem>>
      %dma_start3A_975 = arith.constant 0 : i32
      %dma_start3A_976 = arith.constant 0 : i32
      %dma_start3A_977 = tpu.memref_slice %arg5[%dma_start3A_975, %dma_start3A_976] : memref<130560x8xf32, #tpu.memory_space<vmem_shared>> -> memref<130560x8xf32, #tpu.memory_space<vmem_shared>>
      tpu.enqueue_indirect_dma source(%arg6 : memref<2832x8xf32, #tpu.memory_space<vmem>>) target(%dma_start3A_977 : memref<130560x8xf32, #tpu.memory_space<vmem_shared>>) offsets(%arg8 : memref<2832xi32, #tpu.memory_space<vmem>>) semaphore(%run_scoped3A : memref<!tpu.dma_semaphore, #tpu.memory_space<semaphore_mem>>) {add = true}
      %dma_wait3A_978 = arith.constant 0 : i32
      %dma_wait3A_979 = arith.constant 0 : i32
      %dma_wait3A_980 = tpu.memref_slice %arg5[%dma_wait3A_978, %dma_wait3A_979] : memref<130560x8xf32, #tpu.memory_space<vmem_shared>> -> memref<130560x8xf32, #tpu.memory_space<vmem_shared>>
      tpu.wait_indirect_dma semaphore(%run_scoped3A : memref<!tpu.dma_semaphore, #tpu.memory_space<semaphore_mem>>) src(%arg6 : memref<2832x8xf32, #tpu.memory_space<vmem>>) dst(%dma_wait3A_980 : memref<130560x8xf32, #tpu.memory_space<vmem_shared>>)
      tpu.yield
    }) : () -> ()
    %dma_wait3A_923 = tpu.memref_slice %arg3[%add3A_916] : memref<498688xi32, #tpu.memory_space<hbm>> -> memref<2832xi32, #tpu.memory_space<hbm>>
    %dma_wait3A_924 = tpu.memref_slice %arg3[%add3A_916] : memref<498688xi32, #tpu.memory_space<hbm>> -> memref<2832xi32, #tpu.memory_space<hbm>>
    tpu.wait_dma2 semaphore(%arg14 : memref<!tpu.dma_semaphore, #tpu.memory_space<semaphore_mem>>) src(%dma_wait3A_924 : memref<2832xi32, #tpu.memory_space<hbm>>) dst(%arg9 : memref<2832xi32, #tpu.memory_space<vmem>>)
    %dma_wait3A_925 = tpu.memref_slice %arg2[%add3A_916, %mul3A_920] : memref<498432x80xf32, #tpu.memory_space<hbm>> -> memref<2832x8xf32, #tpu.memory_space<hbm>>
    %dma_wait3A_926 = tpu.memref_slice %arg2[%add3A_916, %mul3A_920] : memref<498432x80xf32, #tpu.memory_space<hbm>> -> memref<2832x8xf32, #tpu.memory_space<hbm>>
    tpu.wait_dma2 semaphore(%arg12 : memref<!tpu.dma_semaphore, #tpu.memory_space<semaphore_mem>>) src(%dma_wait3A_926 : memref<2832x8xf32, #tpu.memory_space<hbm>>) dst(%arg7 : memref<2832x8xf32, #tpu.memory_space<vmem>>)
    %mul3A_927 = arith.constant 31152 : i32
    %mul3A_928 = arith.muli %arg1, %mul3A_927 : i32
    %add3A_929 = arith.constant 22656 : i32
    %add3A_930 = arith.addi %mul3A_928, %add3A_929 : i32
    %dma_start3A_931 = tpu.memref_slice %arg3[%add3A_930] : memref<498688xi32, #tpu.memory_space<hbm>> -> memref<2832xi32, #tpu.memory_space<hbm>>
    %dma_start3A_932 = tpu.memref_slice %arg3[%add3A_930] : memref<498688xi32, #tpu.memory_space<hbm>> -> memref<2832xi32, #tpu.memory_space<hbm>>
    tpu.enqueue_dma source(%dma_start3A_932 : memref<2832xi32, #tpu.memory_space<hbm>>) target(%arg8 : memref<2832xi32, #tpu.memory_space<vmem>>) target_semaphore(%arg13 : memref<!tpu.dma_semaphore, #tpu.memory_space<semaphore_mem>>)
    %mul3A_933 = arith.constant 8 : i32
    %mul3A_934 = arith.muli %add3A_781, %mul3A_933 : i32
    %dma_start3A_935 = tpu.memref_slice %arg2[%add3A_930, %mul3A_934] : memref<498432x80xf32, #tpu.memory_space<hbm>> -> memref<2832x8xf32, #tpu.memory_space<hbm>>
    %dma_start3A_936 = tpu.memref_slice %arg2[%add3A_930, %mul3A_934] : memref<498432x80xf32, #tpu.memory_space<hbm>> -> memref<2832x8xf32, #tpu.memory_space<hbm>>
    tpu.enqueue_dma source(%dma_start3A_936 : memref<2832x8xf32, #tpu.memory_space<hbm>>) target(%arg6 : memref<2832x8xf32, #tpu.memory_space<vmem>>) target_semaphore(%arg11 : memref<!tpu.dma_semaphore, #tpu.memory_space<semaphore_mem>>)
    "tpu.region"() ({
      %run_scoped3A = tpu.sem_alloc : memref<!tpu.dma_semaphore, #tpu.memory_space<semaphore_mem>>
      %dma_start3A_975 = arith.constant 0 : i32
      %dma_start3A_976 = arith.constant 0 : i32
      %dma_start3A_977 = tpu.memref_slice %arg5[%dma_start3A_975, %dma_start3A_976] : memref<130560x8xf32, #tpu.memory_space<vmem_shared>> -> memref<130560x8xf32, #tpu.memory_space<vmem_shared>>
      tpu.enqueue_indirect_dma source(%arg7 : memref<2832x8xf32, #tpu.memory_space<vmem>>) target(%dma_start3A_977 : memref<130560x8xf32, #tpu.memory_space<vmem_shared>>) offsets(%arg9 : memref<2832xi32, #tpu.memory_space<vmem>>) semaphore(%run_scoped3A : memref<!tpu.dma_semaphore, #tpu.memory_space<semaphore_mem>>) {add = true}
      %dma_wait3A_978 = arith.constant 0 : i32
      %dma_wait3A_979 = arith.constant 0 : i32
      %dma_wait3A_980 = tpu.memref_slice %arg5[%dma_wait3A_978, %dma_wait3A_979] : memref<130560x8xf32, #tpu.memory_space<vmem_shared>> -> memref<130560x8xf32, #tpu.memory_space<vmem_shared>>
      tpu.wait_indirect_dma semaphore(%run_scoped3A : memref<!tpu.dma_semaphore, #tpu.memory_space<semaphore_mem>>) src(%arg7 : memref<2832x8xf32, #tpu.memory_space<vmem>>) dst(%dma_wait3A_980 : memref<130560x8xf32, #tpu.memory_space<vmem_shared>>)
      tpu.yield
    }) : () -> ()
    %dma_wait3A_937 = tpu.memref_slice %arg3[%add3A_930] : memref<498688xi32, #tpu.memory_space<hbm>> -> memref<2832xi32, #tpu.memory_space<hbm>>
    %dma_wait3A_938 = tpu.memref_slice %arg3[%add3A_930] : memref<498688xi32, #tpu.memory_space<hbm>> -> memref<2832xi32, #tpu.memory_space<hbm>>
    tpu.wait_dma2 semaphore(%arg13 : memref<!tpu.dma_semaphore, #tpu.memory_space<semaphore_mem>>) src(%dma_wait3A_938 : memref<2832xi32, #tpu.memory_space<hbm>>) dst(%arg8 : memref<2832xi32, #tpu.memory_space<vmem>>)
    %dma_wait3A_939 = tpu.memref_slice %arg2[%add3A_930, %mul3A_934] : memref<498432x80xf32, #tpu.memory_space<hbm>> -> memref<2832x8xf32, #tpu.memory_space<hbm>>
    %dma_wait3A_940 = tpu.memref_slice %arg2[%add3A_930, %mul3A_934] : memref<498432x80xf32, #tpu.memory_space<hbm>> -> memref<2832x8xf32, #tpu.memory_space<hbm>>
    tpu.wait_dma2 semaphore(%arg11 : memref<!tpu.dma_semaphore, #tpu.memory_space<semaphore_mem>>) src(%dma_wait3A_940 : memref<2832x8xf32, #tpu.memory_space<hbm>>) dst(%arg6 : memref<2832x8xf32, #tpu.memory_space<vmem>>)
    %mul3A_941 = arith.constant 31152 : i32
    %mul3A_942 = arith.muli %arg1, %mul3A_941 : i32
    %add3A_943 = arith.constant 25488 : i32
    %add3A_944 = arith.addi %mul3A_942, %add3A_943 : i32
    %dma_start3A_945 = tpu.memref_slice %arg3[%add3A_944] : memref<498688xi32, #tpu.memory_space<hbm>> -> memref<2832xi32, #tpu.memory_space<hbm>>
    %dma_start3A_946 = tpu.memref_slice %arg3[%add3A_944] : memref<498688xi32, #tpu.memory_space<hbm>> -> memref<2832xi32, #tpu.memory_space<hbm>>
    tpu.enqueue_dma source(%dma_start3A_946 : memref<2832xi32, #tpu.memory_space<hbm>>) target(%arg9 : memref<2832xi32, #tpu.memory_space<vmem>>) target_semaphore(%arg14 : memref<!tpu.dma_semaphore, #tpu.memory_space<semaphore_mem>>)
    %mul3A_947 = arith.constant 8 : i32
    %mul3A_948 = arith.muli %add3A_781, %mul3A_947 : i32
    %dma_start3A_949 = tpu.memref_slice %arg2[%add3A_944, %mul3A_948] : memref<498432x80xf32, #tpu.memory_space<hbm>> -> memref<2832x8xf32, #tpu.memory_space<hbm>>
    %dma_start3A_950 = tpu.memref_slice %arg2[%add3A_944, %mul3A_948] : memref<498432x80xf32, #tpu.memory_space<hbm>> -> memref<2832x8xf32, #tpu.memory_space<hbm>>
    tpu.enqueue_dma source(%dma_start3A_950 : memref<2832x8xf32, #tpu.memory_space<hbm>>) target(%arg7 : memref<2832x8xf32, #tpu.memory_space<vmem>>) target_semaphore(%arg12 : memref<!tpu.dma_semaphore, #tpu.memory_space<semaphore_mem>>)
    "tpu.region"() ({
      %run_scoped3A = tpu.sem_alloc : memref<!tpu.dma_semaphore, #tpu.memory_space<semaphore_mem>>
      %dma_start3A_975 = arith.constant 0 : i32
      %dma_start3A_976 = arith.constant 0 : i32
      %dma_start3A_977 = tpu.memref_slice %arg5[%dma_start3A_975, %dma_start3A_976] : memref<130560x8xf32, #tpu.memory_space<vmem_shared>> -> memref<130560x8xf32, #tpu.memory_space<vmem_shared>>
      tpu.enqueue_indirect_dma source(%arg6 : memref<2832x8xf32, #tpu.memory_space<vmem>>) target(%dma_start3A_977 : memref<130560x8xf32, #tpu.memory_space<vmem_shared>>) offsets(%arg8 : memref<2832xi32, #tpu.memory_space<vmem>>) semaphore(%run_scoped3A : memref<!tpu.dma_semaphore, #tpu.memory_space<semaphore_mem>>) {add = true}
      %dma_wait3A_978 = arith.constant 0 : i32
      %dma_wait3A_979 = arith.constant 0 : i32
      %dma_wait3A_980 = tpu.memref_slice %arg5[%dma_wait3A_978, %dma_wait3A_979] : memref<130560x8xf32, #tpu.memory_space<vmem_shared>> -> memref<130560x8xf32, #tpu.memory_space<vmem_shared>>
      tpu.wait_indirect_dma semaphore(%run_scoped3A : memref<!tpu.dma_semaphore, #tpu.memory_space<semaphore_mem>>) src(%arg6 : memref<2832x8xf32, #tpu.memory_space<vmem>>) dst(%dma_wait3A_980 : memref<130560x8xf32, #tpu.memory_space<vmem_shared>>)
      tpu.yield
    }) : () -> ()
    %dma_wait3A_951 = tpu.memref_slice %arg3[%add3A_944] : memref<498688xi32, #tpu.memory_space<hbm>> -> memref<2832xi32, #tpu.memory_space<hbm>>
    %dma_wait3A_952 = tpu.memref_slice %arg3[%add3A_944] : memref<498688xi32, #tpu.memory_space<hbm>> -> memref<2832xi32, #tpu.memory_space<hbm>>
    tpu.wait_dma2 semaphore(%arg14 : memref<!tpu.dma_semaphore, #tpu.memory_space<semaphore_mem>>) src(%dma_wait3A_952 : memref<2832xi32, #tpu.memory_space<hbm>>) dst(%arg9 : memref<2832xi32, #tpu.memory_space<vmem>>)
    %dma_wait3A_953 = tpu.memref_slice %arg2[%add3A_944, %mul3A_948] : memref<498432x80xf32, #tpu.memory_space<hbm>> -> memref<2832x8xf32, #tpu.memory_space<hbm>>
    %dma_wait3A_954 = tpu.memref_slice %arg2[%add3A_944, %mul3A_948] : memref<498432x80xf32, #tpu.memory_space<hbm>> -> memref<2832x8xf32, #tpu.memory_space<hbm>>
    tpu.wait_dma2 semaphore(%arg12 : memref<!tpu.dma_semaphore, #tpu.memory_space<semaphore_mem>>) src(%dma_wait3A_954 : memref<2832x8xf32, #tpu.memory_space<hbm>>) dst(%arg7 : memref<2832x8xf32, #tpu.memory_space<vmem>>)
    %mul3A_955 = arith.constant 31152 : i32
    %mul3A_956 = arith.muli %arg1, %mul3A_955 : i32
    %add3A_957 = arith.constant 28320 : i32
    %add3A_958 = arith.addi %mul3A_956, %add3A_957 : i32
    %dma_start3A_959 = tpu.memref_slice %arg3[%add3A_958] : memref<498688xi32, #tpu.memory_space<hbm>> -> memref<2832xi32, #tpu.memory_space<hbm>>
    %dma_start3A_960 = tpu.memref_slice %arg3[%add3A_958] : memref<498688xi32, #tpu.memory_space<hbm>> -> memref<2832xi32, #tpu.memory_space<hbm>>
    tpu.enqueue_dma source(%dma_start3A_960 : memref<2832xi32, #tpu.memory_space<hbm>>) target(%arg8 : memref<2832xi32, #tpu.memory_space<vmem>>) target_semaphore(%arg13 : memref<!tpu.dma_semaphore, #tpu.memory_space<semaphore_mem>>)
    %mul3A_961 = arith.constant 8 : i32
    %mul3A_962 = arith.muli %add3A_781, %mul3A_961 : i32
    %dma_start3A_963 = tpu.memref_slice %arg2[%add3A_958, %mul3A_962] : memref<498432x80xf32, #tpu.memory_space<hbm>> -> memref<2832x8xf32, #tpu.memory_space<hbm>>
    %dma_start3A_964 = tpu.memref_slice %arg2[%add3A_958, %mul3A_962] : memref<498432x80xf32, #tpu.memory_space<hbm>> -> memref<2832x8xf32, #tpu.memory_space<hbm>>
    tpu.enqueue_dma source(%dma_start3A_964 : memref<2832x8xf32, #tpu.memory_space<hbm>>) target(%arg6 : memref<2832x8xf32, #tpu.memory_space<vmem>>) target_semaphore(%arg11 : memref<!tpu.dma_semaphore, #tpu.memory_space<semaphore_mem>>)
    "tpu.region"() ({
      %run_scoped3A = tpu.sem_alloc : memref<!tpu.dma_semaphore, #tpu.memory_space<semaphore_mem>>
      %dma_start3A_975 = arith.constant 0 : i32
      %dma_start3A_976 = arith.constant 0 : i32
      %dma_start3A_977 = tpu.memref_slice %arg5[%dma_start3A_975, %dma_start3A_976] : memref<130560x8xf32, #tpu.memory_space<vmem_shared>> -> memref<130560x8xf32, #tpu.memory_space<vmem_shared>>
      tpu.enqueue_indirect_dma source(%arg7 : memref<2832x8xf32, #tpu.memory_space<vmem>>) target(%dma_start3A_977 : memref<130560x8xf32, #tpu.memory_space<vmem_shared>>) offsets(%arg9 : memref<2832xi32, #tpu.memory_space<vmem>>) semaphore(%run_scoped3A : memref<!tpu.dma_semaphore, #tpu.memory_space<semaphore_mem>>) {add = true}
      %dma_wait3A_978 = arith.constant 0 : i32
      %dma_wait3A_979 = arith.constant 0 : i32
      %dma_wait3A_980 = tpu.memref_slice %arg5[%dma_wait3A_978, %dma_wait3A_979] : memref<130560x8xf32, #tpu.memory_space<vmem_shared>> -> memref<130560x8xf32, #tpu.memory_space<vmem_shared>>
      tpu.wait_indirect_dma semaphore(%run_scoped3A : memref<!tpu.dma_semaphore, #tpu.memory_space<semaphore_mem>>) src(%arg7 : memref<2832x8xf32, #tpu.memory_space<vmem>>) dst(%dma_wait3A_980 : memref<130560x8xf32, #tpu.memory_space<vmem_shared>>)
      tpu.yield
    }) : () -> ()
    %dma_wait3A_965 = tpu.memref_slice %arg3[%add3A_958] : memref<498688xi32, #tpu.memory_space<hbm>> -> memref<2832xi32, #tpu.memory_space<hbm>>
    %dma_wait3A_966 = tpu.memref_slice %arg3[%add3A_958] : memref<498688xi32, #tpu.memory_space<hbm>> -> memref<2832xi32, #tpu.memory_space<hbm>>
    tpu.wait_dma2 semaphore(%arg13 : memref<!tpu.dma_semaphore, #tpu.memory_space<semaphore_mem>>) src(%dma_wait3A_966 : memref<2832xi32, #tpu.memory_space<hbm>>) dst(%arg8 : memref<2832xi32, #tpu.memory_space<vmem>>)
    %dma_wait3A_967 = tpu.memref_slice %arg2[%add3A_958, %mul3A_962] : memref<498432x80xf32, #tpu.memory_space<hbm>> -> memref<2832x8xf32, #tpu.memory_space<hbm>>
    %dma_wait3A_968 = tpu.memref_slice %arg2[%add3A_958, %mul3A_962] : memref<498432x80xf32, #tpu.memory_space<hbm>> -> memref<2832x8xf32, #tpu.memory_space<hbm>>
    tpu.wait_dma2 semaphore(%arg11 : memref<!tpu.dma_semaphore, #tpu.memory_space<semaphore_mem>>) src(%dma_wait3A_968 : memref<2832x8xf32, #tpu.memory_space<hbm>>) dst(%arg6 : memref<2832x8xf32, #tpu.memory_space<vmem>>)
    "tpu.region"() ({
      %run_scoped3A = tpu.sem_alloc : memref<!tpu.dma_semaphore, #tpu.memory_space<semaphore_mem>>
      %dma_start3A_975 = arith.constant 0 : i32
      %dma_start3A_976 = arith.constant 0 : i32
      %dma_start3A_977 = tpu.memref_slice %arg5[%dma_start3A_975, %dma_start3A_976] : memref<130560x8xf32, #tpu.memory_space<vmem_shared>> -> memref<130560x8xf32, #tpu.memory_space<vmem_shared>>
      tpu.enqueue_indirect_dma source(%arg6 : memref<2832x8xf32, #tpu.memory_space<vmem>>) target(%dma_start3A_977 : memref<130560x8xf32, #tpu.memory_space<vmem_shared>>) offsets(%arg8 : memref<2832xi32, #tpu.memory_space<vmem>>) semaphore(%run_scoped3A : memref<!tpu.dma_semaphore, #tpu.memory_space<semaphore_mem>>) {add = true}
      %dma_wait3A_978 = arith.constant 0 : i32
      %dma_wait3A_979 = arith.constant 0 : i32
      %dma_wait3A_980 = tpu.memref_slice %arg5[%dma_wait3A_978, %dma_wait3A_979] : memref<130560x8xf32, #tpu.memory_space<vmem_shared>> -> memref<130560x8xf32, #tpu.memory_space<vmem_shared>>
      tpu.wait_indirect_dma semaphore(%run_scoped3A : memref<!tpu.dma_semaphore, #tpu.memory_space<semaphore_mem>>) src(%arg6 : memref<2832x8xf32, #tpu.memory_space<vmem>>) dst(%dma_wait3A_980 : memref<130560x8xf32, #tpu.memory_space<vmem_shared>>)
      tpu.yield
    }) : () -> ()
    %barrier3A_969 = arith.constant 0 : index
    tpu.barrier barrier_id(%barrier3A_969)
    %mul3A_970 = arith.constant 8104 : i32
    %mul3A_971 = arith.muli %arg1, %mul3A_970 : i32
    %mul3A_972 = arith.constant 8104 : i32
    %mul3A_973 = arith.muli %arg1, %mul3A_972 : i32
    "tpu.region"() ({
      %run_scoped3A = tpu.sem_alloc : memref<!tpu.dma_semaphore, #tpu.memory_space<semaphore_mem>>
      %dma_start3A_975 = arith.constant 0 : i32
      %dma_start3A_976 = tpu.memref_slice %arg4[%add3A_781, %mul3A_973, %dma_start3A_975] : memref<10x129664x8xf32, #tpu.memory_space<hbm>> -> memref<1x8104x8xf32, #tpu.memory_space<hbm>>
      %dma_start3A_977 = tpu.memref_squeeze %dma_start3A_976 : memref<1x8104x8xf32, #tpu.memory_space<hbm>> -> memref<8104x8xf32, #tpu.memory_space<hbm>>
      %dma_start3A_978 = arith.constant 0 : i32
      %dma_start3A_979 = tpu.memref_slice %arg5[%mul3A_971, %dma_start3A_978] : memref<130560x8xf32, #tpu.memory_space<vmem_shared>> -> memref<8104x8xf32, #tpu.memory_space<vmem_shared>>
      tpu.enqueue_dma source(%dma_start3A_979 : memref<8104x8xf32, #tpu.memory_space<vmem_shared>>) target(%dma_start3A_977 : memref<8104x8xf32, #tpu.memory_space<hbm>>) target_semaphore(%run_scoped3A : memref<!tpu.dma_semaphore, #tpu.memory_space<semaphore_mem>>)
      %dma_wait3A_980 = arith.constant 0 : i32
      %dma_wait3A_981 = tpu.memref_slice %arg4[%add3A_781, %mul3A_973, %dma_wait3A_980] : memref<10x129664x8xf32, #tpu.memory_space<hbm>> -> memref<1x8104x8xf32, #tpu.memory_space<hbm>>
      %dma_wait3A_982 = tpu.memref_squeeze %dma_wait3A_981 : memref<1x8104x8xf32, #tpu.memory_space<hbm>> -> memref<8104x8xf32, #tpu.memory_space<hbm>>
      %dma_wait3A_983 = arith.constant 0 : i32
      %dma_wait3A_984 = tpu.memref_slice %arg5[%mul3A_971, %dma_wait3A_983] : memref<130560x8xf32, #tpu.memory_space<vmem_shared>> -> memref<8104x8xf32, #tpu.memory_space<vmem_shared>>
      tpu.wait_dma2 semaphore(%run_scoped3A : memref<!tpu.dma_semaphore, #tpu.memory_space<semaphore_mem>>) src(%dma_wait3A_984 : memref<8104x8xf32, #tpu.memory_space<vmem_shared>>) dst(%dma_wait3A_982 : memref<8104x8xf32, #tpu.memory_space<hbm>>)
      tpu.yield
    }) : () -> ()
    %barrier3A_974 = arith.constant 0 : index
    tpu.barrier barrier_id(%barrier3A_974)
    return
  }
}

module attributes {stable_mosaic.version = 14 : i64} {
  func.func @_voxel_body(%arg0: i32, %arg1: memref<3x8x128xf32, #tpu.memory_space<vmem>>, %arg2: memref<8x128xi32, #tpu.memory_space<vmem>>) attributes {dimension_semantics = [#tpu.dimension_semantics<arbitrary>], iteration_bounds = array<i64: 487>, scalar_prefetch = 0 : i64, scratch_operands = 0 : i64, tpu.core_type = #tpu.core_type<tc>, window_params = [{transform_indices = @transform_0, window_bounds = array<i64: 3, 8, 128>}, {transform_indices = @transform_1, window_bounds = array<i64: 8, 128>}]} {
    %get3A = arith.constant 0 : index
    %get3A_0 = arith.constant 0 : index
    %get3A_1 = arith.constant 0 : index
    %get3A_2 = vector.load %arg1[%get3A, %get3A_0, %get3A_1] : memref<3x8x128xf32, #tpu.memory_space<vmem>>, vector<1x8x128xf32>
    %get3A_3 = vector.shape_cast %get3A_2 : vector<1x8x128xf32> to vector<8x128xf32>
    %sub3A = arith.constant -5.400000e+01 : f32
    %sub3A_4 = vector.broadcast %sub3A : f32 to vector<8x128xf32>
    %sub3A_5 = arith.subf %get3A_3, %sub3A_4 : vector<8x128xf32>
    %div3A = arith.constant 3.000000e-01 : f32
    %div3A_6 = vector.broadcast %div3A : f32 to vector<8x128xf32>
    %div3A_7 = arith.divf %sub3A_5, %div3A_6 : vector<8x128xf32>
    %get3A_8 = arith.constant 1 : index
    %get3A_9 = arith.constant 0 : index
    %get3A_10 = arith.constant 0 : index
    %get3A_11 = vector.load %arg1[%get3A_8, %get3A_9, %get3A_10] : memref<3x8x128xf32, #tpu.memory_space<vmem>>, vector<1x8x128xf32>
    %get3A_12 = vector.shape_cast %get3A_11 : vector<1x8x128xf32> to vector<8x128xf32>
    %sub3A_13 = arith.constant -5.400000e+01 : f32
    %sub3A_14 = vector.broadcast %sub3A_13 : f32 to vector<8x128xf32>
    %sub3A_15 = arith.subf %get3A_12, %sub3A_14 : vector<8x128xf32>
    %div3A_16 = arith.constant 3.000000e-01 : f32
    %div3A_17 = vector.broadcast %div3A_16 : f32 to vector<8x128xf32>
    %div3A_18 = arith.divf %sub3A_15, %div3A_17 : vector<8x128xf32>
    %get3A_19 = arith.constant 2 : index
    %get3A_20 = arith.constant 0 : index
    %get3A_21 = arith.constant 0 : index
    %get3A_22 = vector.load %arg1[%get3A_19, %get3A_20, %get3A_21] : memref<3x8x128xf32, #tpu.memory_space<vmem>>, vector<1x8x128xf32>
    %get3A_23 = vector.shape_cast %get3A_22 : vector<1x8x128xf32> to vector<8x128xf32>
    %sub3A_24 = arith.constant -1.000000e+01 : f32
    %sub3A_25 = vector.broadcast %sub3A_24 : f32 to vector<8x128xf32>
    %sub3A_26 = arith.subf %get3A_23, %sub3A_25 : vector<8x128xf32>
    %div3A_27 = arith.constant 2.000000e+01 : f32
    %div3A_28 = vector.broadcast %div3A_27 : f32 to vector<8x128xf32>
    %div3A_29 = arith.divf %sub3A_26, %div3A_28 : vector<8x128xf32>
    %ge3A = arith.constant 0.000000e+00 : f32
    %ge3A_30 = vector.broadcast %ge3A : f32 to vector<8x128xf32>
    %ge3A_31 = arith.cmpf oge, %div3A_7, %ge3A_30 : vector<8x128xf32>
    %lt3A = arith.constant 3.600000e+02 : f32
    %lt3A_32 = vector.broadcast %lt3A : f32 to vector<8x128xf32>
    %lt3A_33 = arith.cmpf olt, %div3A_7, %lt3A_32 : vector<8x128xf32>
    %and3A = arith.andi %ge3A_31, %lt3A_33 : vector<8x128xi1>
    %ge3A_34 = arith.constant 0.000000e+00 : f32
    %ge3A_35 = vector.broadcast %ge3A_34 : f32 to vector<8x128xf32>
    %ge3A_36 = arith.cmpf oge, %div3A_18, %ge3A_35 : vector<8x128xf32>
    %and3A_37 = arith.andi %and3A, %ge3A_36 : vector<8x128xi1>
    %lt3A_38 = arith.constant 3.600000e+02 : f32
    %lt3A_39 = vector.broadcast %lt3A_38 : f32 to vector<8x128xf32>
    %lt3A_40 = arith.cmpf olt, %div3A_18, %lt3A_39 : vector<8x128xf32>
    %and3A_41 = arith.andi %and3A_37, %lt3A_40 : vector<8x128xi1>
    %ge3A_42 = arith.constant 0.000000e+00 : f32
    %ge3A_43 = vector.broadcast %ge3A_42 : f32 to vector<8x128xf32>
    %ge3A_44 = arith.cmpf oge, %div3A_29, %ge3A_43 : vector<8x128xf32>
    %and3A_45 = arith.andi %and3A_41, %ge3A_44 : vector<8x128xi1>
    %lt3A_46 = arith.constant 1.000000e+00 : f32
    %lt3A_47 = vector.broadcast %lt3A_46 : f32 to vector<8x128xf32>
    %lt3A_48 = arith.cmpf olt, %div3A_29, %lt3A_47 : vector<8x128xf32>
    %and3A_49 = arith.andi %and3A_45, %lt3A_48 : vector<8x128xi1>
    %convert_element_type3A = arith.fptosi %div3A_7 : vector<8x128xf32> to vector<8x128xi32>
    %convert_element_type3A_50 = arith.fptosi %div3A_18 : vector<8x128xf32> to vector<8x128xi32>
    %mul3A = arith.constant 360 : i32
    %mul3A_51 = vector.broadcast %mul3A : i32 to vector<8x128xi32>
    %mul3A_52 = arith.muli %convert_element_type3A, %mul3A_51 : vector<8x128xi32>
    %add3A = arith.addi %mul3A_52, %convert_element_type3A_50 : vector<8x128xi32>
    %iota3A = tpu.iota {dimensions = array<i32: 0>} : vector<8x128xi32>
    %mul3A_53 = arith.constant 128 : i32
    %mul3A_54 = vector.broadcast %mul3A_53 : i32 to vector<8x128xi32>
    %mul3A_55 = arith.muli %iota3A, %mul3A_54 : vector<8x128xi32>
    %iota3A_56 = tpu.iota {dimensions = array<i32: 1>} : vector<8x128xi32>
    %add3A_57 = arith.addi %mul3A_55, %iota3A_56 : vector<8x128xi32>
    %jit3A = arith.constant 960 : i32
    %eq3A = arith.constant 0 : i32
    %eq3A_58 = arith.cmpi eq, %jit3A, %eq3A : i32
    %jit3A_59 = arith.constant 1 : i32
    %select_n3A = arith.select %eq3A_58, %jit3A_59, %jit3A : i32
    %rem3A = vector.broadcast %select_n3A : i32 to vector<8x128xi32>
    %rem3A_60 = arith.remsi %add3A_57, %rem3A : vector<8x128xi32>
    %ne3A = arith.constant 0 : i32
    %ne3A_61 = vector.broadcast %ne3A : i32 to vector<8x128xi32>
    %ne3A_62 = arith.cmpi ne, %rem3A_60, %ne3A_61 : vector<8x128xi32>
    %lt3A_63 = arith.constant 0 : i32
    %lt3A_64 = vector.broadcast %lt3A_63 : i32 to vector<8x128xi32>
    %lt3A_65 = arith.cmpi slt, %rem3A_60, %lt3A_64 : vector<8x128xi32>
    %lt3A_66 = arith.constant 0 : i32
    %lt3A_67 = arith.cmpi slt, %select_n3A, %lt3A_66 : i32
    %ne3A_68 = vector.broadcast %lt3A_67 : i1 to vector<8x128xi1>
    %ne3A_69 = vector.broadcast %ne3A_68 : vector<8x128xi1> to vector<8x128xi1>
    %ne3A_70 = arith.xori %lt3A_65, %ne3A_69 : vector<8x128xi1>
    %and3A_71 = arith.andi %ne3A_70, %ne3A_62 : vector<8x128xi1>
    %add3A_72 = vector.broadcast %select_n3A : i32 to vector<8x128xi32>
    %add3A_73 = arith.addi %rem3A_60, %add3A_72 : vector<8x128xi32>
    %select_n3A_74 = arith.select %and3A_71, %add3A_73, %rem3A_60 : vector<8x128xi1>, vector<8x128xi32>
    %add3A_75 = arith.constant 129600 : i32
    %add3A_76 = vector.broadcast %add3A_75 : i32 to vector<8x128xi32>
    %add3A_77 = arith.addi %add3A_76, %select_n3A_74 : vector<8x128xi32>
    %select_n3A_78 = arith.select %and3A_49, %add3A, %add3A_77 : vector<8x128xi1>, vector<8x128xi32>
    %swap3A = arith.constant 0 : index
    %swap3A_79 = arith.constant 0 : index
    %swap3A_80 = vector.load %arg2[%swap3A, %swap3A_79] : memref<8x128xi32, #tpu.memory_space<vmem>>, vector<8x128xi32>
    tpu.vector_store %arg2[%swap3A, %swap3A_79], %select_n3A_78 {strides = array<i32>} : memref<8x128xi32, #tpu.memory_space<vmem>>, vector<8x128xi32>,
    return
  }
  func.func @transform_0(%arg0: i32) -> (i32, i32, i32) {
    %c0_i32 = arith.constant 0 : i32
    %c0_i32_0 = arith.constant 0 : i32
    %c0_i32_1 = arith.constant 0 : i32
    return %c0_i32, %arg0, %c0_i32_0 : i32, i32, i32
  }
  func.func @transform_1(%arg0: i32) -> (i32, i32) {
    %c0_i32 = arith.constant 0 : i32
    %c0_i32_0 = arith.constant 0 : i32
    return %arg0, %c0_i32 : i32, i32
  }
}

module attributes {stable_mosaic.version = 14 : i64} {
  func.func @_assemble_body(%arg0: i32, %arg1: i32, %arg2: memref<1x2880x8xf32, #tpu.memory_space<vmem>>, %arg3: memref<1x8x8x360xf32, #tpu.memory_space<vmem>>) attributes {dimension_semantics = [#tpu.dimension_semantics<arbitrary>, #tpu.dimension_semantics<arbitrary>], iteration_bounds = array<i64: 10, 45>, scalar_prefetch = 0 : i64, scratch_operands = 0 : i64, tpu.core_type = #tpu.core_type<tc>, window_params = [{transform_indices = @transform_0, window_bounds = array<i64: 1, 2880, 8>}, {transform_indices = @transform_1, window_bounds = array<i64: 1, 8, 8, 360>}]} {
    %iota3A = tpu.iota {dimensions = array<i32: 0>} : vector<8x8xi32>
    %iota3A_0 = tpu.iota {dimensions = array<i32: 1>} : vector<8x8xi32>
    %add3A = arith.constant 0 : i32
    %add3A_1 = vector.broadcast %add3A : i32 to vector<8x8xi32>
    %add3A_2 = arith.addi %iota3A, %add3A_1 : vector<8x8xi32>
    %eq3A = arith.cmpi eq, %add3A_2, %iota3A_0 : vector<8x8xi32>
    %convert_element_type3A = arith.extui %eq3A : vector<8x8xi1> to vector<8x8xi32>
    %convert_element_type3A_3 = arith.sitofp %convert_element_type3A : vector<8x8xi32> to vector<8x8xf32>
    %get3A = arith.constant 0 : index
    %get3A_4 = arith.constant 0 : index
    %get3A_5 = arith.constant 0 : index
    %get3A_6 = vector.load %arg2[%get3A, %get3A_4, %get3A_5] : memref<1x2880x8xf32, #tpu.memory_space<vmem>>, vector<1x2880x8xf32>
    %get3A_7 = vector.shape_cast %get3A_6 : vector<1x2880x8xf32> to vector<2880x8xf32>
    %reshape3A = vector.shape_cast %get3A_7 : vector<2880x8xf32> to vector<8x360x8xf32>
    %slice3A = vector.extract_strided_slice %reshape3A {offsets = [0, 0, 0], sizes = [1, 360, 8], strides = [1, 1, 1]} : vector<8x360x8xf32> to vector<1x360x8xf32>
    %squeeze3A = vector.shape_cast %slice3A : vector<1x360x8xf32> to vector<360x8xf32>
    %dot_general3A = arith.constant dense<0.000000e+00> : vector<8x360xf32>
    %dot_general3A_8 = tpu.matmul %convert_element_type3A_3, %squeeze3A, %dot_general3A {dimension_numbers = #tpu.dot_dimension_numbers<[1], [1], [0], [0], [0, 0, 1, 0], [], []>, transpose_lhs_hint = false} : vector<8x8xf32>, vector<360x8xf32>, vector<8x360xf32> -> vector<8x360xf32>
    %swap3A = arith.constant 0 : index
    %swap3A_9 = arith.constant 0 : index
    %swap3A_10 = arith.constant 0 : index
    %swap3A_11 = arith.constant 0 : index
    %swap3A_12 = vector.load %arg3[%swap3A, %swap3A_9, %swap3A_10, %swap3A_11] : memref<1x8x8x360xf32, #tpu.memory_space<vmem>>, vector<1x8x1x360xf32>
    %swap3A_13 = vector.shape_cast %swap3A_12 : vector<1x8x1x360xf32> to vector<8x360xf32>
    %swap3A_14 = vector.shape_cast %dot_general3A_8 : vector<8x360xf32> to vector<1x8x1x360xf32>
    tpu.vector_store %arg3[%swap3A, %swap3A_9, %swap3A_10, %swap3A_11], %swap3A_14 {strides = array<i32>} : memref<1x8x8x360xf32, #tpu.memory_space<vmem>>, vector<1x8x1x360xf32>,
    %slice3A_15 = vector.extract_strided_slice %reshape3A {offsets = [1, 0, 0], sizes = [1, 360, 8], strides = [1, 1, 1]} : vector<8x360x8xf32> to vector<1x360x8xf32>
    %squeeze3A_16 = vector.shape_cast %slice3A_15 : vector<1x360x8xf32> to vector<360x8xf32>
    %dot_general3A_17 = arith.constant dense<0.000000e+00> : vector<8x360xf32>
    %dot_general3A_18 = tpu.matmul %convert_element_type3A_3, %squeeze3A_16, %dot_general3A_17 {dimension_numbers = #tpu.dot_dimension_numbers<[1], [1], [0], [0], [0, 0, 1, 0], [], []>, transpose_lhs_hint = false} : vector<8x8xf32>, vector<360x8xf32>, vector<8x360xf32> -> vector<8x360xf32>
    %swap3A_19 = arith.constant 0 : index
    %swap3A_20 = arith.constant 0 : index
    %swap3A_21 = arith.constant 1 : index
    %swap3A_22 = arith.constant 0 : index
    %swap3A_23 = vector.load %arg3[%swap3A_19, %swap3A_20, %swap3A_21, %swap3A_22] : memref<1x8x8x360xf32, #tpu.memory_space<vmem>>, vector<1x8x1x360xf32>
    %swap3A_24 = vector.shape_cast %swap3A_23 : vector<1x8x1x360xf32> to vector<8x360xf32>
    %swap3A_25 = vector.shape_cast %dot_general3A_18 : vector<8x360xf32> to vector<1x8x1x360xf32>
    tpu.vector_store %arg3[%swap3A_19, %swap3A_20, %swap3A_21, %swap3A_22], %swap3A_25 {strides = array<i32>} : memref<1x8x8x360xf32, #tpu.memory_space<vmem>>, vector<1x8x1x360xf32>,
    %slice3A_26 = vector.extract_strided_slice %reshape3A {offsets = [2, 0, 0], sizes = [1, 360, 8], strides = [1, 1, 1]} : vector<8x360x8xf32> to vector<1x360x8xf32>
    %squeeze3A_27 = vector.shape_cast %slice3A_26 : vector<1x360x8xf32> to vector<360x8xf32>
    %dot_general3A_28 = arith.constant dense<0.000000e+00> : vector<8x360xf32>
    %dot_general3A_29 = tpu.matmul %convert_element_type3A_3, %squeeze3A_27, %dot_general3A_28 {dimension_numbers = #tpu.dot_dimension_numbers<[1], [1], [0], [0], [0, 0, 1, 0], [], []>, transpose_lhs_hint = false} : vector<8x8xf32>, vector<360x8xf32>, vector<8x360xf32> -> vector<8x360xf32>
    %swap3A_30 = arith.constant 0 : index
    %swap3A_31 = arith.constant 0 : index
    %swap3A_32 = arith.constant 2 : index
    %swap3A_33 = arith.constant 0 : index
    %swap3A_34 = vector.load %arg3[%swap3A_30, %swap3A_31, %swap3A_32, %swap3A_33] : memref<1x8x8x360xf32, #tpu.memory_space<vmem>>, vector<1x8x1x360xf32>
    %swap3A_35 = vector.shape_cast %swap3A_34 : vector<1x8x1x360xf32> to vector<8x360xf32>
    %swap3A_36 = vector.shape_cast %dot_general3A_29 : vector<8x360xf32> to vector<1x8x1x360xf32>
    tpu.vector_store %arg3[%swap3A_30, %swap3A_31, %swap3A_32, %swap3A_33], %swap3A_36 {strides = array<i32>} : memref<1x8x8x360xf32, #tpu.memory_space<vmem>>, vector<1x8x1x360xf32>,
    %slice3A_37 = vector.extract_strided_slice %reshape3A {offsets = [3, 0, 0], sizes = [1, 360, 8], strides = [1, 1, 1]} : vector<8x360x8xf32> to vector<1x360x8xf32>
    %squeeze3A_38 = vector.shape_cast %slice3A_37 : vector<1x360x8xf32> to vector<360x8xf32>
    %dot_general3A_39 = arith.constant dense<0.000000e+00> : vector<8x360xf32>
    %dot_general3A_40 = tpu.matmul %convert_element_type3A_3, %squeeze3A_38, %dot_general3A_39 {dimension_numbers = #tpu.dot_dimension_numbers<[1], [1], [0], [0], [0, 0, 1, 0], [], []>, transpose_lhs_hint = false} : vector<8x8xf32>, vector<360x8xf32>, vector<8x360xf32> -> vector<8x360xf32>
    %swap3A_41 = arith.constant 0 : index
    %swap3A_42 = arith.constant 0 : index
    %swap3A_43 = arith.constant 3 : index
    %swap3A_44 = arith.constant 0 : index
    %swap3A_45 = vector.load %arg3[%swap3A_41, %swap3A_42, %swap3A_43, %swap3A_44] : memref<1x8x8x360xf32, #tpu.memory_space<vmem>>, vector<1x8x1x360xf32>
    %swap3A_46 = vector.shape_cast %swap3A_45 : vector<1x8x1x360xf32> to vector<8x360xf32>
    %swap3A_47 = vector.shape_cast %dot_general3A_40 : vector<8x360xf32> to vector<1x8x1x360xf32>
    tpu.vector_store %arg3[%swap3A_41, %swap3A_42, %swap3A_43, %swap3A_44], %swap3A_47 {strides = array<i32>} : memref<1x8x8x360xf32, #tpu.memory_space<vmem>>, vector<1x8x1x360xf32>,
    %slice3A_48 = vector.extract_strided_slice %reshape3A {offsets = [4, 0, 0], sizes = [1, 360, 8], strides = [1, 1, 1]} : vector<8x360x8xf32> to vector<1x360x8xf32>
    %squeeze3A_49 = vector.shape_cast %slice3A_48 : vector<1x360x8xf32> to vector<360x8xf32>
    %dot_general3A_50 = arith.constant dense<0.000000e+00> : vector<8x360xf32>
    %dot_general3A_51 = tpu.matmul %convert_element_type3A_3, %squeeze3A_49, %dot_general3A_50 {dimension_numbers = #tpu.dot_dimension_numbers<[1], [1], [0], [0], [0, 0, 1, 0], [], []>, transpose_lhs_hint = false} : vector<8x8xf32>, vector<360x8xf32>, vector<8x360xf32> -> vector<8x360xf32>
    %swap3A_52 = arith.constant 0 : index
    %swap3A_53 = arith.constant 0 : index
    %swap3A_54 = arith.constant 4 : index
    %swap3A_55 = arith.constant 0 : index
    %swap3A_56 = vector.load %arg3[%swap3A_52, %swap3A_53, %swap3A_54, %swap3A_55] : memref<1x8x8x360xf32, #tpu.memory_space<vmem>>, vector<1x8x1x360xf32>
    %swap3A_57 = vector.shape_cast %swap3A_56 : vector<1x8x1x360xf32> to vector<8x360xf32>
    %swap3A_58 = vector.shape_cast %dot_general3A_51 : vector<8x360xf32> to vector<1x8x1x360xf32>
    tpu.vector_store %arg3[%swap3A_52, %swap3A_53, %swap3A_54, %swap3A_55], %swap3A_58 {strides = array<i32>} : memref<1x8x8x360xf32, #tpu.memory_space<vmem>>, vector<1x8x1x360xf32>,
    %slice3A_59 = vector.extract_strided_slice %reshape3A {offsets = [5, 0, 0], sizes = [1, 360, 8], strides = [1, 1, 1]} : vector<8x360x8xf32> to vector<1x360x8xf32>
    %squeeze3A_60 = vector.shape_cast %slice3A_59 : vector<1x360x8xf32> to vector<360x8xf32>
    %dot_general3A_61 = arith.constant dense<0.000000e+00> : vector<8x360xf32>
    %dot_general3A_62 = tpu.matmul %convert_element_type3A_3, %squeeze3A_60, %dot_general3A_61 {dimension_numbers = #tpu.dot_dimension_numbers<[1], [1], [0], [0], [0, 0, 1, 0], [], []>, transpose_lhs_hint = false} : vector<8x8xf32>, vector<360x8xf32>, vector<8x360xf32> -> vector<8x360xf32>
    %swap3A_63 = arith.constant 0 : index
    %swap3A_64 = arith.constant 0 : index
    %swap3A_65 = arith.constant 5 : index
    %swap3A_66 = arith.constant 0 : index
    %swap3A_67 = vector.load %arg3[%swap3A_63, %swap3A_64, %swap3A_65, %swap3A_66] : memref<1x8x8x360xf32, #tpu.memory_space<vmem>>, vector<1x8x1x360xf32>
    %swap3A_68 = vector.shape_cast %swap3A_67 : vector<1x8x1x360xf32> to vector<8x360xf32>
    %swap3A_69 = vector.shape_cast %dot_general3A_62 : vector<8x360xf32> to vector<1x8x1x360xf32>
    tpu.vector_store %arg3[%swap3A_63, %swap3A_64, %swap3A_65, %swap3A_66], %swap3A_69 {strides = array<i32>} : memref<1x8x8x360xf32, #tpu.memory_space<vmem>>, vector<1x8x1x360xf32>,
    %slice3A_70 = vector.extract_strided_slice %reshape3A {offsets = [6, 0, 0], sizes = [1, 360, 8], strides = [1, 1, 1]} : vector<8x360x8xf32> to vector<1x360x8xf32>
    %squeeze3A_71 = vector.shape_cast %slice3A_70 : vector<1x360x8xf32> to vector<360x8xf32>
    %dot_general3A_72 = arith.constant dense<0.000000e+00> : vector<8x360xf32>
    %dot_general3A_73 = tpu.matmul %convert_element_type3A_3, %squeeze3A_71, %dot_general3A_72 {dimension_numbers = #tpu.dot_dimension_numbers<[1], [1], [0], [0], [0, 0, 1, 0], [], []>, transpose_lhs_hint = false} : vector<8x8xf32>, vector<360x8xf32>, vector<8x360xf32> -> vector<8x360xf32>
    %swap3A_74 = arith.constant 0 : index
    %swap3A_75 = arith.constant 0 : index
    %swap3A_76 = arith.constant 6 : index
    %swap3A_77 = arith.constant 0 : index
    %swap3A_78 = vector.load %arg3[%swap3A_74, %swap3A_75, %swap3A_76, %swap3A_77] : memref<1x8x8x360xf32, #tpu.memory_space<vmem>>, vector<1x8x1x360xf32>
    %swap3A_79 = vector.shape_cast %swap3A_78 : vector<1x8x1x360xf32> to vector<8x360xf32>
    %swap3A_80 = vector.shape_cast %dot_general3A_73 : vector<8x360xf32> to vector<1x8x1x360xf32>
    tpu.vector_store %arg3[%swap3A_74, %swap3A_75, %swap3A_76, %swap3A_77], %swap3A_80 {strides = array<i32>} : memref<1x8x8x360xf32, #tpu.memory_space<vmem>>, vector<1x8x1x360xf32>,
    %slice3A_81 = vector.extract_strided_slice %reshape3A {offsets = [7, 0, 0], sizes = [1, 360, 8], strides = [1, 1, 1]} : vector<8x360x8xf32> to vector<1x360x8xf32>
    %squeeze3A_82 = vector.shape_cast %slice3A_81 : vector<1x360x8xf32> to vector<360x8xf32>
    %dot_general3A_83 = arith.constant dense<0.000000e+00> : vector<8x360xf32>
    %dot_general3A_84 = tpu.matmul %convert_element_type3A_3, %squeeze3A_82, %dot_general3A_83 {dimension_numbers = #tpu.dot_dimension_numbers<[1], [1], [0], [0], [0, 0, 1, 0], [], []>, transpose_lhs_hint = false} : vector<8x8xf32>, vector<360x8xf32>, vector<8x360xf32> -> vector<8x360xf32>
    %swap3A_85 = arith.constant 0 : index
    %swap3A_86 = arith.constant 0 : index
    %swap3A_87 = arith.constant 7 : index
    %swap3A_88 = arith.constant 0 : index
    %swap3A_89 = vector.load %arg3[%swap3A_85, %swap3A_86, %swap3A_87, %swap3A_88] : memref<1x8x8x360xf32, #tpu.memory_space<vmem>>, vector<1x8x1x360xf32>
    %swap3A_90 = vector.shape_cast %swap3A_89 : vector<1x8x1x360xf32> to vector<8x360xf32>
    %swap3A_91 = vector.shape_cast %dot_general3A_84 : vector<8x360xf32> to vector<1x8x1x360xf32>
    tpu.vector_store %arg3[%swap3A_85, %swap3A_86, %swap3A_87, %swap3A_88], %swap3A_91 {strides = array<i32>} : memref<1x8x8x360xf32, #tpu.memory_space<vmem>>, vector<1x8x1x360xf32>,
    return
  }
  func.func @transform_0(%arg0: i32, %arg1: i32) -> (i32, i32, i32) {
    %c0_i32 = arith.constant 0 : i32
    %c0_i32_0 = arith.constant 0 : i32
    return %arg0, %arg1, %c0_i32 : i32, i32, i32
  }
  func.func @transform_1(%arg0: i32, %arg1: i32) -> (i32, i32, i32, i32) {
    %c0_i32 = arith.constant 0 : i32
    %c0_i32_0 = arith.constant 0 : i32
    %c0_i32_1 = arith.constant 0 : i32
    return %c0_i32, %arg0, %arg1, %c0_i32_0 : i32, i32, i32, i32
  }
}

</mosaic_0001>

<sc_bundles>
// kernel: kernel.5.cloned.1.call-start
scs
__scs_entry_jumppad:
0x0: {  	(pc) =	sbr.rel $0x88, $3  }
0x1: {  	(tag) =	ssettag $0x0;
	lr =	simm.s32 $0x1  }
0x2: {  	[smem:$0x3F9F] =	sst lr;
	_ =	strace $0xD0000000  }
0x3: {  	_ = 	snop  }
0x4: {  	_ = 	snop  }
0x5: {  	_ = 	snop  }
0x6: {  	_ = 	snop  }
0x7: {  	_ = 	snop  }
__scs_overlays_trampoline_lowered:
0x8: {  	[smem:$0x3FAE] =	sst s0  }
0x9: {  	[smem:$0x3FAF] =	sst s1  }
0xa: {  	[smem:$0x3FB0] =	sst s2  }
0xb: {  	[smem:$0x3FB1] =	sst s3  }
0xc: {  	[smem:$0x3FB2] =	sst s4  }
0xd: {  	[smem:$0x3FB3] =	sst s5  }
0xe: {  	[smem:$0x3FB4] =	sst s6  }
0xf: {  	[smem:$0x3FB5] =	sst s7  }
0x10: {  	[smem:$0x3FB6] =	sst s8  }
0x11: {  	[smem:$0x3FB7] =	sst s9;
	s0 =	simm.s32 @!p0 $0x0  }
0x12: {  	s1 =	sld [smem:$0x3F9D];
	s0 =	simm.s32 @p0 $0x1  }
0x13: {  	[smem:$0x3FB8] =	sst s0;
	s0 =	simm.s32 @!p1 $0x0  }
0x14: {  	s2 =	sld [smem:$0x3F9C];
	s0 =	simm.s32 @p1 $0x1  }
0x15: {  	[smem:$0x3FB9] =	sst s0;
	s0 =	simm.s32 @!p2 $0x0  }
0x16: {  	s3 =	sld [smem:$0x3FDB];
	s0 =	simm.s32 @p2 $0x1  }
0x17: {  	s4 =	simm.s32 $0x1BF5;
	[smem:$0x3FBB] =	sst s0  }
0x18: {  	s0 =	sld [smem:$0x3F9E];
	_ =	swait.ge [sflag:s4], $0x0  }
0x19: {  	s7 =	sld [smem:$0x3F9F]  }
0x1a: {  	s8 =	sadd.s32 $0xFFFFE003, lr  }
0x1b: {  	s9 =	sadd.s32 $0xFFFFFEF7, lr;
	s5 =	simm.s32 $0xFFFFFFFF;
	p2 =	slt.u32 s8, $0xFFFFF086  }
0x1c: {  	p1 =	slt.u32 s9, $0xF7A;
	s5 =	simm.s32 @!p2 $0x0  }
0x1d: {  	s5 =	simm.s32 @p1 $0x1;
	p0 =	seq.s32 s7, s2  }
0x1e: {  	s7 =	smul.u32 @!p0 $0xF7A, s2;
	p2 =	seq.s32 @!p0 s5, $0x0  }
0x1f: {  	s9 =	smul.u32 $0xF7A, s1;
	s8 =	simm.s32 @!p0 $0x1BF5;
	p2 =	por !p2, p0  }
0x20: {  	[sflag:s8] =	ssyncset.s32 @!p0 $0xFFFFF086;
	s6 =	sadd.s32 @!p0 s3, s7;
	s7 =	simm.s32 @!p0 $0x108  }
0x21: {  	s3 =	sadd.s32 s3, s9;
	s6 =	sadd.s32 @!p0 $0x88, s6;
	s7 =	simm.s32 @p2 $0x1082  }
0x22: {  	[simem:s7], [sflag:s8] =	dma.local @!p0 [hbm:s6], $0xF7A  }
0x23: {  	s9 =	sor.u32 $0xD0000000, s2;
	s6 =	simm.s32 $0x108;
	_ =	swait.ge @!p0 [sflag:s8], $0x0  }
0x24: {  	s3 =	sadd.s32 $0x88, s3;
	s6 =	simm.s32 @!p1 $0x1082;
	[sflag:s4] =	ssyncset.s32 $0xFFFFF086  }
0x25: {  	[simem:s6], [sflag:s4] =	dma.local [hbm:s3], $0xF7A  }
0x26: {  	[smem:$0x3F9F] =	sst s1;
	(tag) =	ssettag s2;
	_ =	strace s9  }
0x27: {  	s1 =	sld [smem:$0x3FAF]  }
0x28: {  	s2 =	sld [smem:$0x3FB0]  }
0x29: {  	s4 =	sld [smem:$0x3FB2]  }
0x2a: {  	p0 =	seq.s32 s5, $0x0;
	s5 =	sld [smem:$0x3FB3]  }
0x2b: {  	s6 =	sld [smem:$0x3FB4]  }
0x2c: {  	s7 =	sld [smem:$0x3FB5]  }
0x2d: {  	s3 =	simm.s32 $0x108;
	s8 =	sld [smem:$0x3FB6]  }
0x2e: {  	s3 =	simm.s32 @!p0 $0x1082;
	s9 =	sld [smem:$0x3FB7]  }
0x2f: {  	lr =	sadd.s32 s0, s3;
	s0 =	sld [smem:$0x3FAE]  }
0x30: {  	s3 =	sld [smem:$0x3FB1]  }
0x31: {  	[smem:$0x3FBA] =	sst s10  }
0x32: {  	s10 =	sld [smem:$0x3FB8];
	_ =	sdelay $0x3  }
0x33: {  	p0 =	seq.s32 s10, $0x1;
	s10 =	sld [smem:$0x3FBA];
	_ =	sdelay $0x3  }
0x34: {  	[smem:$0x3FBA] =	sst s10  }
0x35: {  	s10 =	sld [smem:$0x3FB9];
	_ =	sdelay $0x3  }
0x36: {  	p1 =	seq.s32 s10, $0x1;
	s10 =	sld [smem:$0x3FBA];
	_ =	sdelay $0x3  }
0x37: {  	[smem:$0x3FBA] =	sst s10  }
0x38: {  	s10 =	sld [smem:$0x3FBB]  }
0x39: {  	_ = 	snop;
	(pc) =	sbr.ind lr, $3  }
0x3a: {  	_ = 	snop  }
0x3b: {  	_ = 	snop  }
0x3c: {  	p2 =	seq.s32 s10, $0x1;
	s10 =	sld [smem:$0x3FBA]  }
0x3d: {  	_ =	shalt  }
0x3e: {  	_ =	shalt  }
0x3f: {  	_ =	shalt  }
0x40: {  	_ =	shalt  }
0x41: {  	_ =	shalt  }
0x42: {  	_ =	shalt  }
0x43: {  	_ =	shalt  }
0x44: {  	_ =	shalt  }
0x45: {  	_ =	shalt  }
0x46: {  	_ =	shalt  }
0x47: {  	_ =	shalt  }
0x48: {  	_ =	shalt  }
0x49: {  	_ =	shalt  }
0x4a: {  	_ =	shalt  }
0x4b: {  	_ =	shalt  }
0x4c: {  	_ =	shalt  }
0x4d: {  	_ =	shalt  }
0x4e: {  	_ =	shalt  }
0x4f: {  	_ =	shalt  }
0x50: {  	_ =	shalt  }
0x51: {  	_ =	shalt  }
0x52: {  	_ =	shalt  }
0x53: {  	_ =	shalt  }
0x54: {  	_ =	shalt  }
0x55: {  	_ =	shalt  }
0x56: {  	_ =	shalt  }
0x57: {  	_ =	shalt  }
0x58: {  	_ =	shalt  }
0x59: {  	_ =	shalt  }
0x5a: {  	_ =	shalt  }
0x5b: {  	_ =	shalt  }
0x5c: {  	_ =	shalt  }
0x5d: {  	_ =	shalt  }
0x5e: {  	_ =	shalt  }
0x5f: {  	_ =	shalt  }
0x60: {  	_ =	shalt  }
0x61: {  	_ =	shalt  }
0x62: {  	_ =	shalt  }
0x63: {  	_ =	shalt  }
0x64: {  	_ =	shalt  }
0x65: {  	_ =	shalt  }
0x66: {  	_ =	shalt  }
0x67: {  	_ =	shalt  }
0x68: {  	_ =	shalt  }
0x69: {  	_ =	shalt  }
0x6a: {  	_ =	shalt  }
0x6b: {  	_ =	shalt  }
0x6c: {  	_ =	shalt  }
0x6d: {  	_ =	shalt  }
0x6e: {  	_ =	shalt  }
0x6f: {  	_ =	shalt  }
0x70: {  	_ =	shalt  }
0x71: {  	_ =	shalt  }
0x72: {  	_ =	shalt  }
0x73: {  	_ =	shalt  }
0x74: {  	_ =	shalt  }
0x75: {  	_ =	shalt  }
0x76: {  	_ =	shalt  }
0x77: {  	_ =	shalt  }
0x78: {  	_ =	shalt  }
0x79: {  	_ =	shalt  }
0x7a: {  	_ =	shalt  }
0x7b: {  	_ =	shalt  }
0x7c: {  	_ =	shalt  }
0x7d: {  	_ =	shalt  }
0x7e: {  	_ =	shalt  }
0x7f: {  	_ =	shalt  }
0x80: {  	_ =	shalt  }
0x81: {  	_ =	shalt  }
0x82: {  	_ =	shalt  }
0x83: {  	_ =	shalt  }
0x84: {  	_ =	shalt  }
0x85: {  	_ =	shalt  }
0x86: {  	_ =	shalt  }
0x87: {  	_ =	shalt  }
.Lfunc_end0:
.L_simem_size_0:
called_computation_lowered:
.L_overlay_start_0:
0x88: {  	s2 =	sld [smem:$0x3FD9]  }
0x89: {  	s3 =	sld [smem:$0x3FFE];
	_ =	sdelay $0x1  }
0x8a: {  	s1 =	srdreg.scid  }
0x8b: {  	s0 =	sand.u32 $0x1, s1  }
0x8c: {  	s17 =	sshll.u32 s0, $0xA;
	s2 =	sadd.s32 s3, s2  }
0x8d: {  	s2 =	sadd.s32 s2, s17  }
0x8e: {  	[smem:$0x3FC6] =	sst s2  }
0x8f: {  	_ = 	snop  }
0x90: {  	s2 =	sld [smem:$0x3FD0];
	(tm) =	ssettm $0x1  }
0x91: {  	s18 =	sld [smem:$0x3FFB];
	_ =	sdelay $0x3  }
0x92: {  	_ =	strace s18  }
0x93: {  	s3 =	sld [smem:$0x3FFC];
	_ =	sdelay $0x3  }
0x94: {  	_ =	strace s3  }
0x95: {  	s3 =	sld [smem:$0x3FFD];
	_ =	sdelay $0x3  }
0x96: {  	_ =	strace s3  }
0x97: {  	_ =	strace $0x8FFFFFFF  }
0x98: {  	s19 =	sld [smem:$0x3FDB];
	_ =	sdelay $0x1  }
0x99: {  	s4 =	simm.s32 $_scs_section_size  }
0x9a: {  	s5 =	simm.s32 $_size__tile_overlayer_lowered;
	s6 =	simm.s32 $_tile_overlayer_lowered  }
0x9b: {  	s22 =	simm.s32 $0x1BFF;
	s21 =	sshll.u32 s6, $0x1;
	s3 =	sadd.s32 s4, s19  }
0x9c: {  	s7 =	simm.s32 $0x0;
	s20 =	sshll.u32 s5, $0x1;
	s5 =	sadd.s32 s21, s3  }
0x9d: {  	[timem:s7], [sflag:s22] =	dma.local [hbm:s5], s20  }
0x9e: {  	_ =	swait.ge [sflag:s22], s20  }
0x9f: {  	s4 =	ssub.s32 $0x0, s20;
	[sflag:s22] =	ssyncset.done $0x0  }
0xa0: {  	[sflag:s22] =	ssyncadd.s32 s4;
	_ =	sdelay $0x1  }
0xa1: {  	s23 =	simm.s32 $0x1B8B  }
0xa2: {  	_ =	swait.ge [sflag:s23], $0x1  }
0xa3: {  	[sflag:s23] =	ssyncset.done $0x0  }
0xa4: {  	s25 =	simm.s32 $0x1B8E;
	s24 =	sld [smem:$0x3FFE];
	[sflag:s23] =	ssyncadd.s32 $0xFFFFFFFF  }
0xa5: {  	s26 =	simm.s32 $execute0_lowered;
	[smem:$0x3FD2] =	sst s25  }
0xa6: {  	s5 =	sshll.u32 s26, $0x1;
	_ =	strace $0x80000046;
	[dreg:$0x1] =	wrdreg $0xFFFFFFFF  }
0xa7: {  	s28 =	simm.s32 $_size_execute0_lowered;
	s3 =	sadd.s32 s3, s5;
	[dreg:$0x0] =	wrdreg $0x0  }
0xa8: {  	s5 =	sshll.u32 s28, $0x1;
	[dreg:$0x2] =	wrdreg s3  }
0xa9: {  	[dreg:$0x3] =	wrdreg s5  }
0xaa: {  	[dreg:$0x4] =	wrdreg $0xC0  }
0xab: {  	_ =	task [dreg:s7], $0x5FFFF  }
0xac: {  	[dreg:$0x1] =	wrdreg $0xFFFFFFFF  }
0xad: {  	[dreg:$0x0] =	wrdreg $0x60  }
0xae: {  	[dreg:$0x2] =	wrdreg s24  }
0xaf: {  	[dreg:$0x3] =	wrdreg s2  }
0xb0: {  	[dreg:$0x4] =	wrdreg $0x0  }
0xb1: {  	[dreg:$0x5] =	wrdreg $0x9  }
0xb2: {  	_ =	task.clear_ibuf [dreg:s7], $0x6FFFF;
	_ =	strace $0x90000046  }
0xb3: {  	s29 =	simm.s32 $0x9;
	_ =	strace $0x80000048  }
0xb4: {  	_ =	swait.ge [sflag:s29], $0x1  }
0xb5: {  	[sflag:s29] =	ssyncadd.s32 $0xFFFFFFFF  }
0xb6: {  	_ =	strace $0x90000048  }
0xb7: {  	_ =	sfence  }
0xb8: {  	s30 =	sld [smem:$0x0];
	_ =	sdelay $0x2  }
0xb9: {  	s31 =	sshll.u32 s1, $0xD;
	s1 =	sshrl.u32 s1, $0x2  }
0xba: {  	s3 =	sand.u32 $0x4000, s31;
	s1 =	sadd.s32 s1, s30  }
0xbb: {  	s0 =	sor.u32 s3, s0;
	s1 =	sshll.u32 s1, $0x11  }
0xbc: {  	s0 =	sor.u32 s1, s0  }
0xbd: {  	s0 =	sadd.s32 $0x8F2B, s0  }
0xbe: {  	[sflag:s0] =	ssyncadd.remote.s32 $0x1  }
0xbf: {  	_ =	sfence.sel $0xFFFF  }
0xc0: {  	[dreg:$0x0] =	wrdreg $0xFFFFFFFF;
	(pc) =	sbr.abs _section_cstart, $3  }
0xc1: {  	[dreg:$0x1] =	wrdreg $0xFFFFFFFF  }
0xc2: {  	_ =	task.clear_ibuf [dreg:s7], $0x2FFFF;
	_ =	strace $0x9FFFFFFF  }
0xc3: {  	(tm) =	ssettm $0x7FFFFFFF  }
tec
execute0_lowered:
.L_overlay_start_1:
0x0: {  	(tag) =	ssettag $0x1  }
0x1: {  	s0 =	srdreg.scid;
	s19 =	stileid.u32  }
0x2: {  	s15 =	rddreg [dreg:$0x0];
	s30 =	simm.s32 $0x0;
	s3 =	sand.u32 $0x1, s0  }
0x3: {  	s2 =	smul.u32 $0x79B0, s19;
	s4 =	sadd.s32 $0x85BA00, s15;
	s1 =	ssub.s32 $0x2, s3  }
0x4: {  	s5 =	sadd.s32 $0x600, s15;
	[smem:$0x7FF] =	sst s30;
	s16 =	sshrl.u32 s1, $0x1  }
0x5: {  	s6 =	sadd.s32 $0xB10, s2;
	s0 =	ssub.s32 s1, s16;
	s1 =	smul.u32 $0x4C0E0, s19  }
0x6: {  	s7 =	sshrl.u32 s2, $0x3;
	s2 =	smul.u32 $0xA, s6;
	s6 =	sshrl.u32 s6, $0x3  }
0x7: {  	s8 =	sadd.s32 s4, s3;
	s25 =	sadd.s32 s5, s7;
	s5 =	sadd.s32 s5, s6  }
0x8: {  	s14 =	sor.u32 $0x2, s3;
	s17 =	sadd.s32 s1, s8;
	[dreg:$0x6] =	wrdreg s5  }
0x9: {  	s16 =	sadd.s32 s4, s14;
	s18 =	sadd.s32 s2, s8;
	[dreg:$0x5] =	wrdreg s17  }
0xa: {  	s23 =	sadd.s32 s1, s16;
	[dreg:$0x7] =	wrdreg s18  }
0xb: {  	s5 =	sadd.s32 $0xDD40, s1;
	s24 =	sadd.s32 s2, s16;
	[dreg:$0x11] =	wrdreg s23  }
0xc: {  	s6 =	sadd.s32 $0x14BE0, s1;
	s20 =	sadd.s32 s5, s8;
	[dreg:$0x12] =	wrdreg s24  }
0xd: {  	s7 =	sadd.s32 $0x1BA80, s1;
	s9 =	sadd.s32 s6, s8;
	[dreg:$0x8] =	wrdreg s20  }
0xe: {  	s11 =	sadd.s32 $0x30660, s1;
	s21 =	sadd.s32 s7, s8;
	[dreg:$0x9] =	wrdreg s9  }
0xf: {  	s22 =	sadd.s32 s11, s8;
	[dreg:$0xa] =	wrdreg s21  }
0x10: {  	s26 =	sadd.s32 s5, s16;
	[dreg:$0xd] =	wrdreg s22  }
0x11: {  	s17 =	sadd.s32 s6, s16;
	[dreg:$0x13] =	wrdreg s26  }
0x12: {  	s18 =	sadd.s32 s7, s16;
	s9 =	sadd.s32 $0x22920, s1;
	[dreg:$0x14] =	wrdreg s17  }
0x13: {  	[dreg:$0x15] =	wrdreg s18;
	s10 =	sadd.s32 s9, s8  }
0x14: {  	s22 =	sadd.s32 s11, s16;
	[dreg:$0xb] =	wrdreg s10;
	s10 =	sadd.s32 $0x297C0, s1  }
0x15: {  	[dreg:$0x18] =	wrdreg s22;
	s12 =	sadd.s32 s10, s8  }
0x16: {  	s20 =	sadd.s32 s9, s16;
	[dreg:$0xc] =	wrdreg s12;
	s12 =	sadd.s32 $0x37500, s1  }
0x17: {  	[dreg:$0x16] =	wrdreg s20;
	s13 =	sadd.s32 s12, s8  }
0x18: {  	s21 =	sadd.s32 s10, s16;
	[dreg:$0xe] =	wrdreg s13;
	s13 =	sadd.s32 $0x3E3A0, s1  }
0x19: {  	[dreg:$0x17] =	wrdreg s21;
	s15 =	sadd.s32 s13, s8  }
0x1a: {  	s23 =	sadd.s32 s12, s16;
	[dreg:$0xf] =	wrdreg s15;
	s15 =	sadd.s32 $0x45240, s1  }
0x1b: {  	[dreg:$0x19] =	wrdreg s23;
	s8 =	sadd.s32 s15, s8  }
0x1c: {  	s24 =	sadd.s32 s13, s16;
	[dreg:$0x10] =	wrdreg s8;
	s8 =	sor.u32 $0x4, s3  }
0x1d: {  	[dreg:$0x1a] =	wrdreg s24;
	s16 =	sadd.s32 s15, s16;
	s17 =	sadd.s32 s4, s8  }
0x1e: {  	[dreg:$0x1b] =	wrdreg s16;
	s20 =	sadd.s32 s1, s17  }
0x1f: {  	s26 =	sadd.s32 s2, s17;
	[dreg:$0x1c] =	wrdreg s20  }
0x20: {  	s21 =	sadd.s32 s5, s17;
	[dreg:$0x1d] =	wrdreg s26  }
0x21: {  	s22 =	sadd.s32 s6, s17;
	[dreg:$0x1e] =	wrdreg s21  }
0x22: {  	s23 =	sadd.s32 s7, s17;
	[dreg:$0x1f] =	wrdreg s22  }
0x23: {  	s24 =	sadd.s32 s9, s17;
	[smem:$0x7C9] =	sst s23  }
0x24: {  	[smem:$0x7CA] =	sst s24  }
0x25: {  	s26 =	sadd.s32 s10, s17;
	s20 =	rddreg [dreg:$0x1]  }
0x26: {  	s21 =	sadd.s32 s11, s17;
	[smem:$0x7CB] =	sst s26  }
0x27: {  	s18 =	sor.u32 $0x6, s3;
	s22 =	sadd.s32 s12, s17;
	[smem:$0x7CC] =	sst s21  }
0x28: {  	s23 =	sadd.s32 s13, s17;
	s17 =	sadd.s32 s15, s17;
	[smem:$0x7CD] =	sst s22  }
0x29: {  	[smem:$0x7CF] =	sst s17;
	s17 =	sadd.s32 s4, s18  }
0x2a: {  	[smem:$0x7CE] =	sst s23;
	s24 =	sadd.s32 s1, s17  }
0x2b: {  	s26 =	sadd.s32 s2, s17;
	[smem:$0x7D0] =	sst s24  }
0x2c: {  	s16 =	smul.u32 $0xFD400, s3;
	s21 =	sadd.s32 s5, s17;
	[smem:$0x7D1] =	sst s26  }
0x2d: {  	s3 =	sor.u32 $0x8, s3;
	s22 =	sadd.s32 s6, s17;
	[smem:$0x7D2] =	sst s21  }
0x2e: {  	s4 =	sadd.s32 s4, s3;
	s23 =	sadd.s32 s7, s17;
	[smem:$0x7D3] =	sst s22  }
0x2f: {  	s1 =	sadd.s32 s1, s4;
	[smem:$0x7D4] =	sst s23  }
0x30: {  	s24 =	sadd.s32 s9, s17;
	[smem:$0x7DB] =	sst s1  }
0x31: {  	s26 =	sadd.s32 s10, s17;
	[smem:$0x7D5] =	sst s24  }
0x32: {  	s21 =	sadd.s32 s11, s17;
	[smem:$0x7D6] =	sst s26  }
0x33: {  	s22 =	sadd.s32 s12, s17;
	[smem:$0x7D7] =	sst s21  }
0x34: {  	s23 =	sadd.s32 s13, s17;
	[smem:$0x7D8] =	sst s22  }
0x35: {  	s17 =	sadd.s32 s15, s17;
	[smem:$0x7D9] =	sst s23  }
0x36: {  	[smem:$0x7DA] =	sst s17;
	s24 =	sadd.s32 s2, s4  }
0x37: {  	s26 =	sadd.s32 s5, s4;
	[smem:$0x7DC] =	sst s24  }
0x38: {  	s2 =	sadd.s32 s6, s4;
	[smem:$0x7DD] =	sst s26  }
0x39: {  	s5 =	sadd.s32 s7, s4;
	[smem:$0x7DE] =	sst s2  }
0x3a: {  	s6 =	sadd.s32 s9, s4;
	[smem:$0x7DF] =	sst s5  }
0x3b: {  	s7 =	sadd.s32 s10, s4;
	[smem:$0x7E0] =	sst s6  }
0x3c: {  	s3 =	smul.u32 $0xFD400, s3;
	s9 =	sadd.s32 s11, s4;
	[smem:$0x7E1] =	sst s7  }
0x3d: {  	s10 =	sadd.s32 s12, s4;
	s11 =	smul.u32 $0xFD40, s19;
	[smem:$0x7E2] =	sst s9  }
0x3e: {  	s12 =	sadd.s32 s13, s4;
	s17 =	smul.u32 $0xFD400, s8;
	[smem:$0x7E3] =	sst s10  }
0x3f: {  	s13 =	sadd.s32 s15, s4;
	s22 =	smul.u32 $0xFD400, s18;
	[smem:$0x7E4] =	sst s12  }
0x40: {  	[smem:$0x7E5] =	sst s13;
	s15 =	sadd.s32 s11, s16;
	s16 =	smul.u32 $0xFD400, s14  }
0x41: {  	s5 =	sadd.s32 s11, s17;
	s4 =	sadd.s32 s11, s22;
	s3 =	sadd.s32 s11, s3  }
0x42: {  	s2 =	sshrl.u32 s15, $0x3;
	s24 =	sshrl.u32 s4, $0x3;
	s3 =	sshrl.u32 s3, $0x3  }
0x43: {  	s4 =	rddreg [dreg:$0x2];
	s2 =	sadd.s32 s20, s2;
	s21 =	sadd.s32 s11, s16  }
0x44: {  	s7 =	sadd.s32 s20, s3;
	[smem:$0x7E6] =	sst s2;
	s2 =	sshrl.u32 s21, $0x3  }
0x45: {  	s23 =	sshrl.u32 s5, $0x3;
	[smem:$0x7EA] =	sst s7;
	s2 =	sadd.s32 s20, s2  }
0x46: {  	s26 =	smul.u32 $0x3FC00, s19;
	[smem:$0x7E7] =	sst s2;
	s2 =	sadd.s32 s20, s23  }
0x47: {  	s0 =	smax.u32 s0, $0x1;
	[smem:$0x7E8] =	sst s2;
	s2 =	sadd.s32 s20, s24  }
0x48: {  	s8 =	sshrl.u32 s26, $0x2;
	s1 =	sadd.s32 s11, s4;
	[smem:$0x7E9] =	sst s2  }
0x49: {  	s9 =	sshrl.u32 s1, $0x3;
	_ =	strace $0x80000047;
	[smem:$0x7EB] =	sst s0  }
0x4a: {  	s2 =	sadd.s32 s8, s4;
	[smem:$0x7EC] =	sst s9  }
0x4b: {  	s17 =	sadd.s32 $0x2C4, s25;
	[smem:$0x7F3] =	sst s2  }
0x4c: {  	s18 =	sadd.s32 $0x426, s25;
	[smem:$0x7F5] =	sst s17  }
0x4d: {  	s19 =	sadd.s32 $0x588, s25;
	[smem:$0x7F6] =	sst s18  }
0x4e: {  	s20 =	sadd.s32 $0x6EA, s25;
	[smem:$0x7F7] =	sst s19  }
0x4f: {  	s21 =	sadd.s32 $0x84C, s25;
	[smem:$0x7F8] =	sst s20  }
0x50: {  	s22 =	sadd.s32 $0x9AE, s25;
	[smem:$0x7F9] =	sst s21  }
0x51: {  	s28 =	simm.s32 $0x5;
	s23 =	sadd.s32 $0xB10, s25;
	[smem:$0x7FA] =	sst s22  }
0x52: {  	s29 =	simm.s32 $0x1B000;
	s24 =	sadd.s32 $0xC72, s25;
	[smem:$0x7FB] =	sst s23  }
0x53: {  	s31 =	simm.s32 $0x8;
	s6 =	simm.s32 $0x1;
	[smem:$0x7FC] =	sst s24  }
0x54: {  	s26 =	sadd.s32 $0xDD4, s25;
	s5 =	simm.s32 $0x3;
	[dreg:$0x4] =	wrdreg s25  }
0x55: {  	s3 =	simm.s32 $0x15780;
	s10 =	sadd.s32 $0x1FE0, s2;
	[smem:$0x7FD] =	sst s26  }
0x56: {  	s1 =	simm.s32 $0xB10;
	s11 =	sadd.s32 $0x3FC0, s2;
	[smem:$0x7ED] =	sst s10  }
0x57: {  	s7 =	simm.s32 $0x0;
	s12 =	sadd.s32 $0x5FA0, s2;
	[smem:$0x7EE] =	sst s11  }
0x58: {  	s8 =	simm.s32 $0x1BB10;
	s13 =	sadd.s32 $0x7F80, s2;
	[smem:$0x7EF] =	sst s12  }
0x59: {  	s14 =	sadd.s32 $0x9F60, s2;
	s15 =	sadd.s32 $0xBF40, s2;
	[smem:$0x7F0] =	sst s13  }
0x5a: {  	s16 =	sadd.s32 $0xDF20, s2;
	s26 =	simm.s32 $0x1C620;
	[smem:$0x7F1] =	sst s14  }
0x5b: {  	s0 =	simm.s32 $0x50;
	s2 =	simm.s32 $0xFF00;
	[smem:$0x7F2] =	sst s15  }
0x5c: {  	v0 =	vimm.f32 $0.0e+00;
	s9 =	simm.s32 $0x4;
	[smem:$0x7F4] =	sst s16;
	s10 =	simm.s32 $0x2  }
.LBB2_1:
0x5d: {  	[smem:$0x7C8] =	sst s7;
	s12 =	simm.s32 $0x20;
	s13 =	simm.s32 $0x0  }
.LBB2_2:
0x5e: {  	p0 =	sne.s32 s12, $0x7F60;
	[tilespmem:s13+$0x1C620] =	vst.msk $0xff, v0;
	s13 =	smov.u32 s12;
	s12 =	sadd.s32 $0x20, s12  }
.Ltmp0:
0x5f: {  	(pc) =	sbr.rel @p0 .LBB2_2-.Ltmp0, $2  }
0x60: {  	_ =	sdelay $0x2  }
0x61: {  	s13 =	sshra.s32 s13, $0x2  }
0x62: {  	s23 =	sld [smem:$0x7F3];
	_ =	sdelay $0x1  }
0x63: {  	[tilespmem:s13+$0x1C620] =	vst.msk $0xff, v0  }
0x64: {  	[spmem:s23] =	stream.linear.scatter [tilespmem:s26], [sflag:$0x5], $0x1FE0, $0x38;
	[tilespmem:$0x1E600] =	vst v63  }
0x65: {  	_ =	swait.ge [sflag:s28], $0x1FE0  }
0x66: {  	s19 =	sld [smem:$0x7ED]  }
0x67: {  	[sflag:s28] =	ssyncset.done $0x0  }
0x68: {  	[sflag:s28] =	ssyncadd.s32 $0xFFFFE020  }
0x69: {  	[spmem:s19] =	stream.linear.scatter [tilespmem:s26], [sflag:$0x5], $0x1FE0, $0x38;
	[tilespmem:$0x1E600] =	vst v63  }
0x6a: {  	_ =	swait.ge [sflag:s28], $0x1FE0  }
0x6b: {  	s11 =	sld [smem:$0x7EE]  }
0x6c: {  	[sflag:s28] =	ssyncset.done $0x0  }
0x6d: {  	[sflag:s28] =	ssyncadd.s32 $0xFFFFE020  }
0x6e: {  	[spmem:s11] =	stream.linear.scatter [tilespmem:s26], [sflag:$0x5], $0x1FE0, $0x38;
	[tilespmem:$0x1E600] =	vst v63  }
0x6f: {  	_ =	swait.ge [sflag:s28], $0x1FE0  }
0x70: {  	s13 =	sld [smem:$0x7EF]  }
0x71: {  	[sflag:s28] =	ssyncset.done $0x0  }
0x72: {  	[sflag:s28] =	ssyncadd.s32 $0xFFFFE020  }
0x73: {  	[spmem:s13] =	stream.linear.scatter [tilespmem:s26], [sflag:$0x5], $0x1FE0, $0x38;
	[tilespmem:$0x1E600] =	vst v63  }
0x74: {  	_ =	swait.ge [sflag:s28], $0x1FE0  }
0x75: {  	s16 =	sld [smem:$0x7F0]  }
0x76: {  	[sflag:s28] =	ssyncset.done $0x0  }
0x77: {  	[sflag:s28] =	ssyncadd.s32 $0xFFFFE020  }
0x78: {  	[spmem:s16] =	stream.linear.scatter [tilespmem:s26], [sflag:$0x5], $0x1FE0, $0x38;
	[tilespmem:$0x1E600] =	vst v63  }
0x79: {  	_ =	swait.ge [sflag:s28], $0x1FE0  }
0x7a: {  	s17 =	sld [smem:$0x7F1]  }
0x7b: {  	[sflag:s28] =	ssyncset.done $0x0  }
0x7c: {  	[sflag:s28] =	ssyncadd.s32 $0xFFFFE020  }
0x7d: {  	[spmem:s17] =	stream.linear.scatter [tilespmem:s26], [sflag:$0x5], $0x1FE0, $0x38;
	[tilespmem:$0x1E600] =	vst v63  }
0x7e: {  	_ =	swait.ge [sflag:s28], $0x1FE0  }
0x7f: {  	s21 =	sld [smem:$0x7F2]  }
0x80: {  	[sflag:s28] =	ssyncset.done $0x0  }
0x81: {  	[sflag:s28] =	ssyncadd.s32 $0xFFFFE020  }
0x82: {  	[spmem:s21] =	stream.linear.scatter [tilespmem:s26], [sflag:$0x5], $0x1FE0, $0x38;
	[tilespmem:$0x1E600] =	vst v63  }
0x83: {  	_ =	swait.ge [sflag:s28], $0x1FE0  }
0x84: {  	s22 =	sld [smem:$0x7F4]  }
0x85: {  	[sflag:s28] =	ssyncset.done $0x0  }
0x86: {  	[sflag:s28] =	ssyncadd.s32 $0xFFFFE020  }
0x87: {  	[spmem:s22] =	stream.linear.scatter [tilespmem:s26], [sflag:$0x5], $0x1FE0, $0x38;
	[tilespmem:$0x1E600] =	vst v63  }
0x88: {  	_ =	swait.ge [sflag:s28], $0x1FE0  }
0x89: {  	[sflag:s28] =	ssyncset.done $0x0  }
0x8a: {  	[sflag:s28] =	ssyncadd.s32 $0xFFFFE020  }
0x8b: {  	[bflag:$0x0] =	sbarrier.arrive $0xFFFF  }
0x8c: {  	s7 =	rddreg [dreg:$0x4]  }
0x8d: {  	[tilespmem:s29], [sflag:$0x3] =	stream.linear.gather [hbm4b:s7+s30], $0xB10, $0x38;
	[tilespmem:$0x1E600] =	vst v63  }
0x8e: {  	s12 =	rddreg [dreg:$0x5]  }
0x8f: {  	[tilespmem:s2], [sflag:$0x1] =	stream.strided.gather [hbm4b:s12+s31], $0x5880, s0, s31, $0x38;
	[tilespmem:$0x1E600] =	vst v63  }
0x90: {  	_ =	swait.ge [sflag:s5], $0xB10  }
0x91: {  	[sflag:s5] =	ssyncset.done $0x0  }
0x92: {  	[sflag:s5] =	ssyncadd.s32 $0xFFFFF4F0  }
0x93: {  	_ =	swait.ge [sflag:s6], $0x5880  }
0x94: {  	[sflag:s6] =	ssyncset.done $0x0  }
0x95: {  	s25 =	rddreg [dreg:$0x6];
	[sflag:s6] =	ssyncadd.s32 $0xFFFFA780  }
0x96: {  	[tilespmem:s8], [sflag:$0x4] =	stream.linear.gather [hbm4b:s25+s30], $0xB10, $0x38;
	[tilespmem:$0x1E600] =	vst v63  }
0x97: {  	s7 =	rddreg [dreg:$0x7]  }
0x98: {  	[tilespmem:s3], [sflag:$0x2] =	stream.strided.gather [hbm4b:s7+s31], $0x5880, s0, s31, $0x38;
	[tilespmem:$0x1E600] =	vst v63  }
0x99: {  	_ = 	snop  }
0x9a: {  	[spmem:s4] =	stream.indirect.scatter.add.f32 [tilespmem:s2], [sflag:$0x5], $0x8, s29, s1, $0xb8;
	[tilespmem:$0x1E600] =	vst v63  }
0x9b: {  	_ =	swait.ge [sflag:s28], $0x5880  }
0x9c: {  	[sflag:s28] =	ssyncset.done $0x0  }
0x9d: {  	[sflag:s28] =	ssyncadd.s32 $0xFFFFA780  }
0x9e: {  	_ =	swait.ge [sflag:s9], $0xB10  }
0x9f: {  	[sflag:s9] =	ssyncset.done $0x0  }
0xa0: {  	[sflag:s9] =	ssyncadd.s32 $0xFFFFF4F0  }
0xa1: {  	_ =	swait.ge [sflag:s10], $0x5880  }
0xa2: {  	s12 =	sld [smem:$0x7F5]  }
0xa3: {  	[sflag:s10] =	ssyncset.done $0x0  }
0xa4: {  	[sflag:s10] =	ssyncadd.s32 $0xFFFFA780  }
0xa5: {  	[tilespmem:s29], [sflag:$0x3] =	stream.linear.gather [hbm4b:s12+s30], $0xB10, $0x38;
	[tilespmem:$0x1E600] =	vst v63  }
0xa6: {  	s14 =	rddreg [dreg:$0x8]  }
0xa7: {  	[tilespmem:s2], [sflag:$0x1] =	stream.strided.gather [hbm4b:s14+s31], $0x5880, s0, s31, $0x38;
	[tilespmem:$0x1E600] =	vst v63  }
0xa8: {  	_ = 	snop  }
0xa9: {  	[spmem:s4] =	stream.indirect.scatter.add.f32 [tilespmem:s3], [sflag:$0x5], $0x8, s8, s1, $0xb8;
	[tilespmem:$0x1E600] =	vst v63  }
0xaa: {  	_ =	swait.ge [sflag:s28], $0x5880  }
0xab: {  	[sflag:s28] =	ssyncset.done $0x0  }
0xac: {  	[sflag:s28] =	ssyncadd.s32 $0xFFFFA780  }
0xad: {  	_ =	swait.ge [sflag:s5], $0xB10  }
0xae: {  	[sflag:s5] =	ssyncset.done $0x0  }
0xaf: {  	[sflag:s5] =	ssyncadd.s32 $0xFFFFF4F0  }
0xb0: {  	_ =	swait.ge [sflag:s6], $0x5880  }
0xb1: {  	s14 =	sld [smem:$0x7F6]  }
0xb2: {  	[sflag:s6] =	ssyncset.done $0x0  }
0xb3: {  	[sflag:s6] =	ssyncadd.s32 $0xFFFFA780  }
0xb4: {  	[tilespmem:s8], [sflag:$0x4] =	stream.linear.gather [hbm4b:s14+s30], $0xB10, $0x38;
	[tilespmem:$0x1E600] =	vst v63  }
0xb5: {  	s15 =	rddreg [dreg:$0x9]  }
0xb6: {  	[tilespmem:s3], [sflag:$0x2] =	stream.strided.gather [hbm4b:s15+s31], $0x5880, s0, s31, $0x38;
	[tilespmem:$0x1E600] =	vst v63  }
0xb7: {  	_ = 	snop  }
0xb8: {  	[spmem:s4] =	stream.indirect.scatter.add.f32 [tilespmem:s2], [sflag:$0x5], $0x8, s29, s1, $0xb8;
	[tilespmem:$0x1E600] =	vst v63  }
0xb9: {  	_ =	swait.ge [sflag:s28], $0x5880  }
0xba: {  	[sflag:s28] =	ssyncset.done $0x0  }
0xbb: {  	[sflag:s28] =	ssyncadd.s32 $0xFFFFA780  }
0xbc: {  	_ =	swait.ge [sflag:s9], $0xB10  }
0xbd: {  	[sflag:s9] =	ssyncset.done $0x0  }
0xbe: {  	[sflag:s9] =	ssyncadd.s32 $0xFFFFF4F0  }
0xbf: {  	_ =	swait.ge [sflag:s10], $0x5880  }
0xc0: {  	s18 =	sld [smem:$0x7F7]  }
0xc1: {  	[sflag:s10] =	ssyncset.done $0x0  }
0xc2: {  	[sflag:s10] =	ssyncadd.s32 $0xFFFFA780  }
0xc3: {  	[tilespmem:s29], [sflag:$0x3] =	stream.linear.gather [hbm4b:s18+s30], $0xB10, $0x38;
	[tilespmem:$0x1E600] =	vst v63  }
0xc4: {  	s20 =	rddreg [dreg:$0xa]  }
0xc5: {  	[tilespmem:s2], [sflag:$0x1] =	stream.strided.gather [hbm4b:s20+s31], $0x5880, s0, s31, $0x38;
	[tilespmem:$0x1E600] =	vst v63  }
0xc6: {  	_ = 	snop  }
0xc7: {  	[spmem:s4] =	stream.indirect.scatter.add.f32 [tilespmem:s3], [sflag:$0x5], $0x8, s8, s1, $0xb8;
	[tilespmem:$0x1E600] =	vst v63  }
0xc8: {  	_ =	swait.ge [sflag:s28], $0x5880  }
0xc9: {  	[sflag:s28] =	ssyncset.done $0x0  }
0xca: {  	[sflag:s28] =	ssyncadd.s32 $0xFFFFA780  }
0xcb: {  	_ =	swait.ge [sflag:s5], $0xB10  }
0xcc: {  	[sflag:s5] =	ssyncset.done $0x0  }
0xcd: {  	[sflag:s5] =	ssyncadd.s32 $0xFFFFF4F0  }
0xce: {  	_ =	swait.ge [sflag:s6], $0x5880  }
0xcf: {  	s7 =	sld [smem:$0x7F8]  }
0xd0: {  	[sflag:s6] =	ssyncset.done $0x0  }
0xd1: {  	[sflag:s6] =	ssyncadd.s32 $0xFFFFA780  }
0xd2: {  	[tilespmem:s8], [sflag:$0x4] =	stream.linear.gather [hbm4b:s7+s30], $0xB10, $0x38;
	[tilespmem:$0x1E600] =	vst v63  }
0xd3: {  	s24 =	rddreg [dreg:$0xb]  }
0xd4: {  	[tilespmem:s3], [sflag:$0x2] =	stream.strided.gather [hbm4b:s24+s31], $0x5880, s0, s31, $0x38;
	[tilespmem:$0x1E600] =	vst v63  }
0xd5: {  	_ = 	snop  }
0xd6: {  	[spmem:s4] =	stream.indirect.scatter.add.f32 [tilespmem:s2], [sflag:$0x5], $0x8, s29, s1, $0xb8;
	[tilespmem:$0x1E600] =	vst v63  }
0xd7: {  	_ =	swait.ge [sflag:s28], $0x5880  }
0xd8: {  	[sflag:s28] =	ssyncset.done $0x0  }
0xd9: {  	[sflag:s28] =	ssyncadd.s32 $0xFFFFA780  }
0xda: {  	_ =	swait.ge [sflag:s9], $0xB10  }
0xdb: {  	[sflag:s9] =	ssyncset.done $0x0  }
0xdc: {  	[sflag:s9] =	ssyncadd.s32 $0xFFFFF4F0  }
0xdd: {  	_ =	swait.ge [sflag:s10], $0x5880  }
0xde: {  	s18 =	sld [smem:$0x7F9]  }
0xdf: {  	[sflag:s10] =	ssyncset.done $0x0  }
0xe0: {  	[sflag:s10] =	ssyncadd.s32 $0xFFFFA780  }
0xe1: {  	[tilespmem:s29], [sflag:$0x3] =	stream.linear.gather [hbm4b:s18+s30], $0xB10, $0x38;
	[tilespmem:$0x1E600] =	vst v63  }
0xe2: {  	s25 =	rddreg [dreg:$0xc]  }
0xe3: {  	[tilespmem:s2], [sflag:$0x1] =	stream.strided.gather [hbm4b:s25+s31], $0x5880, s0, s31, $0x38;
	[tilespmem:$0x1E600] =	vst v63  }
0xe4: {  	_ = 	snop  }
0xe5: {  	[spmem:s4] =	stream.indirect.scatter.add.f32 [tilespmem:s3], [sflag:$0x5], $0x8, s8, s1, $0xb8;
	[tilespmem:$0x1E600] =	vst v63  }
0xe6: {  	_ =	swait.ge [sflag:s28], $0x5880  }
0xe7: {  	[sflag:s28] =	ssyncset.done $0x0  }
0xe8: {  	[sflag:s28] =	ssyncadd.s32 $0xFFFFA780  }
0xe9: {  	_ =	swait.ge [sflag:s5], $0xB10  }
0xea: {  	[sflag:s5] =	ssyncset.done $0x0  }
0xeb: {  	[sflag:s5] =	ssyncadd.s32 $0xFFFFF4F0  }
0xec: {  	_ =	swait.ge [sflag:s6], $0x5880  }
0xed: {  	s15 =	sld [smem:$0x7FA]  }
0xee: {  	[sflag:s6] =	ssyncset.done $0x0  }
0xef: {  	[sflag:s6] =	ssyncadd.s32 $0xFFFFA780  }
0xf0: {  	[tilespmem:s8], [sflag:$0x4] =	stream.linear.gather [hbm4b:s15+s30], $0xB10, $0x38;
	[tilespmem:$0x1E600] =	vst v63  }
0xf1: {  	s20 =	rddreg [dreg:$0xd]  }
0xf2: {  	[tilespmem:s3], [sflag:$0x2] =	stream.strided.gather [hbm4b:s20+s31], $0x5880, s0, s31, $0x38;
	[tilespmem:$0x1E600] =	vst v63  }
0xf3: {  	_ = 	snop  }
0xf4: {  	[spmem:s4] =	stream.indirect.scatter.add.f32 [tilespmem:s2], [sflag:$0x5], $0x8, s29, s1, $0xb8;
	[tilespmem:$0x1E600] =	vst v63  }
0xf5: {  	_ =	swait.ge [sflag:s28], $0x5880  }
0xf6: {  	[sflag:s28] =	ssyncset.done $0x0  }
0xf7: {  	[sflag:s28] =	ssyncadd.s32 $0xFFFFA780  }
0xf8: {  	_ =	swait.ge [sflag:s9], $0xB10  }
0xf9: {  	[sflag:s9] =	ssyncset.done $0x0  }
0xfa: {  	[sflag:s9] =	ssyncadd.s32 $0xFFFFF4F0  }
0xfb: {  	_ =	swait.ge [sflag:s10], $0x5880  }
0xfc: {  	s24 =	sld [smem:$0x7FB]  }
0xfd: {  	[sflag:s10] =	ssyncset.done $0x0  }
0xfe: {  	[sflag:s10] =	ssyncadd.s32 $0xFFFFA780  }
0xff: {  	[tilespmem:s29], [sflag:$0x3] =	stream.linear.gather [hbm4b:s24+s30], $0xB10, $0x38;
	[tilespmem:$0x1E600] =	vst v63  }
0x100: {  	s25 =	rddreg [dreg:$0xe]  }
0x101: {  	[tilespmem:s2], [sflag:$0x1] =	stream.strided.gather [hbm4b:s25+s31], $0x5880, s0, s31, $0x38;
	[tilespmem:$0x1E600] =	vst v63  }
0x102: {  	_ = 	snop  }
0x103: {  	[spmem:s4] =	stream.indirect.scatter.add.f32 [tilespmem:s3], [sflag:$0x5], $0x8, s8, s1, $0xb8;
	[tilespmem:$0x1E600] =	vst v63  }
0x104: {  	_ =	swait.ge [sflag:s28], $0x5880  }
0x105: {  	[sflag:s28] =	ssyncset.done $0x0  }
0x106: {  	[sflag:s28] =	ssyncadd.s32 $0xFFFFA780  }
0x107: {  	_ =	swait.ge [sflag:s5], $0xB10  }
0x108: {  	[sflag:s5] =	ssyncset.done $0x0  }
0x109: {  	[sflag:s5] =	ssyncadd.s32 $0xFFFFF4F0  }
0x10a: {  	_ =	swait.ge [sflag:s6], $0x5880  }
0x10b: {  	s15 =	sld [smem:$0x7FC]  }
0x10c: {  	[sflag:s6] =	ssyncset.done $0x0  }
0x10d: {  	[sflag:s6] =	ssyncadd.s32 $0xFFFFA780  }
0x10e: {  	[tilespmem:s8], [sflag:$0x4] =	stream.linear.gather [hbm4b:s15+s30], $0xB10, $0x38;
	[tilespmem:$0x1E600] =	vst v63  }
0x10f: {  	s20 =	rddreg [dreg:$0xf]  }
0x110: {  	[tilespmem:s3], [sflag:$0x2] =	stream.strided.gather [hbm4b:s20+s31], $0x5880, s0, s31, $0x38;
	[tilespmem:$0x1E600] =	vst v63  }
0x111: {  	_ = 	snop  }
0x112: {  	[spmem:s4] =	stream.indirect.scatter.add.f32 [tilespmem:s2], [sflag:$0x5], $0x8, s29, s1, $0xb8;
	[tilespmem:$0x1E600] =	vst v63  }
0x113: {  	_ =	swait.ge [sflag:s28], $0x5880  }
0x114: {  	[sflag:s28] =	ssyncset.done $0x0  }
0x115: {  	[sflag:s28] =	ssyncadd.s32 $0xFFFFA780  }
0x116: {  	_ =	swait.ge [sflag:s9], $0xB10  }
0x117: {  	[sflag:s9] =	ssyncset.done $0x0  }
0x118: {  	[sflag:s9] =	ssyncadd.s32 $0xFFFFF4F0  }
0x119: {  	_ =	swait.ge [sflag:s10], $0x5880  }
0x11a: {  	s25 =	sld [smem:$0x7FD]  }
0x11b: {  	[sflag:s10] =	ssyncset.done $0x0  }
0x11c: {  	[sflag:s10] =	ssyncadd.s32 $0xFFFFA780  }
0x11d: {  	[tilespmem:s29], [sflag:$0x3] =	stream.linear.gather [hbm4b:s25+s30], $0xB10, $0x38;
	[tilespmem:$0x1E600] =	vst v63  }
0x11e: {  	s24 =	rddreg [dreg:$0x10]  }
0x11f: {  	[tilespmem:s2], [sflag:$0x1] =	stream.strided.gather [hbm4b:s24+s31], $0x5880, s0, s31, $0x38;
	[tilespmem:$0x1E600] =	vst v63  }
0x120: {  	_ = 	snop  }
0x121: {  	[spmem:s4] =	stream.indirect.scatter.add.f32 [tilespmem:s3], [sflag:$0x5], $0x8, s8, s1, $0xb8;
	[tilespmem:$0x1E600] =	vst v63  }
0x122: {  	_ =	swait.ge [sflag:s28], $0x5880  }
0x123: {  	[sflag:s28] =	ssyncset.done $0x0  }
0x124: {  	[sflag:s28] =	ssyncadd.s32 $0xFFFFA780  }
0x125: {  	_ =	swait.ge [sflag:s5], $0xB10  }
0x126: {  	[sflag:s5] =	ssyncset.done $0x0  }
0x127: {  	[sflag:s5] =	ssyncadd.s32 $0xFFFFF4F0  }
0x128: {  	_ =	swait.ge [sflag:s6], $0x5880  }
0x129: {  	[sflag:s6] =	ssyncset.done $0x0  }
0x12a: {  	[sflag:s6] =	ssyncadd.s32 $0xFFFFA780  }
0x12b: {  	[spmem:s4] =	stream.indirect.scatter.add.f32 [tilespmem:s2], [sflag:$0x5], $0x8, s29, s1, $0xb8;
	[tilespmem:$0x1E600] =	vst v63  }
0x12c: {  	_ =	swait.ge [sflag:s28], $0x5880  }
0x12d: {  	[sflag:s28] =	ssyncset.done $0x0  }
0x12e: {  	[sflag:s28] =	ssyncadd.s32 $0xFFFFA780  }
0x12f: {  	s15 =	stileid.u32;
	[bflag:$0x0] =	sbarrier.arrive $0xFFFF  }
0x130: {  	s12 =	sshll.u32 s15, $0x6;
	s15 =	sld [smem:$0x7E6]  }
0x131: {  	s20 =	sld [smem:$0x7EC];
	_ =	sdelay $0x1  }
0x132: {  	s24 =	sor.u32 $0x1C05, s12  }
0x133: {  	[hbm:s15], [sflag:s24] =	dma.local [spmem:s20], $0x1FA8  }
0x134: {  	[smem:$0x7C7] =	sst s24  }
0x135: {  	_ =	swait.ge [sflag:s28], $0x1FA8  }
0x136: {  	[sflag:s28] =	ssyncset.done $0x0  }
0x137: {  	[sflag:s28] =	ssyncadd.s32 $0xFFFFE058  }
0x138: {  	[bflag:$0x0] =	sbarrier.arrive $0xFFFF  }
0x139: {  	[spmem:s23] =	stream.linear.scatter [tilespmem:s26], [sflag:$0x5], $0x1FE0, $0x38;
	[tilespmem:$0x1E600] =	vst v63  }
0x13a: {  	_ =	swait.ge [sflag:s28], $0x1FE0  }
0x13b: {  	[sflag:s28] =	ssyncset.done $0x0  }
0x13c: {  	[sflag:s28] =	ssyncadd.s32 $0xFFFFE020  }
0x13d: {  	[spmem:s19] =	stream.linear.scatter [tilespmem:s26], [sflag:$0x5], $0x1FE0, $0x38;
	[tilespmem:$0x1E600] =	vst v63  }
0x13e: {  	_ =	swait.ge [sflag:s28], $0x1FE0  }
0x13f: {  	[sflag:s28] =	ssyncset.done $0x0  }
0x140: {  	[sflag:s28] =	ssyncadd.s32 $0xFFFFE020  }
0x141: {  	[spmem:s11] =	stream.linear.scatter [tilespmem:s26], [sflag:$0x5], $0x1FE0, $0x38;
	[tilespmem:$0x1E600] =	vst v63  }
0x142: {  	_ =	swait.ge [sflag:s28], $0x1FE0  }
0x143: {  	[sflag:s28] =	ssyncset.done $0x0  }
0x144: {  	[sflag:s28] =	ssyncadd.s32 $0xFFFFE020  }
0x145: {  	[spmem:s13] =	stream.linear.scatter [tilespmem:s26], [sflag:$0x5], $0x1FE0, $0x38;
	[tilespmem:$0x1E600] =	vst v63  }
0x146: {  	_ =	swait.ge [sflag:s28], $0x1FE0  }
0x147: {  	[sflag:s28] =	ssyncset.done $0x0  }
0x148: {  	[sflag:s28] =	ssyncadd.s32 $0xFFFFE020  }
0x149: {  	[spmem:s16] =	stream.linear.scatter [tilespmem:s26], [sflag:$0x5], $0x1FE0, $0x38;
	[tilespmem:$0x1E600] =	vst v63  }
0x14a: {  	_ =	swait.ge [sflag:s28], $0x1FE0  }
0x14b: {  	[sflag:s28] =	ssyncset.done $0x0  }
0x14c: {  	[sflag:s28] =	ssyncadd.s32 $0xFFFFE020  }
0x14d: {  	[spmem:s17] =	stream.linear.scatter [tilespmem:s26], [sflag:$0x5], $0x1FE0, $0x38;
	[tilespmem:$0x1E600] =	vst v63  }
0x14e: {  	_ =	swait.ge [sflag:s28], $0x1FE0  }
0x14f: {  	[sflag:s28] =	ssyncset.done $0x0  }
0x150: {  	[sflag:s28] =	ssyncadd.s32 $0xFFFFE020  }
0x151: {  	[spmem:s21] =	stream.linear.scatter [tilespmem:s26], [sflag:$0x5], $0x1FE0, $0x38;
	[tilespmem:$0x1E600] =	vst v63  }
0x152: {  	_ =	swait.ge [sflag:s28], $0x1FE0  }
0x153: {  	[sflag:s28] =	ssyncset.done $0x0  }
0x154: {  	[sflag:s28] =	ssyncadd.s32 $0xFFFFE020  }
0x155: {  	[spmem:s22] =	stream.linear.scatter [tilespmem:s26], [sflag:$0x5], $0x1FE0, $0x38;
	[tilespmem:$0x1E600] =	vst v63  }
0x156: {  	_ =	swait.ge [sflag:s28], $0x1FE0  }
0x157: {  	[sflag:s28] =	ssyncset.done $0x0  }
0x158: {  	[sflag:s28] =	ssyncadd.s32 $0xFFFFE020  }
0x159: {  	[bflag:$0x0] =	sbarrier.arrive $0xFFFF  }
0x15a: {  	s12 =	smov.u32 s23;
	s23 =	smov.u32 s16;
	s16 =	rddreg [dreg:$0x4]  }
0x15b: {  	[tilespmem:s29], [sflag:$0x3] =	stream.linear.gather [hbm4b:s16+s30], $0xB10, $0x38;
	[tilespmem:$0x1E600] =	vst v63  }
0x15c: {  	s19 =	rddreg [dreg:$0x11]  }
0x15d: {  	[tilespmem:s2], [sflag:$0x1] =	stream.strided.gather [hbm4b:s19+s31], $0x5880, s0, s31, $0x38;
	[tilespmem:$0x1E600] =	vst v63  }
0x15e: {  	_ =	swait.ge [sflag:s5], $0xB10  }
0x15f: {  	[sflag:s5] =	ssyncset.done $0x0  }
0x160: {  	[sflag:s5] =	ssyncadd.s32 $0xFFFFF4F0  }
0x161: {  	_ =	swait.ge [sflag:s6], $0x5880  }
0x162: {  	[sflag:s6] =	ssyncset.done $0x0  }
0x163: {  	s20 =	smov.u32 s17;
	s17 =	rddreg [dreg:$0x6];
	[sflag:s6] =	ssyncadd.s32 $0xFFFFA780  }
0x164: {  	[tilespmem:s8], [sflag:$0x4] =	stream.linear.gather [hbm4b:s17+s30], $0xB10, $0x38;
	[tilespmem:$0x1E600] =	vst v63  }
0x165: {  	s11 =	rddreg [dreg:$0x12]  }
0x166: {  	[tilespmem:s3], [sflag:$0x2] =	stream.strided.gather [hbm4b:s11+s31], $0x5880, s0, s31, $0x38;
	[tilespmem:$0x1E600] =	vst v63  }
0x167: {  	_ = 	snop  }
0x168: {  	[spmem:s4] =	stream.indirect.scatter.add.f32 [tilespmem:s2], [sflag:$0x5], $0x8, s29, s1, $0xb8;
	[tilespmem:$0x1E600] =	vst v63  }
0x169: {  	_ =	swait.ge [sflag:s28], $0x5880  }
0x16a: {  	[sflag:s28] =	ssyncset.done $0x0  }
0x16b: {  	[sflag:s28] =	ssyncadd.s32 $0xFFFFA780  }
0x16c: {  	_ =	swait.ge [sflag:s9], $0xB10  }
0x16d: {  	[sflag:s9] =	ssyncset.done $0x0  }
0x16e: {  	[sflag:s9] =	ssyncadd.s32 $0xFFFFF4F0  }
0x16f: {  	_ =	swait.ge [sflag:s10], $0x5880  }
0x170: {  	s19 =	sld [smem:$0x7F5]  }
0x171: {  	[sflag:s10] =	ssyncset.done $0x0  }
0x172: {  	[sflag:s10] =	ssyncadd.s32 $0xFFFFA780  }
0x173: {  	[tilespmem:s29], [sflag:$0x3] =	stream.linear.gather [hbm4b:s19+s30], $0xB10, $0x38;
	[tilespmem:$0x1E600] =	vst v63  }
0x174: {  	s13 =	rddreg [dreg:$0x13]  }
0x175: {  	[tilespmem:s2], [sflag:$0x1] =	stream.strided.gather [hbm4b:s13+s31], $0x5880, s0, s31, $0x38;
	[tilespmem:$0x1E600] =	vst v63  }
0x176: {  	_ = 	snop  }
0x177: {  	[spmem:s4] =	stream.indirect.scatter.add.f32 [tilespmem:s3], [sflag:$0x5], $0x8, s8, s1, $0xb8;
	[tilespmem:$0x1E600] =	vst v63  }
0x178: {  	_ =	swait.ge [sflag:s28], $0x5880  }
0x179: {  	[sflag:s28] =	ssyncset.done $0x0  }
0x17a: {  	[sflag:s28] =	ssyncadd.s32 $0xFFFFA780  }
0x17b: {  	_ =	swait.ge [sflag:s5], $0xB10  }
0x17c: {  	[sflag:s5] =	ssyncset.done $0x0  }
0x17d: {  	[sflag:s5] =	ssyncadd.s32 $0xFFFFF4F0  }
0x17e: {  	_ =	swait.ge [sflag:s6], $0x5880  }
0x17f: {  	[sflag:s6] =	ssyncset.done $0x0  }
0x180: {  	[sflag:s6] =	ssyncadd.s32 $0xFFFFA780  }
0x181: {  	[tilespmem:s8], [sflag:$0x4] =	stream.linear.gather [hbm4b:s14+s30], $0xB10, $0x38;
	[tilespmem:$0x1E600] =	vst v63  }
0x182: {  	s14 =	rddreg [dreg:$0x14]  }
0x183: {  	[tilespmem:s3], [sflag:$0x2] =	stream.strided.gather [hbm4b:s14+s31], $0x5880, s0, s31, $0x38;
	[tilespmem:$0x1E600] =	vst v63  }
0x184: {  	_ = 	snop  }
0x185: {  	[spmem:s4] =	stream.indirect.scatter.add.f32 [tilespmem:s2], [sflag:$0x5], $0x8, s29, s1, $0xb8;
	[tilespmem:$0x1E600] =	vst v63  }
0x186: {  	_ =	swait.ge [sflag:s28], $0x5880  }
0x187: {  	[sflag:s28] =	ssyncset.done $0x0  }
0x188: {  	[sflag:s28] =	ssyncadd.s32 $0xFFFFA780  }
0x189: {  	_ =	swait.ge [sflag:s9], $0xB10  }
0x18a: {  	[sflag:s9] =	ssyncset.done $0x0  }
0x18b: {  	[sflag:s9] =	ssyncadd.s32 $0xFFFFF4F0  }
0x18c: {  	_ =	swait.ge [sflag:s10], $0x5880  }
0x18d: {  	s14 =	sld [smem:$0x7F7]  }
0x18e: {  	[sflag:s10] =	ssyncset.done $0x0  }
0x18f: {  	[sflag:s10] =	ssyncadd.s32 $0xFFFFA780  }
0x190: {  	[tilespmem:s29], [sflag:$0x3] =	stream.linear.gather [hbm4b:s14+s30], $0xB10, $0x38;
	[tilespmem:$0x1E600] =	vst v63  }
0x191: {  	s11 =	rddreg [dreg:$0x15]  }
0x192: {  	[tilespmem:s2], [sflag:$0x1] =	stream.strided.gather [hbm4b:s11+s31], $0x5880, s0, s31, $0x38;
	[tilespmem:$0x1E600] =	vst v63  }
0x193: {  	_ = 	snop  }
0x194: {  	[spmem:s4] =	stream.indirect.scatter.add.f32 [tilespmem:s3], [sflag:$0x5], $0x8, s8, s1, $0xb8;
	[tilespmem:$0x1E600] =	vst v63  }
0x195: {  	_ =	swait.ge [sflag:s28], $0x5880  }
0x196: {  	[sflag:s28] =	ssyncset.done $0x0  }
0x197: {  	[sflag:s28] =	ssyncadd.s32 $0xFFFFA780  }
0x198: {  	_ =	swait.ge [sflag:s5], $0xB10  }
0x199: {  	[sflag:s5] =	ssyncset.done $0x0  }
0x19a: {  	[sflag:s5] =	ssyncadd.s32 $0xFFFFF4F0  }
0x19b: {  	_ =	swait.ge [sflag:s6], $0x5880  }
0x19c: {  	[sflag:s6] =	ssyncset.done $0x0  }
0x19d: {  	[sflag:s6] =	ssyncadd.s32 $0xFFFFA780  }
0x19e: {  	[tilespmem:s8], [sflag:$0x4] =	stream.linear.gather [hbm4b:s7+s30], $0xB10, $0x38;
	[tilespmem:$0x1E600] =	vst v63  }
0x19f: {  	s13 =	rddreg [dreg:$0x16]  }
0x1a0: {  	[tilespmem:s3], [sflag:$0x2] =	stream.strided.gather [hbm4b:s13+s31], $0x5880, s0, s31, $0x38;
	[tilespmem:$0x1E600] =	vst v63  }
0x1a1: {  	_ = 	snop  }
0x1a2: {  	[spmem:s4] =	stream.indirect.scatter.add.f32 [tilespmem:s2], [sflag:$0x5], $0x8, s29, s1, $0xb8;
	[tilespmem:$0x1E600] =	vst v63  }
0x1a3: {  	_ =	swait.ge [sflag:s28], $0x5880  }
0x1a4: {  	[sflag:s28] =	ssyncset.done $0x0  }
0x1a5: {  	[sflag:s28] =	ssyncadd.s32 $0xFFFFA780  }
0x1a6: {  	_ =	swait.ge [sflag:s9], $0xB10  }
0x1a7: {  	[sflag:s9] =	ssyncset.done $0x0  }
0x1a8: {  	[sflag:s9] =	ssyncadd.s32 $0xFFFFF4F0  }
0x1a9: {  	_ =	swait.ge [sflag:s10], $0x5880  }
0x1aa: {  	[sflag:s10] =	ssyncset.done $0x0  }
0x1ab: {  	[sflag:s10] =	ssyncadd.s32 $0xFFFFA780  }
0x1ac: {  	[tilespmem:s29], [sflag:$0x3] =	stream.linear.gather [hbm4b:s18+s30], $0xB10, $0x38;
	[tilespmem:$0x1E600] =	vst v63  }
0x1ad: {  	s11 =	rddreg [dreg:$0x17]  }
0x1ae: {  	[tilespmem:s2], [sflag:$0x1] =	stream.strided.gather [hbm4b:s11+s31], $0x5880, s0, s31, $0x38;
	[tilespmem:$0x1E600] =	vst v63  }
0x1af: {  	_ = 	snop  }
0x1b0: {  	[spmem:s4] =	stream.indirect.scatter.add.f32 [tilespmem:s3], [sflag:$0x5], $0x8, s8, s1, $0xb8;
	[tilespmem:$0x1E600] =	vst v63  }
0x1b1: {  	_ =	swait.ge [sflag:s28], $0x5880  }
0x1b2: {  	[sflag:s28] =	ssyncset.done $0x0  }
0x1b3: {  	[sflag:s28] =	ssyncadd.s32 $0xFFFFA780  }
0x1b4: {  	_ =	swait.ge [sflag:s5], $0xB10  }
0x1b5: {  	[sflag:s5] =	ssyncset.done $0x0  }
0x1b6: {  	[sflag:s5] =	ssyncadd.s32 $0xFFFFF4F0  }
0x1b7: {  	_ =	swait.ge [sflag:s6], $0x5880  }
0x1b8: {  	s11 =	sld [smem:$0x7FA]  }
0x1b9: {  	[sflag:s6] =	ssyncset.done $0x0  }
0x1ba: {  	[sflag:s6] =	ssyncadd.s32 $0xFFFFA780  }
0x1bb: {  	[tilespmem:s8], [sflag:$0x4] =	stream.linear.gather [hbm4b:s11+s30], $0xB10, $0x38;
	[tilespmem:$0x1E600] =	vst v63  }
0x1bc: {  	s13 =	rddreg [dreg:$0x18]  }
0x1bd: {  	[tilespmem:s3], [sflag:$0x2] =	stream.strided.gather [hbm4b:s13+s31], $0x5880, s0, s31, $0x38;
	[tilespmem:$0x1E600] =	vst v63  }
0x1be: {  	_ = 	snop  }
0x1bf: {  	[spmem:s4] =	stream.indirect.scatter.add.f32 [tilespmem:s2], [sflag:$0x5], $0x8, s29, s1, $0xb8;
	[tilespmem:$0x1E600] =	vst v63  }
0x1c0: {  	_ =	swait.ge [sflag:s28], $0x5880  }
0x1c1: {  	[sflag:s28] =	ssyncset.done $0x0  }
0x1c2: {  	[sflag:s28] =	ssyncadd.s32 $0xFFFFA780  }
0x1c3: {  	_ =	swait.ge [sflag:s9], $0xB10  }
0x1c4: {  	[sflag:s9] =	ssyncset.done $0x0  }
0x1c5: {  	[sflag:s9] =	ssyncadd.s32 $0xFFFFF4F0  }
0x1c6: {  	_ =	swait.ge [sflag:s10], $0x5880  }
0x1c7: {  	s18 =	sld [smem:$0x7FB]  }
0x1c8: {  	[sflag:s10] =	ssyncset.done $0x0  }
0x1c9: {  	[sflag:s10] =	ssyncadd.s32 $0xFFFFA780  }
0x1ca: {  	[tilespmem:s29], [sflag:$0x3] =	stream.linear.gather [hbm4b:s18+s30], $0xB10, $0x38;
	[tilespmem:$0x1E600] =	vst v63  }
0x1cb: {  	s13 =	rddreg [dreg:$0x19]  }
0x1cc: {  	[tilespmem:s2], [sflag:$0x1] =	stream.strided.gather [hbm4b:s13+s31], $0x5880, s0, s31, $0x38;
	[tilespmem:$0x1E600] =	vst v63  }
0x1cd: {  	_ = 	snop  }
0x1ce: {  	[spmem:s4] =	stream.indirect.scatter.add.f32 [tilespmem:s3], [sflag:$0x5], $0x8, s8, s1, $0xb8;
	[tilespmem:$0x1E600] =	vst v63  }
0x1cf: {  	_ =	swait.ge [sflag:s28], $0x5880  }
0x1d0: {  	[sflag:s28] =	ssyncset.done $0x0  }
0x1d1: {  	[sflag:s28] =	ssyncadd.s32 $0xFFFFA780  }
0x1d2: {  	_ =	swait.ge [sflag:s5], $0xB10  }
0x1d3: {  	[sflag:s5] =	ssyncset.done $0x0  }
0x1d4: {  	[sflag:s5] =	ssyncadd.s32 $0xFFFFF4F0  }
0x1d5: {  	_ =	swait.ge [sflag:s6], $0x5880  }
0x1d6: {  	s13 =	sld [smem:$0x7FC]  }
0x1d7: {  	[sflag:s6] =	ssyncset.done $0x0  }
0x1d8: {  	[sflag:s6] =	ssyncadd.s32 $0xFFFFA780  }
0x1d9: {  	[tilespmem:s8], [sflag:$0x4] =	stream.linear.gather [hbm4b:s13+s30], $0xB10, $0x38;
	[tilespmem:$0x1E600] =	vst v63  }
0x1da: {  	s18 =	rddreg [dreg:$0x1a]  }
0x1db: {  	[tilespmem:s3], [sflag:$0x2] =	stream.strided.gather [hbm4b:s18+s31], $0x5880, s0, s31, $0x38;
	[tilespmem:$0x1E600] =	vst v63  }
0x1dc: {  	_ = 	snop  }
0x1dd: {  	[spmem:s4] =	stream.indirect.scatter.add.f32 [tilespmem:s2], [sflag:$0x5], $0x8, s29, s1, $0xb8;
	[tilespmem:$0x1E600] =	vst v63  }
0x1de: {  	_ =	swait.ge [sflag:s28], $0x5880  }
0x1df: {  	[sflag:s28] =	ssyncset.done $0x0  }
0x1e0: {  	[sflag:s28] =	ssyncadd.s32 $0xFFFFA780  }
0x1e1: {  	_ =	swait.ge [sflag:s9], $0xB10  }
0x1e2: {  	[sflag:s9] =	ssyncset.done $0x0  }
0x1e3: {  	[sflag:s9] =	ssyncadd.s32 $0xFFFFF4F0  }
0x1e4: {  	_ =	swait.ge [sflag:s10], $0x5880  }
0x1e5: {  	[sflag:s10] =	ssyncset.done $0x0  }
0x1e6: {  	[sflag:s10] =	ssyncadd.s32 $0xFFFFA780  }
0x1e7: {  	[tilespmem:s29], [sflag:$0x3] =	stream.linear.gather [hbm4b:s25+s30], $0xB10, $0x38;
	[tilespmem:$0x1E600] =	vst v63  }
0x1e8: {  	s25 =	rddreg [dreg:$0x1b]  }
0x1e9: {  	[tilespmem:s2], [sflag:$0x1] =	stream.strided.gather [hbm4b:s25+s31], $0x5880, s0, s31, $0x38;
	[tilespmem:$0x1E600] =	vst v63  }
0x1ea: {  	_ = 	snop  }
0x1eb: {  	[spmem:s4] =	stream.indirect.scatter.add.f32 [tilespmem:s3], [sflag:$0x5], $0x8, s8, s1, $0xb8;
	[tilespmem:$0x1E600] =	vst v63  }
0x1ec: {  	_ =	swait.ge [sflag:s28], $0x5880  }
0x1ed: {  	[sflag:s28] =	ssyncset.done $0x0  }
0x1ee: {  	[sflag:s28] =	ssyncadd.s32 $0xFFFFA780  }
0x1ef: {  	_ =	swait.ge [sflag:s5], $0xB10  }
0x1f0: {  	[sflag:s5] =	ssyncset.done $0x0  }
0x1f1: {  	[sflag:s5] =	ssyncadd.s32 $0xFFFFF4F0  }
0x1f2: {  	_ =	swait.ge [sflag:s6], $0x5880  }
0x1f3: {  	[sflag:s6] =	ssyncset.done $0x0  }
0x1f4: {  	[sflag:s6] =	ssyncadd.s32 $0xFFFFA780  }
0x1f5: {  	[spmem:s4] =	stream.indirect.scatter.add.f32 [tilespmem:s2], [sflag:$0x5], $0x8, s29, s1, $0xb8;
	[tilespmem:$0x1E600] =	vst v63  }
0x1f6: {  	_ =	swait.ge [sflag:s28], $0x5880  }
0x1f7: {  	[sflag:s28] =	ssyncset.done $0x0  }
0x1f8: {  	[sflag:s28] =	ssyncadd.s32 $0xFFFFA780  }
0x1f9: {  	[bflag:$0x0] =	sbarrier.arrive $0xFFFF  }
0x1fa: {  	s18 =	sld [smem:$0x7E7]  }
0x1fb: {  	s25 =	sld [smem:$0x7EC];
	_ =	sdelay $0x2  }
0x1fc: {  	[hbm:s18], [sflag:s24] =	dma.local [spmem:s25], $0x1FA8  }
0x1fd: {  	_ =	swait.ge [sflag:s28], $0x1FA8  }
0x1fe: {  	[sflag:s28] =	ssyncset.done $0x0  }
0x1ff: {  	[sflag:s28] =	ssyncadd.s32 $0xFFFFE058  }
0x200: {  	[bflag:$0x0] =	sbarrier.arrive $0xFFFF  }
0x201: {  	[spmem:s12] =	stream.linear.scatter [tilespmem:s26], [sflag:$0x5], $0x1FE0, $0x38;
	[tilespmem:$0x1E600] =	vst v63  }
0x202: {  	_ =	swait.ge [sflag:s28], $0x1FE0  }
0x203: {  	s18 =	sld [smem:$0x7ED]  }
0x204: {  	[sflag:s28] =	ssyncset.done $0x0  }
0x205: {  	[sflag:s28] =	ssyncadd.s32 $0xFFFFE020  }
0x206: {  	[spmem:s18] =	stream.linear.scatter [tilespmem:s26], [sflag:$0x5], $0x1FE0, $0x38;
	[tilespmem:$0x1E600] =	vst v63  }
0x207: {  	_ =	swait.ge [sflag:s28], $0x1FE0  }
0x208: {  	s25 =	sld [smem:$0x7EE]  }
0x209: {  	[sflag:s28] =	ssyncset.done $0x0  }
0x20a: {  	[sflag:s28] =	ssyncadd.s32 $0xFFFFE020  }
0x20b: {  	[spmem:s25] =	stream.linear.scatter [tilespmem:s26], [sflag:$0x5], $0x1FE0, $0x38;
	[tilespmem:$0x1E600] =	vst v63  }
0x20c: {  	_ =	swait.ge [sflag:s28], $0x1FE0  }
0x20d: {  	s15 =	sld [smem:$0x7EF]  }
0x20e: {  	[sflag:s28] =	ssyncset.done $0x0  }
0x20f: {  	[sflag:s28] =	ssyncadd.s32 $0xFFFFE020  }
0x210: {  	[spmem:s15] =	stream.linear.scatter [tilespmem:s26], [sflag:$0x5], $0x1FE0, $0x38;
	[tilespmem:$0x1E600] =	vst v63  }
0x211: {  	_ =	swait.ge [sflag:s28], $0x1FE0  }
0x212: {  	[sflag:s28] =	ssyncset.done $0x0  }
0x213: {  	[sflag:s28] =	ssyncadd.s32 $0xFFFFE020  }
0x214: {  	[spmem:s23] =	stream.linear.scatter [tilespmem:s26], [sflag:$0x5], $0x1FE0, $0x38;
	[tilespmem:$0x1E600] =	vst v63  }
0x215: {  	_ =	swait.ge [sflag:s28], $0x1FE0  }
0x216: {  	[sflag:s28] =	ssyncset.done $0x0  }
0x217: {  	[sflag:s28] =	ssyncadd.s32 $0xFFFFE020  }
0x218: {  	[spmem:s20] =	stream.linear.scatter [tilespmem:s26], [sflag:$0x5], $0x1FE0, $0x38;
	[tilespmem:$0x1E600] =	vst v63  }
0x219: {  	_ =	swait.ge [sflag:s28], $0x1FE0  }
0x21a: {  	[sflag:s28] =	ssyncset.done $0x0  }
0x21b: {  	[sflag:s28] =	ssyncadd.s32 $0xFFFFE020  }
0x21c: {  	[spmem:s21] =	stream.linear.scatter [tilespmem:s26], [sflag:$0x5], $0x1FE0, $0x38;
	[tilespmem:$0x1E600] =	vst v63  }
0x21d: {  	_ =	swait.ge [sflag:s28], $0x1FE0  }
0x21e: {  	[sflag:s28] =	ssyncset.done $0x0  }
0x21f: {  	[sflag:s28] =	ssyncadd.s32 $0xFFFFE020  }
0x220: {  	[spmem:s22] =	stream.linear.scatter [tilespmem:s26], [sflag:$0x5], $0x1FE0, $0x38;
	[tilespmem:$0x1E600] =	vst v63  }
0x221: {  	_ =	swait.ge [sflag:s28], $0x1FE0  }
0x222: {  	[sflag:s28] =	ssyncset.done $0x0  }
0x223: {  	[sflag:s28] =	ssyncadd.s32 $0xFFFFE020  }
0x224: {  	[bflag:$0x0] =	sbarrier.arrive $0xFFFF  }
0x225: {  	[tilespmem:s29], [sflag:$0x3] =	stream.linear.gather [hbm4b:s16+s30], $0xB10, $0x38;
	[tilespmem:$0x1E600] =	vst v63  }
0x226: {  	s16 =	rddreg [dreg:$0x1c]  }
0x227: {  	[tilespmem:s2], [sflag:$0x1] =	stream.strided.gather [hbm4b:s16+s31], $0x5880, s0, s31, $0x38;
	[tilespmem:$0x1E600] =	vst v63  }
0x228: {  	_ =	swait.ge [sflag:s5], $0xB10  }
0x229: {  	[sflag:s5] =	ssyncset.done $0x0  }
0x22a: {  	[sflag:s5] =	ssyncadd.s32 $0xFFFFF4F0  }
0x22b: {  	_ =	swait.ge [sflag:s6], $0x5880  }
0x22c: {  	[sflag:s6] =	ssyncset.done $0x0  }
0x22d: {  	[sflag:s6] =	ssyncadd.s32 $0xFFFFA780  }
0x22e: {  	[tilespmem:s8], [sflag:$0x4] =	stream.linear.gather [hbm4b:s17+s30], $0xB10, $0x38;
	[tilespmem:$0x1E600] =	vst v63  }
0x22f: {  	s23 =	smov.u32 s20;
	s20 =	smov.u32 s17;
	s17 =	rddreg [dreg:$0x1d]  }
0x230: {  	[tilespmem:s3], [sflag:$0x2] =	stream.strided.gather [hbm4b:s17+s31], $0x5880, s0, s31, $0x38;
	[tilespmem:$0x1E600] =	vst v63  }
0x231: {  	_ = 	snop  }
0x232: {  	[spmem:s4] =	stream.indirect.scatter.add.f32 [tilespmem:s2], [sflag:$0x5], $0x8, s29, s1, $0xb8;
	[tilespmem:$0x1E600] =	vst v63  }
0x233: {  	_ =	swait.ge [sflag:s28], $0x5880  }
0x234: {  	[sflag:s28] =	ssyncset.done $0x0  }
0x235: {  	[sflag:s28] =	ssyncadd.s32 $0xFFFFA780  }
0x236: {  	_ =	swait.ge [sflag:s9], $0xB10  }
0x237: {  	[sflag:s9] =	ssyncset.done $0x0  }
0x238: {  	[sflag:s9] =	ssyncadd.s32 $0xFFFFF4F0  }
0x239: {  	_ =	swait.ge [sflag:s10], $0x5880  }
0x23a: {  	[sflag:s10] =	ssyncset.done $0x0  }
0x23b: {  	[sflag:s10] =	ssyncadd.s32 $0xFFFFA780  }
0x23c: {  	[tilespmem:s29], [sflag:$0x3] =	stream.linear.gather [hbm4b:s19+s30], $0xB10, $0x38;
	[tilespmem:$0x1E600] =	vst v63  }
0x23d: {  	s22 =	rddreg [dreg:$0x1e]  }
0x23e: {  	[tilespmem:s2], [sflag:$0x1] =	stream.strided.gather [hbm4b:s22+s31], $0x5880, s0, s31, $0x38;
	[tilespmem:$0x1E600] =	vst v63  }
0x23f: {  	_ = 	snop  }
0x240: {  	[spmem:s4] =	stream.indirect.scatter.add.f32 [tilespmem:s3], [sflag:$0x5], $0x8, s8, s1, $0xb8;
	[tilespmem:$0x1E600] =	vst v63  }
0x241: {  	_ =	swait.ge [sflag:s28], $0x5880  }
0x242: {  	[sflag:s28] =	ssyncset.done $0x0  }
0x243: {  	[sflag:s28] =	ssyncadd.s32 $0xFFFFA780  }
0x244: {  	_ =	swait.ge [sflag:s5], $0xB10  }
0x245: {  	[sflag:s5] =	ssyncset.done $0x0  }
0x246: {  	[sflag:s5] =	ssyncadd.s32 $0xFFFFF4F0  }
0x247: {  	_ =	swait.ge [sflag:s6], $0x5880  }
0x248: {  	s16 =	sld [smem:$0x7F6]  }
0x249: {  	[sflag:s6] =	ssyncset.done $0x0  }
0x24a: {  	[sflag:s6] =	ssyncadd.s32 $0xFFFFA780  }
0x24b: {  	[tilespmem:s8], [sflag:$0x4] =	stream.linear.gather [hbm4b:s16+s30], $0xB10, $0x38;
	[tilespmem:$0x1E600] =	vst v63  }
0x24c: {  	s24 =	smov.u32 s12;
	s12 =	rddreg [dreg:$0x1f]  }
0x24d: {  	[tilespmem:s3], [sflag:$0x2] =	stream.strided.gather [hbm4b:s12+s31], $0x5880, s0, s31, $0x38;
	[tilespmem:$0x1E600] =	vst v63  }
0x24e: {  	_ = 	snop  }
0x24f: {  	[spmem:s4] =	stream.indirect.scatter.add.f32 [tilespmem:s2], [sflag:$0x5], $0x8, s29, s1, $0xb8;
	[tilespmem:$0x1E600] =	vst v63  }
0x250: {  	_ =	swait.ge [sflag:s28], $0x5880  }
0x251: {  	[sflag:s28] =	ssyncset.done $0x0  }
0x252: {  	[sflag:s28] =	ssyncadd.s32 $0xFFFFA780  }
0x253: {  	_ =	swait.ge [sflag:s9], $0xB10  }
0x254: {  	[sflag:s9] =	ssyncset.done $0x0  }
0x255: {  	[sflag:s9] =	ssyncadd.s32 $0xFFFFF4F0  }
0x256: {  	_ =	swait.ge [sflag:s10], $0x5880  }
0x257: {  	[sflag:s10] =	ssyncset.done $0x0  }
0x258: {  	[sflag:s10] =	ssyncadd.s32 $0xFFFFA780  }
0x259: {  	[tilespmem:s29], [sflag:$0x3] =	stream.linear.gather [hbm4b:s14+s30], $0xB10, $0x38;
	[tilespmem:$0x1E600] =	vst v63  }
0x25a: {  	s14 =	sld [smem:$0x7C9];
	_ =	sdelay $0x2  }
0x25b: {  	[tilespmem:s2], [sflag:$0x1] =	stream.strided.gather [hbm4b:s14+s31], $0x5880, s0, s31, $0x38;
	[tilespmem:$0x1E600] =	vst v63  }
0x25c: {  	_ = 	snop  }
0x25d: {  	[spmem:s4] =	stream.indirect.scatter.add.f32 [tilespmem:s3], [sflag:$0x5], $0x8, s8, s1, $0xb8;
	[tilespmem:$0x1E600] =	vst v63  }
0x25e: {  	_ =	swait.ge [sflag:s28], $0x5880  }
0x25f: {  	[sflag:s28] =	ssyncset.done $0x0  }
0x260: {  	[sflag:s28] =	ssyncadd.s32 $0xFFFFA780  }
0x261: {  	_ =	swait.ge [sflag:s5], $0xB10  }
0x262: {  	[sflag:s5] =	ssyncset.done $0x0  }
0x263: {  	[sflag:s5] =	ssyncadd.s32 $0xFFFFF4F0  }
0x264: {  	_ =	swait.ge [sflag:s6], $0x5880  }
0x265: {  	[sflag:s6] =	ssyncset.done $0x0  }
0x266: {  	s17 =	smov.u32 s19;
	s19 =	sld [smem:$0x7CA];
	[sflag:s6] =	ssyncadd.s32 $0xFFFFA780  }
0x267: {  	[tilespmem:s8], [sflag:$0x4] =	stream.linear.gather [hbm4b:s7+s30], $0xB10, $0x38;
	[tilespmem:$0x1E600] =	vst v63  }
0x268: {  	_ = 	snop  }
0x269: {  	[tilespmem:s3], [sflag:$0x2] =	stream.strided.gather [hbm4b:s19+s31], $0x5880, s0, s31, $0x38;
	[tilespmem:$0x1E600] =	vst v63  }
0x26a: {  	_ = 	snop  }
0x26b: {  	[spmem:s4] =	stream.indirect.scatter.add.f32 [tilespmem:s2], [sflag:$0x5], $0x8, s29, s1, $0xb8;
	[tilespmem:$0x1E600] =	vst v63  }
0x26c: {  	_ =	swait.ge [sflag:s28], $0x5880  }
0x26d: {  	[sflag:s28] =	ssyncset.done $0x0  }
0x26e: {  	[sflag:s28] =	ssyncadd.s32 $0xFFFFA780  }
0x26f: {  	_ =	swait.ge [sflag:s9], $0xB10  }
0x270: {  	[sflag:s9] =	ssyncset.done $0x0  }
0x271: {  	[sflag:s9] =	ssyncadd.s32 $0xFFFFF4F0  }
0x272: {  	_ =	swait.ge [sflag:s10], $0x5880  }
0x273: {  	s14 =	smov.u32 s7;
	s7 =	sld [smem:$0x7F9]  }
0x274: {  	[sflag:s10] =	ssyncset.done $0x0  }
0x275: {  	s22 =	sld [smem:$0x7CB];
	[sflag:s10] =	ssyncadd.s32 $0xFFFFA780  }
0x276: {  	[tilespmem:s29], [sflag:$0x3] =	stream.linear.gather [hbm4b:s7+s30], $0xB10, $0x38;
	[tilespmem:$0x1E600] =	vst v63  }
0x277: {  	_ = 	snop  }
0x278: {  	[tilespmem:s2], [sflag:$0x1] =	stream.strided.gather [hbm4b:s22+s31], $0x5880, s0, s31, $0x38;
	[tilespmem:$0x1E600] =	vst v63  }
0x279: {  	_ = 	snop  }
0x27a: {  	[spmem:s4] =	stream.indirect.scatter.add.f32 [tilespmem:s3], [sflag:$0x5], $0x8, s8, s1, $0xb8;
	[tilespmem:$0x1E600] =	vst v63  }
0x27b: {  	_ =	swait.ge [sflag:s28], $0x5880  }
0x27c: {  	[sflag:s28] =	ssyncset.done $0x0  }
0x27d: {  	[sflag:s28] =	ssyncadd.s32 $0xFFFFA780  }
0x27e: {  	_ =	swait.ge [sflag:s5], $0xB10  }
0x27f: {  	[sflag:s5] =	ssyncset.done $0x0  }
0x280: {  	[sflag:s5] =	ssyncadd.s32 $0xFFFFF4F0  }
0x281: {  	_ =	swait.ge [sflag:s6], $0x5880  }
0x282: {  	[sflag:s6] =	ssyncset.done $0x0  }
0x283: {  	[sflag:s6] =	ssyncadd.s32 $0xFFFFA780  }
0x284: {  	[tilespmem:s8], [sflag:$0x4] =	stream.linear.gather [hbm4b:s11+s30], $0xB10, $0x38;
	[tilespmem:$0x1E600] =	vst v63  }
0x285: {  	s19 =	smov.u32 s11;
	s11 =	sld [smem:$0x7CC];
	_ =	sdelay $0x2  }
0x286: {  	[tilespmem:s3], [sflag:$0x2] =	stream.strided.gather [hbm4b:s11+s31], $0x5880, s0, s31, $0x38;
	[tilespmem:$0x1E600] =	vst v63  }
0x287: {  	_ = 	snop  }
0x288: {  	[spmem:s4] =	stream.indirect.scatter.add.f32 [tilespmem:s2], [sflag:$0x5], $0x8, s29, s1, $0xb8;
	[tilespmem:$0x1E600] =	vst v63  }
0x289: {  	_ =	swait.ge [sflag:s28], $0x5880  }
0x28a: {  	[sflag:s28] =	ssyncset.done $0x0  }
0x28b: {  	[sflag:s28] =	ssyncadd.s32 $0xFFFFA780  }
0x28c: {  	_ =	swait.ge [sflag:s9], $0xB10  }
0x28d: {  	[sflag:s9] =	ssyncset.done $0x0  }
0x28e: {  	[sflag:s9] =	ssyncadd.s32 $0xFFFFF4F0  }
0x28f: {  	_ =	swait.ge [sflag:s10], $0x5880  }
0x290: {  	s11 =	sld [smem:$0x7FB]  }
0x291: {  	[sflag:s10] =	ssyncset.done $0x0  }
0x292: {  	s12 =	sld [smem:$0x7CD];
	[sflag:s10] =	ssyncadd.s32 $0xFFFFA780  }
0x293: {  	[tilespmem:s29], [sflag:$0x3] =	stream.linear.gather [hbm4b:s11+s30], $0xB10, $0x38;
	[tilespmem:$0x1E600] =	vst v63  }
0x294: {  	_ = 	snop  }
0x295: {  	[tilespmem:s2], [sflag:$0x1] =	stream.strided.gather [hbm4b:s12+s31], $0x5880, s0, s31, $0x38;
	[tilespmem:$0x1E600] =	vst v63  }
0x296: {  	_ = 	snop  }
0x297: {  	[spmem:s4] =	stream.indirect.scatter.add.f32 [tilespmem:s3], [sflag:$0x5], $0x8, s8, s1, $0xb8;
	[tilespmem:$0x1E600] =	vst v63  }
0x298: {  	_ =	swait.ge [sflag:s28], $0x5880  }
0x299: {  	[sflag:s28] =	ssyncset.done $0x0  }
0x29a: {  	[sflag:s28] =	ssyncadd.s32 $0xFFFFA780  }
0x29b: {  	_ =	swait.ge [sflag:s5], $0xB10  }
0x29c: {  	[sflag:s5] =	ssyncset.done $0x0  }
0x29d: {  	[sflag:s5] =	ssyncadd.s32 $0xFFFFF4F0  }
0x29e: {  	_ =	swait.ge [sflag:s6], $0x5880  }
0x29f: {  	[sflag:s6] =	ssyncset.done $0x0  }
0x2a0: {  	[sflag:s6] =	ssyncadd.s32 $0xFFFFA780  }
0x2a1: {  	[tilespmem:s8], [sflag:$0x4] =	stream.linear.gather [hbm4b:s13+s30], $0xB10, $0x38;
	[tilespmem:$0x1E600] =	vst v63  }
0x2a2: {  	s13 =	sld [smem:$0x7CE];
	_ =	sdelay $0x2  }
0x2a3: {  	[tilespmem:s3], [sflag:$0x2] =	stream.strided.gather [hbm4b:s13+s31], $0x5880, s0, s31, $0x38;
	[tilespmem:$0x1E600] =	vst v63  }
0x2a4: {  	_ = 	snop  }
0x2a5: {  	[spmem:s4] =	stream.indirect.scatter.add.f32 [tilespmem:s2], [sflag:$0x5], $0x8, s29, s1, $0xb8;
	[tilespmem:$0x1E600] =	vst v63  }
0x2a6: {  	_ =	swait.ge [sflag:s28], $0x5880  }
0x2a7: {  	[sflag:s28] =	ssyncset.done $0x0  }
0x2a8: {  	[sflag:s28] =	ssyncadd.s32 $0xFFFFA780  }
0x2a9: {  	_ =	swait.ge [sflag:s9], $0xB10  }
0x2aa: {  	[sflag:s9] =	ssyncset.done $0x0  }
0x2ab: {  	[sflag:s9] =	ssyncadd.s32 $0xFFFFF4F0  }
0x2ac: {  	_ =	swait.ge [sflag:s10], $0x5880  }
0x2ad: {  	s13 =	sld [smem:$0x7FD]  }
0x2ae: {  	[sflag:s10] =	ssyncset.done $0x0  }
0x2af: {  	s22 =	sld [smem:$0x7CF];
	[sflag:s10] =	ssyncadd.s32 $0xFFFFA780  }
0x2b0: {  	[tilespmem:s29], [sflag:$0x3] =	stream.linear.gather [hbm4b:s13+s30], $0xB10, $0x38;
	[tilespmem:$0x1E600] =	vst v63  }
0x2b1: {  	_ = 	snop  }
0x2b2: {  	[tilespmem:s2], [sflag:$0x1] =	stream.strided.gather [hbm4b:s22+s31], $0x5880, s0, s31, $0x38;
	[tilespmem:$0x1E600] =	vst v63  }
0x2b3: {  	_ = 	snop  }
0x2b4: {  	[spmem:s4] =	stream.indirect.scatter.add.f32 [tilespmem:s3], [sflag:$0x5], $0x8, s8, s1, $0xb8;
	[tilespmem:$0x1E600] =	vst v63  }
0x2b5: {  	_ =	swait.ge [sflag:s28], $0x5880  }
0x2b6: {  	[sflag:s28] =	ssyncset.done $0x0  }
0x2b7: {  	[sflag:s28] =	ssyncadd.s32 $0xFFFFA780  }
0x2b8: {  	_ =	swait.ge [sflag:s5], $0xB10  }
0x2b9: {  	[sflag:s5] =	ssyncset.done $0x0  }
0x2ba: {  	[sflag:s5] =	ssyncadd.s32 $0xFFFFF4F0  }
0x2bb: {  	_ =	swait.ge [sflag:s6], $0x5880  }
0x2bc: {  	[sflag:s6] =	ssyncset.done $0x0  }
0x2bd: {  	[sflag:s6] =	ssyncadd.s32 $0xFFFFA780  }
0x2be: {  	[spmem:s4] =	stream.indirect.scatter.add.f32 [tilespmem:s2], [sflag:$0x5], $0x8, s29, s1, $0xb8;
	[tilespmem:$0x1E600] =	vst v63  }
0x2bf: {  	_ =	swait.ge [sflag:s28], $0x5880  }
0x2c0: {  	[sflag:s28] =	ssyncset.done $0x0  }
0x2c1: {  	[sflag:s28] =	ssyncadd.s32 $0xFFFFA780  }
0x2c2: {  	[bflag:$0x0] =	sbarrier.arrive $0xFFFF  }
0x2c3: {  	s15 =	sld [smem:$0x7E8]  }
0x2c4: {  	s12 =	sld [smem:$0x7C7]  }
0x2c5: {  	s22 =	sld [smem:$0x7EC];
	_ =	sdelay $0x2  }
0x2c6: {  	[hbm:s15], [sflag:s12] =	dma.local [spmem:s22], $0x1FA8  }
0x2c7: {  	_ =	swait.ge [sflag:s28], $0x1FA8  }
0x2c8: {  	[sflag:s28] =	ssyncset.done $0x0  }
0x2c9: {  	[sflag:s28] =	ssyncadd.s32 $0xFFFFE058  }
0x2ca: {  	[bflag:$0x0] =	sbarrier.arrive $0xFFFF  }
0x2cb: {  	[spmem:s24] =	stream.linear.scatter [tilespmem:s26], [sflag:$0x5], $0x1FE0, $0x38;
	[tilespmem:$0x1E600] =	vst v63  }
0x2cc: {  	_ =	swait.ge [sflag:s28], $0x1FE0  }
0x2cd: {  	[sflag:s28] =	ssyncset.done $0x0  }
0x2ce: {  	[sflag:s28] =	ssyncadd.s32 $0xFFFFE020  }
0x2cf: {  	[spmem:s18] =	stream.linear.scatter [tilespmem:s26], [sflag:$0x5], $0x1FE0, $0x38;
	[tilespmem:$0x1E600] =	vst v63  }
0x2d0: {  	_ =	swait.ge [sflag:s28], $0x1FE0  }
0x2d1: {  	[sflag:s28] =	ssyncset.done $0x0  }
0x2d2: {  	[sflag:s28] =	ssyncadd.s32 $0xFFFFE020  }
0x2d3: {  	[spmem:s25] =	stream.linear.scatter [tilespmem:s26], [sflag:$0x5], $0x1FE0, $0x38;
	[tilespmem:$0x1E600] =	vst v63  }
0x2d4: {  	_ =	swait.ge [sflag:s28], $0x1FE0  }
0x2d5: {  	s22 =	sld [smem:$0x7EF]  }
0x2d6: {  	[sflag:s28] =	ssyncset.done $0x0  }
0x2d7: {  	[sflag:s28] =	ssyncadd.s32 $0xFFFFE020  }
0x2d8: {  	[spmem:s22] =	stream.linear.scatter [tilespmem:s26], [sflag:$0x5], $0x1FE0, $0x38;
	[tilespmem:$0x1E600] =	vst v63  }
0x2d9: {  	_ =	swait.ge [sflag:s28], $0x1FE0  }
0x2da: {  	s24 =	sld [smem:$0x7F0]  }
0x2db: {  	[sflag:s28] =	ssyncset.done $0x0  }
0x2dc: {  	[sflag:s28] =	ssyncadd.s32 $0xFFFFE020  }
0x2dd: {  	[spmem:s24] =	stream.linear.scatter [tilespmem:s26], [sflag:$0x5], $0x1FE0, $0x38;
	[tilespmem:$0x1E600] =	vst v63  }
0x2de: {  	_ =	swait.ge [sflag:s28], $0x1FE0  }
0x2df: {  	[sflag:s28] =	ssyncset.done $0x0  }
0x2e0: {  	[sflag:s28] =	ssyncadd.s32 $0xFFFFE020  }
0x2e1: {  	[spmem:s23] =	stream.linear.scatter [tilespmem:s26], [sflag:$0x5], $0x1FE0, $0x38;
	[tilespmem:$0x1E600] =	vst v63  }
0x2e2: {  	_ =	swait.ge [sflag:s28], $0x1FE0  }
0x2e3: {  	[sflag:s28] =	ssyncset.done $0x0  }
0x2e4: {  	[sflag:s28] =	ssyncadd.s32 $0xFFFFE020  }
0x2e5: {  	[spmem:s21] =	stream.linear.scatter [tilespmem:s26], [sflag:$0x5], $0x1FE0, $0x38;
	[tilespmem:$0x1E600] =	vst v63  }
0x2e6: {  	_ =	swait.ge [sflag:s28], $0x1FE0  }
0x2e7: {  	s23 =	sld [smem:$0x7F4]  }
0x2e8: {  	[sflag:s28] =	ssyncset.done $0x0  }
0x2e9: {  	[sflag:s28] =	ssyncadd.s32 $0xFFFFE020  }
0x2ea: {  	[spmem:s23] =	stream.linear.scatter [tilespmem:s26], [sflag:$0x5], $0x1FE0, $0x38;
	[tilespmem:$0x1E600] =	vst v63  }
0x2eb: {  	_ =	swait.ge [sflag:s28], $0x1FE0  }
0x2ec: {  	[sflag:s28] =	ssyncset.done $0x0  }
0x2ed: {  	[sflag:s28] =	ssyncadd.s32 $0xFFFFE020  }
0x2ee: {  	[bflag:$0x0] =	sbarrier.arrive $0xFFFF  }
0x2ef: {  	s21 =	rddreg [dreg:$0x4]  }
0x2f0: {  	s18 =	smov.u32 s25;
	s25 =	sld [smem:$0x7D0]  }
0x2f1: {  	[tilespmem:s29], [sflag:$0x3] =	stream.linear.gather [hbm4b:s21+s30], $0xB10, $0x38;
	[tilespmem:$0x1E600] =	vst v63  }
0x2f2: {  	_ = 	snop  }
0x2f3: {  	[tilespmem:s2], [sflag:$0x1] =	stream.strided.gather [hbm4b:s25+s31], $0x5880, s0, s31, $0x38;
	[tilespmem:$0x1E600] =	vst v63  }
0x2f4: {  	_ =	swait.ge [sflag:s5], $0xB10  }
0x2f5: {  	[sflag:s5] =	ssyncset.done $0x0  }
0x2f6: {  	[sflag:s5] =	ssyncadd.s32 $0xFFFFF4F0  }
0x2f7: {  	_ =	swait.ge [sflag:s6], $0x5880  }
0x2f8: {  	[sflag:s6] =	ssyncset.done $0x0  }
0x2f9: {  	s25 =	sld [smem:$0x7D1];
	[sflag:s6] =	ssyncadd.s32 $0xFFFFA780  }
0x2fa: {  	[tilespmem:s8], [sflag:$0x4] =	stream.linear.gather [hbm4b:s20+s30], $0xB10, $0x38;
	[tilespmem:$0x1E600] =	vst v63  }
0x2fb: {  	_ = 	snop  }
0x2fc: {  	[tilespmem:s3], [sflag:$0x2] =	stream.strided.gather [hbm4b:s25+s31], $0x5880, s0, s31, $0x38;
	[tilespmem:$0x1E600] =	vst v63  }
0x2fd: {  	_ = 	snop  }
0x2fe: {  	[spmem:s4] =	stream.indirect.scatter.add.f32 [tilespmem:s2], [sflag:$0x5], $0x8, s29, s1, $0xb8;
	[tilespmem:$0x1E600] =	vst v63  }
0x2ff: {  	_ =	swait.ge [sflag:s28], $0x5880  }
0x300: {  	[sflag:s28] =	ssyncset.done $0x0  }
0x301: {  	[sflag:s28] =	ssyncadd.s32 $0xFFFFA780  }
0x302: {  	_ =	swait.ge [sflag:s9], $0xB10  }
0x303: {  	[sflag:s9] =	ssyncset.done $0x0  }
0x304: {  	[sflag:s9] =	ssyncadd.s32 $0xFFFFF4F0  }
0x305: {  	_ =	swait.ge [sflag:s10], $0x5880  }
0x306: {  	[sflag:s10] =	ssyncset.done $0x0  }
0x307: {  	s25 =	sld [smem:$0x7D2];
	[sflag:s10] =	ssyncadd.s32 $0xFFFFA780  }
0x308: {  	[tilespmem:s29], [sflag:$0x3] =	stream.linear.gather [hbm4b:s17+s30], $0xB10, $0x38;
	[tilespmem:$0x1E600] =	vst v63  }
0x309: {  	_ = 	snop  }
0x30a: {  	[tilespmem:s2], [sflag:$0x1] =	stream.strided.gather [hbm4b:s25+s31], $0x5880, s0, s31, $0x38;
	[tilespmem:$0x1E600] =	vst v63  }
0x30b: {  	_ = 	snop  }
0x30c: {  	[spmem:s4] =	stream.indirect.scatter.add.f32 [tilespmem:s3], [sflag:$0x5], $0x8, s8, s1, $0xb8;
	[tilespmem:$0x1E600] =	vst v63  }
0x30d: {  	_ =	swait.ge [sflag:s28], $0x5880  }
0x30e: {  	[sflag:s28] =	ssyncset.done $0x0  }
0x30f: {  	[sflag:s28] =	ssyncadd.s32 $0xFFFFA780  }
0x310: {  	_ =	swait.ge [sflag:s5], $0xB10  }
0x311: {  	[sflag:s5] =	ssyncset.done $0x0  }
0x312: {  	[sflag:s5] =	ssyncadd.s32 $0xFFFFF4F0  }
0x313: {  	_ =	swait.ge [sflag:s6], $0x5880  }
0x314: {  	[sflag:s6] =	ssyncset.done $0x0  }
0x315: {  	[sflag:s6] =	ssyncadd.s32 $0xFFFFA780  }
0x316: {  	[tilespmem:s8], [sflag:$0x4] =	stream.linear.gather [hbm4b:s16+s30], $0xB10, $0x38;
	[tilespmem:$0x1E600] =	vst v63  }
0x317: {  	s16 =	sld [smem:$0x7D3];
	_ =	sdelay $0x2  }
0x318: {  	[tilespmem:s3], [sflag:$0x2] =	stream.strided.gather [hbm4b:s16+s31], $0x5880, s0, s31, $0x38;
	[tilespmem:$0x1E600] =	vst v63  }
0x319: {  	_ = 	snop  }
0x31a: {  	[spmem:s4] =	stream.indirect.scatter.add.f32 [tilespmem:s2], [sflag:$0x5], $0x8, s29, s1, $0xb8;
	[tilespmem:$0x1E600] =	vst v63  }
0x31b: {  	_ =	swait.ge [sflag:s28], $0x5880  }
0x31c: {  	[sflag:s28] =	ssyncset.done $0x0  }
0x31d: {  	[sflag:s28] =	ssyncadd.s32 $0xFFFFA780  }
0x31e: {  	_ =	swait.ge [sflag:s9], $0xB10  }
0x31f: {  	[sflag:s9] =	ssyncset.done $0x0  }
0x320: {  	[sflag:s9] =	ssyncadd.s32 $0xFFFFF4F0  }
0x321: {  	_ =	swait.ge [sflag:s10], $0x5880  }
0x322: {  	s16 =	sld [smem:$0x7F7]  }
0x323: {  	[sflag:s10] =	ssyncset.done $0x0  }
0x324: {  	s17 =	sld [smem:$0x7D4];
	[sflag:s10] =	ssyncadd.s32 $0xFFFFA780  }
0x325: {  	[tilespmem:s29], [sflag:$0x3] =	stream.linear.gather [hbm4b:s16+s30], $0xB10, $0x38;
	[tilespmem:$0x1E600] =	vst v63  }
0x326: {  	_ = 	snop  }
0x327: {  	[tilespmem:s2], [sflag:$0x1] =	stream.strided.gather [hbm4b:s17+s31], $0x5880, s0, s31, $0x38;
	[tilespmem:$0x1E600] =	vst v63  }
0x328: {  	_ = 	snop  }
0x329: {  	[spmem:s4] =	stream.indirect.scatter.add.f32 [tilespmem:s3], [sflag:$0x5], $0x8, s8, s1, $0xb8;
	[tilespmem:$0x1E600] =	vst v63  }
0x32a: {  	_ =	swait.ge [sflag:s28], $0x5880  }
0x32b: {  	[sflag:s28] =	ssyncset.done $0x0  }
0x32c: {  	[sflag:s28] =	ssyncadd.s32 $0xFFFFA780  }
0x32d: {  	_ =	swait.ge [sflag:s5], $0xB10  }
0x32e: {  	[sflag:s5] =	ssyncset.done $0x0  }
0x32f: {  	[sflag:s5] =	ssyncadd.s32 $0xFFFFF4F0  }
0x330: {  	_ =	swait.ge [sflag:s6], $0x5880  }
0x331: {  	[sflag:s6] =	ssyncset.done $0x0  }
0x332: {  	s25 =	sld [smem:$0x7D5];
	[sflag:s6] =	ssyncadd.s32 $0xFFFFA780  }
0x333: {  	[tilespmem:s8], [sflag:$0x4] =	stream.linear.gather [hbm4b:s14+s30], $0xB10, $0x38;
	[tilespmem:$0x1E600] =	vst v63  }
0x334: {  	_ = 	snop  }
0x335: {  	[tilespmem:s3], [sflag:$0x2] =	stream.strided.gather [hbm4b:s25+s31], $0x5880, s0, s31, $0x38;
	[tilespmem:$0x1E600] =	vst v63  }
0x336: {  	_ = 	snop  }
0x337: {  	[spmem:s4] =	stream.indirect.scatter.add.f32 [tilespmem:s2], [sflag:$0x5], $0x8, s29, s1, $0xb8;
	[tilespmem:$0x1E600] =	vst v63  }
0x338: {  	_ =	swait.ge [sflag:s28], $0x5880  }
0x339: {  	[sflag:s28] =	ssyncset.done $0x0  }
0x33a: {  	[sflag:s28] =	ssyncadd.s32 $0xFFFFA780  }
0x33b: {  	_ =	swait.ge [sflag:s9], $0xB10  }
0x33c: {  	[sflag:s9] =	ssyncset.done $0x0  }
0x33d: {  	[sflag:s9] =	ssyncadd.s32 $0xFFFFF4F0  }
0x33e: {  	_ =	swait.ge [sflag:s10], $0x5880  }
0x33f: {  	[sflag:s10] =	ssyncset.done $0x0  }
0x340: {  	s17 =	sld [smem:$0x7D6];
	[sflag:s10] =	ssyncadd.s32 $0xFFFFA780  }
0x341: {  	[tilespmem:s29], [sflag:$0x3] =	stream.linear.gather [hbm4b:s7+s30], $0xB10, $0x38;
	[tilespmem:$0x1E600] =	vst v63  }
0x342: {  	_ = 	snop  }
0x343: {  	[tilespmem:s2], [sflag:$0x1] =	stream.strided.gather [hbm4b:s17+s31], $0x5880, s0, s31, $0x38;
	[tilespmem:$0x1E600] =	vst v63  }
0x344: {  	_ = 	snop  }
0x345: {  	[spmem:s4] =	stream.indirect.scatter.add.f32 [tilespmem:s3], [sflag:$0x5], $0x8, s8, s1, $0xb8;
	[tilespmem:$0x1E600] =	vst v63  }
0x346: {  	_ =	swait.ge [sflag:s28], $0x5880  }
0x347: {  	[sflag:s28] =	ssyncset.done $0x0  }
0x348: {  	[sflag:s28] =	ssyncadd.s32 $0xFFFFA780  }
0x349: {  	_ =	swait.ge [sflag:s5], $0xB10  }
0x34a: {  	[sflag:s5] =	ssyncset.done $0x0  }
0x34b: {  	[sflag:s5] =	ssyncadd.s32 $0xFFFFF4F0  }
0x34c: {  	_ =	swait.ge [sflag:s6], $0x5880  }
0x34d: {  	[sflag:s6] =	ssyncset.done $0x0  }
0x34e: {  	s25 =	sld [smem:$0x7D7];
	[sflag:s6] =	ssyncadd.s32 $0xFFFFA780  }
0x34f: {  	[tilespmem:s8], [sflag:$0x4] =	stream.linear.gather [hbm4b:s19+s30], $0xB10, $0x38;
	[tilespmem:$0x1E600] =	vst v63  }
0x350: {  	_ = 	snop  }
0x351: {  	[tilespmem:s3], [sflag:$0x2] =	stream.strided.gather [hbm4b:s25+s31], $0x5880, s0, s31, $0x38;
	[tilespmem:$0x1E600] =	vst v63  }
0x352: {  	_ = 	snop  }
0x353: {  	[spmem:s4] =	stream.indirect.scatter.add.f32 [tilespmem:s2], [sflag:$0x5], $0x8, s29, s1, $0xb8;
	[tilespmem:$0x1E600] =	vst v63  }
0x354: {  	_ =	swait.ge [sflag:s28], $0x5880  }
0x355: {  	[sflag:s28] =	ssyncset.done $0x0  }
0x356: {  	[sflag:s28] =	ssyncadd.s32 $0xFFFFA780  }
0x357: {  	_ =	swait.ge [sflag:s9], $0xB10  }
0x358: {  	[sflag:s9] =	ssyncset.done $0x0  }
0x359: {  	[sflag:s9] =	ssyncadd.s32 $0xFFFFF4F0  }
0x35a: {  	_ =	swait.ge [sflag:s10], $0x5880  }
0x35b: {  	[sflag:s10] =	ssyncset.done $0x0  }
0x35c: {  	s7 =	sld [smem:$0x7D8];
	[sflag:s10] =	ssyncadd.s32 $0xFFFFA780  }
0x35d: {  	[tilespmem:s29], [sflag:$0x3] =	stream.linear.gather [hbm4b:s11+s30], $0xB10, $0x38;
	[tilespmem:$0x1E600] =	vst v63  }
0x35e: {  	_ = 	snop  }
0x35f: {  	[tilespmem:s2], [sflag:$0x1] =	stream.strided.gather [hbm4b:s7+s31], $0x5880, s0, s31, $0x38;
	[tilespmem:$0x1E600] =	vst v63  }
0x360: {  	_ = 	snop  }
0x361: {  	[spmem:s4] =	stream.indirect.scatter.add.f32 [tilespmem:s3], [sflag:$0x5], $0x8, s8, s1, $0xb8;
	[tilespmem:$0x1E600] =	vst v63  }
0x362: {  	_ =	swait.ge [sflag:s28], $0x5880  }
0x363: {  	[sflag:s28] =	ssyncset.done $0x0  }
0x364: {  	[sflag:s28] =	ssyncadd.s32 $0xFFFFA780  }
0x365: {  	_ =	swait.ge [sflag:s5], $0xB10  }
0x366: {  	[sflag:s5] =	ssyncset.done $0x0  }
0x367: {  	[sflag:s5] =	ssyncadd.s32 $0xFFFFF4F0  }
0x368: {  	_ =	swait.ge [sflag:s6], $0x5880  }
0x369: {  	s7 =	sld [smem:$0x7FC]  }
0x36a: {  	[sflag:s6] =	ssyncset.done $0x0  }
0x36b: {  	s17 =	sld [smem:$0x7D9];
	[sflag:s6] =	ssyncadd.s32 $0xFFFFA780  }
0x36c: {  	[tilespmem:s8], [sflag:$0x4] =	stream.linear.gather [hbm4b:s7+s30], $0xB10, $0x38;
	[tilespmem:$0x1E600] =	vst v63  }
0x36d: {  	_ = 	snop  }
0x36e: {  	[tilespmem:s3], [sflag:$0x2] =	stream.strided.gather [hbm4b:s17+s31], $0x5880, s0, s31, $0x38;
	[tilespmem:$0x1E600] =	vst v63  }
0x36f: {  	_ = 	snop  }
0x370: {  	[spmem:s4] =	stream.indirect.scatter.add.f32 [tilespmem:s2], [sflag:$0x5], $0x8, s29, s1, $0xb8;
	[tilespmem:$0x1E600] =	vst v63  }
0x371: {  	_ =	swait.ge [sflag:s28], $0x5880  }
0x372: {  	[sflag:s28] =	ssyncset.done $0x0  }
0x373: {  	[sflag:s28] =	ssyncadd.s32 $0xFFFFA780  }
0x374: {  	_ =	swait.ge [sflag:s9], $0xB10  }
0x375: {  	[sflag:s9] =	ssyncset.done $0x0  }
0x376: {  	[sflag:s9] =	ssyncadd.s32 $0xFFFFF4F0  }
0x377: {  	_ =	swait.ge [sflag:s10], $0x5880  }
0x378: {  	[sflag:s10] =	ssyncset.done $0x0  }
0x379: {  	s25 =	sld [smem:$0x7DA];
	[sflag:s10] =	ssyncadd.s32 $0xFFFFA780  }
0x37a: {  	[tilespmem:s29], [sflag:$0x3] =	stream.linear.gather [hbm4b:s13+s30], $0xB10, $0x38;
	[tilespmem:$0x1E600] =	vst v63  }
0x37b: {  	_ = 	snop  }
0x37c: {  	[tilespmem:s2], [sflag:$0x1] =	stream.strided.gather [hbm4b:s25+s31], $0x5880, s0, s31, $0x38;
	[tilespmem:$0x1E600] =	vst v63  }
0x37d: {  	_ = 	snop  }
0x37e: {  	[spmem:s4] =	stream.indirect.scatter.add.f32 [tilespmem:s3], [sflag:$0x5], $0x8, s8, s1, $0xb8;
	[tilespmem:$0x1E600] =	vst v63  }
0x37f: {  	_ =	swait.ge [sflag:s28], $0x5880  }
0x380: {  	[sflag:s28] =	ssyncset.done $0x0  }
0x381: {  	[sflag:s28] =	ssyncadd.s32 $0xFFFFA780  }
0x382: {  	_ =	swait.ge [sflag:s5], $0xB10  }
0x383: {  	[sflag:s5] =	ssyncset.done $0x0  }
0x384: {  	[sflag:s5] =	ssyncadd.s32 $0xFFFFF4F0  }
0x385: {  	_ =	swait.ge [sflag:s6], $0x5880  }
0x386: {  	[sflag:s6] =	ssyncset.done $0x0  }
0x387: {  	[sflag:s6] =	ssyncadd.s32 $0xFFFFA780  }
0x388: {  	[spmem:s4] =	stream.indirect.scatter.add.f32 [tilespmem:s2], [sflag:$0x5], $0x8, s29, s1, $0xb8;
	[tilespmem:$0x1E600] =	vst v63  }
0x389: {  	_ =	swait.ge [sflag:s28], $0x5880  }
0x38a: {  	[sflag:s28] =	ssyncset.done $0x0  }
0x38b: {  	[sflag:s28] =	ssyncadd.s32 $0xFFFFA780  }
0x38c: {  	[bflag:$0x0] =	sbarrier.arrive $0xFFFF  }
0x38d: {  	s17 =	smov.u32 s13;
	s13 =	sld [smem:$0x7E9]  }
0x38e: {  	s25 =	sld [smem:$0x7EC];
	_ =	sdelay $0x2  }
0x38f: {  	[hbm:s13], [sflag:s12] =	dma.local [spmem:s25], $0x1FA8  }
0x390: {  	_ =	swait.ge [sflag:s28], $0x1FA8  }
0x391: {  	[sflag:s28] =	ssyncset.done $0x0  }
0x392: {  	[sflag:s28] =	ssyncadd.s32 $0xFFFFE058  }
0x393: {  	[bflag:$0x0] =	sbarrier.arrive $0xFFFF  }
0x394: {  	s15 =	sld [smem:$0x7F3];
	_ =	sdelay $0x2  }
0x395: {  	[spmem:s15] =	stream.linear.scatter [tilespmem:s26], [sflag:$0x5], $0x1FE0, $0x38;
	[tilespmem:$0x1E600] =	vst v63  }
0x396: {  	_ =	swait.ge [sflag:s28], $0x1FE0  }
0x397: {  	s15 =	sld [smem:$0x7ED]  }
0x398: {  	[sflag:s28] =	ssyncset.done $0x0  }
0x399: {  	[sflag:s28] =	ssyncadd.s32 $0xFFFFE020  }
0x39a: {  	[spmem:s15] =	stream.linear.scatter [tilespmem:s26], [sflag:$0x5], $0x1FE0, $0x38;
	[tilespmem:$0x1E600] =	vst v63  }
0x39b: {  	_ =	swait.ge [sflag:s28], $0x1FE0  }
0x39c: {  	[sflag:s28] =	ssyncset.done $0x0  }
0x39d: {  	[sflag:s28] =	ssyncadd.s32 $0xFFFFE020  }
0x39e: {  	[spmem:s18] =	stream.linear.scatter [tilespmem:s26], [sflag:$0x5], $0x1FE0, $0x38;
	[tilespmem:$0x1E600] =	vst v63  }
0x39f: {  	_ =	swait.ge [sflag:s28], $0x1FE0  }
0x3a0: {  	[sflag:s28] =	ssyncset.done $0x0  }
0x3a1: {  	[sflag:s28] =	ssyncadd.s32 $0xFFFFE020  }
0x3a2: {  	[spmem:s22] =	stream.linear.scatter [tilespmem:s26], [sflag:$0x5], $0x1FE0, $0x38;
	[tilespmem:$0x1E600] =	vst v63  }
0x3a3: {  	_ =	swait.ge [sflag:s28], $0x1FE0  }
0x3a4: {  	[sflag:s28] =	ssyncset.done $0x0  }
0x3a5: {  	[sflag:s28] =	ssyncadd.s32 $0xFFFFE020  }
0x3a6: {  	[spmem:s24] =	stream.linear.scatter [tilespmem:s26], [sflag:$0x5], $0x1FE0, $0x38;
	[tilespmem:$0x1E600] =	vst v63  }
0x3a7: {  	_ =	swait.ge [sflag:s28], $0x1FE0  }
0x3a8: {  	s22 =	sld [smem:$0x7F1]  }
0x3a9: {  	[sflag:s28] =	ssyncset.done $0x0  }
0x3aa: {  	[sflag:s28] =	ssyncadd.s32 $0xFFFFE020  }
0x3ab: {  	[spmem:s22] =	stream.linear.scatter [tilespmem:s26], [sflag:$0x5], $0x1FE0, $0x38;
	[tilespmem:$0x1E600] =	vst v63  }
0x3ac: {  	_ =	swait.ge [sflag:s28], $0x1FE0  }
0x3ad: {  	s24 =	sld [smem:$0x7F2]  }
0x3ae: {  	[sflag:s28] =	ssyncset.done $0x0  }
0x3af: {  	[sflag:s28] =	ssyncadd.s32 $0xFFFFE020  }
0x3b0: {  	[spmem:s24] =	stream.linear.scatter [tilespmem:s26], [sflag:$0x5], $0x1FE0, $0x38;
	[tilespmem:$0x1E600] =	vst v63  }
0x3b1: {  	_ =	swait.ge [sflag:s28], $0x1FE0  }
0x3b2: {  	[sflag:s28] =	ssyncset.done $0x0  }
0x3b3: {  	[sflag:s28] =	ssyncadd.s32 $0xFFFFE020  }
0x3b4: {  	[spmem:s23] =	stream.linear.scatter [tilespmem:s26], [sflag:$0x5], $0x1FE0, $0x38;
	[tilespmem:$0x1E600] =	vst v63  }
0x3b5: {  	_ =	swait.ge [sflag:s28], $0x1FE0  }
0x3b6: {  	[sflag:s28] =	ssyncset.done $0x0  }
0x3b7: {  	[sflag:s28] =	ssyncadd.s32 $0xFFFFE020  }
0x3b8: {  	[bflag:$0x0] =	sbarrier.arrive $0xFFFF  }
0x3b9: {  	s15 =	sld [smem:$0x7DB]  }
0x3ba: {  	[tilespmem:s29], [sflag:$0x3] =	stream.linear.gather [hbm4b:s21+s30], $0xB10, $0x38;
	[tilespmem:$0x1E600] =	vst v63  }
0x3bb: {  	_ = 	snop  }
0x3bc: {  	[tilespmem:s2], [sflag:$0x1] =	stream.strided.gather [hbm4b:s15+s31], $0x5880, s0, s31, $0x38;
	[tilespmem:$0x1E600] =	vst v63  }
0x3bd: {  	_ =	swait.ge [sflag:s5], $0xB10  }
0x3be: {  	[sflag:s5] =	ssyncset.done $0x0  }
0x3bf: {  	[sflag:s5] =	ssyncadd.s32 $0xFFFFF4F0  }
0x3c0: {  	_ =	swait.ge [sflag:s6], $0x5880  }
0x3c1: {  	[sflag:s6] =	ssyncset.done $0x0  }
0x3c2: {  	s18 =	sld [smem:$0x7DC];
	[sflag:s6] =	ssyncadd.s32 $0xFFFFA780  }
0x3c3: {  	[tilespmem:s8], [sflag:$0x4] =	stream.linear.gather [hbm4b:s20+s30], $0xB10, $0x38;
	[tilespmem:$0x1E600] =	vst v63  }
0x3c4: {  	_ = 	snop  }
0x3c5: {  	[tilespmem:s3], [sflag:$0x2] =	stream.strided.gather [hbm4b:s18+s31], $0x5880, s0, s31, $0x38;
	[tilespmem:$0x1E600] =	vst v63  }
0x3c6: {  	_ = 	snop  }
0x3c7: {  	[spmem:s4] =	stream.indirect.scatter.add.f32 [tilespmem:s2], [sflag:$0x5], $0x8, s29, s1, $0xb8;
	[tilespmem:$0x1E600] =	vst v63  }
0x3c8: {  	_ =	swait.ge [sflag:s28], $0x5880  }
0x3c9: {  	[sflag:s28] =	ssyncset.done $0x0  }
0x3ca: {  	[sflag:s28] =	ssyncadd.s32 $0xFFFFA780  }
0x3cb: {  	_ =	swait.ge [sflag:s9], $0xB10  }
0x3cc: {  	[sflag:s9] =	ssyncset.done $0x0  }
0x3cd: {  	[sflag:s9] =	ssyncadd.s32 $0xFFFFF4F0  }
0x3ce: {  	_ =	swait.ge [sflag:s10], $0x5880  }
0x3cf: {  	s20 =	sld [smem:$0x7F5]  }
0x3d0: {  	[sflag:s10] =	ssyncset.done $0x0  }
0x3d1: {  	s21 =	sld [smem:$0x7DD];
	[sflag:s10] =	ssyncadd.s32 $0xFFFFA780  }
0x3d2: {  	[tilespmem:s29], [sflag:$0x3] =	stream.linear.gather [hbm4b:s20+s30], $0xB10, $0x38;
	[tilespmem:$0x1E600] =	vst v63  }
0x3d3: {  	_ = 	snop  }
0x3d4: {  	[tilespmem:s2], [sflag:$0x1] =	stream.strided.gather [hbm4b:s21+s31], $0x5880, s0, s31, $0x38;
	[tilespmem:$0x1E600] =	vst v63  }
0x3d5: {  	_ = 	snop  }
0x3d6: {  	[spmem:s4] =	stream.indirect.scatter.add.f32 [tilespmem:s3], [sflag:$0x5], $0x8, s8, s1, $0xb8;
	[tilespmem:$0x1E600] =	vst v63  }
0x3d7: {  	_ =	swait.ge [sflag:s28], $0x5880  }
0x3d8: {  	[sflag:s28] =	ssyncset.done $0x0  }
0x3d9: {  	[sflag:s28] =	ssyncadd.s32 $0xFFFFA780  }
0x3da: {  	_ =	swait.ge [sflag:s5], $0xB10  }
0x3db: {  	[sflag:s5] =	ssyncset.done $0x0  }
0x3dc: {  	[sflag:s5] =	ssyncadd.s32 $0xFFFFF4F0  }
0x3dd: {  	_ =	swait.ge [sflag:s6], $0x5880  }
0x3de: {  	s22 =	sld [smem:$0x7F6]  }
0x3df: {  	[sflag:s6] =	ssyncset.done $0x0  }
0x3e0: {  	s23 =	sld [smem:$0x7DE];
	[sflag:s6] =	ssyncadd.s32 $0xFFFFA780  }
0x3e1: {  	[tilespmem:s8], [sflag:$0x4] =	stream.linear.gather [hbm4b:s22+s30], $0xB10, $0x38;
	[tilespmem:$0x1E600] =	vst v63  }
0x3e2: {  	_ = 	snop  }
0x3e3: {  	[tilespmem:s3], [sflag:$0x2] =	stream.strided.gather [hbm4b:s23+s31], $0x5880, s0, s31, $0x38;
	[tilespmem:$0x1E600] =	vst v63  }
0x3e4: {  	_ = 	snop  }
0x3e5: {  	[spmem:s4] =	stream.indirect.scatter.add.f32 [tilespmem:s2], [sflag:$0x5], $0x8, s29, s1, $0xb8;
	[tilespmem:$0x1E600] =	vst v63  }
0x3e6: {  	_ =	swait.ge [sflag:s28], $0x5880  }
0x3e7: {  	[sflag:s28] =	ssyncset.done $0x0  }
0x3e8: {  	[sflag:s28] =	ssyncadd.s32 $0xFFFFA780  }
0x3e9: {  	_ =	swait.ge [sflag:s9], $0xB10  }
0x3ea: {  	[sflag:s9] =	ssyncset.done $0x0  }
0x3eb: {  	[sflag:s9] =	ssyncadd.s32 $0xFFFFF4F0  }
0x3ec: {  	_ =	swait.ge [sflag:s10], $0x5880  }
0x3ed: {  	[sflag:s10] =	ssyncset.done $0x0  }
0x3ee: {  	s24 =	sld [smem:$0x7DF];
	[sflag:s10] =	ssyncadd.s32 $0xFFFFA780  }
0x3ef: {  	[tilespmem:s29], [sflag:$0x3] =	stream.linear.gather [hbm4b:s16+s30], $0xB10, $0x38;
	[tilespmem:$0x1E600] =	vst v63  }
0x3f0: {  	_ = 	snop  }
0x3f1: {  	[tilespmem:s2], [sflag:$0x1] =	stream.strided.gather [hbm4b:s24+s31], $0x5880, s0, s31, $0x38;
	[tilespmem:$0x1E600] =	vst v63  }
0x3f2: {  	_ = 	snop  }
0x3f3: {  	[spmem:s4] =	stream.indirect.scatter.add.f32 [tilespmem:s3], [sflag:$0x5], $0x8, s8, s1, $0xb8;
	[tilespmem:$0x1E600] =	vst v63  }
0x3f4: {  	_ =	swait.ge [sflag:s28], $0x5880  }
0x3f5: {  	[sflag:s28] =	ssyncset.done $0x0  }
0x3f6: {  	[sflag:s28] =	ssyncadd.s32 $0xFFFFA780  }
0x3f7: {  	_ =	swait.ge [sflag:s5], $0xB10  }
0x3f8: {  	[sflag:s5] =	ssyncset.done $0x0  }
0x3f9: {  	[sflag:s5] =	ssyncadd.s32 $0xFFFFF4F0  }
0x3fa: {  	_ =	swait.ge [sflag:s6], $0x5880  }
0x3fb: {  	[sflag:s6] =	ssyncset.done $0x0  }
0x3fc: {  	s15 =	sld [smem:$0x7E0];
	[sflag:s6] =	ssyncadd.s32 $0xFFFFA780  }
0x3fd: {  	[tilespmem:s8], [sflag:$0x4] =	stream.linear.gather [hbm4b:s14+s30], $0xB10, $0x38;
	[tilespmem:$0x1E600] =	vst v63  }
0x3fe: {  	_ = 	snop  }
0x3ff: {  	[tilespmem:s3], [sflag:$0x2] =	stream.strided.gather [hbm4b:s15+s31], $0x5880, s0, s31, $0x38;
	[tilespmem:$0x1E600] =	vst v63  }
0x400: {  	_ = 	snop  }
0x401: {  	[spmem:s4] =	stream.indirect.scatter.add.f32 [tilespmem:s2], [sflag:$0x5], $0x8, s29, s1, $0xb8;
	[tilespmem:$0x1E600] =	vst v63  }
0x402: {  	_ =	swait.ge [sflag:s28], $0x5880  }
0x403: {  	[sflag:s28] =	ssyncset.done $0x0  }
0x404: {  	[sflag:s28] =	ssyncadd.s32 $0xFFFFA780  }
0x405: {  	_ =	swait.ge [sflag:s9], $0xB10  }
0x406: {  	[sflag:s9] =	ssyncset.done $0x0  }
0x407: {  	[sflag:s9] =	ssyncadd.s32 $0xFFFFF4F0  }
0x408: {  	_ =	swait.ge [sflag:s10], $0x5880  }
0x409: {  	s16 =	sld [smem:$0x7F9]  }
0x40a: {  	[sflag:s10] =	ssyncset.done $0x0  }
0x40b: {  	s18 =	sld [smem:$0x7E1];
	[sflag:s10] =	ssyncadd.s32 $0xFFFFA780  }
0x40c: {  	[tilespmem:s29], [sflag:$0x3] =	stream.linear.gather [hbm4b:s16+s30], $0xB10, $0x38;
	[tilespmem:$0x1E600] =	vst v63  }
0x40d: {  	_ = 	snop  }
0x40e: {  	[tilespmem:s2], [sflag:$0x1] =	stream.strided.gather [hbm4b:s18+s31], $0x5880, s0, s31, $0x38;
	[tilespmem:$0x1E600] =	vst v63  }
0x40f: {  	_ = 	snop  }
0x410: {  	[spmem:s4] =	stream.indirect.scatter.add.f32 [tilespmem:s3], [sflag:$0x5], $0x8, s8, s1, $0xb8;
	[tilespmem:$0x1E600] =	vst v63  }
0x411: {  	_ =	swait.ge [sflag:s28], $0x5880  }
0x412: {  	[sflag:s28] =	ssyncset.done $0x0  }
0x413: {  	[sflag:s28] =	ssyncadd.s32 $0xFFFFA780  }
0x414: {  	_ =	swait.ge [sflag:s5], $0xB10  }
0x415: {  	[sflag:s5] =	ssyncset.done $0x0  }
0x416: {  	[sflag:s5] =	ssyncadd.s32 $0xFFFFF4F0  }
0x417: {  	_ =	swait.ge [sflag:s6], $0x5880  }
0x418: {  	[sflag:s6] =	ssyncset.done $0x0  }
0x419: {  	[sflag:s6] =	ssyncadd.s32 $0xFFFFA780  }
0x41a: {  	[tilespmem:s8], [sflag:$0x4] =	stream.linear.gather [hbm4b:s19+s30], $0xB10, $0x38;
	[tilespmem:$0x1E600] =	vst v63  }
0x41b: {  	s19 =	sld [smem:$0x7E2];
	_ =	sdelay $0x2  }
0x41c: {  	[tilespmem:s3], [sflag:$0x2] =	stream.strided.gather [hbm4b:s19+s31], $0x5880, s0, s31, $0x38;
	[tilespmem:$0x1E600] =	vst v63  }
0x41d: {  	_ = 	snop  }
0x41e: {  	[spmem:s4] =	stream.indirect.scatter.add.f32 [tilespmem:s2], [sflag:$0x5], $0x8, s29, s1, $0xb8;
	[tilespmem:$0x1E600] =	vst v63  }
0x41f: {  	_ =	swait.ge [sflag:s28], $0x5880  }
0x420: {  	[sflag:s28] =	ssyncset.done $0x0  }
0x421: {  	[sflag:s28] =	ssyncadd.s32 $0xFFFFA780  }
0x422: {  	_ =	swait.ge [sflag:s9], $0xB10  }
0x423: {  	[sflag:s9] =	ssyncset.done $0x0  }
0x424: {  	[sflag:s9] =	ssyncadd.s32 $0xFFFFF4F0  }
0x425: {  	_ =	swait.ge [sflag:s10], $0x5880  }
0x426: {  	[sflag:s10] =	ssyncset.done $0x0  }
0x427: {  	s20 =	sld [smem:$0x7E3];
	[sflag:s10] =	ssyncadd.s32 $0xFFFFA780  }
0x428: {  	[tilespmem:s29], [sflag:$0x3] =	stream.linear.gather [hbm4b:s11+s30], $0xB10, $0x38;
	[tilespmem:$0x1E600] =	vst v63  }
0x429: {  	_ = 	snop  }
0x42a: {  	[tilespmem:s2], [sflag:$0x1] =	stream.strided.gather [hbm4b:s20+s31], $0x5880, s0, s31, $0x38;
	[tilespmem:$0x1E600] =	vst v63  }
0x42b: {  	_ = 	snop  }
0x42c: {  	[spmem:s4] =	stream.indirect.scatter.add.f32 [tilespmem:s3], [sflag:$0x5], $0x8, s8, s1, $0xb8;
	[tilespmem:$0x1E600] =	vst v63  }
0x42d: {  	_ =	swait.ge [sflag:s28], $0x5880  }
0x42e: {  	[sflag:s28] =	ssyncset.done $0x0  }
0x42f: {  	[sflag:s28] =	ssyncadd.s32 $0xFFFFA780  }
0x430: {  	_ =	swait.ge [sflag:s5], $0xB10  }
0x431: {  	[sflag:s5] =	ssyncset.done $0x0  }
0x432: {  	[sflag:s5] =	ssyncadd.s32 $0xFFFFF4F0  }
0x433: {  	_ =	swait.ge [sflag:s6], $0x5880  }
0x434: {  	[sflag:s6] =	ssyncset.done $0x0  }
0x435: {  	s21 =	sld [smem:$0x7E4];
	[sflag:s6] =	ssyncadd.s32 $0xFFFFA780  }
0x436: {  	[tilespmem:s8], [sflag:$0x4] =	stream.linear.gather [hbm4b:s7+s30], $0xB10, $0x38;
	[tilespmem:$0x1E600] =	vst v63  }
0x437: {  	_ = 	snop  }
0x438: {  	[tilespmem:s3], [sflag:$0x2] =	stream.strided.gather [hbm4b:s21+s31], $0x5880, s0, s31, $0x38;
	[tilespmem:$0x1E600] =	vst v63  }
0x439: {  	_ = 	snop  }
0x43a: {  	[spmem:s4] =	stream.indirect.scatter.add.f32 [tilespmem:s2], [sflag:$0x5], $0x8, s29, s1, $0xb8;
	[tilespmem:$0x1E600] =	vst v63  }
0x43b: {  	_ =	swait.ge [sflag:s28], $0x5880  }
0x43c: {  	[sflag:s28] =	ssyncset.done $0x0  }
0x43d: {  	[sflag:s28] =	ssyncadd.s32 $0xFFFFA780  }
0x43e: {  	_ =	swait.ge [sflag:s9], $0xB10  }
0x43f: {  	[sflag:s9] =	ssyncset.done $0x0  }
0x440: {  	[sflag:s9] =	ssyncadd.s32 $0xFFFFF4F0  }
0x441: {  	_ =	swait.ge [sflag:s10], $0x5880  }
0x442: {  	[sflag:s10] =	ssyncset.done $0x0  }
0x443: {  	s22 =	sld [smem:$0x7E5];
	[sflag:s10] =	ssyncadd.s32 $0xFFFFA780  }
0x444: {  	[tilespmem:s29], [sflag:$0x3] =	stream.linear.gather [hbm4b:s17+s30], $0xB10, $0x38;
	[tilespmem:$0x1E600] =	vst v63  }
0x445: {  	_ = 	snop  }
0x446: {  	[tilespmem:s2], [sflag:$0x1] =	stream.strided.gather [hbm4b:s22+s31], $0x5880, s0, s31, $0x38;
	[tilespmem:$0x1E600] =	vst v63  }
0x447: {  	_ = 	snop  }
0x448: {  	[spmem:s4] =	stream.indirect.scatter.add.f32 [tilespmem:s3], [sflag:$0x5], $0x8, s8, s1, $0xb8;
	[tilespmem:$0x1E600] =	vst v63  }
0x449: {  	_ =	swait.ge [sflag:s28], $0x5880  }
0x44a: {  	[sflag:s28] =	ssyncset.done $0x0  }
0x44b: {  	[sflag:s28] =	ssyncadd.s32 $0xFFFFA780  }
0x44c: {  	_ =	swait.ge [sflag:s5], $0xB10  }
0x44d: {  	[sflag:s5] =	ssyncset.done $0x0  }
0x44e: {  	[sflag:s5] =	ssyncadd.s32 $0xFFFFF4F0  }
0x44f: {  	_ =	swait.ge [sflag:s6], $0x5880  }
0x450: {  	[sflag:s6] =	ssyncset.done $0x0  }
0x451: {  	[sflag:s6] =	ssyncadd.s32 $0xFFFFA780  }
0x452: {  	[spmem:s4] =	stream.indirect.scatter.add.f32 [tilespmem:s2], [sflag:$0x5], $0x8, s29, s1, $0xb8;
	[tilespmem:$0x1E600] =	vst v63  }
0x453: {  	_ =	swait.ge [sflag:s28], $0x5880  }
0x454: {  	[sflag:s28] =	ssyncset.done $0x0  }
0x455: {  	[sflag:s28] =	ssyncadd.s32 $0xFFFFA780  }
0x456: {  	[bflag:$0x0] =	sbarrier.arrive $0xFFFF  }
0x457: {  	s23 =	sld [smem:$0x7EA];
	_ =	sdelay $0x2  }
0x458: {  	[hbm:s23], [sflag:s12] =	dma.local [spmem:s25], $0x1FA8  }
0x459: {  	_ =	swait.ge [sflag:s28], $0x1FA8  }
0x45a: {  	s24 =	sld [smem:$0x7C8]  }
0x45b: {  	s25 =	sld [smem:$0x7EB];
	_ =	sdelay $0x1  }
0x45c: {  	s7 =	sadd.s32 $0x1, s24  }
0x45d: {  	p0 =	sne.s32 s7, s25  }
.Ltmp1:
0x45e: {  	_ = 	snop;
	(pc) =	sbr.rel @p0 .LBB2_1-.Ltmp1, $3  }
0x45f: {  	[sflag:s28] =	ssyncset.done $0x0  }
0x460: {  	[sflag:s28] =	ssyncadd.s32 $0xFFFFE058  }
0x461: {  	[bflag:$0x0] =	sbarrier.arrive $0xFFFF;
	_ =	sdelay $0x1  }
0x462: {  	_ =	sfence.sel $0x180000  }
0x463: {  	[bflag:$0x0] =	sbarrier.arrive $0xFFFF  }
0x464: {  	_ =	strace $0x90000047  }
0x465: {  	s0 =	stileid.u32;
	[bflag:$0x2] =	sbarrier.arrive $0xFFFF  }
0x466: {  	p0 =	sne.s32 s0, $0x0;
	s0 =	rddreg [dreg:$0x3]  }
0x467: {  	s0 =	sadd.s32 @!p0 $0x100000, s0  }
0x468: {  	[sflag:s0] =	ssyncadd.tile.s32 @!p0 $0x1;
	_ =	shalt  }
.Lfunc_end2:
_tile_overlayer_lowered:
.L_overlay_start_2:
0x469: {  	(tag) =	ssettag $0x2  }
0x46a: {  	s0 =	rddreg [dreg:$0x0];
	s2 =	stileid.u32  }
0x46b: {  	s1 =	rddreg [dreg:$0x1];
	p0 =	sne.s32 s2, $0x0  }
0x46c: {  	s3 =	rddreg [dreg:$0x2];
	[bflag:$0x3] =	sbarrier.arrive $0xFFFF;
	s2 =	simm.s32 @!p0 $0x1C05  }
0x46d: {  	[timem:s3], [sflag:s2] =	dma.local @!p0 [hbm:s0], s1  }
0x46e: {  	s0 =	simm.s32 @!p0 $0x5  }
0x46f: {  	_ =	swait.ge @!p0 [sflag:s0], s1  }
0x470: {  	s1 =	ssub.s32 @!p0 $0x0, s1;
	[sflag:s0] =	ssyncset.done @!p0 $0x0  }
0x471: {  	[sflag:s0] =	ssyncadd.s32 @!p0 s1  }
0x472: {  	[bflag:$0x3] =	sbarrier.arrive $0xFFFF  }
0x473: {  	_ =	shalt  }

</sc_bundles>
